<compile_context>
chip_gen: v7x
topology: tpu7x:2x2x1
jax: 0.10.2.dev20260603
libtpu: 0.0.44.dev20260713+nightly
codegen_flags: <defaults>
</compile_context>

<pallas_src>
import functools

import jax
import jax.numpy as jnp
import numpy as np
from jax import lax
from jax.experimental import pallas as pl
from jax.experimental.pallas import tpu as pltpu
from jax.experimental.pallas import tpu_sc as plsc

_RADII = (0.4, 0.8)
_NS = 16
_BM = 256
_CHUNK = 2048


_SUB = 256
_SPLIT = 2


def _lane_cumsum(x):
    rows, cols = x.shape
    k = 1
    zeros = jnp.zeros_like(x)
    while k < cols:
        shifted = jnp.concatenate([zeros[:, :k], x[:, : cols - k]], axis=1)
        x = x + shifted
        k *= 2
    return x


def _select_body(vc_ref, pts_ref, idx0_ref, idx1_ref, cnt_ref, acc0_ref, acc1_ref,
                 *, n_chunks, r2_0, r2_1):
    bm = vc_ref.shape[0]
    cx = vc_ref[:, 0:1]
    cy = vc_ref[:, 1:2]
    cz = vc_ref[:, 2:3]
    lane16 = lax.broadcasted_iota(jnp.int32, (1, _NS), 1)
    n_sub = _CHUNK // _SUB

    acc0_ref[...] = jnp.zeros((bm, _NS * _SUB), jnp.float32)
    acc1_ref[...] = jnp.zeros((bm, _NS * _SUB), jnp.float32)

    def slot_pass(g, acc_ref):
        for s in range(_NS):
            lo, hi = s * _SUB, (s + 1) * _SUB
            upd = jnp.where(g <= s, 1.0, 0.0)
            acc_ref[:, lo:hi] = acc_ref[:, lo:hi] + upd

    def sub_work(chunk, k, carry):
        cnt0, cnt1 = carry
        lo, hi = k * _SUB, (k + 1) * _SUB
        dx = cx - chunk[0:1, lo:hi]
        dy = cy - chunk[1:2, lo:hi]
        dz = cz - chunk[2:3, lo:hi]
        d2 = (dx * dx + dy * dy) + dz * dz
        w0 = (d2 < r2_0).astype(jnp.int32)
        w1 = (d2 < r2_1).astype(jnp.int32)
        g0 = cnt0 + _lane_cumsum(w0)
        g1 = cnt1 + _lane_cumsum(w1)
        slot_pass(g0, acc0_ref)

        @pl.when(jnp.min(cnt1) < _NS)
        def _():
            slot_pass(g1, acc1_ref)

        return g0[:, -1:], g1[:, -1:]

    def work(i, carry):
        chunk = pts_ref[i]
        for k in range(n_sub):
            pred = jnp.min(carry[0]) < _NS
            carry = lax.cond(pred, functools.partial(sub_work, chunk, k),
                             lambda c: c, carry)
        return carry

    def body(i, carry):
        pred = jnp.min(carry[0]) < _NS
        return lax.cond(pred, functools.partial(work, i), lambda c: c, carry)

    cnt0 = jnp.zeros((bm, 1), jnp.int32)
    cnt1 = jnp.zeros((bm, 1), jnp.int32)
    cnt0, cnt1 = lax.fori_loop(0, n_chunks, body, (cnt0, cnt1))

    kmat = (lax.broadcasted_iota(jnp.int32, (_NS * _SUB, _NS), 0) // _SUB
            == lax.broadcasted_iota(jnp.int32, (_NS * _SUB, _NS), 1)
            ).astype(jnp.bfloat16)
    t0 = jnp.dot(acc0_ref[...].astype(jnp.bfloat16), kmat,
                 preferred_element_type=jnp.float32).astype(jnp.int32)
    t1 = jnp.dot(acc1_ref[...].astype(jnp.bfloat16), kmat,
                 preferred_element_type=jnp.float32).astype(jnp.int32)

    cnt0 = jnp.minimum(cnt0, _NS)
    cnt1 = jnp.minimum(cnt1, _NS)
    idx0_ref[...] = jnp.where(lane16 < cnt0, t0, 0)
    idx1_ref[...] = jnp.where(lane16 < cnt1, t1, 0)
    cnt_ref[...] = jnp.concatenate([cnt0, cnt1], axis=1)


def _run_select(voxel_center, pts_chunks, n):
    m = voxel_center.shape[0]
    n_chunks = n // _CHUNK
    grid = (m // _BM,)
    r2_0 = np.float32(_RADII[0] * _RADII[0])
    r2_1 = np.float32(_RADII[1] * _RADII[1])
    return pl.pallas_call(
        functools.partial(_select_body, n_chunks=n_chunks, r2_0=r2_0, r2_1=r2_1),
        grid=grid,
        in_specs=[
            pl.BlockSpec((_BM, 3), lambda i: (i, 0)),
            pl.BlockSpec((n_chunks, 4, _CHUNK), lambda i: (0, 0, 0)),
        ],
        out_specs=[
            pl.BlockSpec((_BM, _NS), lambda i: (i, 0)),
            pl.BlockSpec((_BM, _NS), lambda i: (i, 0)),
            pl.BlockSpec((_BM, 2), lambda i: (i, 0)),
        ],
        out_shape=[
            jax.ShapeDtypeStruct((m, _NS), jnp.int32),
            jax.ShapeDtypeStruct((m, _NS), jnp.int32),
            jax.ShapeDtypeStruct((m, 2), jnp.int32),
        ],
        scratch_shapes=[
            pltpu.VMEM((_BM, _NS * _SUB), jnp.float32),
            pltpu.VMEM((_BM, _NS * _SUB), jnp.float32),
        ],
    )(voxel_center, pts_chunks)


def _run_sc_gather(idx_flat, table):
    b = idx_flat.shape[0]
    nw = 32
    b_per_w = b // nw
    mesh = plsc.VectorSubcoreMesh(core_axis_name="c", subcore_axis_name="s")

    @functools.partial(
        pl.kernel,
        mesh=mesh,
        compiler_params=pltpu.CompilerParams(use_tc_tiling_on_sc=False),
        out_type=jax.ShapeDtypeStruct((b, 16), jnp.float32),
        scratch_types=[
            pltpu.VMEM((b_per_w,), jnp.int32),
            pltpu.VMEM((b_per_w, 16), jnp.float32),
            pltpu.SemaphoreType.DMA,
        ],
    )
    def gather_kernel(idx_hbm, table_hbm, out_hbm, idx_v, rows_v, sem):
        wid = lax.axis_index("s") * 2 + lax.axis_index("c")
        base = wid * b_per_w
        pltpu.sync_copy(idx_hbm.at[pl.ds(base, b_per_w)], idx_v)
        pltpu.async_copy(table_hbm.at[idx_v], rows_v, sem).wait()
        pltpu.sync_copy(rows_v, out_hbm.at[pl.ds(base, b_per_w)])

    return gather_kernel(idx_flat, table)


def _mlp_body(g0_ref, g1_ref, cpad_ref, cnt_ref, w0a_ref, w0b_ref, w1a_ref,
              w1b_ref, out_ref):
    bm = cpad_ref.shape[0]
    cp = cpad_ref[...]
    iota_s = lax.broadcasted_iota(jnp.int32, (bm, _NS, 1), 1)

    def branch(g_ref, wa_ref, wb_ref, col):
        g = g_ref[...]
        d = g - cp[:, None, :]
        x = d.reshape(bm * _NS, 16)
        h = jnp.maximum(jnp.dot(x, wa_ref[...],
                                preferred_element_type=jnp.float32), 0.0)
        h = jnp.maximum(jnp.dot(h, wb_ref[...],
                                preferred_element_type=jnp.float32), 0.0)
        dout = h.shape[1]
        h3 = h.reshape(bm, _NS, dout)
        cnt = cnt_ref[:, col:col + 1][:, :, None]
        h3 = jnp.where(iota_s < cnt, h3, 0.0)
        return jnp.max(h3, axis=1)

    p0 = branch(g0_ref, w0a_ref, w0b_ref, 0)
    p1 = branch(g1_ref, w1a_ref, w1b_ref, 1)
    out_ref[...] = jnp.concatenate([p0, p1], axis=1)


def _run_mlp(g0, g1, cpad, cnt, w0a, w0b, w1a, w1b):
    m = cpad.shape[0]
    grid = (m // _BM,)
    return pl.pallas_call(
        _mlp_body,
        grid=grid,
        in_specs=[
            pl.BlockSpec((_BM, _NS, 16), lambda i: (i, 0, 0)),
            pl.BlockSpec((_BM, _NS, 16), lambda i: (i, 0, 0)),
            pl.BlockSpec((_BM, 16), lambda i: (i, 0)),
            pl.BlockSpec((_BM, 2), lambda i: (i, 0)),
            pl.BlockSpec((16, 16), lambda i: (0, 0)),
            pl.BlockSpec((16, 16), lambda i: (0, 0)),
            pl.BlockSpec((16, 16), lambda i: (0, 0)),
            pl.BlockSpec((16, 32), lambda i: (0, 0)),
        ],
        out_specs=pl.BlockSpec((_BM, 48), lambda i: (i, 0)),
        out_shape=jax.ShapeDtypeStruct((m, 48), jnp.float32),
    )(g0, g1, cpad, cnt, w0a, w0b, w1a, w1b)


def kernel(voxel_center, voxel_coords, pts, W0_0, W0_1, W1_0, W1_1):
    del voxel_coords
    p = pts[0]
    n = p.shape[0]
    m = voxel_center.shape[0]
    n_chunks = n // _CHUNK
    pts_chunks = p.T.reshape(4, n_chunks, _CHUNK).transpose(1, 0, 2)
    table = jnp.pad(p, ((0, 0), (0, 12)))
    w0a = jnp.pad(W0_0, ((0, 12), (0, 0)))
    w1a = jnp.pad(W1_0, ((0, 12), (0, 0)))
    mh = m // _SPLIT

    sels = [_run_select(voxel_center[h * mh:(h + 1) * mh], pts_chunks, n)
            for h in range(_SPLIT)]
    gathers = []
    for idx0, idx1, cnt in sels:
        idx_flat = jnp.concatenate([idx0.reshape(-1), idx1.reshape(-1)])
        gathers.append(_run_sc_gather(idx_flat, table))
    outs = []
    for h in range(_SPLIT):
        rows = gathers[h]
        _, _, cnt = sels[h]
        g0 = rows[: mh * _NS].reshape(mh, _NS, 16)
        g1 = rows[mh * _NS:].reshape(mh, _NS, 16)
        vch = voxel_center[h * mh:(h + 1) * mh]
        cpad = jnp.pad(vch, ((0, 0), (0, 13)))
        outs.append(_run_mlp(g0, g1, cpad, cnt, w0a, W0_1, w1a, W1_1))
    return jnp.concatenate(outs, axis=0)

# --- scband reference (transcript-rebuilt; emitter-appended) ---
"""Pipeline reference for scband-sa-1400159338872 (READ-ONLY COPY).

The authoritative reference and input builder live on the scoring server;
editing this copy changes nothing except your own understanding.
"""

import jax, jax.numpy as jnp
import numpy as np

M = 2048
N = 16384
RADII = [0.4, 0.8]
NSAMPLE = [16, 16]

def _xavier(key, shape):
    fan_in, fan_out = shape
    a = float(np.sqrt(6.0 / (fan_in + fan_out)))
    return jax.random.uniform(key, shape, jnp.float32, -a, a)

def setup_inputs(seed: int = 0):
    key = jax.random.key(seed)
    ks = jax.random.split(key, 6)
    voxel_center = jax.random.uniform(ks[0], (M, 3), dtype=jnp.float32)
    voxel_coords = jnp.zeros((M, 4), dtype=jnp.int32)
    pts = jax.random.uniform(ks[1], (1, N, 4), dtype=jnp.float32)
    W0_0 = _xavier(ks[2], (4, 16))
    W0_1 = _xavier(ks[3], (16, 16))
    W1_0 = _xavier(ks[4], (4, 16))
    W1_1 = _xavier(ks[5], (16, 32))
    return {"voxel_center": voxel_center, "voxel_coords": voxel_coords, "pts": pts,
            "W0_0": W0_0, "W0_1": W0_1, "W1_0": W1_0, "W1_1": W1_1}

def _ball_group(new_xyz, xyz, feats, radius, ns):
    # stack ball_query semantics: first `ns` points (by index order) with dist^2 < r^2;
    # remaining slots duplicate the first found index; empty balls -> idx 0 + mask.
    d2 = jnp.sum((new_xyz[:, None, :] - xyz[None, :, :]) ** 2, axis=-1)
    within = d2 < radius * radius
    Np = xyz.shape[0]
    j = jnp.arange(Np)[None, :]
    score = jnp.where(within, j, Np + j)
    order = jnp.argsort(score, axis=1)[:, :ns]
    cnt = jnp.sum(within, axis=1)
    slot = jnp.arange(ns)[None, :]
    valid = slot < jnp.minimum(cnt, ns)[:, None]
    idx = jnp.where(valid, order, order[:, :1])
    empty = cnt == 0
    idx = jnp.where(empty[:, None], 0, idx)
    grouped_xyz = xyz[idx] - new_xyz[:, None, :]          # [M, ns, 3]
    grouped_feat = feats[idx]                              # [M, ns, 1]
    return jnp.concatenate([grouped_xyz, grouped_feat], axis=-1), empty

def _forward(voxel_center, pts, weights):
    p = pts[0]
    xyz = p[:, 0:3]
    feats = p[:, 3:]
    outs = []
    for k in range(len(RADII)):
        grouped, empty = _ball_group(voxel_center, xyz, feats, RADII[k], NSAMPLE[k])
        h = grouped
        for W in weights[k]:
            # Conv2d(1x1, bias=False) + BN(eval identity) + ReLU == matmul + relu
            h = jax.nn.relu(jnp.einsum('mnc,cd->mnd', h, W))
        pooled = jnp.max(h, axis=1)
        pooled = jnp.where(empty[:, None], 0.0, pooled)
        outs.append(pooled)
    return jnp.concatenate(outs, axis=-1)  # [M, 48]

def reference(voxel_center, voxel_coords, pts, W0_0, W0_1, W1_0, W1_1):
    # voxel_coords only determines batch_size (=1 here, all zeros)
    return _forward(voxel_center, pts, [[W0_0, W0_1], [W1_0, W1_1]])

if __name__ == "__main__":
    import jax
    _d = setup_inputs()
    print(jax.jit(kernel)(*tuple(_d.values())))

</pallas_src>

<mosaic_0001>
#map = affine_map<(d0, d1) -> (0)>
#map1 = affine_map<(d0, d1) -> (0, 0)>
module attributes {stable_mosaic.version = 14 : i64} {
  func.func @gather_kernel(%arg0: i32, %arg1: i32, %arg2: memref<32768xi32, #tpu.memory_space<hbm>>, %arg3: memref<16384x16xf32, #tpu.memory_space<hbm>>, %arg4: memref<32768x16xf32, #tpu.memory_space<hbm>>, %arg5: memref<1024xi32, #tpu.memory_space<vmem>>, %arg6: memref<1024x16xf32, #tpu.memory_space<vmem>>, %arg7: memref<!tpu.dma_semaphore, #tpu.memory_space<semaphore_mem>>) attributes {dimension_semantics = [#tpu.dimension_semantics<core_parallel>, #tpu.dimension_semantics<subcore_parallel>], iteration_bounds = array<i64: 2, 16>, scalar_prefetch = 0 : i64, scratch_operands = 3 : i64, tpu.core_type = #tpu.core_type<sc_vector_subcore>, window_params = [{transform_indices = #map}, {transform_indices = #map1}, {transform_indices = #map1}]} {
    %mul3A = arith.constant 2 : i32
    %mul3A_0 = arith.muli %arg1, %mul3A : i32
    %add3A = arith.addi %mul3A_0, %arg0 : i32
    %mul3A_1 = arith.constant 1024 : i32
    %mul3A_2 = arith.muli %add3A, %mul3A_1 : i32
    "tpu.region"() ({
      %run_scoped3A = tpu.sem_alloc : memref<!tpu.dma_semaphore, #tpu.memory_space<semaphore_mem>>
      %dma_start3A_7 = tpu.memref_slice %arg2[%mul3A_2] : memref<32768xi32, #tpu.memory_space<hbm>> -> memref<1024xi32, #tpu.memory_space<hbm>>
      %dma_start3A_8 = tpu.memref_slice %arg2[%mul3A_2] : memref<32768xi32, #tpu.memory_space<hbm>> -> memref<1024xi32, #tpu.memory_space<hbm>>
      tpu.enqueue_dma source(%dma_start3A_8 : memref<1024xi32, #tpu.memory_space<hbm>>) target(%arg5 : memref<1024xi32, #tpu.memory_space<vmem>>) target_semaphore(%run_scoped3A : memref<!tpu.dma_semaphore, #tpu.memory_space<semaphore_mem>>)
      %dma_wait3A_9 = tpu.memref_slice %arg2[%mul3A_2] : memref<32768xi32, #tpu.memory_space<hbm>> -> memref<1024xi32, #tpu.memory_space<hbm>>
      %dma_wait3A_10 = tpu.memref_slice %arg2[%mul3A_2] : memref<32768xi32, #tpu.memory_space<hbm>> -> memref<1024xi32, #tpu.memory_space<hbm>>
      tpu.wait_dma2 semaphore(%run_scoped3A : memref<!tpu.dma_semaphore, #tpu.memory_space<semaphore_mem>>) src(%dma_wait3A_10 : memref<1024xi32, #tpu.memory_space<hbm>>) dst(%arg5 : memref<1024xi32, #tpu.memory_space<vmem>>)
      tpu.yield
    }) : () -> ()
    %dma_start3A = arith.constant 0 : i32
    %dma_start3A_3 = arith.constant 0 : i32
    %dma_start3A_4 = tpu.memref_slice %arg3[%dma_start3A, %dma_start3A_3] : memref<16384x16xf32, #tpu.memory_space<hbm>> -> memref<16384x16xf32, #tpu.memory_space<hbm>>
    tpu.enqueue_indirect_dma source(%dma_start3A_4 : memref<16384x16xf32, #tpu.memory_space<hbm>>) target(%arg6 : memref<1024x16xf32, #tpu.memory_space<vmem>>) offsets(%arg5 : memref<1024xi32, #tpu.memory_space<vmem>>) semaphore(%arg7 : memref<!tpu.dma_semaphore, #tpu.memory_space<semaphore_mem>>)
    %dma_wait3A = arith.constant 0 : i32
    %dma_wait3A_5 = arith.constant 0 : i32
    %dma_wait3A_6 = tpu.memref_slice %arg3[%dma_wait3A, %dma_wait3A_5] : memref<16384x16xf32, #tpu.memory_space<hbm>> -> memref<16384x16xf32, #tpu.memory_space<hbm>>
    tpu.wait_indirect_dma semaphore(%arg7 : memref<!tpu.dma_semaphore, #tpu.memory_space<semaphore_mem>>) src(%dma_wait3A_6 : memref<16384x16xf32, #tpu.memory_space<hbm>>) dst(%arg6 : memref<1024x16xf32, #tpu.memory_space<vmem>>)
    "tpu.region"() ({
      %run_scoped3A = tpu.sem_alloc : memref<!tpu.dma_semaphore, #tpu.memory_space<semaphore_mem>>
      %dma_start3A_7 = arith.constant 0 : i32
      %dma_start3A_8 = tpu.memref_slice %arg4[%mul3A_2, %dma_start3A_7] : memref<32768x16xf32, #tpu.memory_space<hbm>> -> memref<1024x16xf32, #tpu.memory_space<hbm>>
      %dma_start3A_9 = arith.constant 0 : i32
      %dma_start3A_10 = tpu.memref_slice %arg4[%mul3A_2, %dma_start3A_9] : memref<32768x16xf32, #tpu.memory_space<hbm>> -> memref<1024x16xf32, #tpu.memory_space<hbm>>
      tpu.enqueue_dma source(%arg6 : memref<1024x16xf32, #tpu.memory_space<vmem>>) target(%dma_start3A_10 : memref<1024x16xf32, #tpu.memory_space<hbm>>) target_semaphore(%run_scoped3A : memref<!tpu.dma_semaphore, #tpu.memory_space<semaphore_mem>>)
      %dma_wait3A_11 = arith.constant 0 : i32
      %dma_wait3A_12 = tpu.memref_slice %arg4[%mul3A_2, %dma_wait3A_11] : memref<32768x16xf32, #tpu.memory_space<hbm>> -> memref<1024x16xf32, #tpu.memory_space<hbm>>
      %dma_wait3A_13 = arith.constant 0 : i32
      %dma_wait3A_14 = tpu.memref_slice %arg4[%mul3A_2, %dma_wait3A_13] : memref<32768x16xf32, #tpu.memory_space<hbm>> -> memref<1024x16xf32, #tpu.memory_space<hbm>>
      tpu.wait_dma2 semaphore(%run_scoped3A : memref<!tpu.dma_semaphore, #tpu.memory_space<semaphore_mem>>) src(%arg6 : memref<1024x16xf32, #tpu.memory_space<vmem>>) dst(%dma_wait3A_14 : memref<1024x16xf32, #tpu.memory_space<hbm>>)
      tpu.yield
    }) : () -> ()
    return
  }
}

#map = affine_map<(d0, d1) -> (0)>
#map1 = affine_map<(d0, d1) -> (0, 0)>
module attributes {stable_mosaic.version = 14 : i64} {
  func.func @gather_kernel(%arg0: i32, %arg1: i32, %arg2: memref<32768xi32, #tpu.memory_space<hbm>>, %arg3: memref<16384x16xf32, #tpu.memory_space<hbm>>, %arg4: memref<32768x16xf32, #tpu.memory_space<hbm>>, %arg5: memref<1024xi32, #tpu.memory_space<vmem>>, %arg6: memref<1024x16xf32, #tpu.memory_space<vmem>>, %arg7: memref<!tpu.dma_semaphore, #tpu.memory_space<semaphore_mem>>) attributes {dimension_semantics = [#tpu.dimension_semantics<core_parallel>, #tpu.dimension_semantics<subcore_parallel>], iteration_bounds = array<i64: 2, 16>, scalar_prefetch = 0 : i64, scratch_operands = 3 : i64, tpu.core_type = #tpu.core_type<sc_vector_subcore>, window_params = [{transform_indices = #map}, {transform_indices = #map1}, {transform_indices = #map1}]} {
    %mul3A = arith.constant 2 : i32
    %mul3A_0 = arith.muli %arg1, %mul3A : i32
    %add3A = arith.addi %mul3A_0, %arg0 : i32
    %mul3A_1 = arith.constant 1024 : i32
    %mul3A_2 = arith.muli %add3A, %mul3A_1 : i32
    "tpu.region"() ({
      %run_scoped3A = tpu.sem_alloc : memref<!tpu.dma_semaphore, #tpu.memory_space<semaphore_mem>>
      %dma_start3A_7 = tpu.memref_slice %arg2[%mul3A_2] : memref<32768xi32, #tpu.memory_space<hbm>> -> memref<1024xi32, #tpu.memory_space<hbm>>
      %dma_start3A_8 = tpu.memref_slice %arg2[%mul3A_2] : memref<32768xi32, #tpu.memory_space<hbm>> -> memref<1024xi32, #tpu.memory_space<hbm>>
      tpu.enqueue_dma source(%dma_start3A_8 : memref<1024xi32, #tpu.memory_space<hbm>>) target(%arg5 : memref<1024xi32, #tpu.memory_space<vmem>>) target_semaphore(%run_scoped3A : memref<!tpu.dma_semaphore, #tpu.memory_space<semaphore_mem>>)
      %dma_wait3A_9 = tpu.memref_slice %arg2[%mul3A_2] : memref<32768xi32, #tpu.memory_space<hbm>> -> memref<1024xi32, #tpu.memory_space<hbm>>
      %dma_wait3A_10 = tpu.memref_slice %arg2[%mul3A_2] : memref<32768xi32, #tpu.memory_space<hbm>> -> memref<1024xi32, #tpu.memory_space<hbm>>
      tpu.wait_dma2 semaphore(%run_scoped3A : memref<!tpu.dma_semaphore, #tpu.memory_space<semaphore_mem>>) src(%dma_wait3A_10 : memref<1024xi32, #tpu.memory_space<hbm>>) dst(%arg5 : memref<1024xi32, #tpu.memory_space<vmem>>)
      tpu.yield
    }) : () -> ()
    %dma_start3A = arith.constant 0 : i32
    %dma_start3A_3 = arith.constant 0 : i32
    %dma_start3A_4 = tpu.memref_slice %arg3[%dma_start3A, %dma_start3A_3] : memref<16384x16xf32, #tpu.memory_space<hbm>> -> memref<16384x16xf32, #tpu.memory_space<hbm>>
    tpu.enqueue_indirect_dma source(%dma_start3A_4 : memref<16384x16xf32, #tpu.memory_space<hbm>>) target(%arg6 : memref<1024x16xf32, #tpu.memory_space<vmem>>) offsets(%arg5 : memref<1024xi32, #tpu.memory_space<vmem>>) semaphore(%arg7 : memref<!tpu.dma_semaphore, #tpu.memory_space<semaphore_mem>>)
    %dma_wait3A = arith.constant 0 : i32
    %dma_wait3A_5 = arith.constant 0 : i32
    %dma_wait3A_6 = tpu.memref_slice %arg3[%dma_wait3A, %dma_wait3A_5] : memref<16384x16xf32, #tpu.memory_space<hbm>> -> memref<16384x16xf32, #tpu.memory_space<hbm>>
    tpu.wait_indirect_dma semaphore(%arg7 : memref<!tpu.dma_semaphore, #tpu.memory_space<semaphore_mem>>) src(%dma_wait3A_6 : memref<16384x16xf32, #tpu.memory_space<hbm>>) dst(%arg6 : memref<1024x16xf32, #tpu.memory_space<vmem>>)
    "tpu.region"() ({
      %run_scoped3A = tpu.sem_alloc : memref<!tpu.dma_semaphore, #tpu.memory_space<semaphore_mem>>
      %dma_start3A_7 = arith.constant 0 : i32
      %dma_start3A_8 = tpu.memref_slice %arg4[%mul3A_2, %dma_start3A_7] : memref<32768x16xf32, #tpu.memory_space<hbm>> -> memref<1024x16xf32, #tpu.memory_space<hbm>>
      %dma_start3A_9 = arith.constant 0 : i32
      %dma_start3A_10 = tpu.memref_slice %arg4[%mul3A_2, %dma_start3A_9] : memref<32768x16xf32, #tpu.memory_space<hbm>> -> memref<1024x16xf32, #tpu.memory_space<hbm>>
      tpu.enqueue_dma source(%arg6 : memref<1024x16xf32, #tpu.memory_space<vmem>>) target(%dma_start3A_10 : memref<1024x16xf32, #tpu.memory_space<hbm>>) target_semaphore(%run_scoped3A : memref<!tpu.dma_semaphore, #tpu.memory_space<semaphore_mem>>)
      %dma_wait3A_11 = arith.constant 0 : i32
      %dma_wait3A_12 = tpu.memref_slice %arg4[%mul3A_2, %dma_wait3A_11] : memref<32768x16xf32, #tpu.memory_space<hbm>> -> memref<1024x16xf32, #tpu.memory_space<hbm>>
      %dma_wait3A_13 = arith.constant 0 : i32
      %dma_wait3A_14 = tpu.memref_slice %arg4[%mul3A_2, %dma_wait3A_13] : memref<32768x16xf32, #tpu.memory_space<hbm>> -> memref<1024x16xf32, #tpu.memory_space<hbm>>
      tpu.wait_dma2 semaphore(%run_scoped3A : memref<!tpu.dma_semaphore, #tpu.memory_space<semaphore_mem>>) src(%arg6 : memref<1024x16xf32, #tpu.memory_space<vmem>>) dst(%dma_wait3A_14 : memref<1024x16xf32, #tpu.memory_space<hbm>>)
      tpu.yield
    }) : () -> ()
    return
  }
}

module attributes {stable_mosaic.version = 14 : i64} {
  func.func @_select_body(%arg0: i32, %arg1: memref<256x3xf32, #tpu.memory_space<vmem>>, %arg2: memref<8x4x2048xf32, #tpu.memory_space<vmem>>, %arg3: memref<256x16xi32, #tpu.memory_space<vmem>>, %arg4: memref<256x16xi32, #tpu.memory_space<vmem>>, %arg5: memref<256x2xi32, #tpu.memory_space<vmem>>, %arg6: memref<256x4096xf32, #tpu.memory_space<vmem>>, %arg7: memref<256x4096xf32, #tpu.memory_space<vmem>>) attributes {dimension_semantics = [#tpu.dimension_semantics<arbitrary>], iteration_bounds = array<i64: 4>, scalar_prefetch = 0 : i64, scratch_operands = 2 : i64, tpu.core_type = #tpu.core_type<tc>, window_params = [{transform_indices = @transform_0, window_bounds = array<i64: 256, 3>}, {pipeline_mode = #tpu.pipeline_mode<synchronous>, transform_indices = @transform_1, window_bounds = array<i64: 8, 4, 2048>}, {transform_indices = @transform_2, window_bounds = array<i64: 256, 16>}, {transform_indices = @transform_3, window_bounds = array<i64: 256, 16>}, {transform_indices = @transform_4, window_bounds = array<i64: 256, 2>}]} {
    %get3A = arith.constant 0 : index
    %get3A_0 = arith.constant 0 : index
    %get3A_1 = vector.load %arg1[%get3A, %get3A_0] : memref<256x3xf32, #tpu.memory_space<vmem>>, vector<256x1xf32>
    %get3A_2 = arith.constant 0 : index
    %get3A_3 = arith.constant 1 : index
    %get3A_4 = vector.load %arg1[%get3A_2, %get3A_3] : memref<256x3xf32, #tpu.memory_space<vmem>>, vector<256x1xf32>
    %get3A_5 = arith.constant 0 : index
    %get3A_6 = arith.constant 2 : index
    %get3A_7 = vector.load %arg1[%get3A_5, %get3A_6] : memref<256x3xf32, #tpu.memory_space<vmem>>, vector<256x1xf32>
    %iota3A = tpu.iota {dimensions = array<i32: 1>} : vector<1x16xi32>
    %broadcast_in_dim3A = arith.constant 0.000000e+00 : f32
    %broadcast_in_dim3A_8 = vector.broadcast %broadcast_in_dim3A : f32 to vector<256x4096xf32>
    %swap3A = arith.constant 0 : index
    %swap3A_9 = arith.constant 0 : index
    %swap3A_10 = vector.load %arg6[%swap3A, %swap3A_9] : memref<256x4096xf32, #tpu.memory_space<vmem>>, vector<256x4096xf32>
    tpu.vector_store %arg6[%swap3A, %swap3A_9], %broadcast_in_dim3A_8 {strides = array<i32>} : memref<256x4096xf32, #tpu.memory_space<vmem>>, vector<256x4096xf32>,
    %broadcast_in_dim3A_11 = arith.constant 0.000000e+00 : f32
    %broadcast_in_dim3A_12 = vector.broadcast %broadcast_in_dim3A_11 : f32 to vector<256x4096xf32>
    %swap3A_13 = arith.constant 0 : index
    %swap3A_14 = arith.constant 0 : index
    %swap3A_15 = vector.load %arg7[%swap3A_13, %swap3A_14] : memref<256x4096xf32, #tpu.memory_space<vmem>>, vector<256x4096xf32>
    tpu.vector_store %arg7[%swap3A_13, %swap3A_14], %broadcast_in_dim3A_12 {strides = array<i32>} : memref<256x4096xf32, #tpu.memory_space<vmem>>, vector<256x4096xf32>,
    %broadcast_in_dim3A_16 = arith.constant 0 : i32
    %broadcast_in_dim3A_17 = vector.broadcast %broadcast_in_dim3A_16 : i32 to vector<256x1xi32>
    %broadcast_in_dim3A_18 = arith.constant 0 : i32
    %broadcast_in_dim3A_19 = vector.broadcast %broadcast_in_dim3A_18 : i32 to vector<256x1xi32>
    %scan3A = arith.constant 0 : i32
    %scan3A_20 = arith.constant 8 : i32
    %scan3A_21 = arith.addi %scan3A, %scan3A_20 : i32
    %scan3A_22 = arith.constant 1 : i32
    %scan3A_23:2 = scf.for %scan3A_90 = %scan3A to %scan3A_21 step %scan3A_22 iter_args(%scan3A_91 = %broadcast_in_dim3A_17, %scan3A_92 = %broadcast_in_dim3A_19) -> (vector<256x1xi32>, vector<256x1xi32>)  : i32 {
      %reduce_min3A = vector.shape_cast %scan3A_91 : vector<256x1xi32> to vector<1x256x1xi32>
      %reduce_min3A_93 = arith.constant dense<2147483647> : vector<1xi32>
      %reduce_min3A_94 = vector.multi_reduction <minsi>, %reduce_min3A, %reduce_min3A_93 [1, 2] : vector<1x256x1xi32> to vector<1xi32>
      %reduce_min3A_95 = vector.shape_cast %reduce_min3A_94 : vector<1xi32> to vector<1x1x1xi32>
      %reduce_min3A_96 = vector.extract %reduce_min3A_95[0, 0, 0] : i32 from vector<1x1x1xi32>
      %lt3A_97 = arith.constant 16 : i32
      %lt3A_98 = arith.cmpi slt, %reduce_min3A_96, %lt3A_97 : i32
      %convert_element_type3A_99 = arith.extui %lt3A_98 : i1 to i32
      %cond3A = arith.constant 0 : i32
      %cond3A_100 = arith.cmpi ne, %convert_element_type3A_99, %cond3A : i32
      %cond3A_101:2 = scf.if %cond3A_100 -> (vector<256x1xi32>, vector<256x1xi32>) {
        %get3A_102 = arith.index_cast %scan3A_90 : i32 to index
        %get3A_103 = arith.constant 0 : index
        %get3A_104 = arith.constant 0 : index
        %get3A_105 = vector.load %arg2[%get3A_102, %get3A_103, %get3A_104] : memref<8x4x2048xf32, #tpu.memory_space<vmem>>, vector<1x4x2048xf32>
        %get3A_106 = vector.shape_cast %get3A_105 : vector<1x4x2048xf32> to vector<4x2048xf32>
        %reduce_min3A_107 = vector.shape_cast %scan3A_91 : vector<256x1xi32> to vector<1x256x1xi32>
        %reduce_min3A_108 = arith.constant dense<2147483647> : vector<1xi32>
        %reduce_min3A_109 = vector.multi_reduction <minsi>, %reduce_min3A_107, %reduce_min3A_108 [1, 2] : vector<1x256x1xi32> to vector<1xi32>
        %reduce_min3A_110 = vector.shape_cast %reduce_min3A_109 : vector<1xi32> to vector<1x1x1xi32>
        %reduce_min3A_111 = vector.extract %reduce_min3A_110[0, 0, 0] : i32 from vector<1x1x1xi32>
        %lt3A_112 = arith.constant 16 : i32
        %lt3A_113 = arith.cmpi slt, %reduce_min3A_111, %lt3A_112 : i32
        %convert_element_type3A_114 = arith.extui %lt3A_113 : i1 to i32
        %cond3A_115 = arith.constant 0 : i32
        %cond3A_116 = arith.cmpi ne, %convert_element_type3A_114, %cond3A_115 : i32
        %cond3A_117:2 = scf.if %cond3A_116 -> (vector<256x1xi32>, vector<256x1xi32>) {
          %slice3A = vector.extract_strided_slice %get3A_106 {offsets = [0, 0], sizes = [1, 256], strides = [1, 1]} : vector<4x2048xf32> to vector<1x256xf32>
          %sub3A_195 = vector.broadcast %get3A_1 : vector<256x1xf32> to vector<256x256xf32>
          %sub3A_196 = vector.broadcast %slice3A : vector<1x256xf32> to vector<256x256xf32>
          %sub3A_197 = arith.subf %sub3A_195, %sub3A_196 : vector<256x256xf32>
          %slice3A_198 = vector.extract_strided_slice %get3A_106 {offsets = [1, 0], sizes = [1, 256], strides = [1, 1]} : vector<4x2048xf32> to vector<1x256xf32>
          %sub3A_199 = vector.broadcast %get3A_4 : vector<256x1xf32> to vector<256x256xf32>
          %sub3A_200 = vector.broadcast %slice3A_198 : vector<1x256xf32> to vector<256x256xf32>
          %sub3A_201 = arith.subf %sub3A_199, %sub3A_200 : vector<256x256xf32>
          %slice3A_202 = vector.extract_strided_slice %get3A_106 {offsets = [2, 0], sizes = [1, 256], strides = [1, 1]} : vector<4x2048xf32> to vector<1x256xf32>
          %sub3A_203 = vector.broadcast %get3A_7 : vector<256x1xf32> to vector<256x256xf32>
          %sub3A_204 = vector.broadcast %slice3A_202 : vector<1x256xf32> to vector<256x256xf32>
          %sub3A_205 = arith.subf %sub3A_203, %sub3A_204 : vector<256x256xf32>
          %mul3A = arith.mulf %sub3A_197, %sub3A_197 : vector<256x256xf32>
          %mul3A_206 = arith.mulf %sub3A_201, %sub3A_201 : vector<256x256xf32>
          %add3A = arith.addf %mul3A, %mul3A_206 : vector<256x256xf32>
          %mul3A_207 = arith.mulf %sub3A_205, %sub3A_205 : vector<256x256xf32>
          %add3A_208 = arith.addf %add3A, %mul3A_207 : vector<256x256xf32>
          %lt3A_209 = arith.constant 1.600000e-01 : f32
          %lt3A_210 = vector.broadcast %lt3A_209 : f32 to vector<256x256xf32>
          %lt3A_211 = arith.cmpf olt, %add3A_208, %lt3A_210 : vector<256x256xf32>
          %convert_element_type3A_212 = arith.extui %lt3A_211 : vector<256x256xi1> to vector<256x256xi32>
          %lt3A_213 = arith.constant 6.400000e-01 : f32
          %lt3A_214 = vector.broadcast %lt3A_213 : f32 to vector<256x256xf32>
          %lt3A_215 = arith.cmpf olt, %add3A_208, %lt3A_214 : vector<256x256xf32>
          %convert_element_type3A_216 = arith.extui %lt3A_215 : vector<256x256xi1> to vector<256x256xi32>
          %broadcast_in_dim3A_217 = arith.constant 0 : i32
          %broadcast_in_dim3A_218 = vector.broadcast %broadcast_in_dim3A_217 : i32 to vector<256x256xi32>
          %slice3A_219 = vector.extract_strided_slice %broadcast_in_dim3A_218 {offsets = [0, 0], sizes = [256, 1], strides = [1, 1]} : vector<256x256xi32> to vector<256x1xi32>
          %slice3A_220 = vector.extract_strided_slice %convert_element_type3A_212 {offsets = [0, 0], sizes = [256, 255], strides = [1, 1]} : vector<256x256xi32> to vector<256x255xi32>
          %concatenate3A_221 = tpu.concatenate %slice3A_219, %slice3A_220 in 1 : vector<256x1xi32>, vector<256x255xi32> -> vector<256x256xi32>
          %add3A_222 = arith.addi %convert_element_type3A_212, %concatenate3A_221 : vector<256x256xi32>
          %slice3A_223 = vector.extract_strided_slice %broadcast_in_dim3A_218 {offsets = [0, 0], sizes = [256, 2], strides = [1, 1]} : vector<256x256xi32> to vector<256x2xi32>
          %slice3A_224 = vector.extract_strided_slice %add3A_222 {offsets = [0, 0], sizes = [256, 254], strides = [1, 1]} : vector<256x256xi32> to vector<256x254xi32>
          %concatenate3A_225 = tpu.concatenate %slice3A_223, %slice3A_224 in 1 : vector<256x2xi32>, vector<256x254xi32> -> vector<256x256xi32>
          %add3A_226 = arith.addi %add3A_222, %concatenate3A_225 : vector<256x256xi32>
          %slice3A_227 = vector.extract_strided_slice %broadcast_in_dim3A_218 {offsets = [0, 0], sizes = [256, 4], strides = [1, 1]} : vector<256x256xi32> to vector<256x4xi32>
          %slice3A_228 = vector.extract_strided_slice %add3A_226 {offsets = [0, 0], sizes = [256, 252], strides = [1, 1]} : vector<256x256xi32> to vector<256x252xi32>
          %concatenate3A_229 = tpu.concatenate %slice3A_227, %slice3A_228 in 1 : vector<256x4xi32>, vector<256x252xi32> -> vector<256x256xi32>
          %add3A_230 = arith.addi %add3A_226, %concatenate3A_229 : vector<256x256xi32>
          %slice3A_231 = vector.extract_strided_slice %broadcast_in_dim3A_218 {offsets = [0, 0], sizes = [256, 8], strides = [1, 1]} : vector<256x256xi32> to vector<256x8xi32>
          %slice3A_232 = vector.extract_strided_slice %add3A_230 {offsets = [0, 0], sizes = [256, 248], strides = [1, 1]} : vector<256x256xi32> to vector<256x248xi32>
          %concatenate3A_233 = tpu.concatenate %slice3A_231, %slice3A_232 in 1 : vector<256x8xi32>, vector<256x248xi32> -> vector<256x256xi32>
          %add3A_234 = arith.addi %add3A_230, %concatenate3A_233 : vector<256x256xi32>
          %slice3A_235 = vector.extract_strided_slice %broadcast_in_dim3A_218 {offsets = [0, 0], sizes = [256, 16], strides = [1, 1]} : vector<256x256xi32> to vector<256x16xi32>
          %slice3A_236 = vector.extract_strided_slice %add3A_234 {offsets = [0, 0], sizes = [256, 240], strides = [1, 1]} : vector<256x256xi32> to vector<256x240xi32>
          %concatenate3A_237 = tpu.concatenate %slice3A_235, %slice3A_236 in 1 : vector<256x16xi32>, vector<256x240xi32> -> vector<256x256xi32>
          %add3A_238 = arith.addi %add3A_234, %concatenate3A_237 : vector<256x256xi32>
          %slice3A_239 = vector.extract_strided_slice %broadcast_in_dim3A_218 {offsets = [0, 0], sizes = [256, 32], strides = [1, 1]} : vector<256x256xi32> to vector<256x32xi32>
          %slice3A_240 = vector.extract_strided_slice %add3A_238 {offsets = [0, 0], sizes = [256, 224], strides = [1, 1]} : vector<256x256xi32> to vector<256x224xi32>
          %concatenate3A_241 = tpu.concatenate %slice3A_239, %slice3A_240 in 1 : vector<256x32xi32>, vector<256x224xi32> -> vector<256x256xi32>
          %add3A_242 = arith.addi %add3A_238, %concatenate3A_241 : vector<256x256xi32>
          %slice3A_243 = vector.extract_strided_slice %broadcast_in_dim3A_218 {offsets = [0, 0], sizes = [256, 64], strides = [1, 1]} : vector<256x256xi32> to vector<256x64xi32>
          %slice3A_244 = vector.extract_strided_slice %add3A_242 {offsets = [0, 0], sizes = [256, 192], strides = [1, 1]} : vector<256x256xi32> to vector<256x192xi32>
          %concatenate3A_245 = tpu.concatenate %slice3A_243, %slice3A_244 in 1 : vector<256x64xi32>, vector<256x192xi32> -> vector<256x256xi32>
          %add3A_246 = arith.addi %add3A_242, %concatenate3A_245 : vector<256x256xi32>
          %slice3A_247 = vector.extract_strided_slice %broadcast_in_dim3A_218 {offsets = [0, 0], sizes = [256, 128], strides = [1, 1]} : vector<256x256xi32> to vector<256x128xi32>
          %slice3A_248 = vector.extract_strided_slice %add3A_246 {offsets = [0, 0], sizes = [256, 128], strides = [1, 1]} : vector<256x256xi32> to vector<256x128xi32>
          %concatenate3A_249 = tpu.concatenate %slice3A_247, %slice3A_248 in 1 : vector<256x128xi32>, vector<256x128xi32> -> vector<256x256xi32>
          %add3A_250 = arith.addi %add3A_246, %concatenate3A_249 : vector<256x256xi32>
          %add3A_251 = vector.broadcast %scan3A_91 : vector<256x1xi32> to vector<256x256xi32>
          %add3A_252 = arith.addi %add3A_251, %add3A_250 : vector<256x256xi32>
          %broadcast_in_dim3A_253 = arith.constant 0 : i32
          %broadcast_in_dim3A_254 = vector.broadcast %broadcast_in_dim3A_253 : i32 to vector<256x256xi32>
          %slice3A_255 = vector.extract_strided_slice %broadcast_in_dim3A_254 {offsets = [0, 0], sizes = [256, 1], strides = [1, 1]} : vector<256x256xi32> to vector<256x1xi32>
          %slice3A_256 = vector.extract_strided_slice %convert_element_type3A_216 {offsets = [0, 0], sizes = [256, 255], strides = [1, 1]} : vector<256x256xi32> to vector<256x255xi32>
          %concatenate3A_257 = tpu.concatenate %slice3A_255, %slice3A_256 in 1 : vector<256x1xi32>, vector<256x255xi32> -> vector<256x256xi32>
          %add3A_258 = arith.addi %convert_element_type3A_216, %concatenate3A_257 : vector<256x256xi32>
          %slice3A_259 = vector.extract_strided_slice %broadcast_in_dim3A_254 {offsets = [0, 0], sizes = [256, 2], strides = [1, 1]} : vector<256x256xi32> to vector<256x2xi32>
          %slice3A_260 = vector.extract_strided_slice %add3A_258 {offsets = [0, 0], sizes = [256, 254], strides = [1, 1]} : vector<256x256xi32> to vector<256x254xi32>
          %concatenate3A_261 = tpu.concatenate %slice3A_259, %slice3A_260 in 1 : vector<256x2xi32>, vector<256x254xi32> -> vector<256x256xi32>
          %add3A_262 = arith.addi %add3A_258, %concatenate3A_261 : vector<256x256xi32>
          %slice3A_263 = vector.extract_strided_slice %broadcast_in_dim3A_254 {offsets = [0, 0], sizes = [256, 4], strides = [1, 1]} : vector<256x256xi32> to vector<256x4xi32>
          %slice3A_264 = vector.extract_strided_slice %add3A_262 {offsets = [0, 0], sizes = [256, 252], strides = [1, 1]} : vector<256x256xi32> to vector<256x252xi32>
          %concatenate3A_265 = tpu.concatenate %slice3A_263, %slice3A_264 in 1 : vector<256x4xi32>, vector<256x252xi32> -> vector<256x256xi32>
          %add3A_266 = arith.addi %add3A_262, %concatenate3A_265 : vector<256x256xi32>
          %slice3A_267 = vector.extract_strided_slice %broadcast_in_dim3A_254 {offsets = [0, 0], sizes = [256, 8], strides = [1, 1]} : vector<256x256xi32> to vector<256x8xi32>
          %slice3A_268 = vector.extract_strided_slice %add3A_266 {offsets = [0, 0], sizes = [256, 248], strides = [1, 1]} : vector<256x256xi32> to vector<256x248xi32>
          %concatenate3A_269 = tpu.concatenate %slice3A_267, %slice3A_268 in 1 : vector<256x8xi32>, vector<256x248xi32> -> vector<256x256xi32>
          %add3A_270 = arith.addi %add3A_266, %concatenate3A_269 : vector<256x256xi32>
          %slice3A_271 = vector.extract_strided_slice %broadcast_in_dim3A_254 {offsets = [0, 0], sizes = [256, 16], strides = [1, 1]} : vector<256x256xi32> to vector<256x16xi32>
          %slice3A_272 = vector.extract_strided_slice %add3A_270 {offsets = [0, 0], sizes = [256, 240], strides = [1, 1]} : vector<256x256xi32> to vector<256x240xi32>
          %concatenate3A_273 = tpu.concatenate %slice3A_271, %slice3A_272 in 1 : vector<256x16xi32>, vector<256x240xi32> -> vector<256x256xi32>
          %add3A_274 = arith.addi %add3A_270, %concatenate3A_273 : vector<256x256xi32>
          %slice3A_275 = vector.extract_strided_slice %broadcast_in_dim3A_254 {offsets = [0, 0], sizes = [256, 32], strides = [1, 1]} : vector<256x256xi32> to vector<256x32xi32>
          %slice3A_276 = vector.extract_strided_slice %add3A_274 {offsets = [0, 0], sizes = [256, 224], strides = [1, 1]} : vector<256x256xi32> to vector<256x224xi32>
          %concatenate3A_277 = tpu.concatenate %slice3A_275, %slice3A_276 in 1 : vector<256x32xi32>, vector<256x224xi32> -> vector<256x256xi32>
          %add3A_278 = arith.addi %add3A_274, %concatenate3A_277 : vector<256x256xi32>
          %slice3A_279 = vector.extract_strided_slice %broadcast_in_dim3A_254 {offsets = [0, 0], sizes = [256, 64], strides = [1, 1]} : vector<256x256xi32> to vector<256x64xi32>
          %slice3A_280 = vector.extract_strided_slice %add3A_278 {offsets = [0, 0], sizes = [256, 192], strides = [1, 1]} : vector<256x256xi32> to vector<256x192xi32>
          %concatenate3A_281 = tpu.concatenate %slice3A_279, %slice3A_280 in 1 : vector<256x64xi32>, vector<256x192xi32> -> vector<256x256xi32>
          %add3A_282 = arith.addi %add3A_278, %concatenate3A_281 : vector<256x256xi32>
          %slice3A_283 = vector.extract_strided_slice %broadcast_in_dim3A_254 {offsets = [0, 0], sizes = [256, 128], strides = [1, 1]} : vector<256x256xi32> to vector<256x128xi32>
          %slice3A_284 = vector.extract_strided_slice %add3A_282 {offsets = [0, 0], sizes = [256, 128], strides = [1, 1]} : vector<256x256xi32> to vector<256x128xi32>
          %concatenate3A_285 = tpu.concatenate %slice3A_283, %slice3A_284 in 1 : vector<256x128xi32>, vector<256x128xi32> -> vector<256x256xi32>
          %add3A_286 = arith.addi %add3A_282, %concatenate3A_285 : vector<256x256xi32>
          %add3A_287 = vector.broadcast %scan3A_92 : vector<256x1xi32> to vector<256x256xi32>
          %add3A_288 = arith.addi %add3A_287, %add3A_286 : vector<256x256xi32>
          %le3A = arith.constant 0 : i32
          %le3A_289 = vector.broadcast %le3A : i32 to vector<256x256xi32>
          %le3A_290 = arith.cmpi sle, %add3A_252, %le3A_289 : vector<256x256xi32>
          %jit3A_291 = arith.constant 1.000000e+00 : f32
          %jit3A_292 = arith.constant 0.000000e+00 : f32
          %broadcast_in_dim3A_293 = vector.broadcast %jit3A_291 : f32 to vector<256x256xf32>
          %broadcast_in_dim3A_294 = vector.broadcast %jit3A_292 : f32 to vector<256x256xf32>
          %select_n3A_295 = arith.select %le3A_290, %broadcast_in_dim3A_293, %broadcast_in_dim3A_294 : vector<256x256xi1>, vector<256x256xf32>
          %get3A_296 = arith.constant 0 : index
          %get3A_297 = arith.constant 0 : index
          %get3A_298 = vector.load %arg6[%get3A_296, %get3A_297] : memref<256x4096xf32, #tpu.memory_space<vmem>>, vector<256x256xf32>
          %add3A_299 = arith.addf %get3A_298, %select_n3A_295 : vector<256x256xf32>
          %swap3A_300 = arith.constant 0 : index
          %swap3A_301 = arith.constant 0 : index
          %swap3A_302 = vector.load %arg6[%swap3A_300, %swap3A_301] : memref<256x4096xf32, #tpu.memory_space<vmem>>, vector<256x256xf32>
          tpu.vector_store %arg6[%swap3A_300, %swap3A_301], %add3A_299 {strides = array<i32>} : memref<256x4096xf32, #tpu.memory_space<vmem>>, vector<256x256xf32>,
          %le3A_303 = arith.constant 1 : i32
          %le3A_304 = vector.broadcast %le3A_303 : i32 to vector<256x256xi32>
          %le3A_305 = arith.cmpi sle, %add3A_252, %le3A_304 : vector<256x256xi32>
          %jit3A_306 = arith.constant 1.000000e+00 : f32
          %jit3A_307 = arith.constant 0.000000e+00 : f32
          %broadcast_in_dim3A_308 = vector.broadcast %jit3A_306 : f32 to vector<256x256xf32>
          %broadcast_in_dim3A_309 = vector.broadcast %jit3A_307 : f32 to vector<256x256xf32>
          %select_n3A_310 = arith.select %le3A_305, %broadcast_in_dim3A_308, %broadcast_in_dim3A_309 : vector<256x256xi1>, vector<256x256xf32>
          %get3A_311 = arith.constant 0 : index
          %get3A_312 = arith.constant 256 : index
          %get3A_313 = vector.load %arg6[%get3A_311, %get3A_312] : memref<256x4096xf32, #tpu.memory_space<vmem>>, vector<256x256xf32>
          %add3A_314 = arith.addf %get3A_313, %select_n3A_310 : vector<256x256xf32>
          %swap3A_315 = arith.constant 0 : index
          %swap3A_316 = arith.constant 256 : index
          %swap3A_317 = vector.load %arg6[%swap3A_315, %swap3A_316] : memref<256x4096xf32, #tpu.memory_space<vmem>>, vector<256x256xf32>
          tpu.vector_store %arg6[%swap3A_315, %swap3A_316], %add3A_314 {strides = array<i32>} : memref<256x4096xf32, #tpu.memory_space<vmem>>, vector<256x256xf32>,
          %le3A_318 = arith.constant 2 : i32
          %le3A_319 = vector.broadcast %le3A_318 : i32 to vector<256x256xi32>
          %le3A_320 = arith.cmpi sle, %add3A_252, %le3A_319 : vector<256x256xi32>
          %jit3A_321 = arith.constant 1.000000e+00 : f32
          %jit3A_322 = arith.constant 0.000000e+00 : f32
          %broadcast_in_dim3A_323 = vector.broadcast %jit3A_321 : f32 to vector<256x256xf32>
          %broadcast_in_dim3A_324 = vector.broadcast %jit3A_322 : f32 to vector<256x256xf32>
          %select_n3A_325 = arith.select %le3A_320, %broadcast_in_dim3A_323, %broadcast_in_dim3A_324 : vector<256x256xi1>, vector<256x256xf32>
          %get3A_326 = arith.constant 0 : index
          %get3A_327 = arith.constant 512 : index
          %get3A_328 = vector.load %arg6[%get3A_326, %get3A_327] : memref<256x4096xf32, #tpu.memory_space<vmem>>, vector<256x256xf32>
          %add3A_329 = arith.addf %get3A_328, %select_n3A_325 : vector<256x256xf32>
          %swap3A_330 = arith.constant 0 : index
          %swap3A_331 = arith.constant 512 : index
          %swap3A_332 = vector.load %arg6[%swap3A_330, %swap3A_331] : memref<256x4096xf32, #tpu.memory_space<vmem>>, vector<256x256xf32>
          tpu.vector_store %arg6[%swap3A_330, %swap3A_331], %add3A_329 {strides = array<i32>} : memref<256x4096xf32, #tpu.memory_space<vmem>>, vector<256x256xf32>,
          %le3A_333 = arith.constant 3 : i32
          %le3A_334 = vector.broadcast %le3A_333 : i32 to vector<256x256xi32>
          %le3A_335 = arith.cmpi sle, %add3A_252, %le3A_334 : vector<256x256xi32>
          %jit3A_336 = arith.constant 1.000000e+00 : f32
          %jit3A_337 = arith.constant 0.000000e+00 : f32
          %broadcast_in_dim3A_338 = vector.broadcast %jit3A_336 : f32 to vector<256x256xf32>
          %broadcast_in_dim3A_339 = vector.broadcast %jit3A_337 : f32 to vector<256x256xf32>
          %select_n3A_340 = arith.select %le3A_335, %broadcast_in_dim3A_338, %broadcast_in_dim3A_339 : vector<256x256xi1>, vector<256x256xf32>
          %get3A_341 = arith.constant 0 : index
          %get3A_342 = arith.constant 768 : index
          %get3A_343 = vector.load %arg6[%get3A_341, %get3A_342] : memref<256x4096xf32, #tpu.memory_space<vmem>>, vector<256x256xf32>
          %add3A_344 = arith.addf %get3A_343, %select_n3A_340 : vector<256x256xf32>
          %swap3A_345 = arith.constant 0 : index
          %swap3A_346 = arith.constant 768 : index
          %swap3A_347 = vector.load %arg6[%swap3A_345, %swap3A_346] : memref<256x4096xf32, #tpu.memory_space<vmem>>, vector<256x256xf32>
          tpu.vector_store %arg6[%swap3A_345, %swap3A_346], %add3A_344 {strides = array<i32>} : memref<256x4096xf32, #tpu.memory_space<vmem>>, vector<256x256xf32>,
          %le3A_348 = arith.constant 4 : i32
          %le3A_349 = vector.broadcast %le3A_348 : i32 to vector<256x256xi32>
          %le3A_350 = arith.cmpi sle, %add3A_252, %le3A_349 : vector<256x256xi32>
          %jit3A_351 = arith.constant 1.000000e+00 : f32
          %jit3A_352 = arith.constant 0.000000e+00 : f32
          %broadcast_in_dim3A_353 = vector.broadcast %jit3A_351 : f32 to vector<256x256xf32>
          %broadcast_in_dim3A_354 = vector.broadcast %jit3A_352 : f32 to vector<256x256xf32>
          %select_n3A_355 = arith.select %le3A_350, %broadcast_in_dim3A_353, %broadcast_in_dim3A_354 : vector<256x256xi1>, vector<256x256xf32>
          %get3A_356 = arith.constant 0 : index
          %get3A_357 = arith.constant 1024 : index
          %get3A_358 = vector.load %arg6[%get3A_356, %get3A_357] : memref<256x4096xf32, #tpu.memory_space<vmem>>, vector<256x256xf32>
          %add3A_359 = arith.addf %get3A_358, %select_n3A_355 : vector<256x256xf32>
          %swap3A_360 = arith.constant 0 : index
          %swap3A_361 = arith.constant 1024 : index
          %swap3A_362 = vector.load %arg6[%swap3A_360, %swap3A_361] : memref<256x4096xf32, #tpu.memory_space<vmem>>, vector<256x256xf32>
          tpu.vector_store %arg6[%swap3A_360, %swap3A_361], %add3A_359 {strides = array<i32>} : memref<256x4096xf32, #tpu.memory_space<vmem>>, vector<256x256xf32>,
          %le3A_363 = arith.constant 5 : i32
          %le3A_364 = vector.broadcast %le3A_363 : i32 to vector<256x256xi32>
          %le3A_365 = arith.cmpi sle, %add3A_252, %le3A_364 : vector<256x256xi32>
          %jit3A_366 = arith.constant 1.000000e+00 : f32
          %jit3A_367 = arith.constant 0.000000e+00 : f32
          %broadcast_in_dim3A_368 = vector.broadcast %jit3A_366 : f32 to vector<256x256xf32>
          %broadcast_in_dim3A_369 = vector.broadcast %jit3A_367 : f32 to vector<256x256xf32>
          %select_n3A_370 = arith.select %le3A_365, %broadcast_in_dim3A_368, %broadcast_in_dim3A_369 : vector<256x256xi1>, vector<256x256xf32>
          %get3A_371 = arith.constant 0 : index
          %get3A_372 = arith.constant 1280 : index
          %get3A_373 = vector.load %arg6[%get3A_371, %get3A_372] : memref<256x4096xf32, #tpu.memory_space<vmem>>, vector<256x256xf32>
          %add3A_374 = arith.addf %get3A_373, %select_n3A_370 : vector<256x256xf32>
          %swap3A_375 = arith.constant 0 : index
          %swap3A_376 = arith.constant 1280 : index
          %swap3A_377 = vector.load %arg6[%swap3A_375, %swap3A_376] : memref<256x4096xf32, #tpu.memory_space<vmem>>, vector<256x256xf32>
          tpu.vector_store %arg6[%swap3A_375, %swap3A_376], %add3A_374 {strides = array<i32>} : memref<256x4096xf32, #tpu.memory_space<vmem>>, vector<256x256xf32>,
          %le3A_378 = arith.constant 6 : i32
          %le3A_379 = vector.broadcast %le3A_378 : i32 to vector<256x256xi32>
          %le3A_380 = arith.cmpi sle, %add3A_252, %le3A_379 : vector<256x256xi32>
          %jit3A_381 = arith.constant 1.000000e+00 : f32
          %jit3A_382 = arith.constant 0.000000e+00 : f32
          %broadcast_in_dim3A_383 = vector.broadcast %jit3A_381 : f32 to vector<256x256xf32>
          %broadcast_in_dim3A_384 = vector.broadcast %jit3A_382 : f32 to vector<256x256xf32>
          %select_n3A_385 = arith.select %le3A_380, %broadcast_in_dim3A_383, %broadcast_in_dim3A_384 : vector<256x256xi1>, vector<256x256xf32>
          %get3A_386 = arith.constant 0 : index
          %get3A_387 = arith.constant 1536 : index
          %get3A_388 = vector.load %arg6[%get3A_386, %get3A_387] : memref<256x4096xf32, #tpu.memory_space<vmem>>, vector<256x256xf32>
          %add3A_389 = arith.addf %get3A_388, %select_n3A_385 : vector<256x256xf32>
          %swap3A_390 = arith.constant 0 : index
          %swap3A_391 = arith.constant 1536 : index
          %swap3A_392 = vector.load %arg6[%swap3A_390, %swap3A_391] : memref<256x4096xf32, #tpu.memory_space<vmem>>, vector<256x256xf32>
          tpu.vector_store %arg6[%swap3A_390, %swap3A_391], %add3A_389 {strides = array<i32>} : memref<256x4096xf32, #tpu.memory_space<vmem>>, vector<256x256xf32>,
          %le3A_393 = arith.constant 7 : i32
          %le3A_394 = vector.broadcast %le3A_393 : i32 to vector<256x256xi32>
          %le3A_395 = arith.cmpi sle, %add3A_252, %le3A_394 : vector<256x256xi32>
          %jit3A_396 = arith.constant 1.000000e+00 : f32
          %jit3A_397 = arith.constant 0.000000e+00 : f32
          %broadcast_in_dim3A_398 = vector.broadcast %jit3A_396 : f32 to vector<256x256xf32>
          %broadcast_in_dim3A_399 = vector.broadcast %jit3A_397 : f32 to vector<256x256xf32>
          %select_n3A_400 = arith.select %le3A_395, %broadcast_in_dim3A_398, %broadcast_in_dim3A_399 : vector<256x256xi1>, vector<256x256xf32>
          %get3A_401 = arith.constant 0 : index
          %get3A_402 = arith.constant 1792 : index
          %get3A_403 = vector.load %arg6[%get3A_401, %get3A_402] : memref<256x4096xf32, #tpu.memory_space<vmem>>, vector<256x256xf32>
          %add3A_404 = arith.addf %get3A_403, %select_n3A_400 : vector<256x256xf32>
          %swap3A_405 = arith.constant 0 : index
          %swap3A_406 = arith.constant 1792 : index
          %swap3A_407 = vector.load %arg6[%swap3A_405, %swap3A_406] : memref<256x4096xf32, #tpu.memory_space<vmem>>, vector<256x256xf32>
          tpu.vector_store %arg6[%swap3A_405, %swap3A_406], %add3A_404 {strides = array<i32>} : memref<256x4096xf32, #tpu.memory_space<vmem>>, vector<256x256xf32>,
          %le3A_408 = arith.constant 8 : i32
          %le3A_409 = vector.broadcast %le3A_408 : i32 to vector<256x256xi32>
          %le3A_410 = arith.cmpi sle, %add3A_252, %le3A_409 : vector<256x256xi32>
          %jit3A_411 = arith.constant 1.000000e+00 : f32
          %jit3A_412 = arith.constant 0.000000e+00 : f32
          %broadcast_in_dim3A_413 = vector.broadcast %jit3A_411 : f32 to vector<256x256xf32>
          %broadcast_in_dim3A_414 = vector.broadcast %jit3A_412 : f32 to vector<256x256xf32>
          %select_n3A_415 = arith.select %le3A_410, %broadcast_in_dim3A_413, %broadcast_in_dim3A_414 : vector<256x256xi1>, vector<256x256xf32>
          %get3A_416 = arith.constant 0 : index
          %get3A_417 = arith.constant 2048 : index
          %get3A_418 = vector.load %arg6[%get3A_416, %get3A_417] : memref<256x4096xf32, #tpu.memory_space<vmem>>, vector<256x256xf32>
          %add3A_419 = arith.addf %get3A_418, %select_n3A_415 : vector<256x256xf32>
          %swap3A_420 = arith.constant 0 : index
          %swap3A_421 = arith.constant 2048 : index
          %swap3A_422 = vector.load %arg6[%swap3A_420, %swap3A_421] : memref<256x4096xf32, #tpu.memory_space<vmem>>, vector<256x256xf32>
          tpu.vector_store %arg6[%swap3A_420, %swap3A_421], %add3A_419 {strides = array<i32>} : memref<256x4096xf32, #tpu.memory_space<vmem>>, vector<256x256xf32>,
          %le3A_423 = arith.constant 9 : i32
          %le3A_424 = vector.broadcast %le3A_423 : i32 to vector<256x256xi32>
          %le3A_425 = arith.cmpi sle, %add3A_252, %le3A_424 : vector<256x256xi32>
          %jit3A_426 = arith.constant 1.000000e+00 : f32
          %jit3A_427 = arith.constant 0.000000e+00 : f32
          %broadcast_in_dim3A_428 = vector.broadcast %jit3A_426 : f32 to vector<256x256xf32>
          %broadcast_in_dim3A_429 = vector.broadcast %jit3A_427 : f32 to vector<256x256xf32>
          %select_n3A_430 = arith.select %le3A_425, %broadcast_in_dim3A_428, %broadcast_in_dim3A_429 : vector<256x256xi1>, vector<256x256xf32>
          %get3A_431 = arith.constant 0 : index
          %get3A_432 = arith.constant 2304 : index
          %get3A_433 = vector.load %arg6[%get3A_431, %get3A_432] : memref<256x4096xf32, #tpu.memory_space<vmem>>, vector<256x256xf32>
          %add3A_434 = arith.addf %get3A_433, %select_n3A_430 : vector<256x256xf32>
          %swap3A_435 = arith.constant 0 : index
          %swap3A_436 = arith.constant 2304 : index
          %swap3A_437 = vector.load %arg6[%swap3A_435, %swap3A_436] : memref<256x4096xf32, #tpu.memory_space<vmem>>, vector<256x256xf32>
          tpu.vector_store %arg6[%swap3A_435, %swap3A_436], %add3A_434 {strides = array<i32>} : memref<256x4096xf32, #tpu.memory_space<vmem>>, vector<256x256xf32>,
          %le3A_438 = arith.constant 10 : i32
          %le3A_439 = vector.broadcast %le3A_438 : i32 to vector<256x256xi32>
          %le3A_440 = arith.cmpi sle, %add3A_252, %le3A_439 : vector<256x256xi32>
          %jit3A_441 = arith.constant 1.000000e+00 : f32
          %jit3A_442 = arith.constant 0.000000e+00 : f32
          %broadcast_in_dim3A_443 = vector.broadcast %jit3A_441 : f32 to vector<256x256xf32>
          %broadcast_in_dim3A_444 = vector.broadcast %jit3A_442 : f32 to vector<256x256xf32>
          %select_n3A_445 = arith.select %le3A_440, %broadcast_in_dim3A_443, %broadcast_in_dim3A_444 : vector<256x256xi1>, vector<256x256xf32>
          %get3A_446 = arith.constant 0 : index
          %get3A_447 = arith.constant 2560 : index
          %get3A_448 = vector.load %arg6[%get3A_446, %get3A_447] : memref<256x4096xf32, #tpu.memory_space<vmem>>, vector<256x256xf32>
          %add3A_449 = arith.addf %get3A_448, %select_n3A_445 : vector<256x256xf32>
          %swap3A_450 = arith.constant 0 : index
          %swap3A_451 = arith.constant 2560 : index
          %swap3A_452 = vector.load %arg6[%swap3A_450, %swap3A_451] : memref<256x4096xf32, #tpu.memory_space<vmem>>, vector<256x256xf32>
          tpu.vector_store %arg6[%swap3A_450, %swap3A_451], %add3A_449 {strides = array<i32>} : memref<256x4096xf32, #tpu.memory_space<vmem>>, vector<256x256xf32>,
          %le3A_453 = arith.constant 11 : i32
          %le3A_454 = vector.broadcast %le3A_453 : i32 to vector<256x256xi32>
          %le3A_455 = arith.cmpi sle, %add3A_252, %le3A_454 : vector<256x256xi32>
          %jit3A_456 = arith.constant 1.000000e+00 : f32
          %jit3A_457 = arith.constant 0.000000e+00 : f32
          %broadcast_in_dim3A_458 = vector.broadcast %jit3A_456 : f32 to vector<256x256xf32>
          %broadcast_in_dim3A_459 = vector.broadcast %jit3A_457 : f32 to vector<256x256xf32>
          %select_n3A_460 = arith.select %le3A_455, %broadcast_in_dim3A_458, %broadcast_in_dim3A_459 : vector<256x256xi1>, vector<256x256xf32>
          %get3A_461 = arith.constant 0 : index
          %get3A_462 = arith.constant 2816 : index
          %get3A_463 = vector.load %arg6[%get3A_461, %get3A_462] : memref<256x4096xf32, #tpu.memory_space<vmem>>, vector<256x256xf32>
          %add3A_464 = arith.addf %get3A_463, %select_n3A_460 : vector<256x256xf32>
          %swap3A_465 = arith.constant 0 : index
          %swap3A_466 = arith.constant 2816 : index
          %swap3A_467 = vector.load %arg6[%swap3A_465, %swap3A_466] : memref<256x4096xf32, #tpu.memory_space<vmem>>, vector<256x256xf32>
          tpu.vector_store %arg6[%swap3A_465, %swap3A_466], %add3A_464 {strides = array<i32>} : memref<256x4096xf32, #tpu.memory_space<vmem>>, vector<256x256xf32>,
          %le3A_468 = arith.constant 12 : i32
          %le3A_469 = vector.broadcast %le3A_468 : i32 to vector<256x256xi32>
          %le3A_470 = arith.cmpi sle, %add3A_252, %le3A_469 : vector<256x256xi32>
          %jit3A_471 = arith.constant 1.000000e+00 : f32
          %jit3A_472 = arith.constant 0.000000e+00 : f32
          %broadcast_in_dim3A_473 = vector.broadcast %jit3A_471 : f32 to vector<256x256xf32>
          %broadcast_in_dim3A_474 = vector.broadcast %jit3A_472 : f32 to vector<256x256xf32>
          %select_n3A_475 = arith.select %le3A_470, %broadcast_in_dim3A_473, %broadcast_in_dim3A_474 : vector<256x256xi1>, vector<256x256xf32>
          %get3A_476 = arith.constant 0 : index
          %get3A_477 = arith.constant 3072 : index
          %get3A_478 = vector.load %arg6[%get3A_476, %get3A_477] : memref<256x4096xf32, #tpu.memory_space<vmem>>, vector<256x256xf32>
          %add3A_479 = arith.addf %get3A_478, %select_n3A_475 : vector<256x256xf32>
          %swap3A_480 = arith.constant 0 : index
          %swap3A_481 = arith.constant 3072 : index
          %swap3A_482 = vector.load %arg6[%swap3A_480, %swap3A_481] : memref<256x4096xf32, #tpu.memory_space<vmem>>, vector<256x256xf32>
          tpu.vector_store %arg6[%swap3A_480, %swap3A_481], %add3A_479 {strides = array<i32>} : memref<256x4096xf32, #tpu.memory_space<vmem>>, vector<256x256xf32>,
          %le3A_483 = arith.constant 13 : i32
          %le3A_484 = vector.broadcast %le3A_483 : i32 to vector<256x256xi32>
          %le3A_485 = arith.cmpi sle, %add3A_252, %le3A_484 : vector<256x256xi32>
          %jit3A_486 = arith.constant 1.000000e+00 : f32
          %jit3A_487 = arith.constant 0.000000e+00 : f32
          %broadcast_in_dim3A_488 = vector.broadcast %jit3A_486 : f32 to vector<256x256xf32>
          %broadcast_in_dim3A_489 = vector.broadcast %jit3A_487 : f32 to vector<256x256xf32>
          %select_n3A_490 = arith.select %le3A_485, %broadcast_in_dim3A_488, %broadcast_in_dim3A_489 : vector<256x256xi1>, vector<256x256xf32>
          %get3A_491 = arith.constant 0 : index
          %get3A_492 = arith.constant 3328 : index
          %get3A_493 = vector.load %arg6[%get3A_491, %get3A_492] : memref<256x4096xf32, #tpu.memory_space<vmem>>, vector<256x256xf32>
          %add3A_494 = arith.addf %get3A_493, %select_n3A_490 : vector<256x256xf32>
          %swap3A_495 = arith.constant 0 : index
          %swap3A_496 = arith.constant 3328 : index
          %swap3A_497 = vector.load %arg6[%swap3A_495, %swap3A_496] : memref<256x4096xf32, #tpu.memory_space<vmem>>, vector<256x256xf32>
          tpu.vector_store %arg6[%swap3A_495, %swap3A_496], %add3A_494 {strides = array<i32>} : memref<256x4096xf32, #tpu.memory_space<vmem>>, vector<256x256xf32>,
          %le3A_498 = arith.constant 14 : i32
          %le3A_499 = vector.broadcast %le3A_498 : i32 to vector<256x256xi32>
          %le3A_500 = arith.cmpi sle, %add3A_252, %le3A_499 : vector<256x256xi32>
          %jit3A_501 = arith.constant 1.000000e+00 : f32
          %jit3A_502 = arith.constant 0.000000e+00 : f32
          %broadcast_in_dim3A_503 = vector.broadcast %jit3A_501 : f32 to vector<256x256xf32>
          %broadcast_in_dim3A_504 = vector.broadcast %jit3A_502 : f32 to vector<256x256xf32>
          %select_n3A_505 = arith.select %le3A_500, %broadcast_in_dim3A_503, %broadcast_in_dim3A_504 : vector<256x256xi1>, vector<256x256xf32>
          %get3A_506 = arith.constant 0 : index
          %get3A_507 = arith.constant 3584 : index
          %get3A_508 = vector.load %arg6[%get3A_506, %get3A_507] : memref<256x4096xf32, #tpu.memory_space<vmem>>, vector<256x256xf32>
          %add3A_509 = arith.addf %get3A_508, %select_n3A_505 : vector<256x256xf32>
          %swap3A_510 = arith.constant 0 : index
          %swap3A_511 = arith.constant 3584 : index
          %swap3A_512 = vector.load %arg6[%swap3A_510, %swap3A_511] : memref<256x4096xf32, #tpu.memory_space<vmem>>, vector<256x256xf32>
          tpu.vector_store %arg6[%swap3A_510, %swap3A_511], %add3A_509 {strides = array<i32>} : memref<256x4096xf32, #tpu.memory_space<vmem>>, vector<256x256xf32>,
          %le3A_513 = arith.constant 15 : i32
          %le3A_514 = vector.broadcast %le3A_513 : i32 to vector<256x256xi32>
          %le3A_515 = arith.cmpi sle, %add3A_252, %le3A_514 : vector<256x256xi32>
          %jit3A_516 = arith.constant 1.000000e+00 : f32
          %jit3A_517 = arith.constant 0.000000e+00 : f32
          %broadcast_in_dim3A_518 = vector.broadcast %jit3A_516 : f32 to vector<256x256xf32>
          %broadcast_in_dim3A_519 = vector.broadcast %jit3A_517 : f32 to vector<256x256xf32>
          %select_n3A_520 = arith.select %le3A_515, %broadcast_in_dim3A_518, %broadcast_in_dim3A_519 : vector<256x256xi1>, vector<256x256xf32>
          %get3A_521 = arith.constant 0 : index
          %get3A_522 = arith.constant 3840 : index
          %get3A_523 = vector.load %arg6[%get3A_521, %get3A_522] : memref<256x4096xf32, #tpu.memory_space<vmem>>, vector<256x256xf32>
          %add3A_524 = arith.addf %get3A_523, %select_n3A_520 : vector<256x256xf32>
          %swap3A_525 = arith.constant 0 : index
          %swap3A_526 = arith.constant 3840 : index
          %swap3A_527 = vector.load %arg6[%swap3A_525, %swap3A_526] : memref<256x4096xf32, #tpu.memory_space<vmem>>, vector<256x256xf32>
          tpu.vector_store %arg6[%swap3A_525, %swap3A_526], %add3A_524 {strides = array<i32>} : memref<256x4096xf32, #tpu.memory_space<vmem>>, vector<256x256xf32>,
          %reduce_min3A_528 = vector.shape_cast %scan3A_92 : vector<256x1xi32> to vector<1x256x1xi32>
          %reduce_min3A_529 = arith.constant dense<2147483647> : vector<1xi32>
          %reduce_min3A_530 = vector.multi_reduction <minsi>, %reduce_min3A_528, %reduce_min3A_529 [1, 2] : vector<1x256x1xi32> to vector<1xi32>
          %reduce_min3A_531 = vector.shape_cast %reduce_min3A_530 : vector<1xi32> to vector<1x1x1xi32>
          %reduce_min3A_532 = vector.extract %reduce_min3A_531[0, 0, 0] : i32 from vector<1x1x1xi32>
          %lt3A_533 = arith.constant 16 : i32
          %lt3A_534 = arith.cmpi slt, %reduce_min3A_532, %lt3A_533 : i32
          %convert_element_type3A_535 = arith.extui %lt3A_534 : i1 to i32
          %cond3A_536 = arith.constant 0 : i32
          %cond3A_537 = arith.cmpi ne, %convert_element_type3A_535, %cond3A_536 : i32
          scf.if %cond3A_537 {
            %le3A_540 = arith.constant 0 : i32
            %le3A_541 = vector.broadcast %le3A_540 : i32 to vector<256x256xi32>
            %le3A_542 = arith.cmpi sle, %add3A_288, %le3A_541 : vector<256x256xi32>
            %jit3A_543 = arith.constant 1.000000e+00 : f32
            %jit3A_544 = arith.constant 0.000000e+00 : f32
            %broadcast_in_dim3A_545 = vector.broadcast %jit3A_543 : f32 to vector<256x256xf32>
            %broadcast_in_dim3A_546 = vector.broadcast %jit3A_544 : f32 to vector<256x256xf32>
            %select_n3A_547 = arith.select %le3A_542, %broadcast_in_dim3A_545, %broadcast_in_dim3A_546 : vector<256x256xi1>, vector<256x256xf32>
            %get3A_548 = arith.constant 0 : index
            %get3A_549 = arith.constant 0 : index
            %get3A_550 = vector.load %arg7[%get3A_548, %get3A_549] : memref<256x4096xf32, #tpu.memory_space<vmem>>, vector<256x256xf32>
            %add3A_551 = arith.addf %get3A_550, %select_n3A_547 : vector<256x256xf32>
            %swap3A_552 = arith.constant 0 : index
            %swap3A_553 = arith.constant 0 : index
            %swap3A_554 = vector.load %arg7[%swap3A_552, %swap3A_553] : memref<256x4096xf32, #tpu.memory_space<vmem>>, vector<256x256xf32>
            tpu.vector_store %arg7[%swap3A_552, %swap3A_553], %add3A_551 {strides = array<i32>} : memref<256x4096xf32, #tpu.memory_space<vmem>>, vector<256x256xf32>,
            %le3A_555 = arith.constant 1 : i32
            %le3A_556 = vector.broadcast %le3A_555 : i32 to vector<256x256xi32>
            %le3A_557 = arith.cmpi sle, %add3A_288, %le3A_556 : vector<256x256xi32>
            %jit3A_558 = arith.constant 1.000000e+00 : f32
            %jit3A_559 = arith.constant 0.000000e+00 : f32
            %broadcast_in_dim3A_560 = vector.broadcast %jit3A_558 : f32 to vector<256x256xf32>
            %broadcast_in_dim3A_561 = vector.broadcast %jit3A_559 : f32 to vector<256x256xf32>
            %select_n3A_562 = arith.select %le3A_557, %broadcast_in_dim3A_560, %broadcast_in_dim3A_561 : vector<256x256xi1>, vector<256x256xf32>
            %get3A_563 = arith.constant 0 : index
            %get3A_564 = arith.constant 256 : index
            %get3A_565 = vector.load %arg7[%get3A_563, %get3A_564] : memref<256x4096xf32, #tpu.memory_space<vmem>>, vector<256x256xf32>
            %add3A_566 = arith.addf %get3A_565, %select_n3A_562 : vector<256x256xf32>
            %swap3A_567 = arith.constant 0 : index
            %swap3A_568 = arith.constant 256 : index
            %swap3A_569 = vector.load %arg7[%swap3A_567, %swap3A_568] : memref<256x4096xf32, #tpu.memory_space<vmem>>, vector<256x256xf32>
            tpu.vector_store %arg7[%swap3A_567, %swap3A_568], %add3A_566 {strides = array<i32>} : memref<256x4096xf32, #tpu.memory_space<vmem>>, vector<256x256xf32>,
            %le3A_570 = arith.constant 2 : i32
            %le3A_571 = vector.broadcast %le3A_570 : i32 to vector<256x256xi32>
            %le3A_572 = arith.cmpi sle, %add3A_288, %le3A_571 : vector<256x256xi32>
            %jit3A_573 = arith.constant 1.000000e+00 : f32
            %jit3A_574 = arith.constant 0.000000e+00 : f32
            %broadcast_in_dim3A_575 = vector.broadcast %jit3A_573 : f32 to vector<256x256xf32>
            %broadcast_in_dim3A_576 = vector.broadcast %jit3A_574 : f32 to vector<256x256xf32>
            %select_n3A_577 = arith.select %le3A_572, %broadcast_in_dim3A_575, %broadcast_in_dim3A_576 : vector<256x256xi1>, vector<256x256xf32>
            %get3A_578 = arith.constant 0 : index
            %get3A_579 = arith.constant 512 : index
            %get3A_580 = vector.load %arg7[%get3A_578, %get3A_579] : memref<256x4096xf32, #tpu.memory_space<vmem>>, vector<256x256xf32>
            %add3A_581 = arith.addf %get3A_580, %select_n3A_577 : vector<256x256xf32>
            %swap3A_582 = arith.constant 0 : index
            %swap3A_583 = arith.constant 512 : index
            %swap3A_584 = vector.load %arg7[%swap3A_582, %swap3A_583] : memref<256x4096xf32, #tpu.memory_space<vmem>>, vector<256x256xf32>
            tpu.vector_store %arg7[%swap3A_582, %swap3A_583], %add3A_581 {strides = array<i32>} : memref<256x4096xf32, #tpu.memory_space<vmem>>, vector<256x256xf32>,
            %le3A_585 = arith.constant 3 : i32
            %le3A_586 = vector.broadcast %le3A_585 : i32 to vector<256x256xi32>
            %le3A_587 = arith.cmpi sle, %add3A_288, %le3A_586 : vector<256x256xi32>
            %jit3A_588 = arith.constant 1.000000e+00 : f32
            %jit3A_589 = arith.constant 0.000000e+00 : f32
            %broadcast_in_dim3A_590 = vector.broadcast %jit3A_588 : f32 to vector<256x256xf32>
            %broadcast_in_dim3A_591 = vector.broadcast %jit3A_589 : f32 to vector<256x256xf32>
            %select_n3A_592 = arith.select %le3A_587, %broadcast_in_dim3A_590, %broadcast_in_dim3A_591 : vector<256x256xi1>, vector<256x256xf32>
            %get3A_593 = arith.constant 0 : index
            %get3A_594 = arith.constant 768 : index
            %get3A_595 = vector.load %arg7[%get3A_593, %get3A_594] : memref<256x4096xf32, #tpu.memory_space<vmem>>, vector<256x256xf32>
            %add3A_596 = arith.addf %get3A_595, %select_n3A_592 : vector<256x256xf32>
            %swap3A_597 = arith.constant 0 : index
            %swap3A_598 = arith.constant 768 : index
            %swap3A_599 = vector.load %arg7[%swap3A_597, %swap3A_598] : memref<256x4096xf32, #tpu.memory_space<vmem>>, vector<256x256xf32>
            tpu.vector_store %arg7[%swap3A_597, %swap3A_598], %add3A_596 {strides = array<i32>} : memref<256x4096xf32, #tpu.memory_space<vmem>>, vector<256x256xf32>,
            %le3A_600 = arith.constant 4 : i32
            %le3A_601 = vector.broadcast %le3A_600 : i32 to vector<256x256xi32>
            %le3A_602 = arith.cmpi sle, %add3A_288, %le3A_601 : vector<256x256xi32>
            %jit3A_603 = arith.constant 1.000000e+00 : f32
            %jit3A_604 = arith.constant 0.000000e+00 : f32
            %broadcast_in_dim3A_605 = vector.broadcast %jit3A_603 : f32 to vector<256x256xf32>
            %broadcast_in_dim3A_606 = vector.broadcast %jit3A_604 : f32 to vector<256x256xf32>
            %select_n3A_607 = arith.select %le3A_602, %broadcast_in_dim3A_605, %broadcast_in_dim3A_606 : vector<256x256xi1>, vector<256x256xf32>
            %get3A_608 = arith.constant 0 : index
            %get3A_609 = arith.constant 1024 : index
            %get3A_610 = vector.load %arg7[%get3A_608, %get3A_609] : memref<256x4096xf32, #tpu.memory_space<vmem>>, vector<256x256xf32>
            %add3A_611 = arith.addf %get3A_610, %select_n3A_607 : vector<256x256xf32>
            %swap3A_612 = arith.constant 0 : index
            %swap3A_613 = arith.constant 1024 : index
            %swap3A_614 = vector.load %arg7[%swap3A_612, %swap3A_613] : memref<256x4096xf32, #tpu.memory_space<vmem>>, vector<256x256xf32>
            tpu.vector_store %arg7[%swap3A_612, %swap3A_613], %add3A_611 {strides = array<i32>} : memref<256x4096xf32, #tpu.memory_space<vmem>>, vector<256x256xf32>,
            %le3A_615 = arith.constant 5 : i32
            %le3A_616 = vector.broadcast %le3A_615 : i32 to vector<256x256xi32>
            %le3A_617 = arith.cmpi sle, %add3A_288, %le3A_616 : vector<256x256xi32>
            %jit3A_618 = arith.constant 1.000000e+00 : f32
            %jit3A_619 = arith.constant 0.000000e+00 : f32
            %broadcast_in_dim3A_620 = vector.broadcast %jit3A_618 : f32 to vector<256x256xf32>
            %broadcast_in_dim3A_621 = vector.broadcast %jit3A_619 : f32 to vector<256x256xf32>
            %select_n3A_622 = arith.select %le3A_617, %broadcast_in_dim3A_620, %broadcast_in_dim3A_621 : vector<256x256xi1>, vector<256x256xf32>
            %get3A_623 = arith.constant 0 : index
            %get3A_624 = arith.constant 1280 : index
            %get3A_625 = vector.load %arg7[%get3A_623, %get3A_624] : memref<256x4096xf32, #tpu.memory_space<vmem>>, vector<256x256xf32>
            %add3A_626 = arith.addf %get3A_625, %select_n3A_622 : vector<256x256xf32>
            %swap3A_627 = arith.constant 0 : index
            %swap3A_628 = arith.constant 1280 : index
            %swap3A_629 = vector.load %arg7[%swap3A_627, %swap3A_628] : memref<256x4096xf32, #tpu.memory_space<vmem>>, vector<256x256xf32>
            tpu.vector_store %arg7[%swap3A_627, %swap3A_628], %add3A_626 {strides = array<i32>} : memref<256x4096xf32, #tpu.memory_space<vmem>>, vector<256x256xf32>,
            %le3A_630 = arith.constant 6 : i32
            %le3A_631 = vector.broadcast %le3A_630 : i32 to vector<256x256xi32>
            %le3A_632 = arith.cmpi sle, %add3A_288, %le3A_631 : vector<256x256xi32>
            %jit3A_633 = arith.constant 1.000000e+00 : f32
            %jit3A_634 = arith.constant 0.000000e+00 : f32
            %broadcast_in_dim3A_635 = vector.broadcast %jit3A_633 : f32 to vector<256x256xf32>
            %broadcast_in_dim3A_636 = vector.broadcast %jit3A_634 : f32 to vector<256x256xf32>
            %select_n3A_637 = arith.select %le3A_632, %broadcast_in_dim3A_635, %broadcast_in_dim3A_636 : vector<256x256xi1>, vector<256x256xf32>
            %get3A_638 = arith.constant 0 : index
            %get3A_639 = arith.constant 1536 : index
            %get3A_640 = vector.load %arg7[%get3A_638, %get3A_639] : memref<256x4096xf32, #tpu.memory_space<vmem>>, vector<256x256xf32>
            %add3A_641 = arith.addf %get3A_640, %select_n3A_637 : vector<256x256xf32>
            %swap3A_642 = arith.constant 0 : index
            %swap3A_643 = arith.constant 1536 : index
            %swap3A_644 = vector.load %arg7[%swap3A_642, %swap3A_643] : memref<256x4096xf32, #tpu.memory_space<vmem>>, vector<256x256xf32>
            tpu.vector_store %arg7[%swap3A_642, %swap3A_643], %add3A_641 {strides = array<i32>} : memref<256x4096xf32, #tpu.memory_space<vmem>>, vector<256x256xf32>,
            %le3A_645 = arith.constant 7 : i32
            %le3A_646 = vector.broadcast %le3A_645 : i32 to vector<256x256xi32>
            %le3A_647 = arith.cmpi sle, %add3A_288, %le3A_646 : vector<256x256xi32>
            %jit3A_648 = arith.constant 1.000000e+00 : f32
            %jit3A_649 = arith.constant 0.000000e+00 : f32
            %broadcast_in_dim3A_650 = vector.broadcast %jit3A_648 : f32 to vector<256x256xf32>
            %broadcast_in_dim3A_651 = vector.broadcast %jit3A_649 : f32 to vector<256x256xf32>
            %select_n3A_652 = arith.select %le3A_647, %broadcast_in_dim3A_650, %broadcast_in_dim3A_651 : vector<256x256xi1>, vector<256x256xf32>
            %get3A_653 = arith.constant 0 : index
            %get3A_654 = arith.constant 1792 : index
            %get3A_655 = vector.load %arg7[%get3A_653, %get3A_654] : memref<256x4096xf32, #tpu.memory_space<vmem>>, vector<256x256xf32>
            %add3A_656 = arith.addf %get3A_655, %select_n3A_652 : vector<256x256xf32>
            %swap3A_657 = arith.constant 0 : index
            %swap3A_658 = arith.constant 1792 : index
            %swap3A_659 = vector.load %arg7[%swap3A_657, %swap3A_658] : memref<256x4096xf32, #tpu.memory_space<vmem>>, vector<256x256xf32>
            tpu.vector_store %arg7[%swap3A_657, %swap3A_658], %add3A_656 {strides = array<i32>} : memref<256x4096xf32, #tpu.memory_space<vmem>>, vector<256x256xf32>,
            %le3A_660 = arith.constant 8 : i32
            %le3A_661 = vector.broadcast %le3A_660 : i32 to vector<256x256xi32>
            %le3A_662 = arith.cmpi sle, %add3A_288, %le3A_661 : vector<256x256xi32>
            %jit3A_663 = arith.constant 1.000000e+00 : f32
            %jit3A_664 = arith.constant 0.000000e+00 : f32
            %broadcast_in_dim3A_665 = vector.broadcast %jit3A_663 : f32 to vector<256x256xf32>
            %broadcast_in_dim3A_666 = vector.broadcast %jit3A_664 : f32 to vector<256x256xf32>
            %select_n3A_667 = arith.select %le3A_662, %broadcast_in_dim3A_665, %broadcast_in_dim3A_666 : vector<256x256xi1>, vector<256x256xf32>
            %get3A_668 = arith.constant 0 : index
            %get3A_669 = arith.constant 2048 : index
            %get3A_670 = vector.load %arg7[%get3A_668, %get3A_669] : memref<256x4096xf32, #tpu.memory_space<vmem>>, vector<256x256xf32>
            %add3A_671 = arith.addf %get3A_670, %select_n3A_667 : vector<256x256xf32>
            %swap3A_672 = arith.constant 0 : index
            %swap3A_673 = arith.constant 2048 : index
            %swap3A_674 = vector.load %arg7[%swap3A_672, %swap3A_673] : memref<256x4096xf32, #tpu.memory_space<vmem>>, vector<256x256xf32>
            tpu.vector_store %arg7[%swap3A_672, %swap3A_673], %add3A_671 {strides = array<i32>} : memref<256x4096xf32, #tpu.memory_space<vmem>>, vector<256x256xf32>,
            %le3A_675 = arith.constant 9 : i32
            %le3A_676 = vector.broadcast %le3A_675 : i32 to vector<256x256xi32>
            %le3A_677 = arith.cmpi sle, %add3A_288, %le3A_676 : vector<256x256xi32>
            %jit3A_678 = arith.constant 1.000000e+00 : f32
            %jit3A_679 = arith.constant 0.000000e+00 : f32
            %broadcast_in_dim3A_680 = vector.broadcast %jit3A_678 : f32 to vector<256x256xf32>
            %broadcast_in_dim3A_681 = vector.broadcast %jit3A_679 : f32 to vector<256x256xf32>
            %select_n3A_682 = arith.select %le3A_677, %broadcast_in_dim3A_680, %broadcast_in_dim3A_681 : vector<256x256xi1>, vector<256x256xf32>
            %get3A_683 = arith.constant 0 : index
            %get3A_684 = arith.constant 2304 : index
            %get3A_685 = vector.load %arg7[%get3A_683, %get3A_684] : memref<256x4096xf32, #tpu.memory_space<vmem>>, vector<256x256xf32>
            %add3A_686 = arith.addf %get3A_685, %select_n3A_682 : vector<256x256xf32>
            %swap3A_687 = arith.constant 0 : index
            %swap3A_688 = arith.constant 2304 : index
            %swap3A_689 = vector.load %arg7[%swap3A_687, %swap3A_688] : memref<256x4096xf32, #tpu.memory_space<vmem>>, vector<256x256xf32>
            tpu.vector_store %arg7[%swap3A_687, %swap3A_688], %add3A_686 {strides = array<i32>} : memref<256x4096xf32, #tpu.memory_space<vmem>>, vector<256x256xf32>,
            %le3A_690 = arith.constant 10 : i32
            %le3A_691 = vector.broadcast %le3A_690 : i32 to vector<256x256xi32>
            %le3A_692 = arith.cmpi sle, %add3A_288, %le3A_691 : vector<256x256xi32>
            %jit3A_693 = arith.constant 1.000000e+00 : f32
            %jit3A_694 = arith.constant 0.000000e+00 : f32
            %broadcast_in_dim3A_695 = vector.broadcast %jit3A_693 : f32 to vector<256x256xf32>
            %broadcast_in_dim3A_696 = vector.broadcast %jit3A_694 : f32 to vector<256x256xf32>
            %select_n3A_697 = arith.select %le3A_692, %broadcast_in_dim3A_695, %broadcast_in_dim3A_696 : vector<256x256xi1>, vector<256x256xf32>
            %get3A_698 = arith.constant 0 : index
            %get3A_699 = arith.constant 2560 : index
            %get3A_700 = vector.load %arg7[%get3A_698, %get3A_699] : memref<256x4096xf32, #tpu.memory_space<vmem>>, vector<256x256xf32>
            %add3A_701 = arith.addf %get3A_700, %select_n3A_697 : vector<256x256xf32>
            %swap3A_702 = arith.constant 0 : index
            %swap3A_703 = arith.constant 2560 : index
            %swap3A_704 = vector.load %arg7[%swap3A_702, %swap3A_703] : memref<256x4096xf32, #tpu.memory_space<vmem>>, vector<256x256xf32>
            tpu.vector_store %arg7[%swap3A_702, %swap3A_703], %add3A_701 {strides = array<i32>} : memref<256x4096xf32, #tpu.memory_space<vmem>>, vector<256x256xf32>,
            %le3A_705 = arith.constant 11 : i32
            %le3A_706 = vector.broadcast %le3A_705 : i32 to vector<256x256xi32>
            %le3A_707 = arith.cmpi sle, %add3A_288, %le3A_706 : vector<256x256xi32>
            %jit3A_708 = arith.constant 1.000000e+00 : f32
            %jit3A_709 = arith.constant 0.000000e+00 : f32
            %broadcast_in_dim3A_710 = vector.broadcast %jit3A_708 : f32 to vector<256x256xf32>
            %broadcast_in_dim3A_711 = vector.broadcast %jit3A_709 : f32 to vector<256x256xf32>
            %select_n3A_712 = arith.select %le3A_707, %broadcast_in_dim3A_710, %broadcast_in_dim3A_711 : vector<256x256xi1>, vector<256x256xf32>
            %get3A_713 = arith.constant 0 : index
            %get3A_714 = arith.constant 2816 : index
            %get3A_715 = vector.load %arg7[%get3A_713, %get3A_714] : memref<256x4096xf32, #tpu.memory_space<vmem>>, vector<256x256xf32>
            %add3A_716 = arith.addf %get3A_715, %select_n3A_712 : vector<256x256xf32>
            %swap3A_717 = arith.constant 0 : index
            %swap3A_718 = arith.constant 2816 : index
            %swap3A_719 = vector.load %arg7[%swap3A_717, %swap3A_718] : memref<256x4096xf32, #tpu.memory_space<vmem>>, vector<256x256xf32>
            tpu.vector_store %arg7[%swap3A_717, %swap3A_718], %add3A_716 {strides = array<i32>} : memref<256x4096xf32, #tpu.memory_space<vmem>>, vector<256x256xf32>,
            %le3A_720 = arith.constant 12 : i32
            %le3A_721 = vector.broadcast %le3A_720 : i32 to vector<256x256xi32>
            %le3A_722 = arith.cmpi sle, %add3A_288, %le3A_721 : vector<256x256xi32>
            %jit3A_723 = arith.constant 1.000000e+00 : f32
            %jit3A_724 = arith.constant 0.000000e+00 : f32
            %broadcast_in_dim3A_725 = vector.broadcast %jit3A_723 : f32 to vector<256x256xf32>
            %broadcast_in_dim3A_726 = vector.broadcast %jit3A_724 : f32 to vector<256x256xf32>
            %select_n3A_727 = arith.select %le3A_722, %broadcast_in_dim3A_725, %broadcast_in_dim3A_726 : vector<256x256xi1>, vector<256x256xf32>
            %get3A_728 = arith.constant 0 : index
            %get3A_729 = arith.constant 3072 : index
            %get3A_730 = vector.load %arg7[%get3A_728, %get3A_729] : memref<256x4096xf32, #tpu.memory_space<vmem>>, vector<256x256xf32>
            %add3A_731 = arith.addf %get3A_730, %select_n3A_727 : vector<256x256xf32>
            %swap3A_732 = arith.constant 0 : index
            %swap3A_733 = arith.constant 3072 : index
            %swap3A_734 = vector.load %arg7[%swap3A_732, %swap3A_733] : memref<256x4096xf32, #tpu.memory_space<vmem>>, vector<256x256xf32>
            tpu.vector_store %arg7[%swap3A_732, %swap3A_733], %add3A_731 {strides = array<i32>} : memref<256x4096xf32, #tpu.memory_space<vmem>>, vector<256x256xf32>,
            %le3A_735 = arith.constant 13 : i32
            %le3A_736 = vector.broadcast %le3A_735 : i32 to vector<256x256xi32>
            %le3A_737 = arith.cmpi sle, %add3A_288, %le3A_736 : vector<256x256xi32>
            %jit3A_738 = arith.constant 1.000000e+00 : f32
            %jit3A_739 = arith.constant 0.000000e+00 : f32
            %broadcast_in_dim3A_740 = vector.broadcast %jit3A_738 : f32 to vector<256x256xf32>
            %broadcast_in_dim3A_741 = vector.broadcast %jit3A_739 : f32 to vector<256x256xf32>
            %select_n3A_742 = arith.select %le3A_737, %broadcast_in_dim3A_740, %broadcast_in_dim3A_741 : vector<256x256xi1>, vector<256x256xf32>
            %get3A_743 = arith.constant 0 : index
            %get3A_744 = arith.constant 3328 : index
            %get3A_745 = vector.load %arg7[%get3A_743, %get3A_744] : memref<256x4096xf32, #tpu.memory_space<vmem>>, vector<256x256xf32>
            %add3A_746 = arith.addf %get3A_745, %select_n3A_742 : vector<256x256xf32>
            %swap3A_747 = arith.constant 0 : index
            %swap3A_748 = arith.constant 3328 : index
            %swap3A_749 = vector.load %arg7[%swap3A_747, %swap3A_748] : memref<256x4096xf32, #tpu.memory_space<vmem>>, vector<256x256xf32>
            tpu.vector_store %arg7[%swap3A_747, %swap3A_748], %add3A_746 {strides = array<i32>} : memref<256x4096xf32, #tpu.memory_space<vmem>>, vector<256x256xf32>,
            %le3A_750 = arith.constant 14 : i32
            %le3A_751 = vector.broadcast %le3A_750 : i32 to vector<256x256xi32>
            %le3A_752 = arith.cmpi sle, %add3A_288, %le3A_751 : vector<256x256xi32>
            %jit3A_753 = arith.constant 1.000000e+00 : f32
            %jit3A_754 = arith.constant 0.000000e+00 : f32
            %broadcast_in_dim3A_755 = vector.broadcast %jit3A_753 : f32 to vector<256x256xf32>
            %broadcast_in_dim3A_756 = vector.broadcast %jit3A_754 : f32 to vector<256x256xf32>
            %select_n3A_757 = arith.select %le3A_752, %broadcast_in_dim3A_755, %broadcast_in_dim3A_756 : vector<256x256xi1>, vector<256x256xf32>
            %get3A_758 = arith.constant 0 : index
            %get3A_759 = arith.constant 3584 : index
            %get3A_760 = vector.load %arg7[%get3A_758, %get3A_759] : memref<256x4096xf32, #tpu.memory_space<vmem>>, vector<256x256xf32>
            %add3A_761 = arith.addf %get3A_760, %select_n3A_757 : vector<256x256xf32>
            %swap3A_762 = arith.constant 0 : index
            %swap3A_763 = arith.constant 3584 : index
            %swap3A_764 = vector.load %arg7[%swap3A_762, %swap3A_763] : memref<256x4096xf32, #tpu.memory_space<vmem>>, vector<256x256xf32>
            tpu.vector_store %arg7[%swap3A_762, %swap3A_763], %add3A_761 {strides = array<i32>} : memref<256x4096xf32, #tpu.memory_space<vmem>>, vector<256x256xf32>,
            %le3A_765 = arith.constant 15 : i32
            %le3A_766 = vector.broadcast %le3A_765 : i32 to vector<256x256xi32>
            %le3A_767 = arith.cmpi sle, %add3A_288, %le3A_766 : vector<256x256xi32>
            %jit3A_768 = arith.constant 1.000000e+00 : f32
            %jit3A_769 = arith.constant 0.000000e+00 : f32
            %broadcast_in_dim3A_770 = vector.broadcast %jit3A_768 : f32 to vector<256x256xf32>
            %broadcast_in_dim3A_771 = vector.broadcast %jit3A_769 : f32 to vector<256x256xf32>
            %select_n3A_772 = arith.select %le3A_767, %broadcast_in_dim3A_770, %broadcast_in_dim3A_771 : vector<256x256xi1>, vector<256x256xf32>
            %get3A_773 = arith.constant 0 : index
            %get3A_774 = arith.constant 3840 : index
            %get3A_775 = vector.load %arg7[%get3A_773, %get3A_774] : memref<256x4096xf32, #tpu.memory_space<vmem>>, vector<256x256xf32>
            %add3A_776 = arith.addf %get3A_775, %select_n3A_772 : vector<256x256xf32>
            %swap3A_777 = arith.constant 0 : index
            %swap3A_778 = arith.constant 3840 : index
            %swap3A_779 = vector.load %arg7[%swap3A_777, %swap3A_778] : memref<256x4096xf32, #tpu.memory_space<vmem>>, vector<256x256xf32>
            tpu.vector_store %arg7[%swap3A_777, %swap3A_778], %add3A_776 {strides = array<i32>} : memref<256x4096xf32, #tpu.memory_space<vmem>>, vector<256x256xf32>,
          } else {
          }
          %slice3A_538 = vector.extract_strided_slice %add3A_252 {offsets = [0, 255], sizes = [256, 1], strides = [1, 1]} : vector<256x256xi32> to vector<256x1xi32>
          %slice3A_539 = vector.extract_strided_slice %add3A_288 {offsets = [0, 255], sizes = [256, 1], strides = [1, 1]} : vector<256x256xi32> to vector<256x1xi32>
          scf.yield %slice3A_538, %slice3A_539 : vector<256x1xi32>, vector<256x1xi32>
        } else {
          scf.yield %scan3A_91, %scan3A_92 : vector<256x1xi32>, vector<256x1xi32>
        }
        %reduce_min3A_118 = vector.shape_cast %cond3A_117#0 : vector<256x1xi32> to vector<1x256x1xi32>
        %reduce_min3A_119 = arith.constant dense<2147483647> : vector<1xi32>
        %reduce_min3A_120 = vector.multi_reduction <minsi>, %reduce_min3A_118, %reduce_min3A_119 [1, 2] : vector<1x256x1xi32> to vector<1xi32>
        %reduce_min3A_121 = vector.shape_cast %reduce_min3A_120 : vector<1xi32> to vector<1x1x1xi32>
        %reduce_min3A_122 = vector.extract %reduce_min3A_121[0, 0, 0] : i32 from vector<1x1x1xi32>
        %lt3A_123 = arith.constant 16 : i32
        %lt3A_124 = arith.cmpi slt, %reduce_min3A_122, %lt3A_123 : i32
        %convert_element_type3A_125 = arith.extui %lt3A_124 : i1 to i32
        %cond3A_126 = arith.constant 0 : i32
        %cond3A_127 = arith.cmpi ne, %convert_element_type3A_125, %cond3A_126 : i32
        %cond3A_128:2 = scf.if %cond3A_127 -> (vector<256x1xi32>, vector<256x1xi32>) {
          %slice3A = vector.extract_strided_slice %get3A_106 {offsets = [0, 256], sizes = [1, 256], strides = [1, 1]} : vector<4x2048xf32> to vector<1x256xf32>
          %sub3A_195 = vector.broadcast %get3A_1 : vector<256x1xf32> to vector<256x256xf32>
          %sub3A_196 = vector.broadcast %slice3A : vector<1x256xf32> to vector<256x256xf32>
          %sub3A_197 = arith.subf %sub3A_195, %sub3A_196 : vector<256x256xf32>
          %slice3A_198 = vector.extract_strided_slice %get3A_106 {offsets = [1, 256], sizes = [1, 256], strides = [1, 1]} : vector<4x2048xf32> to vector<1x256xf32>
          %sub3A_199 = vector.broadcast %get3A_4 : vector<256x1xf32> to vector<256x256xf32>
          %sub3A_200 = vector.broadcast %slice3A_198 : vector<1x256xf32> to vector<256x256xf32>
          %sub3A_201 = arith.subf %sub3A_199, %sub3A_200 : vector<256x256xf32>
          %slice3A_202 = vector.extract_strided_slice %get3A_106 {offsets = [2, 256], sizes = [1, 256], strides = [1, 1]} : vector<4x2048xf32> to vector<1x256xf32>
          %sub3A_203 = vector.broadcast %get3A_7 : vector<256x1xf32> to vector<256x256xf32>
          %sub3A_204 = vector.broadcast %slice3A_202 : vector<1x256xf32> to vector<256x256xf32>
          %sub3A_205 = arith.subf %sub3A_203, %sub3A_204 : vector<256x256xf32>
          %mul3A = arith.mulf %sub3A_197, %sub3A_197 : vector<256x256xf32>
          %mul3A_206 = arith.mulf %sub3A_201, %sub3A_201 : vector<256x256xf32>
          %add3A = arith.addf %mul3A, %mul3A_206 : vector<256x256xf32>
          %mul3A_207 = arith.mulf %sub3A_205, %sub3A_205 : vector<256x256xf32>
          %add3A_208 = arith.addf %add3A, %mul3A_207 : vector<256x256xf32>
          %lt3A_209 = arith.constant 1.600000e-01 : f32
          %lt3A_210 = vector.broadcast %lt3A_209 : f32 to vector<256x256xf32>
          %lt3A_211 = arith.cmpf olt, %add3A_208, %lt3A_210 : vector<256x256xf32>
          %convert_element_type3A_212 = arith.extui %lt3A_211 : vector<256x256xi1> to vector<256x256xi32>
          %lt3A_213 = arith.constant 6.400000e-01 : f32
          %lt3A_214 = vector.broadcast %lt3A_213 : f32 to vector<256x256xf32>
          %lt3A_215 = arith.cmpf olt, %add3A_208, %lt3A_214 : vector<256x256xf32>
          %convert_element_type3A_216 = arith.extui %lt3A_215 : vector<256x256xi1> to vector<256x256xi32>
          %broadcast_in_dim3A_217 = arith.constant 0 : i32
          %broadcast_in_dim3A_218 = vector.broadcast %broadcast_in_dim3A_217 : i32 to vector<256x256xi32>
          %slice3A_219 = vector.extract_strided_slice %broadcast_in_dim3A_218 {offsets = [0, 0], sizes = [256, 1], strides = [1, 1]} : vector<256x256xi32> to vector<256x1xi32>
          %slice3A_220 = vector.extract_strided_slice %convert_element_type3A_212 {offsets = [0, 0], sizes = [256, 255], strides = [1, 1]} : vector<256x256xi32> to vector<256x255xi32>
          %concatenate3A_221 = tpu.concatenate %slice3A_219, %slice3A_220 in 1 : vector<256x1xi32>, vector<256x255xi32> -> vector<256x256xi32>
          %add3A_222 = arith.addi %convert_element_type3A_212, %concatenate3A_221 : vector<256x256xi32>
          %slice3A_223 = vector.extract_strided_slice %broadcast_in_dim3A_218 {offsets = [0, 0], sizes = [256, 2], strides = [1, 1]} : vector<256x256xi32> to vector<256x2xi32>
          %slice3A_224 = vector.extract_strided_slice %add3A_222 {offsets = [0, 0], sizes = [256, 254], strides = [1, 1]} : vector<256x256xi32> to vector<256x254xi32>
          %concatenate3A_225 = tpu.concatenate %slice3A_223, %slice3A_224 in 1 : vector<256x2xi32>, vector<256x254xi32> -> vector<256x256xi32>
          %add3A_226 = arith.addi %add3A_222, %concatenate3A_225 : vector<256x256xi32>
          %slice3A_227 = vector.extract_strided_slice %broadcast_in_dim3A_218 {offsets = [0, 0], sizes = [256, 4], strides = [1, 1]} : vector<256x256xi32> to vector<256x4xi32>
          %slice3A_228 = vector.extract_strided_slice %add3A_226 {offsets = [0, 0], sizes = [256, 252], strides = [1, 1]} : vector<256x256xi32> to vector<256x252xi32>
          %concatenate3A_229 = tpu.concatenate %slice3A_227, %slice3A_228 in 1 : vector<256x4xi32>, vector<256x252xi32> -> vector<256x256xi32>
          %add3A_230 = arith.addi %add3A_226, %concatenate3A_229 : vector<256x256xi32>
          %slice3A_231 = vector.extract_strided_slice %broadcast_in_dim3A_218 {offsets = [0, 0], sizes = [256, 8], strides = [1, 1]} : vector<256x256xi32> to vector<256x8xi32>
          %slice3A_232 = vector.extract_strided_slice %add3A_230 {offsets = [0, 0], sizes = [256, 248], strides = [1, 1]} : vector<256x256xi32> to vector<256x248xi32>
          %concatenate3A_233 = tpu.concatenate %slice3A_231, %slice3A_232 in 1 : vector<256x8xi32>, vector<256x248xi32> -> vector<256x256xi32>
          %add3A_234 = arith.addi %add3A_230, %concatenate3A_233 : vector<256x256xi32>
          %slice3A_235 = vector.extract_strided_slice %broadcast_in_dim3A_218 {offsets = [0, 0], sizes = [256, 16], strides = [1, 1]} : vector<256x256xi32> to vector<256x16xi32>
          %slice3A_236 = vector.extract_strided_slice %add3A_234 {offsets = [0, 0], sizes = [256, 240], strides = [1, 1]} : vector<256x256xi32> to vector<256x240xi32>
          %concatenate3A_237 = tpu.concatenate %slice3A_235, %slice3A_236 in 1 : vector<256x16xi32>, vector<256x240xi32> -> vector<256x256xi32>
          %add3A_238 = arith.addi %add3A_234, %concatenate3A_237 : vector<256x256xi32>
          %slice3A_239 = vector.extract_strided_slice %broadcast_in_dim3A_218 {offsets = [0, 0], sizes = [256, 32], strides = [1, 1]} : vector<256x256xi32> to vector<256x32xi32>
          %slice3A_240 = vector.extract_strided_slice %add3A_238 {offsets = [0, 0], sizes = [256, 224], strides = [1, 1]} : vector<256x256xi32> to vector<256x224xi32>
          %concatenate3A_241 = tpu.concatenate %slice3A_239, %slice3A_240 in 1 : vector<256x32xi32>, vector<256x224xi32> -> vector<256x256xi32>
          %add3A_242 = arith.addi %add3A_238, %concatenate3A_241 : vector<256x256xi32>
          %slice3A_243 = vector.extract_strided_slice %broadcast_in_dim3A_218 {offsets = [0, 0], sizes = [256, 64], strides = [1, 1]} : vector<256x256xi32> to vector<256x64xi32>
          %slice3A_244 = vector.extract_strided_slice %add3A_242 {offsets = [0, 0], sizes = [256, 192], strides = [1, 1]} : vector<256x256xi32> to vector<256x192xi32>
          %concatenate3A_245 = tpu.concatenate %slice3A_243, %slice3A_244 in 1 : vector<256x64xi32>, vector<256x192xi32> -> vector<256x256xi32>
          %add3A_246 = arith.addi %add3A_242, %concatenate3A_245 : vector<256x256xi32>
          %slice3A_247 = vector.extract_strided_slice %broadcast_in_dim3A_218 {offsets = [0, 0], sizes = [256, 128], strides = [1, 1]} : vector<256x256xi32> to vector<256x128xi32>
          %slice3A_248 = vector.extract_strided_slice %add3A_246 {offsets = [0, 0], sizes = [256, 128], strides = [1, 1]} : vector<256x256xi32> to vector<256x128xi32>
          %concatenate3A_249 = tpu.concatenate %slice3A_247, %slice3A_248 in 1 : vector<256x128xi32>, vector<256x128xi32> -> vector<256x256xi32>
          %add3A_250 = arith.addi %add3A_246, %concatenate3A_249 : vector<256x256xi32>
          %add3A_251 = vector.broadcast %cond3A_117#0 : vector<256x1xi32> to vector<256x256xi32>
          %add3A_252 = arith.addi %add3A_251, %add3A_250 : vector<256x256xi32>
          %broadcast_in_dim3A_253 = arith.constant 0 : i32
          %broadcast_in_dim3A_254 = vector.broadcast %broadcast_in_dim3A_253 : i32 to vector<256x256xi32>
          %slice3A_255 = vector.extract_strided_slice %broadcast_in_dim3A_254 {offsets = [0, 0], sizes = [256, 1], strides = [1, 1]} : vector<256x256xi32> to vector<256x1xi32>
          %slice3A_256 = vector.extract_strided_slice %convert_element_type3A_216 {offsets = [0, 0], sizes = [256, 255], strides = [1, 1]} : vector<256x256xi32> to vector<256x255xi32>
          %concatenate3A_257 = tpu.concatenate %slice3A_255, %slice3A_256 in 1 : vector<256x1xi32>, vector<256x255xi32> -> vector<256x256xi32>
          %add3A_258 = arith.addi %convert_element_type3A_216, %concatenate3A_257 : vector<256x256xi32>
          %slice3A_259 = vector.extract_strided_slice %broadcast_in_dim3A_254 {offsets = [0, 0], sizes = [256, 2], strides = [1, 1]} : vector<256x256xi32> to vector<256x2xi32>
          %slice3A_260 = vector.extract_strided_slice %add3A_258 {offsets = [0, 0], sizes = [256, 254], strides = [1, 1]} : vector<256x256xi32> to vector<256x254xi32>
          %concatenate3A_261 = tpu.concatenate %slice3A_259, %slice3A_260 in 1 : vector<256x2xi32>, vector<256x254xi32> -> vector<256x256xi32>
          %add3A_262 = arith.addi %add3A_258, %concatenate3A_261 : vector<256x256xi32>
          %slice3A_263 = vector.extract_strided_slice %broadcast_in_dim3A_254 {offsets = [0, 0], sizes = [256, 4], strides = [1, 1]} : vector<256x256xi32> to vector<256x4xi32>
          %slice3A_264 = vector.extract_strided_slice %add3A_262 {offsets = [0, 0], sizes = [256, 252], strides = [1, 1]} : vector<256x256xi32> to vector<256x252xi32>
          %concatenate3A_265 = tpu.concatenate %slice3A_263, %slice3A_264 in 1 : vector<256x4xi32>, vector<256x252xi32> -> vector<256x256xi32>
          %add3A_266 = arith.addi %add3A_262, %concatenate3A_265 : vector<256x256xi32>
          %slice3A_267 = vector.extract_strided_slice %broadcast_in_dim3A_254 {offsets = [0, 0], sizes = [256, 8], strides = [1, 1]} : vector<256x256xi32> to vector<256x8xi32>
          %slice3A_268 = vector.extract_strided_slice %add3A_266 {offsets = [0, 0], sizes = [256, 248], strides = [1, 1]} : vector<256x256xi32> to vector<256x248xi32>
          %concatenate3A_269 = tpu.concatenate %slice3A_267, %slice3A_268 in 1 : vector<256x8xi32>, vector<256x248xi32> -> vector<256x256xi32>
          %add3A_270 = arith.addi %add3A_266, %concatenate3A_269 : vector<256x256xi32>
          %slice3A_271 = vector.extract_strided_slice %broadcast_in_dim3A_254 {offsets = [0, 0], sizes = [256, 16], strides = [1, 1]} : vector<256x256xi32> to vector<256x16xi32>
          %slice3A_272 = vector.extract_strided_slice %add3A_270 {offsets = [0, 0], sizes = [256, 240], strides = [1, 1]} : vector<256x256xi32> to vector<256x240xi32>
          %concatenate3A_273 = tpu.concatenate %slice3A_271, %slice3A_272 in 1 : vector<256x16xi32>, vector<256x240xi32> -> vector<256x256xi32>
          %add3A_274 = arith.addi %add3A_270, %concatenate3A_273 : vector<256x256xi32>
          %slice3A_275 = vector.extract_strided_slice %broadcast_in_dim3A_254 {offsets = [0, 0], sizes = [256, 32], strides = [1, 1]} : vector<256x256xi32> to vector<256x32xi32>
          %slice3A_276 = vector.extract_strided_slice %add3A_274 {offsets = [0, 0], sizes = [256, 224], strides = [1, 1]} : vector<256x256xi32> to vector<256x224xi32>
          %concatenate3A_277 = tpu.concatenate %slice3A_275, %slice3A_276 in 1 : vector<256x32xi32>, vector<256x224xi32> -> vector<256x256xi32>
          %add3A_278 = arith.addi %add3A_274, %concatenate3A_277 : vector<256x256xi32>
          %slice3A_279 = vector.extract_strided_slice %broadcast_in_dim3A_254 {offsets = [0, 0], sizes = [256, 64], strides = [1, 1]} : vector<256x256xi32> to vector<256x64xi32>
          %slice3A_280 = vector.extract_strided_slice %add3A_278 {offsets = [0, 0], sizes = [256, 192], strides = [1, 1]} : vector<256x256xi32> to vector<256x192xi32>
          %concatenate3A_281 = tpu.concatenate %slice3A_279, %slice3A_280 in 1 : vector<256x64xi32>, vector<256x192xi32> -> vector<256x256xi32>
          %add3A_282 = arith.addi %add3A_278, %concatenate3A_281 : vector<256x256xi32>
          %slice3A_283 = vector.extract_strided_slice %broadcast_in_dim3A_254 {offsets = [0, 0], sizes = [256, 128], strides = [1, 1]} : vector<256x256xi32> to vector<256x128xi32>
          %slice3A_284 = vector.extract_strided_slice %add3A_282 {offsets = [0, 0], sizes = [256, 128], strides = [1, 1]} : vector<256x256xi32> to vector<256x128xi32>
          %concatenate3A_285 = tpu.concatenate %slice3A_283, %slice3A_284 in 1 : vector<256x128xi32>, vector<256x128xi32> -> vector<256x256xi32>
          %add3A_286 = arith.addi %add3A_282, %concatenate3A_285 : vector<256x256xi32>
          %add3A_287 = vector.broadcast %cond3A_117#1 : vector<256x1xi32> to vector<256x256xi32>
          %add3A_288 = arith.addi %add3A_287, %add3A_286 : vector<256x256xi32>
          %le3A = arith.constant 0 : i32
          %le3A_289 = vector.broadcast %le3A : i32 to vector<256x256xi32>
          %le3A_290 = arith.cmpi sle, %add3A_252, %le3A_289 : vector<256x256xi32>
          %jit3A_291 = arith.constant 1.000000e+00 : f32
          %jit3A_292 = arith.constant 0.000000e+00 : f32
          %broadcast_in_dim3A_293 = vector.broadcast %jit3A_291 : f32 to vector<256x256xf32>
          %broadcast_in_dim3A_294 = vector.broadcast %jit3A_292 : f32 to vector<256x256xf32>
          %select_n3A_295 = arith.select %le3A_290, %broadcast_in_dim3A_293, %broadcast_in_dim3A_294 : vector<256x256xi1>, vector<256x256xf32>
          %get3A_296 = arith.constant 0 : index
          %get3A_297 = arith.constant 0 : index
          %get3A_298 = vector.load %arg6[%get3A_296, %get3A_297] : memref<256x4096xf32, #tpu.memory_space<vmem>>, vector<256x256xf32>
          %add3A_299 = arith.addf %get3A_298, %select_n3A_295 : vector<256x256xf32>
          %swap3A_300 = arith.constant 0 : index
          %swap3A_301 = arith.constant 0 : index
          %swap3A_302 = vector.load %arg6[%swap3A_300, %swap3A_301] : memref<256x4096xf32, #tpu.memory_space<vmem>>, vector<256x256xf32>
          tpu.vector_store %arg6[%swap3A_300, %swap3A_301], %add3A_299 {strides = array<i32>} : memref<256x4096xf32, #tpu.memory_space<vmem>>, vector<256x256xf32>,
          %le3A_303 = arith.constant 1 : i32
          %le3A_304 = vector.broadcast %le3A_303 : i32 to vector<256x256xi32>
          %le3A_305 = arith.cmpi sle, %add3A_252, %le3A_304 : vector<256x256xi32>
          %jit3A_306 = arith.constant 1.000000e+00 : f32
          %jit3A_307 = arith.constant 0.000000e+00 : f32
          %broadcast_in_dim3A_308 = vector.broadcast %jit3A_306 : f32 to vector<256x256xf32>
          %broadcast_in_dim3A_309 = vector.broadcast %jit3A_307 : f32 to vector<256x256xf32>
          %select_n3A_310 = arith.select %le3A_305, %broadcast_in_dim3A_308, %broadcast_in_dim3A_309 : vector<256x256xi1>, vector<256x256xf32>
          %get3A_311 = arith.constant 0 : index
          %get3A_312 = arith.constant 256 : index
          %get3A_313 = vector.load %arg6[%get3A_311, %get3A_312] : memref<256x4096xf32, #tpu.memory_space<vmem>>, vector<256x256xf32>
          %add3A_314 = arith.addf %get3A_313, %select_n3A_310 : vector<256x256xf32>
          %swap3A_315 = arith.constant 0 : index
          %swap3A_316 = arith.constant 256 : index
          %swap3A_317 = vector.load %arg6[%swap3A_315, %swap3A_316] : memref<256x4096xf32, #tpu.memory_space<vmem>>, vector<256x256xf32>
          tpu.vector_store %arg6[%swap3A_315, %swap3A_316], %add3A_314 {strides = array<i32>} : memref<256x4096xf32, #tpu.memory_space<vmem>>, vector<256x256xf32>,
          %le3A_318 = arith.constant 2 : i32
          %le3A_319 = vector.broadcast %le3A_318 : i32 to vector<256x256xi32>
          %le3A_320 = arith.cmpi sle, %add3A_252, %le3A_319 : vector<256x256xi32>
          %jit3A_321 = arith.constant 1.000000e+00 : f32
          %jit3A_322 = arith.constant 0.000000e+00 : f32
          %broadcast_in_dim3A_323 = vector.broadcast %jit3A_321 : f32 to vector<256x256xf32>
          %broadcast_in_dim3A_324 = vector.broadcast %jit3A_322 : f32 to vector<256x256xf32>
          %select_n3A_325 = arith.select %le3A_320, %broadcast_in_dim3A_323, %broadcast_in_dim3A_324 : vector<256x256xi1>, vector<256x256xf32>
          %get3A_326 = arith.constant 0 : index
          %get3A_327 = arith.constant 512 : index
          %get3A_328 = vector.load %arg6[%get3A_326, %get3A_327] : memref<256x4096xf32, #tpu.memory_space<vmem>>, vector<256x256xf32>
          %add3A_329 = arith.addf %get3A_328, %select_n3A_325 : vector<256x256xf32>
          %swap3A_330 = arith.constant 0 : index
          %swap3A_331 = arith.constant 512 : index
          %swap3A_332 = vector.load %arg6[%swap3A_330, %swap3A_331] : memref<256x4096xf32, #tpu.memory_space<vmem>>, vector<256x256xf32>
          tpu.vector_store %arg6[%swap3A_330, %swap3A_331], %add3A_329 {strides = array<i32>} : memref<256x4096xf32, #tpu.memory_space<vmem>>, vector<256x256xf32>,
          %le3A_333 = arith.constant 3 : i32
          %le3A_334 = vector.broadcast %le3A_333 : i32 to vector<256x256xi32>
          %le3A_335 = arith.cmpi sle, %add3A_252, %le3A_334 : vector<256x256xi32>
          %jit3A_336 = arith.constant 1.000000e+00 : f32
          %jit3A_337 = arith.constant 0.000000e+00 : f32
          %broadcast_in_dim3A_338 = vector.broadcast %jit3A_336 : f32 to vector<256x256xf32>
          %broadcast_in_dim3A_339 = vector.broadcast %jit3A_337 : f32 to vector<256x256xf32>
          %select_n3A_340 = arith.select %le3A_335, %broadcast_in_dim3A_338, %broadcast_in_dim3A_339 : vector<256x256xi1>, vector<256x256xf32>
          %get3A_341 = arith.constant 0 : index
          %get3A_342 = arith.constant 768 : index
          %get3A_343 = vector.load %arg6[%get3A_341, %get3A_342] : memref<256x4096xf32, #tpu.memory_space<vmem>>, vector<256x256xf32>
          %add3A_344 = arith.addf %get3A_343, %select_n3A_340 : vector<256x256xf32>
          %swap3A_345 = arith.constant 0 : index
          %swap3A_346 = arith.constant 768 : index
          %swap3A_347 = vector.load %arg6[%swap3A_345, %swap3A_346] : memref<256x4096xf32, #tpu.memory_space<vmem>>, vector<256x256xf32>
          tpu.vector_store %arg6[%swap3A_345, %swap3A_346], %add3A_344 {strides = array<i32>} : memref<256x4096xf32, #tpu.memory_space<vmem>>, vector<256x256xf32>,
          %le3A_348 = arith.constant 4 : i32
          %le3A_349 = vector.broadcast %le3A_348 : i32 to vector<256x256xi32>
          %le3A_350 = arith.cmpi sle, %add3A_252, %le3A_349 : vector<256x256xi32>
          %jit3A_351 = arith.constant 1.000000e+00 : f32
          %jit3A_352 = arith.constant 0.000000e+00 : f32
          %broadcast_in_dim3A_353 = vector.broadcast %jit3A_351 : f32 to vector<256x256xf32>
          %broadcast_in_dim3A_354 = vector.broadcast %jit3A_352 : f32 to vector<256x256xf32>
          %select_n3A_355 = arith.select %le3A_350, %broadcast_in_dim3A_353, %broadcast_in_dim3A_354 : vector<256x256xi1>, vector<256x256xf32>
          %get3A_356 = arith.constant 0 : index
          %get3A_357 = arith.constant 1024 : index
          %get3A_358 = vector.load %arg6[%get3A_356, %get3A_357] : memref<256x4096xf32, #tpu.memory_space<vmem>>, vector<256x256xf32>
          %add3A_359 = arith.addf %get3A_358, %select_n3A_355 : vector<256x256xf32>
          %swap3A_360 = arith.constant 0 : index
          %swap3A_361 = arith.constant 1024 : index
          %swap3A_362 = vector.load %arg6[%swap3A_360, %swap3A_361] : memref<256x4096xf32, #tpu.memory_space<vmem>>, vector<256x256xf32>
          tpu.vector_store %arg6[%swap3A_360, %swap3A_361], %add3A_359 {strides = array<i32>} : memref<256x4096xf32, #tpu.memory_space<vmem>>, vector<256x256xf32>,
          %le3A_363 = arith.constant 5 : i32
          %le3A_364 = vector.broadcast %le3A_363 : i32 to vector<256x256xi32>
          %le3A_365 = arith.cmpi sle, %add3A_252, %le3A_364 : vector<256x256xi32>
          %jit3A_366 = arith.constant 1.000000e+00 : f32
          %jit3A_367 = arith.constant 0.000000e+00 : f32
          %broadcast_in_dim3A_368 = vector.broadcast %jit3A_366 : f32 to vector<256x256xf32>
          %broadcast_in_dim3A_369 = vector.broadcast %jit3A_367 : f32 to vector<256x256xf32>
          %select_n3A_370 = arith.select %le3A_365, %broadcast_in_dim3A_368, %broadcast_in_dim3A_369 : vector<256x256xi1>, vector<256x256xf32>
          %get3A_371 = arith.constant 0 : index
          %get3A_372 = arith.constant 1280 : index
          %get3A_373 = vector.load %arg6[%get3A_371, %get3A_372] : memref<256x4096xf32, #tpu.memory_space<vmem>>, vector<256x256xf32>
          %add3A_374 = arith.addf %get3A_373, %select_n3A_370 : vector<256x256xf32>
          %swap3A_375 = arith.constant 0 : index
          %swap3A_376 = arith.constant 1280 : index
          %swap3A_377 = vector.load %arg6[%swap3A_375, %swap3A_376] : memref<256x4096xf32, #tpu.memory_space<vmem>>, vector<256x256xf32>
          tpu.vector_store %arg6[%swap3A_375, %swap3A_376], %add3A_374 {strides = array<i32>} : memref<256x4096xf32, #tpu.memory_space<vmem>>, vector<256x256xf32>,
          %le3A_378 = arith.constant 6 : i32
          %le3A_379 = vector.broadcast %le3A_378 : i32 to vector<256x256xi32>
          %le3A_380 = arith.cmpi sle, %add3A_252, %le3A_379 : vector<256x256xi32>
          %jit3A_381 = arith.constant 1.000000e+00 : f32
          %jit3A_382 = arith.constant 0.000000e+00 : f32
          %broadcast_in_dim3A_383 = vector.broadcast %jit3A_381 : f32 to vector<256x256xf32>
          %broadcast_in_dim3A_384 = vector.broadcast %jit3A_382 : f32 to vector<256x256xf32>
          %select_n3A_385 = arith.select %le3A_380, %broadcast_in_dim3A_383, %broadcast_in_dim3A_384 : vector<256x256xi1>, vector<256x256xf32>
          %get3A_386 = arith.constant 0 : index
          %get3A_387 = arith.constant 1536 : index
          %get3A_388 = vector.load %arg6[%get3A_386, %get3A_387] : memref<256x4096xf32, #tpu.memory_space<vmem>>, vector<256x256xf32>
          %add3A_389 = arith.addf %get3A_388, %select_n3A_385 : vector<256x256xf32>
          %swap3A_390 = arith.constant 0 : index
          %swap3A_391 = arith.constant 1536 : index
          %swap3A_392 = vector.load %arg6[%swap3A_390, %swap3A_391] : memref<256x4096xf32, #tpu.memory_space<vmem>>, vector<256x256xf32>
          tpu.vector_store %arg6[%swap3A_390, %swap3A_391], %add3A_389 {strides = array<i32>} : memref<256x4096xf32, #tpu.memory_space<vmem>>, vector<256x256xf32>,
          %le3A_393 = arith.constant 7 : i32
          %le3A_394 = vector.broadcast %le3A_393 : i32 to vector<256x256xi32>
          %le3A_395 = arith.cmpi sle, %add3A_252, %le3A_394 : vector<256x256xi32>
          %jit3A_396 = arith.constant 1.000000e+00 : f32
          %jit3A_397 = arith.constant 0.000000e+00 : f32
          %broadcast_in_dim3A_398 = vector.broadcast %jit3A_396 : f32 to vector<256x256xf32>
          %broadcast_in_dim3A_399 = vector.broadcast %jit3A_397 : f32 to vector<256x256xf32>
          %select_n3A_400 = arith.select %le3A_395, %broadcast_in_dim3A_398, %broadcast_in_dim3A_399 : vector<256x256xi1>, vector<256x256xf32>
          %get3A_401 = arith.constant 0 : index
          %get3A_402 = arith.constant 1792 : index
          %get3A_403 = vector.load %arg6[%get3A_401, %get3A_402] : memref<256x4096xf32, #tpu.memory_space<vmem>>, vector<256x256xf32>
          %add3A_404 = arith.addf %get3A_403, %select_n3A_400 : vector<256x256xf32>
          %swap3A_405 = arith.constant 0 : index
          %swap3A_406 = arith.constant 1792 : index
          %swap3A_407 = vector.load %arg6[%swap3A_405, %swap3A_406] : memref<256x4096xf32, #tpu.memory_space<vmem>>, vector<256x256xf32>
          tpu.vector_store %arg6[%swap3A_405, %swap3A_406], %add3A_404 {strides = array<i32>} : memref<256x4096xf32, #tpu.memory_space<vmem>>, vector<256x256xf32>,
          %le3A_408 = arith.constant 8 : i32
          %le3A_409 = vector.broadcast %le3A_408 : i32 to vector<256x256xi32>
          %le3A_410 = arith.cmpi sle, %add3A_252, %le3A_409 : vector<256x256xi32>
          %jit3A_411 = arith.constant 1.000000e+00 : f32
          %jit3A_412 = arith.constant 0.000000e+00 : f32
          %broadcast_in_dim3A_413 = vector.broadcast %jit3A_411 : f32 to vector<256x256xf32>
          %broadcast_in_dim3A_414 = vector.broadcast %jit3A_412 : f32 to vector<256x256xf32>
          %select_n3A_415 = arith.select %le3A_410, %broadcast_in_dim3A_413, %broadcast_in_dim3A_414 : vector<256x256xi1>, vector<256x256xf32>
          %get3A_416 = arith.constant 0 : index
          %get3A_417 = arith.constant 2048 : index
          %get3A_418 = vector.load %arg6[%get3A_416, %get3A_417] : memref<256x4096xf32, #tpu.memory_space<vmem>>, vector<256x256xf32>
          %add3A_419 = arith.addf %get3A_418, %select_n3A_415 : vector<256x256xf32>
          %swap3A_420 = arith.constant 0 : index
          %swap3A_421 = arith.constant 2048 : index
          %swap3A_422 = vector.load %arg6[%swap3A_420, %swap3A_421] : memref<256x4096xf32, #tpu.memory_space<vmem>>, vector<256x256xf32>
          tpu.vector_store %arg6[%swap3A_420, %swap3A_421], %add3A_419 {strides = array<i32>} : memref<256x4096xf32, #tpu.memory_space<vmem>>, vector<256x256xf32>,
          %le3A_423 = arith.constant 9 : i32
          %le3A_424 = vector.broadcast %le3A_423 : i32 to vector<256x256xi32>
          %le3A_425 = arith.cmpi sle, %add3A_252, %le3A_424 : vector<256x256xi32>
          %jit3A_426 = arith.constant 1.000000e+00 : f32
          %jit3A_427 = arith.constant 0.000000e+00 : f32
          %broadcast_in_dim3A_428 = vector.broadcast %jit3A_426 : f32 to vector<256x256xf32>
          %broadcast_in_dim3A_429 = vector.broadcast %jit3A_427 : f32 to vector<256x256xf32>
          %select_n3A_430 = arith.select %le3A_425, %broadcast_in_dim3A_428, %broadcast_in_dim3A_429 : vector<256x256xi1>, vector<256x256xf32>
          %get3A_431 = arith.constant 0 : index
          %get3A_432 = arith.constant 2304 : index
          %get3A_433 = vector.load %arg6[%get3A_431, %get3A_432] : memref<256x4096xf32, #tpu.memory_space<vmem>>, vector<256x256xf32>
          %add3A_434 = arith.addf %get3A_433, %select_n3A_430 : vector<256x256xf32>
          %swap3A_435 = arith.constant 0 : index
          %swap3A_436 = arith.constant 2304 : index
          %swap3A_437 = vector.load %arg6[%swap3A_435, %swap3A_436] : memref<256x4096xf32, #tpu.memory_space<vmem>>, vector<256x256xf32>
          tpu.vector_store %arg6[%swap3A_435, %swap3A_436], %add3A_434 {strides = array<i32>} : memref<256x4096xf32, #tpu.memory_space<vmem>>, vector<256x256xf32>,
          %le3A_438 = arith.constant 10 : i32
          %le3A_439 = vector.broadcast %le3A_438 : i32 to vector<256x256xi32>
          %le3A_440 = arith.cmpi sle, %add3A_252, %le3A_439 : vector<256x256xi32>
          %jit3A_441 = arith.constant 1.000000e+00 : f32
          %jit3A_442 = arith.constant 0.000000e+00 : f32
          %broadcast_in_dim3A_443 = vector.broadcast %jit3A_441 : f32 to vector<256x256xf32>
          %broadcast_in_dim3A_444 = vector.broadcast %jit3A_442 : f32 to vector<256x256xf32>
          %select_n3A_445 = arith.select %le3A_440, %broadcast_in_dim3A_443, %broadcast_in_dim3A_444 : vector<256x256xi1>, vector<256x256xf32>
          %get3A_446 = arith.constant 0 : index
          %get3A_447 = arith.constant 2560 : index
          %get3A_448 = vector.load %arg6[%get3A_446, %get3A_447] : memref<256x4096xf32, #tpu.memory_space<vmem>>, vector<256x256xf32>
          %add3A_449 = arith.addf %get3A_448, %select_n3A_445 : vector<256x256xf32>
          %swap3A_450 = arith.constant 0 : index
          %swap3A_451 = arith.constant 2560 : index
          %swap3A_452 = vector.load %arg6[%swap3A_450, %swap3A_451] : memref<256x4096xf32, #tpu.memory_space<vmem>>, vector<256x256xf32>
          tpu.vector_store %arg6[%swap3A_450, %swap3A_451], %add3A_449 {strides = array<i32>} : memref<256x4096xf32, #tpu.memory_space<vmem>>, vector<256x256xf32>,
          %le3A_453 = arith.constant 11 : i32
          %le3A_454 = vector.broadcast %le3A_453 : i32 to vector<256x256xi32>
          %le3A_455 = arith.cmpi sle, %add3A_252, %le3A_454 : vector<256x256xi32>
          %jit3A_456 = arith.constant 1.000000e+00 : f32
          %jit3A_457 = arith.constant 0.000000e+00 : f32
          %broadcast_in_dim3A_458 = vector.broadcast %jit3A_456 : f32 to vector<256x256xf32>
          %broadcast_in_dim3A_459 = vector.broadcast %jit3A_457 : f32 to vector<256x256xf32>
          %select_n3A_460 = arith.select %le3A_455, %broadcast_in_dim3A_458, %broadcast_in_dim3A_459 : vector<256x256xi1>, vector<256x256xf32>
          %get3A_461 = arith.constant 0 : index
          %get3A_462 = arith.constant 2816 : index
          %get3A_463 = vector.load %arg6[%get3A_461, %get3A_462] : memref<256x4096xf32, #tpu.memory_space<vmem>>, vector<256x256xf32>
          %add3A_464 = arith.addf %get3A_463, %select_n3A_460 : vector<256x256xf32>
          %swap3A_465 = arith.constant 0 : index
          %swap3A_466 = arith.constant 2816 : index
          %swap3A_467 = vector.load %arg6[%swap3A_465, %swap3A_466] : memref<256x4096xf32, #tpu.memory_space<vmem>>, vector<256x256xf32>
          tpu.vector_store %arg6[%swap3A_465, %swap3A_466], %add3A_464 {strides = array<i32>} : memref<256x4096xf32, #tpu.memory_space<vmem>>, vector<256x256xf32>,
          %le3A_468 = arith.constant 12 : i32
          %le3A_469 = vector.broadcast %le3A_468 : i32 to vector<256x256xi32>
          %le3A_470 = arith.cmpi sle, %add3A_252, %le3A_469 : vector<256x256xi32>
          %jit3A_471 = arith.constant 1.000000e+00 : f32
          %jit3A_472 = arith.constant 0.000000e+00 : f32
          %broadcast_in_dim3A_473 = vector.broadcast %jit3A_471 : f32 to vector<256x256xf32>
          %broadcast_in_dim3A_474 = vector.broadcast %jit3A_472 : f32 to vector<256x256xf32>
          %select_n3A_475 = arith.select %le3A_470, %broadcast_in_dim3A_473, %broadcast_in_dim3A_474 : vector<256x256xi1>, vector<256x256xf32>
          %get3A_476 = arith.constant 0 : index
          %get3A_477 = arith.constant 3072 : index
          %get3A_478 = vector.load %arg6[%get3A_476, %get3A_477] : memref<256x4096xf32, #tpu.memory_space<vmem>>, vector<256x256xf32>
          %add3A_479 = arith.addf %get3A_478, %select_n3A_475 : vector<256x256xf32>
          %swap3A_480 = arith.constant 0 : index
          %swap3A_481 = arith.constant 3072 : index
          %swap3A_482 = vector.load %arg6[%swap3A_480, %swap3A_481] : memref<256x4096xf32, #tpu.memory_space<vmem>>, vector<256x256xf32>
          tpu.vector_store %arg6[%swap3A_480, %swap3A_481], %add3A_479 {strides = array<i32>} : memref<256x4096xf32, #tpu.memory_space<vmem>>, vector<256x256xf32>,
          %le3A_483 = arith.constant 13 : i32
          %le3A_484 = vector.broadcast %le3A_483 : i32 to vector<256x256xi32>
          %le3A_485 = arith.cmpi sle, %add3A_252, %le3A_484 : vector<256x256xi32>
          %jit3A_486 = arith.constant 1.000000e+00 : f32
          %jit3A_487 = arith.constant 0.000000e+00 : f32
          %broadcast_in_dim3A_488 = vector.broadcast %jit3A_486 : f32 to vector<256x256xf32>
          %broadcast_in_dim3A_489 = vector.broadcast %jit3A_487 : f32 to vector<256x256xf32>
          %select_n3A_490 = arith.select %le3A_485, %broadcast_in_dim3A_488, %broadcast_in_dim3A_489 : vector<256x256xi1>, vector<256x256xf32>
          %get3A_491 = arith.constant 0 : index
          %get3A_492 = arith.constant 3328 : index
          %get3A_493 = vector.load %arg6[%get3A_491, %get3A_492] : memref<256x4096xf32, #tpu.memory_space<vmem>>, vector<256x256xf32>
          %add3A_494 = arith.addf %get3A_493, %select_n3A_490 : vector<256x256xf32>
          %swap3A_495 = arith.constant 0 : index
          %swap3A_496 = arith.constant 3328 : index
          %swap3A_497 = vector.load %arg6[%swap3A_495, %swap3A_496] : memref<256x4096xf32, #tpu.memory_space<vmem>>, vector<256x256xf32>
          tpu.vector_store %arg6[%swap3A_495, %swap3A_496], %add3A_494 {strides = array<i32>} : memref<256x4096xf32, #tpu.memory_space<vmem>>, vector<256x256xf32>,
          %le3A_498 = arith.constant 14 : i32
          %le3A_499 = vector.broadcast %le3A_498 : i32 to vector<256x256xi32>
          %le3A_500 = arith.cmpi sle, %add3A_252, %le3A_499 : vector<256x256xi32>
          %jit3A_501 = arith.constant 1.000000e+00 : f32
          %jit3A_502 = arith.constant 0.000000e+00 : f32
          %broadcast_in_dim3A_503 = vector.broadcast %jit3A_501 : f32 to vector<256x256xf32>
          %broadcast_in_dim3A_504 = vector.broadcast %jit3A_502 : f32 to vector<256x256xf32>
          %select_n3A_505 = arith.select %le3A_500, %broadcast_in_dim3A_503, %broadcast_in_dim3A_504 : vector<256x256xi1>, vector<256x256xf32>
          %get3A_506 = arith.constant 0 : index
          %get3A_507 = arith.constant 3584 : index
          %get3A_508 = vector.load %arg6[%get3A_506, %get3A_507] : memref<256x4096xf32, #tpu.memory_space<vmem>>, vector<256x256xf32>
          %add3A_509 = arith.addf %get3A_508, %select_n3A_505 : vector<256x256xf32>
          %swap3A_510 = arith.constant 0 : index
          %swap3A_511 = arith.constant 3584 : index
          %swap3A_512 = vector.load %arg6[%swap3A_510, %swap3A_511] : memref<256x4096xf32, #tpu.memory_space<vmem>>, vector<256x256xf32>
          tpu.vector_store %arg6[%swap3A_510, %swap3A_511], %add3A_509 {strides = array<i32>} : memref<256x4096xf32, #tpu.memory_space<vmem>>, vector<256x256xf32>,
          %le3A_513 = arith.constant 15 : i32
          %le3A_514 = vector.broadcast %le3A_513 : i32 to vector<256x256xi32>
          %le3A_515 = arith.cmpi sle, %add3A_252, %le3A_514 : vector<256x256xi32>
          %jit3A_516 = arith.constant 1.000000e+00 : f32
          %jit3A_517 = arith.constant 0.000000e+00 : f32
          %broadcast_in_dim3A_518 = vector.broadcast %jit3A_516 : f32 to vector<256x256xf32>
          %broadcast_in_dim3A_519 = vector.broadcast %jit3A_517 : f32 to vector<256x256xf32>
          %select_n3A_520 = arith.select %le3A_515, %broadcast_in_dim3A_518, %broadcast_in_dim3A_519 : vector<256x256xi1>, vector<256x256xf32>
          %get3A_521 = arith.constant 0 : index
          %get3A_522 = arith.constant 3840 : index
          %get3A_523 = vector.load %arg6[%get3A_521, %get3A_522] : memref<256x4096xf32, #tpu.memory_space<vmem>>, vector<256x256xf32>
          %add3A_524 = arith.addf %get3A_523, %select_n3A_520 : vector<256x256xf32>
          %swap3A_525 = arith.constant 0 : index
          %swap3A_526 = arith.constant 3840 : index
          %swap3A_527 = vector.load %arg6[%swap3A_525, %swap3A_526] : memref<256x4096xf32, #tpu.memory_space<vmem>>, vector<256x256xf32>
          tpu.vector_store %arg6[%swap3A_525, %swap3A_526], %add3A_524 {strides = array<i32>} : memref<256x4096xf32, #tpu.memory_space<vmem>>, vector<256x256xf32>,
          %reduce_min3A_528 = vector.shape_cast %cond3A_117#1 : vector<256x1xi32> to vector<1x256x1xi32>
          %reduce_min3A_529 = arith.constant dense<2147483647> : vector<1xi32>
          %reduce_min3A_530 = vector.multi_reduction <minsi>, %reduce_min3A_528, %reduce_min3A_529 [1, 2] : vector<1x256x1xi32> to vector<1xi32>
          %reduce_min3A_531 = vector.shape_cast %reduce_min3A_530 : vector<1xi32> to vector<1x1x1xi32>
          %reduce_min3A_532 = vector.extract %reduce_min3A_531[0, 0, 0] : i32 from vector<1x1x1xi32>
          %lt3A_533 = arith.constant 16 : i32
          %lt3A_534 = arith.cmpi slt, %reduce_min3A_532, %lt3A_533 : i32
          %convert_element_type3A_535 = arith.extui %lt3A_534 : i1 to i32
          %cond3A_536 = arith.constant 0 : i32
          %cond3A_537 = arith.cmpi ne, %convert_element_type3A_535, %cond3A_536 : i32
          scf.if %cond3A_537 {
            %le3A_540 = arith.constant 0 : i32
            %le3A_541 = vector.broadcast %le3A_540 : i32 to vector<256x256xi32>
            %le3A_542 = arith.cmpi sle, %add3A_288, %le3A_541 : vector<256x256xi32>
            %jit3A_543 = arith.constant 1.000000e+00 : f32
            %jit3A_544 = arith.constant 0.000000e+00 : f32
            %broadcast_in_dim3A_545 = vector.broadcast %jit3A_543 : f32 to vector<256x256xf32>
            %broadcast_in_dim3A_546 = vector.broadcast %jit3A_544 : f32 to vector<256x256xf32>
            %select_n3A_547 = arith.select %le3A_542, %broadcast_in_dim3A_545, %broadcast_in_dim3A_546 : vector<256x256xi1>, vector<256x256xf32>
            %get3A_548 = arith.constant 0 : index
            %get3A_549 = arith.constant 0 : index
            %get3A_550 = vector.load %arg7[%get3A_548, %get3A_549] : memref<256x4096xf32, #tpu.memory_space<vmem>>, vector<256x256xf32>
            %add3A_551 = arith.addf %get3A_550, %select_n3A_547 : vector<256x256xf32>
            %swap3A_552 = arith.constant 0 : index
            %swap3A_553 = arith.constant 0 : index
            %swap3A_554 = vector.load %arg7[%swap3A_552, %swap3A_553] : memref<256x4096xf32, #tpu.memory_space<vmem>>, vector<256x256xf32>
            tpu.vector_store %arg7[%swap3A_552, %swap3A_553], %add3A_551 {strides = array<i32>} : memref<256x4096xf32, #tpu.memory_space<vmem>>, vector<256x256xf32>,
            %le3A_555 = arith.constant 1 : i32
            %le3A_556 = vector.broadcast %le3A_555 : i32 to vector<256x256xi32>
            %le3A_557 = arith.cmpi sle, %add3A_288, %le3A_556 : vector<256x256xi32>
            %jit3A_558 = arith.constant 1.000000e+00 : f32
            %jit3A_559 = arith.constant 0.000000e+00 : f32
            %broadcast_in_dim3A_560 = vector.broadcast %jit3A_558 : f32 to vector<256x256xf32>
            %broadcast_in_dim3A_561 = vector.broadcast %jit3A_559 : f32 to vector<256x256xf32>
            %select_n3A_562 = arith.select %le3A_557, %broadcast_in_dim3A_560, %broadcast_in_dim3A_561 : vector<256x256xi1>, vector<256x256xf32>
            %get3A_563 = arith.constant 0 : index
            %get3A_564 = arith.constant 256 : index
            %get3A_565 = vector.load %arg7[%get3A_563, %get3A_564] : memref<256x4096xf32, #tpu.memory_space<vmem>>, vector<256x256xf32>
            %add3A_566 = arith.addf %get3A_565, %select_n3A_562 : vector<256x256xf32>
            %swap3A_567 = arith.constant 0 : index
            %swap3A_568 = arith.constant 256 : index
            %swap3A_569 = vector.load %arg7[%swap3A_567, %swap3A_568] : memref<256x4096xf32, #tpu.memory_space<vmem>>, vector<256x256xf32>
            tpu.vector_store %arg7[%swap3A_567, %swap3A_568], %add3A_566 {strides = array<i32>} : memref<256x4096xf32, #tpu.memory_space<vmem>>, vector<256x256xf32>,
            %le3A_570 = arith.constant 2 : i32
            %le3A_571 = vector.broadcast %le3A_570 : i32 to vector<256x256xi32>
            %le3A_572 = arith.cmpi sle, %add3A_288, %le3A_571 : vector<256x256xi32>
            %jit3A_573 = arith.constant 1.000000e+00 : f32
            %jit3A_574 = arith.constant 0.000000e+00 : f32
            %broadcast_in_dim3A_575 = vector.broadcast %jit3A_573 : f32 to vector<256x256xf32>
            %broadcast_in_dim3A_576 = vector.broadcast %jit3A_574 : f32 to vector<256x256xf32>
            %select_n3A_577 = arith.select %le3A_572, %broadcast_in_dim3A_575, %broadcast_in_dim3A_576 : vector<256x256xi1>, vector<256x256xf32>
            %get3A_578 = arith.constant 0 : index
            %get3A_579 = arith.constant 512 : index
            %get3A_580 = vector.load %arg7[%get3A_578, %get3A_579] : memref<256x4096xf32, #tpu.memory_space<vmem>>, vector<256x256xf32>
            %add3A_581 = arith.addf %get3A_580, %select_n3A_577 : vector<256x256xf32>
            %swap3A_582 = arith.constant 0 : index
            %swap3A_583 = arith.constant 512 : index
            %swap3A_584 = vector.load %arg7[%swap3A_582, %swap3A_583] : memref<256x4096xf32, #tpu.memory_space<vmem>>, vector<256x256xf32>
            tpu.vector_store %arg7[%swap3A_582, %swap3A_583], %add3A_581 {strides = array<i32>} : memref<256x4096xf32, #tpu.memory_space<vmem>>, vector<256x256xf32>,
            %le3A_585 = arith.constant 3 : i32
            %le3A_586 = vector.broadcast %le3A_585 : i32 to vector<256x256xi32>
            %le3A_587 = arith.cmpi sle, %add3A_288, %le3A_586 : vector<256x256xi32>
            %jit3A_588 = arith.constant 1.000000e+00 : f32
            %jit3A_589 = arith.constant 0.000000e+00 : f32
            %broadcast_in_dim3A_590 = vector.broadcast %jit3A_588 : f32 to vector<256x256xf32>
            %broadcast_in_dim3A_591 = vector.broadcast %jit3A_589 : f32 to vector<256x256xf32>
            %select_n3A_592 = arith.select %le3A_587, %broadcast_in_dim3A_590, %broadcast_in_dim3A_591 : vector<256x256xi1>, vector<256x256xf32>
            %get3A_593 = arith.constant 0 : index
            %get3A_594 = arith.constant 768 : index
            %get3A_595 = vector.load %arg7[%get3A_593, %get3A_594] : memref<256x4096xf32, #tpu.memory_space<vmem>>, vector<256x256xf32>
            %add3A_596 = arith.addf %get3A_595, %select_n3A_592 : vector<256x256xf32>
            %swap3A_597 = arith.constant 0 : index
            %swap3A_598 = arith.constant 768 : index
            %swap3A_599 = vector.load %arg7[%swap3A_597, %swap3A_598] : memref<256x4096xf32, #tpu.memory_space<vmem>>, vector<256x256xf32>
            tpu.vector_store %arg7[%swap3A_597, %swap3A_598], %add3A_596 {strides = array<i32>} : memref<256x4096xf32, #tpu.memory_space<vmem>>, vector<256x256xf32>,
            %le3A_600 = arith.constant 4 : i32
            %le3A_601 = vector.broadcast %le3A_600 : i32 to vector<256x256xi32>
            %le3A_602 = arith.cmpi sle, %add3A_288, %le3A_601 : vector<256x256xi32>
            %jit3A_603 = arith.constant 1.000000e+00 : f32
            %jit3A_604 = arith.constant 0.000000e+00 : f32
            %broadcast_in_dim3A_605 = vector.broadcast %jit3A_603 : f32 to vector<256x256xf32>
            %broadcast_in_dim3A_606 = vector.broadcast %jit3A_604 : f32 to vector<256x256xf32>
            %select_n3A_607 = arith.select %le3A_602, %broadcast_in_dim3A_605, %broadcast_in_dim3A_606 : vector<256x256xi1>, vector<256x256xf32>
            %get3A_608 = arith.constant 0 : index
            %get3A_609 = arith.constant 1024 : index
            %get3A_610 = vector.load %arg7[%get3A_608, %get3A_609] : memref<256x4096xf32, #tpu.memory_space<vmem>>, vector<256x256xf32>
            %add3A_611 = arith.addf %get3A_610, %select_n3A_607 : vector<256x256xf32>
            %swap3A_612 = arith.constant 0 : index
            %swap3A_613 = arith.constant 1024 : index
            %swap3A_614 = vector.load %arg7[%swap3A_612, %swap3A_613] : memref<256x4096xf32, #tpu.memory_space<vmem>>, vector<256x256xf32>
            tpu.vector_store %arg7[%swap3A_612, %swap3A_613], %add3A_611 {strides = array<i32>} : memref<256x4096xf32, #tpu.memory_space<vmem>>, vector<256x256xf32>,
            %le3A_615 = arith.constant 5 : i32
            %le3A_616 = vector.broadcast %le3A_615 : i32 to vector<256x256xi32>
            %le3A_617 = arith.cmpi sle, %add3A_288, %le3A_616 : vector<256x256xi32>
            %jit3A_618 = arith.constant 1.000000e+00 : f32
            %jit3A_619 = arith.constant 0.000000e+00 : f32
            %broadcast_in_dim3A_620 = vector.broadcast %jit3A_618 : f32 to vector<256x256xf32>
            %broadcast_in_dim3A_621 = vector.broadcast %jit3A_619 : f32 to vector<256x256xf32>
            %select_n3A_622 = arith.select %le3A_617, %broadcast_in_dim3A_620, %broadcast_in_dim3A_621 : vector<256x256xi1>, vector<256x256xf32>
            %get3A_623 = arith.constant 0 : index
            %get3A_624 = arith.constant 1280 : index
            %get3A_625 = vector.load %arg7[%get3A_623, %get3A_624] : memref<256x4096xf32, #tpu.memory_space<vmem>>, vector<256x256xf32>
            %add3A_626 = arith.addf %get3A_625, %select_n3A_622 : vector<256x256xf32>
            %swap3A_627 = arith.constant 0 : index
            %swap3A_628 = arith.constant 1280 : index
            %swap3A_629 = vector.load %arg7[%swap3A_627, %swap3A_628] : memref<256x4096xf32, #tpu.memory_space<vmem>>, vector<256x256xf32>
            tpu.vector_store %arg7[%swap3A_627, %swap3A_628], %add3A_626 {strides = array<i32>} : memref<256x4096xf32, #tpu.memory_space<vmem>>, vector<256x256xf32>,
            %le3A_630 = arith.constant 6 : i32
            %le3A_631 = vector.broadcast %le3A_630 : i32 to vector<256x256xi32>
            %le3A_632 = arith.cmpi sle, %add3A_288, %le3A_631 : vector<256x256xi32>
            %jit3A_633 = arith.constant 1.000000e+00 : f32
            %jit3A_634 = arith.constant 0.000000e+00 : f32
            %broadcast_in_dim3A_635 = vector.broadcast %jit3A_633 : f32 to vector<256x256xf32>
            %broadcast_in_dim3A_636 = vector.broadcast %jit3A_634 : f32 to vector<256x256xf32>
            %select_n3A_637 = arith.select %le3A_632, %broadcast_in_dim3A_635, %broadcast_in_dim3A_636 : vector<256x256xi1>, vector<256x256xf32>
            %get3A_638 = arith.constant 0 : index
            %get3A_639 = arith.constant 1536 : index
            %get3A_640 = vector.load %arg7[%get3A_638, %get3A_639] : memref<256x4096xf32, #tpu.memory_space<vmem>>, vector<256x256xf32>
            %add3A_641 = arith.addf %get3A_640, %select_n3A_637 : vector<256x256xf32>
            %swap3A_642 = arith.constant 0 : index
            %swap3A_643 = arith.constant 1536 : index
            %swap3A_644 = vector.load %arg7[%swap3A_642, %swap3A_643] : memref<256x4096xf32, #tpu.memory_space<vmem>>, vector<256x256xf32>
            tpu.vector_store %arg7[%swap3A_642, %swap3A_643], %add3A_641 {strides = array<i32>} : memref<256x4096xf32, #tpu.memory_space<vmem>>, vector<256x256xf32>,
            %le3A_645 = arith.constant 7 : i32
            %le3A_646 = vector.broadcast %le3A_645 : i32 to vector<256x256xi32>
            %le3A_647 = arith.cmpi sle, %add3A_288, %le3A_646 : vector<256x256xi32>
            %jit3A_648 = arith.constant 1.000000e+00 : f32
            %jit3A_649 = arith.constant 0.000000e+00 : f32
            %broadcast_in_dim3A_650 = vector.broadcast %jit3A_648 : f32 to vector<256x256xf32>
            %broadcast_in_dim3A_651 = vector.broadcast %jit3A_649 : f32 to vector<256x256xf32>
            %select_n3A_652 = arith.select %le3A_647, %broadcast_in_dim3A_650, %broadcast_in_dim3A_651 : vector<256x256xi1>, vector<256x256xf32>
            %get3A_653 = arith.constant 0 : index
            %get3A_654 = arith.constant 1792 : index
            %get3A_655 = vector.load %arg7[%get3A_653, %get3A_654] : memref<256x4096xf32, #tpu.memory_space<vmem>>, vector<256x256xf32>
            %add3A_656 = arith.addf %get3A_655, %select_n3A_652 : vector<256x256xf32>
            %swap3A_657 = arith.constant 0 : index
            %swap3A_658 = arith.constant 1792 : index
            %swap3A_659 = vector.load %arg7[%swap3A_657, %swap3A_658] : memref<256x4096xf32, #tpu.memory_space<vmem>>, vector<256x256xf32>
            tpu.vector_store %arg7[%swap3A_657, %swap3A_658], %add3A_656 {strides = array<i32>} : memref<256x4096xf32, #tpu.memory_space<vmem>>, vector<256x256xf32>,
            %le3A_660 = arith.constant 8 : i32
            %le3A_661 = vector.broadcast %le3A_660 : i32 to vector<256x256xi32>
            %le3A_662 = arith.cmpi sle, %add3A_288, %le3A_661 : vector<256x256xi32>
            %jit3A_663 = arith.constant 1.000000e+00 : f32
            %jit3A_664 = arith.constant 0.000000e+00 : f32
            %broadcast_in_dim3A_665 = vector.broadcast %jit3A_663 : f32 to vector<256x256xf32>
            %broadcast_in_dim3A_666 = vector.broadcast %jit3A_664 : f32 to vector<256x256xf32>
            %select_n3A_667 = arith.select %le3A_662, %broadcast_in_dim3A_665, %broadcast_in_dim3A_666 : vector<256x256xi1>, vector<256x256xf32>
            %get3A_668 = arith.constant 0 : index
            %get3A_669 = arith.constant 2048 : index
            %get3A_670 = vector.load %arg7[%get3A_668, %get3A_669] : memref<256x4096xf32, #tpu.memory_space<vmem>>, vector<256x256xf32>
            %add3A_671 = arith.addf %get3A_670, %select_n3A_667 : vector<256x256xf32>
            %swap3A_672 = arith.constant 0 : index
            %swap3A_673 = arith.constant 2048 : index
            %swap3A_674 = vector.load %arg7[%swap3A_672, %swap3A_673] : memref<256x4096xf32, #tpu.memory_space<vmem>>, vector<256x256xf32>
            tpu.vector_store %arg7[%swap3A_672, %swap3A_673], %add3A_671 {strides = array<i32>} : memref<256x4096xf32, #tpu.memory_space<vmem>>, vector<256x256xf32>,
            %le3A_675 = arith.constant 9 : i32
            %le3A_676 = vector.broadcast %le3A_675 : i32 to vector<256x256xi32>
            %le3A_677 = arith.cmpi sle, %add3A_288, %le3A_676 : vector<256x256xi32>
            %jit3A_678 = arith.constant 1.000000e+00 : f32
            %jit3A_679 = arith.constant 0.000000e+00 : f32
            %broadcast_in_dim3A_680 = vector.broadcast %jit3A_678 : f32 to vector<256x256xf32>
            %broadcast_in_dim3A_681 = vector.broadcast %jit3A_679 : f32 to vector<256x256xf32>
            %select_n3A_682 = arith.select %le3A_677, %broadcast_in_dim3A_680, %broadcast_in_dim3A_681 : vector<256x256xi1>, vector<256x256xf32>
            %get3A_683 = arith.constant 0 : index
            %get3A_684 = arith.constant 2304 : index
            %get3A_685 = vector.load %arg7[%get3A_683, %get3A_684] : memref<256x4096xf32, #tpu.memory_space<vmem>>, vector<256x256xf32>
            %add3A_686 = arith.addf %get3A_685, %select_n3A_682 : vector<256x256xf32>
            %swap3A_687 = arith.constant 0 : index
            %swap3A_688 = arith.constant 2304 : index
            %swap3A_689 = vector.load %arg7[%swap3A_687, %swap3A_688] : memref<256x4096xf32, #tpu.memory_space<vmem>>, vector<256x256xf32>
            tpu.vector_store %arg7[%swap3A_687, %swap3A_688], %add3A_686 {strides = array<i32>} : memref<256x4096xf32, #tpu.memory_space<vmem>>, vector<256x256xf32>,
            %le3A_690 = arith.constant 10 : i32
            %le3A_691 = vector.broadcast %le3A_690 : i32 to vector<256x256xi32>
            %le3A_692 = arith.cmpi sle, %add3A_288, %le3A_691 : vector<256x256xi32>
            %jit3A_693 = arith.constant 1.000000e+00 : f32
            %jit3A_694 = arith.constant 0.000000e+00 : f32
            %broadcast_in_dim3A_695 = vector.broadcast %jit3A_693 : f32 to vector<256x256xf32>
            %broadcast_in_dim3A_696 = vector.broadcast %jit3A_694 : f32 to vector<256x256xf32>
            %select_n3A_697 = arith.select %le3A_692, %broadcast_in_dim3A_695, %broadcast_in_dim3A_696 : vector<256x256xi1>, vector<256x256xf32>
            %get3A_698 = arith.constant 0 : index
            %get3A_699 = arith.constant 2560 : index
            %get3A_700 = vector.load %arg7[%get3A_698, %get3A_699] : memref<256x4096xf32, #tpu.memory_space<vmem>>, vector<256x256xf32>
            %add3A_701 = arith.addf %get3A_700, %select_n3A_697 : vector<256x256xf32>
            %swap3A_702 = arith.constant 0 : index
            %swap3A_703 = arith.constant 2560 : index
            %swap3A_704 = vector.load %arg7[%swap3A_702, %swap3A_703] : memref<256x4096xf32, #tpu.memory_space<vmem>>, vector<256x256xf32>
            tpu.vector_store %arg7[%swap3A_702, %swap3A_703], %add3A_701 {strides = array<i32>} : memref<256x4096xf32, #tpu.memory_space<vmem>>, vector<256x256xf32>,
            %le3A_705 = arith.constant 11 : i32
            %le3A_706 = vector.broadcast %le3A_705 : i32 to vector<256x256xi32>
            %le3A_707 = arith.cmpi sle, %add3A_288, %le3A_706 : vector<256x256xi32>
            %jit3A_708 = arith.constant 1.000000e+00 : f32
            %jit3A_709 = arith.constant 0.000000e+00 : f32
            %broadcast_in_dim3A_710 = vector.broadcast %jit3A_708 : f32 to vector<256x256xf32>
            %broadcast_in_dim3A_711 = vector.broadcast %jit3A_709 : f32 to vector<256x256xf32>
            %select_n3A_712 = arith.select %le3A_707, %broadcast_in_dim3A_710, %broadcast_in_dim3A_711 : vector<256x256xi1>, vector<256x256xf32>
            %get3A_713 = arith.constant 0 : index
            %get3A_714 = arith.constant 2816 : index
            %get3A_715 = vector.load %arg7[%get3A_713, %get3A_714] : memref<256x4096xf32, #tpu.memory_space<vmem>>, vector<256x256xf32>
            %add3A_716 = arith.addf %get3A_715, %select_n3A_712 : vector<256x256xf32>
            %swap3A_717 = arith.constant 0 : index
            %swap3A_718 = arith.constant 2816 : index
            %swap3A_719 = vector.load %arg7[%swap3A_717, %swap3A_718] : memref<256x4096xf32, #tpu.memory_space<vmem>>, vector<256x256xf32>
            tpu.vector_store %arg7[%swap3A_717, %swap3A_718], %add3A_716 {strides = array<i32>} : memref<256x4096xf32, #tpu.memory_space<vmem>>, vector<256x256xf32>,
            %le3A_720 = arith.constant 12 : i32
            %le3A_721 = vector.broadcast %le3A_720 : i32 to vector<256x256xi32>
            %le3A_722 = arith.cmpi sle, %add3A_288, %le3A_721 : vector<256x256xi32>
            %jit3A_723 = arith.constant 1.000000e+00 : f32
            %jit3A_724 = arith.constant 0.000000e+00 : f32
            %broadcast_in_dim3A_725 = vector.broadcast %jit3A_723 : f32 to vector<256x256xf32>
            %broadcast_in_dim3A_726 = vector.broadcast %jit3A_724 : f32 to vector<256x256xf32>
            %select_n3A_727 = arith.select %le3A_722, %broadcast_in_dim3A_725, %broadcast_in_dim3A_726 : vector<256x256xi1>, vector<256x256xf32>
            %get3A_728 = arith.constant 0 : index
            %get3A_729 = arith.constant 3072 : index
            %get3A_730 = vector.load %arg7[%get3A_728, %get3A_729] : memref<256x4096xf32, #tpu.memory_space<vmem>>, vector<256x256xf32>
            %add3A_731 = arith.addf %get3A_730, %select_n3A_727 : vector<256x256xf32>
            %swap3A_732 = arith.constant 0 : index
            %swap3A_733 = arith.constant 3072 : index
            %swap3A_734 = vector.load %arg7[%swap3A_732, %swap3A_733] : memref<256x4096xf32, #tpu.memory_space<vmem>>, vector<256x256xf32>
            tpu.vector_store %arg7[%swap3A_732, %swap3A_733], %add3A_731 {strides = array<i32>} : memref<256x4096xf32, #tpu.memory_space<vmem>>, vector<256x256xf32>,
            %le3A_735 = arith.constant 13 : i32
            %le3A_736 = vector.broadcast %le3A_735 : i32 to vector<256x256xi32>
            %le3A_737 = arith.cmpi sle, %add3A_288, %le3A_736 : vector<256x256xi32>
            %jit3A_738 = arith.constant 1.000000e+00 : f32
            %jit3A_739 = arith.constant 0.000000e+00 : f32
            %broadcast_in_dim3A_740 = vector.broadcast %jit3A_738 : f32 to vector<256x256xf32>
            %broadcast_in_dim3A_741 = vector.broadcast %jit3A_739 : f32 to vector<256x256xf32>
            %select_n3A_742 = arith.select %le3A_737, %broadcast_in_dim3A_740, %broadcast_in_dim3A_741 : vector<256x256xi1>, vector<256x256xf32>
            %get3A_743 = arith.constant 0 : index
            %get3A_744 = arith.constant 3328 : index
            %get3A_745 = vector.load %arg7[%get3A_743, %get3A_744] : memref<256x4096xf32, #tpu.memory_space<vmem>>, vector<256x256xf32>
            %add3A_746 = arith.addf %get3A_745, %select_n3A_742 : vector<256x256xf32>
            %swap3A_747 = arith.constant 0 : index
            %swap3A_748 = arith.constant 3328 : index
            %swap3A_749 = vector.load %arg7[%swap3A_747, %swap3A_748] : memref<256x4096xf32, #tpu.memory_space<vmem>>, vector<256x256xf32>
            tpu.vector_store %arg7[%swap3A_747, %swap3A_748], %add3A_746 {strides = array<i32>} : memref<256x4096xf32, #tpu.memory_space<vmem>>, vector<256x256xf32>,
            %le3A_750 = arith.constant 14 : i32
            %le3A_751 = vector.broadcast %le3A_750 : i32 to vector<256x256xi32>
            %le3A_752 = arith.cmpi sle, %add3A_288, %le3A_751 : vector<256x256xi32>
            %jit3A_753 = arith.constant 1.000000e+00 : f32
            %jit3A_754 = arith.constant 0.000000e+00 : f32
            %broadcast_in_dim3A_755 = vector.broadcast %jit3A_753 : f32 to vector<256x256xf32>
            %broadcast_in_dim3A_756 = vector.broadcast %jit3A_754 : f32 to vector<256x256xf32>
            %select_n3A_757 = arith.select %le3A_752, %broadcast_in_dim3A_755, %broadcast_in_dim3A_756 : vector<256x256xi1>, vector<256x256xf32>
            %get3A_758 = arith.constant 0 : index
            %get3A_759 = arith.constant 3584 : index
            %get3A_760 = vector.load %arg7[%get3A_758, %get3A_759] : memref<256x4096xf32, #tpu.memory_space<vmem>>, vector<256x256xf32>
            %add3A_761 = arith.addf %get3A_760, %select_n3A_757 : vector<256x256xf32>
            %swap3A_762 = arith.constant 0 : index
            %swap3A_763 = arith.constant 3584 : index
            %swap3A_764 = vector.load %arg7[%swap3A_762, %swap3A_763] : memref<256x4096xf32, #tpu.memory_space<vmem>>, vector<256x256xf32>
            tpu.vector_store %arg7[%swap3A_762, %swap3A_763], %add3A_761 {strides = array<i32>} : memref<256x4096xf32, #tpu.memory_space<vmem>>, vector<256x256xf32>,
            %le3A_765 = arith.constant 15 : i32
            %le3A_766 = vector.broadcast %le3A_765 : i32 to vector<256x256xi32>
            %le3A_767 = arith.cmpi sle, %add3A_288, %le3A_766 : vector<256x256xi32>
            %jit3A_768 = arith.constant 1.000000e+00 : f32
            %jit3A_769 = arith.constant 0.000000e+00 : f32
            %broadcast_in_dim3A_770 = vector.broadcast %jit3A_768 : f32 to vector<256x256xf32>
            %broadcast_in_dim3A_771 = vector.broadcast %jit3A_769 : f32 to vector<256x256xf32>
            %select_n3A_772 = arith.select %le3A_767, %broadcast_in_dim3A_770, %broadcast_in_dim3A_771 : vector<256x256xi1>, vector<256x256xf32>
            %get3A_773 = arith.constant 0 : index
            %get3A_774 = arith.constant 3840 : index
            %get3A_775 = vector.load %arg7[%get3A_773, %get3A_774] : memref<256x4096xf32, #tpu.memory_space<vmem>>, vector<256x256xf32>
            %add3A_776 = arith.addf %get3A_775, %select_n3A_772 : vector<256x256xf32>
            %swap3A_777 = arith.constant 0 : index
            %swap3A_778 = arith.constant 3840 : index
            %swap3A_779 = vector.load %arg7[%swap3A_777, %swap3A_778] : memref<256x4096xf32, #tpu.memory_space<vmem>>, vector<256x256xf32>
            tpu.vector_store %arg7[%swap3A_777, %swap3A_778], %add3A_776 {strides = array<i32>} : memref<256x4096xf32, #tpu.memory_space<vmem>>, vector<256x256xf32>,
          } else {
          }
          %slice3A_538 = vector.extract_strided_slice %add3A_252 {offsets = [0, 255], sizes = [256, 1], strides = [1, 1]} : vector<256x256xi32> to vector<256x1xi32>
          %slice3A_539 = vector.extract_strided_slice %add3A_288 {offsets = [0, 255], sizes = [256, 1], strides = [1, 1]} : vector<256x256xi32> to vector<256x1xi32>
          scf.yield %slice3A_538, %slice3A_539 : vector<256x1xi32>, vector<256x1xi32>
        } else {
          scf.yield %cond3A_117#0, %cond3A_117#1 : vector<256x1xi32>, vector<256x1xi32>
        }
        %reduce_min3A_129 = vector.shape_cast %cond3A_128#0 : vector<256x1xi32> to vector<1x256x1xi32>
        %reduce_min3A_130 = arith.constant dense<2147483647> : vector<1xi32>
        %reduce_min3A_131 = vector.multi_reduction <minsi>, %reduce_min3A_129, %reduce_min3A_130 [1, 2] : vector<1x256x1xi32> to vector<1xi32>
        %reduce_min3A_132 = vector.shape_cast %reduce_min3A_131 : vector<1xi32> to vector<1x1x1xi32>
        %reduce_min3A_133 = vector.extract %reduce_min3A_132[0, 0, 0] : i32 from vector<1x1x1xi32>
        %lt3A_134 = arith.constant 16 : i32
        %lt3A_135 = arith.cmpi slt, %reduce_min3A_133, %lt3A_134 : i32
        %convert_element_type3A_136 = arith.extui %lt3A_135 : i1 to i32
        %cond3A_137 = arith.constant 0 : i32
        %cond3A_138 = arith.cmpi ne, %convert_element_type3A_136, %cond3A_137 : i32
        %cond3A_139:2 = scf.if %cond3A_138 -> (vector<256x1xi32>, vector<256x1xi32>) {
          %slice3A = vector.extract_strided_slice %get3A_106 {offsets = [0, 512], sizes = [1, 256], strides = [1, 1]} : vector<4x2048xf32> to vector<1x256xf32>
          %sub3A_195 = vector.broadcast %get3A_1 : vector<256x1xf32> to vector<256x256xf32>
          %sub3A_196 = vector.broadcast %slice3A : vector<1x256xf32> to vector<256x256xf32>
          %sub3A_197 = arith.subf %sub3A_195, %sub3A_196 : vector<256x256xf32>
          %slice3A_198 = vector.extract_strided_slice %get3A_106 {offsets = [1, 512], sizes = [1, 256], strides = [1, 1]} : vector<4x2048xf32> to vector<1x256xf32>
          %sub3A_199 = vector.broadcast %get3A_4 : vector<256x1xf32> to vector<256x256xf32>
          %sub3A_200 = vector.broadcast %slice3A_198 : vector<1x256xf32> to vector<256x256xf32>
          %sub3A_201 = arith.subf %sub3A_199, %sub3A_200 : vector<256x256xf32>
          %slice3A_202 = vector.extract_strided_slice %get3A_106 {offsets = [2, 512], sizes = [1, 256], strides = [1, 1]} : vector<4x2048xf32> to vector<1x256xf32>
          %sub3A_203 = vector.broadcast %get3A_7 : vector<256x1xf32> to vector<256x256xf32>
          %sub3A_204 = vector.broadcast %slice3A_202 : vector<1x256xf32> to vector<256x256xf32>
          %sub3A_205 = arith.subf %sub3A_203, %sub3A_204 : vector<256x256xf32>
          %mul3A = arith.mulf %sub3A_197, %sub3A_197 : vector<256x256xf32>
          %mul3A_206 = arith.mulf %sub3A_201, %sub3A_201 : vector<256x256xf32>
          %add3A = arith.addf %mul3A, %mul3A_206 : vector<256x256xf32>
          %mul3A_207 = arith.mulf %sub3A_205, %sub3A_205 : vector<256x256xf32>
          %add3A_208 = arith.addf %add3A, %mul3A_207 : vector<256x256xf32>
          %lt3A_209 = arith.constant 1.600000e-01 : f32
          %lt3A_210 = vector.broadcast %lt3A_209 : f32 to vector<256x256xf32>
          %lt3A_211 = arith.cmpf olt, %add3A_208, %lt3A_210 : vector<256x256xf32>
          %convert_element_type3A_212 = arith.extui %lt3A_211 : vector<256x256xi1> to vector<256x256xi32>
          %lt3A_213 = arith.constant 6.400000e-01 : f32
          %lt3A_214 = vector.broadcast %lt3A_213 : f32 to vector<256x256xf32>
          %lt3A_215 = arith.cmpf olt, %add3A_208, %lt3A_214 : vector<256x256xf32>
          %convert_element_type3A_216 = arith.extui %lt3A_215 : vector<256x256xi1> to vector<256x256xi32>
          %broadcast_in_dim3A_217 = arith.constant 0 : i32
          %broadcast_in_dim3A_218 = vector.broadcast %broadcast_in_dim3A_217 : i32 to vector<256x256xi32>
          %slice3A_219 = vector.extract_strided_slice %broadcast_in_dim3A_218 {offsets = [0, 0], sizes = [256, 1], strides = [1, 1]} : vector<256x256xi32> to vector<256x1xi32>
          %slice3A_220 = vector.extract_strided_slice %convert_element_type3A_212 {offsets = [0, 0], sizes = [256, 255], strides = [1, 1]} : vector<256x256xi32> to vector<256x255xi32>
          %concatenate3A_221 = tpu.concatenate %slice3A_219, %slice3A_220 in 1 : vector<256x1xi32>, vector<256x255xi32> -> vector<256x256xi32>
          %add3A_222 = arith.addi %convert_element_type3A_212, %concatenate3A_221 : vector<256x256xi32>
          %slice3A_223 = vector.extract_strided_slice %broadcast_in_dim3A_218 {offsets = [0, 0], sizes = [256, 2], strides = [1, 1]} : vector<256x256xi32> to vector<256x2xi32>
          %slice3A_224 = vector.extract_strided_slice %add3A_222 {offsets = [0, 0], sizes = [256, 254], strides = [1, 1]} : vector<256x256xi32> to vector<256x254xi32>
          %concatenate3A_225 = tpu.concatenate %slice3A_223, %slice3A_224 in 1 : vector<256x2xi32>, vector<256x254xi32> -> vector<256x256xi32>
          %add3A_226 = arith.addi %add3A_222, %concatenate3A_225 : vector<256x256xi32>
          %slice3A_227 = vector.extract_strided_slice %broadcast_in_dim3A_218 {offsets = [0, 0], sizes = [256, 4], strides = [1, 1]} : vector<256x256xi32> to vector<256x4xi32>
          %slice3A_228 = vector.extract_strided_slice %add3A_226 {offsets = [0, 0], sizes = [256, 252], strides = [1, 1]} : vector<256x256xi32> to vector<256x252xi32>
          %concatenate3A_229 = tpu.concatenate %slice3A_227, %slice3A_228 in 1 : vector<256x4xi32>, vector<256x252xi32> -> vector<256x256xi32>
          %add3A_230 = arith.addi %add3A_226, %concatenate3A_229 : vector<256x256xi32>
          %slice3A_231 = vector.extract_strided_slice %broadcast_in_dim3A_218 {offsets = [0, 0], sizes = [256, 8], strides = [1, 1]} : vector<256x256xi32> to vector<256x8xi32>
          %slice3A_232 = vector.extract_strided_slice %add3A_230 {offsets = [0, 0], sizes = [256, 248], strides = [1, 1]} : vector<256x256xi32> to vector<256x248xi32>
          %concatenate3A_233 = tpu.concatenate %slice3A_231, %slice3A_232 in 1 : vector<256x8xi32>, vector<256x248xi32> -> vector<256x256xi32>
          %add3A_234 = arith.addi %add3A_230, %concatenate3A_233 : vector<256x256xi32>
          %slice3A_235 = vector.extract_strided_slice %broadcast_in_dim3A_218 {offsets = [0, 0], sizes = [256, 16], strides = [1, 1]} : vector<256x256xi32> to vector<256x16xi32>
          %slice3A_236 = vector.extract_strided_slice %add3A_234 {offsets = [0, 0], sizes = [256, 240], strides = [1, 1]} : vector<256x256xi32> to vector<256x240xi32>
          %concatenate3A_237 = tpu.concatenate %slice3A_235, %slice3A_236 in 1 : vector<256x16xi32>, vector<256x240xi32> -> vector<256x256xi32>
          %add3A_238 = arith.addi %add3A_234, %concatenate3A_237 : vector<256x256xi32>
          %slice3A_239 = vector.extract_strided_slice %broadcast_in_dim3A_218 {offsets = [0, 0], sizes = [256, 32], strides = [1, 1]} : vector<256x256xi32> to vector<256x32xi32>
          %slice3A_240 = vector.extract_strided_slice %add3A_238 {offsets = [0, 0], sizes = [256, 224], strides = [1, 1]} : vector<256x256xi32> to vector<256x224xi32>
          %concatenate3A_241 = tpu.concatenate %slice3A_239, %slice3A_240 in 1 : vector<256x32xi32>, vector<256x224xi32> -> vector<256x256xi32>
          %add3A_242 = arith.addi %add3A_238, %concatenate3A_241 : vector<256x256xi32>
          %slice3A_243 = vector.extract_strided_slice %broadcast_in_dim3A_218 {offsets = [0, 0], sizes = [256, 64], strides = [1, 1]} : vector<256x256xi32> to vector<256x64xi32>
          %slice3A_244 = vector.extract_strided_slice %add3A_242 {offsets = [0, 0], sizes = [256, 192], strides = [1, 1]} : vector<256x256xi32> to vector<256x192xi32>
          %concatenate3A_245 = tpu.concatenate %slice3A_243, %slice3A_244 in 1 : vector<256x64xi32>, vector<256x192xi32> -> vector<256x256xi32>
          %add3A_246 = arith.addi %add3A_242, %concatenate3A_245 : vector<256x256xi32>
          %slice3A_247 = vector.extract_strided_slice %broadcast_in_dim3A_218 {offsets = [0, 0], sizes = [256, 128], strides = [1, 1]} : vector<256x256xi32> to vector<256x128xi32>
          %slice3A_248 = vector.extract_strided_slice %add3A_246 {offsets = [0, 0], sizes = [256, 128], strides = [1, 1]} : vector<256x256xi32> to vector<256x128xi32>
          %concatenate3A_249 = tpu.concatenate %slice3A_247, %slice3A_248 in 1 : vector<256x128xi32>, vector<256x128xi32> -> vector<256x256xi32>
          %add3A_250 = arith.addi %add3A_246, %concatenate3A_249 : vector<256x256xi32>
          %add3A_251 = vector.broadcast %cond3A_128#0 : vector<256x1xi32> to vector<256x256xi32>
          %add3A_252 = arith.addi %add3A_251, %add3A_250 : vector<256x256xi32>
          %broadcast_in_dim3A_253 = arith.constant 0 : i32
          %broadcast_in_dim3A_254 = vector.broadcast %broadcast_in_dim3A_253 : i32 to vector<256x256xi32>
          %slice3A_255 = vector.extract_strided_slice %broadcast_in_dim3A_254 {offsets = [0, 0], sizes = [256, 1], strides = [1, 1]} : vector<256x256xi32> to vector<256x1xi32>
          %slice3A_256 = vector.extract_strided_slice %convert_element_type3A_216 {offsets = [0, 0], sizes = [256, 255], strides = [1, 1]} : vector<256x256xi32> to vector<256x255xi32>
          %concatenate3A_257 = tpu.concatenate %slice3A_255, %slice3A_256 in 1 : vector<256x1xi32>, vector<256x255xi32> -> vector<256x256xi32>
          %add3A_258 = arith.addi %convert_element_type3A_216, %concatenate3A_257 : vector<256x256xi32>
          %slice3A_259 = vector.extract_strided_slice %broadcast_in_dim3A_254 {offsets = [0, 0], sizes = [256, 2], strides = [1, 1]} : vector<256x256xi32> to vector<256x2xi32>
          %slice3A_260 = vector.extract_strided_slice %add3A_258 {offsets = [0, 0], sizes = [256, 254], strides = [1, 1]} : vector<256x256xi32> to vector<256x254xi32>
          %concatenate3A_261 = tpu.concatenate %slice3A_259, %slice3A_260 in 1 : vector<256x2xi32>, vector<256x254xi32> -> vector<256x256xi32>
          %add3A_262 = arith.addi %add3A_258, %concatenate3A_261 : vector<256x256xi32>
          %slice3A_263 = vector.extract_strided_slice %broadcast_in_dim3A_254 {offsets = [0, 0], sizes = [256, 4], strides = [1, 1]} : vector<256x256xi32> to vector<256x4xi32>
          %slice3A_264 = vector.extract_strided_slice %add3A_262 {offsets = [0, 0], sizes = [256, 252], strides = [1, 1]} : vector<256x256xi32> to vector<256x252xi32>
          %concatenate3A_265 = tpu.concatenate %slice3A_263, %slice3A_264 in 1 : vector<256x4xi32>, vector<256x252xi32> -> vector<256x256xi32>
          %add3A_266 = arith.addi %add3A_262, %concatenate3A_265 : vector<256x256xi32>
          %slice3A_267 = vector.extract_strided_slice %broadcast_in_dim3A_254 {offsets = [0, 0], sizes = [256, 8], strides = [1, 1]} : vector<256x256xi32> to vector<256x8xi32>
          %slice3A_268 = vector.extract_strided_slice %add3A_266 {offsets = [0, 0], sizes = [256, 248], strides = [1, 1]} : vector<256x256xi32> to vector<256x248xi32>
          %concatenate3A_269 = tpu.concatenate %slice3A_267, %slice3A_268 in 1 : vector<256x8xi32>, vector<256x248xi32> -> vector<256x256xi32>
          %add3A_270 = arith.addi %add3A_266, %concatenate3A_269 : vector<256x256xi32>
          %slice3A_271 = vector.extract_strided_slice %broadcast_in_dim3A_254 {offsets = [0, 0], sizes = [256, 16], strides = [1, 1]} : vector<256x256xi32> to vector<256x16xi32>
          %slice3A_272 = vector.extract_strided_slice %add3A_270 {offsets = [0, 0], sizes = [256, 240], strides = [1, 1]} : vector<256x256xi32> to vector<256x240xi32>
          %concatenate3A_273 = tpu.concatenate %slice3A_271, %slice3A_272 in 1 : vector<256x16xi32>, vector<256x240xi32> -> vector<256x256xi32>
          %add3A_274 = arith.addi %add3A_270, %concatenate3A_273 : vector<256x256xi32>
          %slice3A_275 = vector.extract_strided_slice %broadcast_in_dim3A_254 {offsets = [0, 0], sizes = [256, 32], strides = [1, 1]} : vector<256x256xi32> to vector<256x32xi32>
          %slice3A_276 = vector.extract_strided_slice %add3A_274 {offsets = [0, 0], sizes = [256, 224], strides = [1, 1]} : vector<256x256xi32> to vector<256x224xi32>
          %concatenate3A_277 = tpu.concatenate %slice3A_275, %slice3A_276 in 1 : vector<256x32xi32>, vector<256x224xi32> -> vector<256x256xi32>
          %add3A_278 = arith.addi %add3A_274, %concatenate3A_277 : vector<256x256xi32>
          %slice3A_279 = vector.extract_strided_slice %broadcast_in_dim3A_254 {offsets = [0, 0], sizes = [256, 64], strides = [1, 1]} : vector<256x256xi32> to vector<256x64xi32>
          %slice3A_280 = vector.extract_strided_slice %add3A_278 {offsets = [0, 0], sizes = [256, 192], strides = [1, 1]} : vector<256x256xi32> to vector<256x192xi32>
          %concatenate3A_281 = tpu.concatenate %slice3A_279, %slice3A_280 in 1 : vector<256x64xi32>, vector<256x192xi32> -> vector<256x256xi32>
          %add3A_282 = arith.addi %add3A_278, %concatenate3A_281 : vector<256x256xi32>
          %slice3A_283 = vector.extract_strided_slice %broadcast_in_dim3A_254 {offsets = [0, 0], sizes = [256, 128], strides = [1, 1]} : vector<256x256xi32> to vector<256x128xi32>
          %slice3A_284 = vector.extract_strided_slice %add3A_282 {offsets = [0, 0], sizes = [256, 128], strides = [1, 1]} : vector<256x256xi32> to vector<256x128xi32>
          %concatenate3A_285 = tpu.concatenate %slice3A_283, %slice3A_284 in 1 : vector<256x128xi32>, vector<256x128xi32> -> vector<256x256xi32>
          %add3A_286 = arith.addi %add3A_282, %concatenate3A_285 : vector<256x256xi32>
          %add3A_287 = vector.broadcast %cond3A_128#1 : vector<256x1xi32> to vector<256x256xi32>
          %add3A_288 = arith.addi %add3A_287, %add3A_286 : vector<256x256xi32>
          %le3A = arith.constant 0 : i32
          %le3A_289 = vector.broadcast %le3A : i32 to vector<256x256xi32>
          %le3A_290 = arith.cmpi sle, %add3A_252, %le3A_289 : vector<256x256xi32>
          %jit3A_291 = arith.constant 1.000000e+00 : f32
          %jit3A_292 = arith.constant 0.000000e+00 : f32
          %broadcast_in_dim3A_293 = vector.broadcast %jit3A_291 : f32 to vector<256x256xf32>
          %broadcast_in_dim3A_294 = vector.broadcast %jit3A_292 : f32 to vector<256x256xf32>
          %select_n3A_295 = arith.select %le3A_290, %broadcast_in_dim3A_293, %broadcast_in_dim3A_294 : vector<256x256xi1>, vector<256x256xf32>
          %get3A_296 = arith.constant 0 : index
          %get3A_297 = arith.constant 0 : index
          %get3A_298 = vector.load %arg6[%get3A_296, %get3A_297] : memref<256x4096xf32, #tpu.memory_space<vmem>>, vector<256x256xf32>
          %add3A_299 = arith.addf %get3A_298, %select_n3A_295 : vector<256x256xf32>
          %swap3A_300 = arith.constant 0 : index
          %swap3A_301 = arith.constant 0 : index
          %swap3A_302 = vector.load %arg6[%swap3A_300, %swap3A_301] : memref<256x4096xf32, #tpu.memory_space<vmem>>, vector<256x256xf32>
          tpu.vector_store %arg6[%swap3A_300, %swap3A_301], %add3A_299 {strides = array<i32>} : memref<256x4096xf32, #tpu.memory_space<vmem>>, vector<256x256xf32>,
          %le3A_303 = arith.constant 1 : i32
          %le3A_304 = vector.broadcast %le3A_303 : i32 to vector<256x256xi32>
          %le3A_305 = arith.cmpi sle, %add3A_252, %le3A_304 : vector<256x256xi32>
          %jit3A_306 = arith.constant 1.000000e+00 : f32
          %jit3A_307 = arith.constant 0.000000e+00 : f32
          %broadcast_in_dim3A_308 = vector.broadcast %jit3A_306 : f32 to vector<256x256xf32>
          %broadcast_in_dim3A_309 = vector.broadcast %jit3A_307 : f32 to vector<256x256xf32>
          %select_n3A_310 = arith.select %le3A_305, %broadcast_in_dim3A_308, %broadcast_in_dim3A_309 : vector<256x256xi1>, vector<256x256xf32>
          %get3A_311 = arith.constant 0 : index
          %get3A_312 = arith.constant 256 : index
          %get3A_313 = vector.load %arg6[%get3A_311, %get3A_312] : memref<256x4096xf32, #tpu.memory_space<vmem>>, vector<256x256xf32>
          %add3A_314 = arith.addf %get3A_313, %select_n3A_310 : vector<256x256xf32>
          %swap3A_315 = arith.constant 0 : index
          %swap3A_316 = arith.constant 256 : index
          %swap3A_317 = vector.load %arg6[%swap3A_315, %swap3A_316] : memref<256x4096xf32, #tpu.memory_space<vmem>>, vector<256x256xf32>
          tpu.vector_store %arg6[%swap3A_315, %swap3A_316], %add3A_314 {strides = array<i32>} : memref<256x4096xf32, #tpu.memory_space<vmem>>, vector<256x256xf32>,
          %le3A_318 = arith.constant 2 : i32
          %le3A_319 = vector.broadcast %le3A_318 : i32 to vector<256x256xi32>
          %le3A_320 = arith.cmpi sle, %add3A_252, %le3A_319 : vector<256x256xi32>
          %jit3A_321 = arith.constant 1.000000e+00 : f32
          %jit3A_322 = arith.constant 0.000000e+00 : f32
          %broadcast_in_dim3A_323 = vector.broadcast %jit3A_321 : f32 to vector<256x256xf32>
          %broadcast_in_dim3A_324 = vector.broadcast %jit3A_322 : f32 to vector<256x256xf32>
          %select_n3A_325 = arith.select %le3A_320, %broadcast_in_dim3A_323, %broadcast_in_dim3A_324 : vector<256x256xi1>, vector<256x256xf32>
          %get3A_326 = arith.constant 0 : index
          %get3A_327 = arith.constant 512 : index
          %get3A_328 = vector.load %arg6[%get3A_326, %get3A_327] : memref<256x4096xf32, #tpu.memory_space<vmem>>, vector<256x256xf32>
          %add3A_329 = arith.addf %get3A_328, %select_n3A_325 : vector<256x256xf32>
          %swap3A_330 = arith.constant 0 : index
          %swap3A_331 = arith.constant 512 : index
          %swap3A_332 = vector.load %arg6[%swap3A_330, %swap3A_331] : memref<256x4096xf32, #tpu.memory_space<vmem>>, vector<256x256xf32>
          tpu.vector_store %arg6[%swap3A_330, %swap3A_331], %add3A_329 {strides = array<i32>} : memref<256x4096xf32, #tpu.memory_space<vmem>>, vector<256x256xf32>,
          %le3A_333 = arith.constant 3 : i32
          %le3A_334 = vector.broadcast %le3A_333 : i32 to vector<256x256xi32>
          %le3A_335 = arith.cmpi sle, %add3A_252, %le3A_334 : vector<256x256xi32>
          %jit3A_336 = arith.constant 1.000000e+00 : f32
          %jit3A_337 = arith.constant 0.000000e+00 : f32
          %broadcast_in_dim3A_338 = vector.broadcast %jit3A_336 : f32 to vector<256x256xf32>
          %broadcast_in_dim3A_339 = vector.broadcast %jit3A_337 : f32 to vector<256x256xf32>
          %select_n3A_340 = arith.select %le3A_335, %broadcast_in_dim3A_338, %broadcast_in_dim3A_339 : vector<256x256xi1>, vector<256x256xf32>
          %get3A_341 = arith.constant 0 : index
          %get3A_342 = arith.constant 768 : index
          %get3A_343 = vector.load %arg6[%get3A_341, %get3A_342] : memref<256x4096xf32, #tpu.memory_space<vmem>>, vector<256x256xf32>
          %add3A_344 = arith.addf %get3A_343, %select_n3A_340 : vector<256x256xf32>
          %swap3A_345 = arith.constant 0 : index
          %swap3A_346 = arith.constant 768 : index
          %swap3A_347 = vector.load %arg6[%swap3A_345, %swap3A_346] : memref<256x4096xf32, #tpu.memory_space<vmem>>, vector<256x256xf32>
          tpu.vector_store %arg6[%swap3A_345, %swap3A_346], %add3A_344 {strides = array<i32>} : memref<256x4096xf32, #tpu.memory_space<vmem>>, vector<256x256xf32>,
          %le3A_348 = arith.constant 4 : i32
          %le3A_349 = vector.broadcast %le3A_348 : i32 to vector<256x256xi32>
          %le3A_350 = arith.cmpi sle, %add3A_252, %le3A_349 : vector<256x256xi32>
          %jit3A_351 = arith.constant 1.000000e+00 : f32
          %jit3A_352 = arith.constant 0.000000e+00 : f32
          %broadcast_in_dim3A_353 = vector.broadcast %jit3A_351 : f32 to vector<256x256xf32>
          %broadcast_in_dim3A_354 = vector.broadcast %jit3A_352 : f32 to vector<256x256xf32>
          %select_n3A_355 = arith.select %le3A_350, %broadcast_in_dim3A_353, %broadcast_in_dim3A_354 : vector<256x256xi1>, vector<256x256xf32>
          %get3A_356 = arith.constant 0 : index
          %get3A_357 = arith.constant 1024 : index
          %get3A_358 = vector.load %arg6[%get3A_356, %get3A_357] : memref<256x4096xf32, #tpu.memory_space<vmem>>, vector<256x256xf32>
          %add3A_359 = arith.addf %get3A_358, %select_n3A_355 : vector<256x256xf32>
          %swap3A_360 = arith.constant 0 : index
          %swap3A_361 = arith.constant 1024 : index
          %swap3A_362 = vector.load %arg6[%swap3A_360, %swap3A_361] : memref<256x4096xf32, #tpu.memory_space<vmem>>, vector<256x256xf32>
          tpu.vector_store %arg6[%swap3A_360, %swap3A_361], %add3A_359 {strides = array<i32>} : memref<256x4096xf32, #tpu.memory_space<vmem>>, vector<256x256xf32>,
          %le3A_363 = arith.constant 5 : i32
          %le3A_364 = vector.broadcast %le3A_363 : i32 to vector<256x256xi32>
          %le3A_365 = arith.cmpi sle, %add3A_252, %le3A_364 : vector<256x256xi32>
          %jit3A_366 = arith.constant 1.000000e+00 : f32
          %jit3A_367 = arith.constant 0.000000e+00 : f32
          %broadcast_in_dim3A_368 = vector.broadcast %jit3A_366 : f32 to vector<256x256xf32>
          %broadcast_in_dim3A_369 = vector.broadcast %jit3A_367 : f32 to vector<256x256xf32>
          %select_n3A_370 = arith.select %le3A_365, %broadcast_in_dim3A_368, %broadcast_in_dim3A_369 : vector<256x256xi1>, vector<256x256xf32>
          %get3A_371 = arith.constant 0 : index
          %get3A_372 = arith.constant 1280 : index
          %get3A_373 = vector.load %arg6[%get3A_371, %get3A_372] : memref<256x4096xf32, #tpu.memory_space<vmem>>, vector<256x256xf32>
          %add3A_374 = arith.addf %get3A_373, %select_n3A_370 : vector<256x256xf32>
          %swap3A_375 = arith.constant 0 : index
          %swap3A_376 = arith.constant 1280 : index
          %swap3A_377 = vector.load %arg6[%swap3A_375, %swap3A_376] : memref<256x4096xf32, #tpu.memory_space<vmem>>, vector<256x256xf32>
          tpu.vector_store %arg6[%swap3A_375, %swap3A_376], %add3A_374 {strides = array<i32>} : memref<256x4096xf32, #tpu.memory_space<vmem>>, vector<256x256xf32>,
          %le3A_378 = arith.constant 6 : i32
          %le3A_379 = vector.broadcast %le3A_378 : i32 to vector<256x256xi32>
          %le3A_380 = arith.cmpi sle, %add3A_252, %le3A_379 : vector<256x256xi32>
          %jit3A_381 = arith.constant 1.000000e+00 : f32
          %jit3A_382 = arith.constant 0.000000e+00 : f32
          %broadcast_in_dim3A_383 = vector.broadcast %jit3A_381 : f32 to vector<256x256xf32>
          %broadcast_in_dim3A_384 = vector.broadcast %jit3A_382 : f32 to vector<256x256xf32>
          %select_n3A_385 = arith.select %le3A_380, %broadcast_in_dim3A_383, %broadcast_in_dim3A_384 : vector<256x256xi1>, vector<256x256xf32>
          %get3A_386 = arith.constant 0 : index
          %get3A_387 = arith.constant 1536 : index
          %get3A_388 = vector.load %arg6[%get3A_386, %get3A_387] : memref<256x4096xf32, #tpu.memory_space<vmem>>, vector<256x256xf32>
          %add3A_389 = arith.addf %get3A_388, %select_n3A_385 : vector<256x256xf32>
          %swap3A_390 = arith.constant 0 : index
          %swap3A_391 = arith.constant 1536 : index
          %swap3A_392 = vector.load %arg6[%swap3A_390, %swap3A_391] : memref<256x4096xf32, #tpu.memory_space<vmem>>, vector<256x256xf32>
          tpu.vector_store %arg6[%swap3A_390, %swap3A_391], %add3A_389 {strides = array<i32>} : memref<256x4096xf32, #tpu.memory_space<vmem>>, vector<256x256xf32>,
          %le3A_393 = arith.constant 7 : i32
          %le3A_394 = vector.broadcast %le3A_393 : i32 to vector<256x256xi32>
          %le3A_395 = arith.cmpi sle, %add3A_252, %le3A_394 : vector<256x256xi32>
          %jit3A_396 = arith.constant 1.000000e+00 : f32
          %jit3A_397 = arith.constant 0.000000e+00 : f32
          %broadcast_in_dim3A_398 = vector.broadcast %jit3A_396 : f32 to vector<256x256xf32>
          %broadcast_in_dim3A_399 = vector.broadcast %jit3A_397 : f32 to vector<256x256xf32>
          %select_n3A_400 = arith.select %le3A_395, %broadcast_in_dim3A_398, %broadcast_in_dim3A_399 : vector<256x256xi1>, vector<256x256xf32>
          %get3A_401 = arith.constant 0 : index
          %get3A_402 = arith.constant 1792 : index
          %get3A_403 = vector.load %arg6[%get3A_401, %get3A_402] : memref<256x4096xf32, #tpu.memory_space<vmem>>, vector<256x256xf32>
          %add3A_404 = arith.addf %get3A_403, %select_n3A_400 : vector<256x256xf32>
          %swap3A_405 = arith.constant 0 : index
          %swap3A_406 = arith.constant 1792 : index
          %swap3A_407 = vector.load %arg6[%swap3A_405, %swap3A_406] : memref<256x4096xf32, #tpu.memory_space<vmem>>, vector<256x256xf32>
          tpu.vector_store %arg6[%swap3A_405, %swap3A_406], %add3A_404 {strides = array<i32>} : memref<256x4096xf32, #tpu.memory_space<vmem>>, vector<256x256xf32>,
          %le3A_408 = arith.constant 8 : i32
          %le3A_409 = vector.broadcast %le3A_408 : i32 to vector<256x256xi32>
          %le3A_410 = arith.cmpi sle, %add3A_252, %le3A_409 : vector<256x256xi32>
          %jit3A_411 = arith.constant 1.000000e+00 : f32
          %jit3A_412 = arith.constant 0.000000e+00 : f32
          %broadcast_in_dim3A_413 = vector.broadcast %jit3A_411 : f32 to vector<256x256xf32>
          %broadcast_in_dim3A_414 = vector.broadcast %jit3A_412 : f32 to vector<256x256xf32>
          %select_n3A_415 = arith.select %le3A_410, %broadcast_in_dim3A_413, %broadcast_in_dim3A_414 : vector<256x256xi1>, vector<256x256xf32>
          %get3A_416 = arith.constant 0 : index
          %get3A_417 = arith.constant 2048 : index
          %get3A_418 = vector.load %arg6[%get3A_416, %get3A_417] : memref<256x4096xf32, #tpu.memory_space<vmem>>, vector<256x256xf32>
          %add3A_419 = arith.addf %get3A_418, %select_n3A_415 : vector<256x256xf32>
          %swap3A_420 = arith.constant 0 : index
          %swap3A_421 = arith.constant 2048 : index
          %swap3A_422 = vector.load %arg6[%swap3A_420, %swap3A_421] : memref<256x4096xf32, #tpu.memory_space<vmem>>, vector<256x256xf32>
          tpu.vector_store %arg6[%swap3A_420, %swap3A_421], %add3A_419 {strides = array<i32>} : memref<256x4096xf32, #tpu.memory_space<vmem>>, vector<256x256xf32>,
          %le3A_423 = arith.constant 9 : i32
          %le3A_424 = vector.broadcast %le3A_423 : i32 to vector<256x256xi32>
          %le3A_425 = arith.cmpi sle, %add3A_252, %le3A_424 : vector<256x256xi32>
          %jit3A_426 = arith.constant 1.000000e+00 : f32
          %jit3A_427 = arith.constant 0.000000e+00 : f32
          %broadcast_in_dim3A_428 = vector.broadcast %jit3A_426 : f32 to vector<256x256xf32>
          %broadcast_in_dim3A_429 = vector.broadcast %jit3A_427 : f32 to vector<256x256xf32>
          %select_n3A_430 = arith.select %le3A_425, %broadcast_in_dim3A_428, %broadcast_in_dim3A_429 : vector<256x256xi1>, vector<256x256xf32>
          %get3A_431 = arith.constant 0 : index
          %get3A_432 = arith.constant 2304 : index
          %get3A_433 = vector.load %arg6[%get3A_431, %get3A_432] : memref<256x4096xf32, #tpu.memory_space<vmem>>, vector<256x256xf32>
          %add3A_434 = arith.addf %get3A_433, %select_n3A_430 : vector<256x256xf32>
          %swap3A_435 = arith.constant 0 : index
          %swap3A_436 = arith.constant 2304 : index
          %swap3A_437 = vector.load %arg6[%swap3A_435, %swap3A_436] : memref<256x4096xf32, #tpu.memory_space<vmem>>, vector<256x256xf32>
          tpu.vector_store %arg6[%swap3A_435, %swap3A_436], %add3A_434 {strides = array<i32>} : memref<256x4096xf32, #tpu.memory_space<vmem>>, vector<256x256xf32>,
          %le3A_438 = arith.constant 10 : i32
          %le3A_439 = vector.broadcast %le3A_438 : i32 to vector<256x256xi32>
          %le3A_440 = arith.cmpi sle, %add3A_252, %le3A_439 : vector<256x256xi32>
          %jit3A_441 = arith.constant 1.000000e+00 : f32
          %jit3A_442 = arith.constant 0.000000e+00 : f32
          %broadcast_in_dim3A_443 = vector.broadcast %jit3A_441 : f32 to vector<256x256xf32>
          %broadcast_in_dim3A_444 = vector.broadcast %jit3A_442 : f32 to vector<256x256xf32>
          %select_n3A_445 = arith.select %le3A_440, %broadcast_in_dim3A_443, %broadcast_in_dim3A_444 : vector<256x256xi1>, vector<256x256xf32>
          %get3A_446 = arith.constant 0 : index
          %get3A_447 = arith.constant 2560 : index
          %get3A_448 = vector.load %arg6[%get3A_446, %get3A_447] : memref<256x4096xf32, #tpu.memory_space<vmem>>, vector<256x256xf32>
          %add3A_449 = arith.addf %get3A_448, %select_n3A_445 : vector<256x256xf32>
          %swap3A_450 = arith.constant 0 : index
          %swap3A_451 = arith.constant 2560 : index
          %swap3A_452 = vector.load %arg6[%swap3A_450, %swap3A_451] : memref<256x4096xf32, #tpu.memory_space<vmem>>, vector<256x256xf32>
          tpu.vector_store %arg6[%swap3A_450, %swap3A_451], %add3A_449 {strides = array<i32>} : memref<256x4096xf32, #tpu.memory_space<vmem>>, vector<256x256xf32>,
          %le3A_453 = arith.constant 11 : i32
          %le3A_454 = vector.broadcast %le3A_453 : i32 to vector<256x256xi32>
          %le3A_455 = arith.cmpi sle, %add3A_252, %le3A_454 : vector<256x256xi32>
          %jit3A_456 = arith.constant 1.000000e+00 : f32
          %jit3A_457 = arith.constant 0.000000e+00 : f32
          %broadcast_in_dim3A_458 = vector.broadcast %jit3A_456 : f32 to vector<256x256xf32>
          %broadcast_in_dim3A_459 = vector.broadcast %jit3A_457 : f32 to vector<256x256xf32>
          %select_n3A_460 = arith.select %le3A_455, %broadcast_in_dim3A_458, %broadcast_in_dim3A_459 : vector<256x256xi1>, vector<256x256xf32>
          %get3A_461 = arith.constant 0 : index
          %get3A_462 = arith.constant 2816 : index
          %get3A_463 = vector.load %arg6[%get3A_461, %get3A_462] : memref<256x4096xf32, #tpu.memory_space<vmem>>, vector<256x256xf32>
          %add3A_464 = arith.addf %get3A_463, %select_n3A_460 : vector<256x256xf32>
          %swap3A_465 = arith.constant 0 : index
          %swap3A_466 = arith.constant 2816 : index
          %swap3A_467 = vector.load %arg6[%swap3A_465, %swap3A_466] : memref<256x4096xf32, #tpu.memory_space<vmem>>, vector<256x256xf32>
          tpu.vector_store %arg6[%swap3A_465, %swap3A_466], %add3A_464 {strides = array<i32>} : memref<256x4096xf32, #tpu.memory_space<vmem>>, vector<256x256xf32>,
          %le3A_468 = arith.constant 12 : i32
          %le3A_469 = vector.broadcast %le3A_468 : i32 to vector<256x256xi32>
          %le3A_470 = arith.cmpi sle, %add3A_252, %le3A_469 : vector<256x256xi32>
          %jit3A_471 = arith.constant 1.000000e+00 : f32
          %jit3A_472 = arith.constant 0.000000e+00 : f32
          %broadcast_in_dim3A_473 = vector.broadcast %jit3A_471 : f32 to vector<256x256xf32>
          %broadcast_in_dim3A_474 = vector.broadcast %jit3A_472 : f32 to vector<256x256xf32>
          %select_n3A_475 = arith.select %le3A_470, %broadcast_in_dim3A_473, %broadcast_in_dim3A_474 : vector<256x256xi1>, vector<256x256xf32>
          %get3A_476 = arith.constant 0 : index
          %get3A_477 = arith.constant 3072 : index
          %get3A_478 = vector.load %arg6[%get3A_476, %get3A_477] : memref<256x4096xf32, #tpu.memory_space<vmem>>, vector<256x256xf32>
          %add3A_479 = arith.addf %get3A_478, %select_n3A_475 : vector<256x256xf32>
          %swap3A_480 = arith.constant 0 : index
          %swap3A_481 = arith.constant 3072 : index
          %swap3A_482 = vector.load %arg6[%swap3A_480, %swap3A_481] : memref<256x4096xf32, #tpu.memory_space<vmem>>, vector<256x256xf32>
          tpu.vector_store %arg6[%swap3A_480, %swap3A_481], %add3A_479 {strides = array<i32>} : memref<256x4096xf32, #tpu.memory_space<vmem>>, vector<256x256xf32>,
          %le3A_483 = arith.constant 13 : i32
          %le3A_484 = vector.broadcast %le3A_483 : i32 to vector<256x256xi32>
          %le3A_485 = arith.cmpi sle, %add3A_252, %le3A_484 : vector<256x256xi32>
          %jit3A_486 = arith.constant 1.000000e+00 : f32
          %jit3A_487 = arith.constant 0.000000e+00 : f32
          %broadcast_in_dim3A_488 = vector.broadcast %jit3A_486 : f32 to vector<256x256xf32>
          %broadcast_in_dim3A_489 = vector.broadcast %jit3A_487 : f32 to vector<256x256xf32>
          %select_n3A_490 = arith.select %le3A_485, %broadcast_in_dim3A_488, %broadcast_in_dim3A_489 : vector<256x256xi1>, vector<256x256xf32>
          %get3A_491 = arith.constant 0 : index
          %get3A_492 = arith.constant 3328 : index
          %get3A_493 = vector.load %arg6[%get3A_491, %get3A_492] : memref<256x4096xf32, #tpu.memory_space<vmem>>, vector<256x256xf32>
          %add3A_494 = arith.addf %get3A_493, %select_n3A_490 : vector<256x256xf32>
          %swap3A_495 = arith.constant 0 : index
          %swap3A_496 = arith.constant 3328 : index
          %swap3A_497 = vector.load %arg6[%swap3A_495, %swap3A_496] : memref<256x4096xf32, #tpu.memory_space<vmem>>, vector<256x256xf32>
          tpu.vector_store %arg6[%swap3A_495, %swap3A_496], %add3A_494 {strides = array<i32>} : memref<256x4096xf32, #tpu.memory_space<vmem>>, vector<256x256xf32>,
          %le3A_498 = arith.constant 14 : i32
          %le3A_499 = vector.broadcast %le3A_498 : i32 to vector<256x256xi32>
          %le3A_500 = arith.cmpi sle, %add3A_252, %le3A_499 : vector<256x256xi32>
          %jit3A_501 = arith.constant 1.000000e+00 : f32
          %jit3A_502 = arith.constant 0.000000e+00 : f32
          %broadcast_in_dim3A_503 = vector.broadcast %jit3A_501 : f32 to vector<256x256xf32>
          %broadcast_in_dim3A_504 = vector.broadcast %jit3A_502 : f32 to vector<256x256xf32>
          %select_n3A_505 = arith.select %le3A_500, %broadcast_in_dim3A_503, %broadcast_in_dim3A_504 : vector<256x256xi1>, vector<256x256xf32>
          %get3A_506 = arith.constant 0 : index
          %get3A_507 = arith.constant 3584 : index
          %get3A_508 = vector.load %arg6[%get3A_506, %get3A_507] : memref<256x4096xf32, #tpu.memory_space<vmem>>, vector<256x256xf32>
          %add3A_509 = arith.addf %get3A_508, %select_n3A_505 : vector<256x256xf32>
          %swap3A_510 = arith.constant 0 : index
          %swap3A_511 = arith.constant 3584 : index
          %swap3A_512 = vector.load %arg6[%swap3A_510, %swap3A_511] : memref<256x4096xf32, #tpu.memory_space<vmem>>, vector<256x256xf32>
          tpu.vector_store %arg6[%swap3A_510, %swap3A_511], %add3A_509 {strides = array<i32>} : memref<256x4096xf32, #tpu.memory_space<vmem>>, vector<256x256xf32>,
          %le3A_513 = arith.constant 15 : i32
          %le3A_514 = vector.broadcast %le3A_513 : i32 to vector<256x256xi32>
          %le3A_515 = arith.cmpi sle, %add3A_252, %le3A_514 : vector<256x256xi32>
          %jit3A_516 = arith.constant 1.000000e+00 : f32
          %jit3A_517 = arith.constant 0.000000e+00 : f32
          %broadcast_in_dim3A_518 = vector.broadcast %jit3A_516 : f32 to vector<256x256xf32>
          %broadcast_in_dim3A_519 = vector.broadcast %jit3A_517 : f32 to vector<256x256xf32>
          %select_n3A_520 = arith.select %le3A_515, %broadcast_in_dim3A_518, %broadcast_in_dim3A_519 : vector<256x256xi1>, vector<256x256xf32>
          %get3A_521 = arith.constant 0 : index
          %get3A_522 = arith.constant 3840 : index
          %get3A_523 = vector.load %arg6[%get3A_521, %get3A_522] : memref<256x4096xf32, #tpu.memory_space<vmem>>, vector<256x256xf32>
          %add3A_524 = arith.addf %get3A_523, %select_n3A_520 : vector<256x256xf32>
          %swap3A_525 = arith.constant 0 : index
          %swap3A_526 = arith.constant 3840 : index
          %swap3A_527 = vector.load %arg6[%swap3A_525, %swap3A_526] : memref<256x4096xf32, #tpu.memory_space<vmem>>, vector<256x256xf32>
          tpu.vector_store %arg6[%swap3A_525, %swap3A_526], %add3A_524 {strides = array<i32>} : memref<256x4096xf32, #tpu.memory_space<vmem>>, vector<256x256xf32>,
          %reduce_min3A_528 = vector.shape_cast %cond3A_128#1 : vector<256x1xi32> to vector<1x256x1xi32>
          %reduce_min3A_529 = arith.constant dense<2147483647> : vector<1xi32>
          %reduce_min3A_530 = vector.multi_reduction <minsi>, %reduce_min3A_528, %reduce_min3A_529 [1, 2] : vector<1x256x1xi32> to vector<1xi32>
          %reduce_min3A_531 = vector.shape_cast %reduce_min3A_530 : vector<1xi32> to vector<1x1x1xi32>
          %reduce_min3A_532 = vector.extract %reduce_min3A_531[0, 0, 0] : i32 from vector<1x1x1xi32>
          %lt3A_533 = arith.constant 16 : i32
          %lt3A_534 = arith.cmpi slt, %reduce_min3A_532, %lt3A_533 : i32
          %convert_element_type3A_535 = arith.extui %lt3A_534 : i1 to i32
          %cond3A_536 = arith.constant 0 : i32
          %cond3A_537 = arith.cmpi ne, %convert_element_type3A_535, %cond3A_536 : i32
          scf.if %cond3A_537 {
            %le3A_540 = arith.constant 0 : i32
            %le3A_541 = vector.broadcast %le3A_540 : i32 to vector<256x256xi32>
            %le3A_542 = arith.cmpi sle, %add3A_288, %le3A_541 : vector<256x256xi32>
            %jit3A_543 = arith.constant 1.000000e+00 : f32
            %jit3A_544 = arith.constant 0.000000e+00 : f32
            %broadcast_in_dim3A_545 = vector.broadcast %jit3A_543 : f32 to vector<256x256xf32>
            %broadcast_in_dim3A_546 = vector.broadcast %jit3A_544 : f32 to vector<256x256xf32>
            %select_n3A_547 = arith.select %le3A_542, %broadcast_in_dim3A_545, %broadcast_in_dim3A_546 : vector<256x256xi1>, vector<256x256xf32>
            %get3A_548 = arith.constant 0 : index
            %get3A_549 = arith.constant 0 : index
            %get3A_550 = vector.load %arg7[%get3A_548, %get3A_549] : memref<256x4096xf32, #tpu.memory_space<vmem>>, vector<256x256xf32>
            %add3A_551 = arith.addf %get3A_550, %select_n3A_547 : vector<256x256xf32>
            %swap3A_552 = arith.constant 0 : index
            %swap3A_553 = arith.constant 0 : index
            %swap3A_554 = vector.load %arg7[%swap3A_552, %swap3A_553] : memref<256x4096xf32, #tpu.memory_space<vmem>>, vector<256x256xf32>
            tpu.vector_store %arg7[%swap3A_552, %swap3A_553], %add3A_551 {strides = array<i32>} : memref<256x4096xf32, #tpu.memory_space<vmem>>, vector<256x256xf32>,
            %le3A_555 = arith.constant 1 : i32
            %le3A_556 = vector.broadcast %le3A_555 : i32 to vector<256x256xi32>
            %le3A_557 = arith.cmpi sle, %add3A_288, %le3A_556 : vector<256x256xi32>
            %jit3A_558 = arith.constant 1.000000e+00 : f32
            %jit3A_559 = arith.constant 0.000000e+00 : f32
            %broadcast_in_dim3A_560 = vector.broadcast %jit3A_558 : f32 to vector<256x256xf32>
            %broadcast_in_dim3A_561 = vector.broadcast %jit3A_559 : f32 to vector<256x256xf32>
            %select_n3A_562 = arith.select %le3A_557, %broadcast_in_dim3A_560, %broadcast_in_dim3A_561 : vector<256x256xi1>, vector<256x256xf32>
            %get3A_563 = arith.constant 0 : index
            %get3A_564 = arith.constant 256 : index
            %get3A_565 = vector.load %arg7[%get3A_563, %get3A_564] : memref<256x4096xf32, #tpu.memory_space<vmem>>, vector<256x256xf32>
            %add3A_566 = arith.addf %get3A_565, %select_n3A_562 : vector<256x256xf32>
            %swap3A_567 = arith.constant 0 : index
            %swap3A_568 = arith.constant 256 : index
            %swap3A_569 = vector.load %arg7[%swap3A_567, %swap3A_568] : memref<256x4096xf32, #tpu.memory_space<vmem>>, vector<256x256xf32>
            tpu.vector_store %arg7[%swap3A_567, %swap3A_568], %add3A_566 {strides = array<i32>} : memref<256x4096xf32, #tpu.memory_space<vmem>>, vector<256x256xf32>,
            %le3A_570 = arith.constant 2 : i32
            %le3A_571 = vector.broadcast %le3A_570 : i32 to vector<256x256xi32>
            %le3A_572 = arith.cmpi sle, %add3A_288, %le3A_571 : vector<256x256xi32>
            %jit3A_573 = arith.constant 1.000000e+00 : f32
            %jit3A_574 = arith.constant 0.000000e+00 : f32
            %broadcast_in_dim3A_575 = vector.broadcast %jit3A_573 : f32 to vector<256x256xf32>
            %broadcast_in_dim3A_576 = vector.broadcast %jit3A_574 : f32 to vector<256x256xf32>
            %select_n3A_577 = arith.select %le3A_572, %broadcast_in_dim3A_575, %broadcast_in_dim3A_576 : vector<256x256xi1>, vector<256x256xf32>
            %get3A_578 = arith.constant 0 : index
            %get3A_579 = arith.constant 512 : index
            %get3A_580 = vector.load %arg7[%get3A_578, %get3A_579] : memref<256x4096xf32, #tpu.memory_space<vmem>>, vector<256x256xf32>
            %add3A_581 = arith.addf %get3A_580, %select_n3A_577 : vector<256x256xf32>
            %swap3A_582 = arith.constant 0 : index
            %swap3A_583 = arith.constant 512 : index
            %swap3A_584 = vector.load %arg7[%swap3A_582, %swap3A_583] : memref<256x4096xf32, #tpu.memory_space<vmem>>, vector<256x256xf32>
            tpu.vector_store %arg7[%swap3A_582, %swap3A_583], %add3A_581 {strides = array<i32>} : memref<256x4096xf32, #tpu.memory_space<vmem>>, vector<256x256xf32>,
            %le3A_585 = arith.constant 3 : i32
            %le3A_586 = vector.broadcast %le3A_585 : i32 to vector<256x256xi32>
            %le3A_587 = arith.cmpi sle, %add3A_288, %le3A_586 : vector<256x256xi32>
            %jit3A_588 = arith.constant 1.000000e+00 : f32
            %jit3A_589 = arith.constant 0.000000e+00 : f32
            %broadcast_in_dim3A_590 = vector.broadcast %jit3A_588 : f32 to vector<256x256xf32>
            %broadcast_in_dim3A_591 = vector.broadcast %jit3A_589 : f32 to vector<256x256xf32>
            %select_n3A_592 = arith.select %le3A_587, %broadcast_in_dim3A_590, %broadcast_in_dim3A_591 : vector<256x256xi1>, vector<256x256xf32>
            %get3A_593 = arith.constant 0 : index
            %get3A_594 = arith.constant 768 : index
            %get3A_595 = vector.load %arg7[%get3A_593, %get3A_594] : memref<256x4096xf32, #tpu.memory_space<vmem>>, vector<256x256xf32>
            %add3A_596 = arith.addf %get3A_595, %select_n3A_592 : vector<256x256xf32>
            %swap3A_597 = arith.constant 0 : index
            %swap3A_598 = arith.constant 768 : index
            %swap3A_599 = vector.load %arg7[%swap3A_597, %swap3A_598] : memref<256x4096xf32, #tpu.memory_space<vmem>>, vector<256x256xf32>
            tpu.vector_store %arg7[%swap3A_597, %swap3A_598], %add3A_596 {strides = array<i32>} : memref<256x4096xf32, #tpu.memory_space<vmem>>, vector<256x256xf32>,
            %le3A_600 = arith.constant 4 : i32
            %le3A_601 = vector.broadcast %le3A_600 : i32 to vector<256x256xi32>
            %le3A_602 = arith.cmpi sle, %add3A_288, %le3A_601 : vector<256x256xi32>
            %jit3A_603 = arith.constant 1.000000e+00 : f32
            %jit3A_604 = arith.constant 0.000000e+00 : f32
            %broadcast_in_dim3A_605 = vector.broadcast %jit3A_603 : f32 to vector<256x256xf32>
            %broadcast_in_dim3A_606 = vector.broadcast %jit3A_604 : f32 to vector<256x256xf32>
            %select_n3A_607 = arith.select %le3A_602, %broadcast_in_dim3A_605, %broadcast_in_dim3A_606 : vector<256x256xi1>, vector<256x256xf32>
            %get3A_608 = arith.constant 0 : index
            %get3A_609 = arith.constant 1024 : index
            %get3A_610 = vector.load %arg7[%get3A_608, %get3A_609] : memref<256x4096xf32, #tpu.memory_space<vmem>>, vector<256x256xf32>
            %add3A_611 = arith.addf %get3A_610, %select_n3A_607 : vector<256x256xf32>
            %swap3A_612 = arith.constant 0 : index
            %swap3A_613 = arith.constant 1024 : index
            %swap3A_614 = vector.load %arg7[%swap3A_612, %swap3A_613] : memref<256x4096xf32, #tpu.memory_space<vmem>>, vector<256x256xf32>
            tpu.vector_store %arg7[%swap3A_612, %swap3A_613], %add3A_611 {strides = array<i32>} : memref<256x4096xf32, #tpu.memory_space<vmem>>, vector<256x256xf32>,
            %le3A_615 = arith.constant 5 : i32
            %le3A_616 = vector.broadcast %le3A_615 : i32 to vector<256x256xi32>
            %le3A_617 = arith.cmpi sle, %add3A_288, %le3A_616 : vector<256x256xi32>
            %jit3A_618 = arith.constant 1.000000e+00 : f32
            %jit3A_619 = arith.constant 0.000000e+00 : f32
            %broadcast_in_dim3A_620 = vector.broadcast %jit3A_618 : f32 to vector<256x256xf32>
            %broadcast_in_dim3A_621 = vector.broadcast %jit3A_619 : f32 to vector<256x256xf32>
            %select_n3A_622 = arith.select %le3A_617, %broadcast_in_dim3A_620, %broadcast_in_dim3A_621 : vector<256x256xi1>, vector<256x256xf32>
            %get3A_623 = arith.constant 0 : index
            %get3A_624 = arith.constant 1280 : index
            %get3A_625 = vector.load %arg7[%get3A_623, %get3A_624] : memref<256x4096xf32, #tpu.memory_space<vmem>>, vector<256x256xf32>
            %add3A_626 = arith.addf %get3A_625, %select_n3A_622 : vector<256x256xf32>
            %swap3A_627 = arith.constant 0 : index
            %swap3A_628 = arith.constant 1280 : index
            %swap3A_629 = vector.load %arg7[%swap3A_627, %swap3A_628] : memref<256x4096xf32, #tpu.memory_space<vmem>>, vector<256x256xf32>
            tpu.vector_store %arg7[%swap3A_627, %swap3A_628], %add3A_626 {strides = array<i32>} : memref<256x4096xf32, #tpu.memory_space<vmem>>, vector<256x256xf32>,
            %le3A_630 = arith.constant 6 : i32
            %le3A_631 = vector.broadcast %le3A_630 : i32 to vector<256x256xi32>
            %le3A_632 = arith.cmpi sle, %add3A_288, %le3A_631 : vector<256x256xi32>
            %jit3A_633 = arith.constant 1.000000e+00 : f32
            %jit3A_634 = arith.constant 0.000000e+00 : f32
            %broadcast_in_dim3A_635 = vector.broadcast %jit3A_633 : f32 to vector<256x256xf32>
            %broadcast_in_dim3A_636 = vector.broadcast %jit3A_634 : f32 to vector<256x256xf32>
            %select_n3A_637 = arith.select %le3A_632, %broadcast_in_dim3A_635, %broadcast_in_dim3A_636 : vector<256x256xi1>, vector<256x256xf32>
            %get3A_638 = arith.constant 0 : index
            %get3A_639 = arith.constant 1536 : index
            %get3A_640 = vector.load %arg7[%get3A_638, %get3A_639] : memref<256x4096xf32, #tpu.memory_space<vmem>>, vector<256x256xf32>
            %add3A_641 = arith.addf %get3A_640, %select_n3A_637 : vector<256x256xf32>
            %swap3A_642 = arith.constant 0 : index
            %swap3A_643 = arith.constant 1536 : index
            %swap3A_644 = vector.load %arg7[%swap3A_642, %swap3A_643] : memref<256x4096xf32, #tpu.memory_space<vmem>>, vector<256x256xf32>
            tpu.vector_store %arg7[%swap3A_642, %swap3A_643], %add3A_641 {strides = array<i32>} : memref<256x4096xf32, #tpu.memory_space<vmem>>, vector<256x256xf32>,
            %le3A_645 = arith.constant 7 : i32
            %le3A_646 = vector.broadcast %le3A_645 : i32 to vector<256x256xi32>
            %le3A_647 = arith.cmpi sle, %add3A_288, %le3A_646 : vector<256x256xi32>
            %jit3A_648 = arith.constant 1.000000e+00 : f32
            %jit3A_649 = arith.constant 0.000000e+00 : f32
            %broadcast_in_dim3A_650 = vector.broadcast %jit3A_648 : f32 to vector<256x256xf32>
            %broadcast_in_dim3A_651 = vector.broadcast %jit3A_649 : f32 to vector<256x256xf32>
            %select_n3A_652 = arith.select %le3A_647, %broadcast_in_dim3A_650, %broadcast_in_dim3A_651 : vector<256x256xi1>, vector<256x256xf32>
            %get3A_653 = arith.constant 0 : index
            %get3A_654 = arith.constant 1792 : index
            %get3A_655 = vector.load %arg7[%get3A_653, %get3A_654] : memref<256x4096xf32, #tpu.memory_space<vmem>>, vector<256x256xf32>
            %add3A_656 = arith.addf %get3A_655, %select_n3A_652 : vector<256x256xf32>
            %swap3A_657 = arith.constant 0 : index
            %swap3A_658 = arith.constant 1792 : index
            %swap3A_659 = vector.load %arg7[%swap3A_657, %swap3A_658] : memref<256x4096xf32, #tpu.memory_space<vmem>>, vector<256x256xf32>
            tpu.vector_store %arg7[%swap3A_657, %swap3A_658], %add3A_656 {strides = array<i32>} : memref<256x4096xf32, #tpu.memory_space<vmem>>, vector<256x256xf32>,
            %le3A_660 = arith.constant 8 : i32
            %le3A_661 = vector.broadcast %le3A_660 : i32 to vector<256x256xi32>
            %le3A_662 = arith.cmpi sle, %add3A_288, %le3A_661 : vector<256x256xi32>
            %jit3A_663 = arith.constant 1.000000e+00 : f32
            %jit3A_664 = arith.constant 0.000000e+00 : f32
            %broadcast_in_dim3A_665 = vector.broadcast %jit3A_663 : f32 to vector<256x256xf32>
            %broadcast_in_dim3A_666 = vector.broadcast %jit3A_664 : f32 to vector<256x256xf32>
            %select_n3A_667 = arith.select %le3A_662, %broadcast_in_dim3A_665, %broadcast_in_dim3A_666 : vector<256x256xi1>, vector<256x256xf32>
            %get3A_668 = arith.constant 0 : index
            %get3A_669 = arith.constant 2048 : index
            %get3A_670 = vector.load %arg7[%get3A_668, %get3A_669] : memref<256x4096xf32, #tpu.memory_space<vmem>>, vector<256x256xf32>
            %add3A_671 = arith.addf %get3A_670, %select_n3A_667 : vector<256x256xf32>
            %swap3A_672 = arith.constant 0 : index
            %swap3A_673 = arith.constant 2048 : index
            %swap3A_674 = vector.load %arg7[%swap3A_672, %swap3A_673] : memref<256x4096xf32, #tpu.memory_space<vmem>>, vector<256x256xf32>
            tpu.vector_store %arg7[%swap3A_672, %swap3A_673], %add3A_671 {strides = array<i32>} : memref<256x4096xf32, #tpu.memory_space<vmem>>, vector<256x256xf32>,
            %le3A_675 = arith.constant 9 : i32
            %le3A_676 = vector.broadcast %le3A_675 : i32 to vector<256x256xi32>
            %le3A_677 = arith.cmpi sle, %add3A_288, %le3A_676 : vector<256x256xi32>
            %jit3A_678 = arith.constant 1.000000e+00 : f32
            %jit3A_679 = arith.constant 0.000000e+00 : f32
            %broadcast_in_dim3A_680 = vector.broadcast %jit3A_678 : f32 to vector<256x256xf32>
            %broadcast_in_dim3A_681 = vector.broadcast %jit3A_679 : f32 to vector<256x256xf32>
            %select_n3A_682 = arith.select %le3A_677, %broadcast_in_dim3A_680, %broadcast_in_dim3A_681 : vector<256x256xi1>, vector<256x256xf32>
            %get3A_683 = arith.constant 0 : index
            %get3A_684 = arith.constant 2304 : index
            %get3A_685 = vector.load %arg7[%get3A_683, %get3A_684] : memref<256x4096xf32, #tpu.memory_space<vmem>>, vector<256x256xf32>
            %add3A_686 = arith.addf %get3A_685, %select_n3A_682 : vector<256x256xf32>
            %swap3A_687 = arith.constant 0 : index
            %swap3A_688 = arith.constant 2304 : index
            %swap3A_689 = vector.load %arg7[%swap3A_687, %swap3A_688] : memref<256x4096xf32, #tpu.memory_space<vmem>>, vector<256x256xf32>
            tpu.vector_store %arg7[%swap3A_687, %swap3A_688], %add3A_686 {strides = array<i32>} : memref<256x4096xf32, #tpu.memory_space<vmem>>, vector<256x256xf32>,
            %le3A_690 = arith.constant 10 : i32
            %le3A_691 = vector.broadcast %le3A_690 : i32 to vector<256x256xi32>
            %le3A_692 = arith.cmpi sle, %add3A_288, %le3A_691 : vector<256x256xi32>
            %jit3A_693 = arith.constant 1.000000e+00 : f32
            %jit3A_694 = arith.constant 0.000000e+00 : f32
            %broadcast_in_dim3A_695 = vector.broadcast %jit3A_693 : f32 to vector<256x256xf32>
            %broadcast_in_dim3A_696 = vector.broadcast %jit3A_694 : f32 to vector<256x256xf32>
            %select_n3A_697 = arith.select %le3A_692, %broadcast_in_dim3A_695, %broadcast_in_dim3A_696 : vector<256x256xi1>, vector<256x256xf32>
            %get3A_698 = arith.constant 0 : index
            %get3A_699 = arith.constant 2560 : index
            %get3A_700 = vector.load %arg7[%get3A_698, %get3A_699] : memref<256x4096xf32, #tpu.memory_space<vmem>>, vector<256x256xf32>
            %add3A_701 = arith.addf %get3A_700, %select_n3A_697 : vector<256x256xf32>
            %swap3A_702 = arith.constant 0 : index
            %swap3A_703 = arith.constant 2560 : index
            %swap3A_704 = vector.load %arg7[%swap3A_702, %swap3A_703] : memref<256x4096xf32, #tpu.memory_space<vmem>>, vector<256x256xf32>
            tpu.vector_store %arg7[%swap3A_702, %swap3A_703], %add3A_701 {strides = array<i32>} : memref<256x4096xf32, #tpu.memory_space<vmem>>, vector<256x256xf32>,
            %le3A_705 = arith.constant 11 : i32
            %le3A_706 = vector.broadcast %le3A_705 : i32 to vector<256x256xi32>
            %le3A_707 = arith.cmpi sle, %add3A_288, %le3A_706 : vector<256x256xi32>
            %jit3A_708 = arith.constant 1.000000e+00 : f32
            %jit3A_709 = arith.constant 0.000000e+00 : f32
            %broadcast_in_dim3A_710 = vector.broadcast %jit3A_708 : f32 to vector<256x256xf32>
            %broadcast_in_dim3A_711 = vector.broadcast %jit3A_709 : f32 to vector<256x256xf32>
            %select_n3A_712 = arith.select %le3A_707, %broadcast_in_dim3A_710, %broadcast_in_dim3A_711 : vector<256x256xi1>, vector<256x256xf32>
            %get3A_713 = arith.constant 0 : index
            %get3A_714 = arith.constant 2816 : index
            %get3A_715 = vector.load %arg7[%get3A_713, %get3A_714] : memref<256x4096xf32, #tpu.memory_space<vmem>>, vector<256x256xf32>
            %add3A_716 = arith.addf %get3A_715, %select_n3A_712 : vector<256x256xf32>
            %swap3A_717 = arith.constant 0 : index
            %swap3A_718 = arith.constant 2816 : index
            %swap3A_719 = vector.load %arg7[%swap3A_717, %swap3A_718] : memref<256x4096xf32, #tpu.memory_space<vmem>>, vector<256x256xf32>
            tpu.vector_store %arg7[%swap3A_717, %swap3A_718], %add3A_716 {strides = array<i32>} : memref<256x4096xf32, #tpu.memory_space<vmem>>, vector<256x256xf32>,
            %le3A_720 = arith.constant 12 : i32
            %le3A_721 = vector.broadcast %le3A_720 : i32 to vector<256x256xi32>
            %le3A_722 = arith.cmpi sle, %add3A_288, %le3A_721 : vector<256x256xi32>
            %jit3A_723 = arith.constant 1.000000e+00 : f32
            %jit3A_724 = arith.constant 0.000000e+00 : f32
            %broadcast_in_dim3A_725 = vector.broadcast %jit3A_723 : f32 to vector<256x256xf32>
            %broadcast_in_dim3A_726 = vector.broadcast %jit3A_724 : f32 to vector<256x256xf32>
            %select_n3A_727 = arith.select %le3A_722, %broadcast_in_dim3A_725, %broadcast_in_dim3A_726 : vector<256x256xi1>, vector<256x256xf32>
            %get3A_728 = arith.constant 0 : index
            %get3A_729 = arith.constant 3072 : index
            %get3A_730 = vector.load %arg7[%get3A_728, %get3A_729] : memref<256x4096xf32, #tpu.memory_space<vmem>>, vector<256x256xf32>
            %add3A_731 = arith.addf %get3A_730, %select_n3A_727 : vector<256x256xf32>
            %swap3A_732 = arith.constant 0 : index
            %swap3A_733 = arith.constant 3072 : index
            %swap3A_734 = vector.load %arg7[%swap3A_732, %swap3A_733] : memref<256x4096xf32, #tpu.memory_space<vmem>>, vector<256x256xf32>
            tpu.vector_store %arg7[%swap3A_732, %swap3A_733], %add3A_731 {strides = array<i32>} : memref<256x4096xf32, #tpu.memory_space<vmem>>, vector<256x256xf32>,
            %le3A_735 = arith.constant 13 : i32
            %le3A_736 = vector.broadcast %le3A_735 : i32 to vector<256x256xi32>
            %le3A_737 = arith.cmpi sle, %add3A_288, %le3A_736 : vector<256x256xi32>
            %jit3A_738 = arith.constant 1.000000e+00 : f32
            %jit3A_739 = arith.constant 0.000000e+00 : f32
            %broadcast_in_dim3A_740 = vector.broadcast %jit3A_738 : f32 to vector<256x256xf32>
            %broadcast_in_dim3A_741 = vector.broadcast %jit3A_739 : f32 to vector<256x256xf32>
            %select_n3A_742 = arith.select %le3A_737, %broadcast_in_dim3A_740, %broadcast_in_dim3A_741 : vector<256x256xi1>, vector<256x256xf32>
            %get3A_743 = arith.constant 0 : index
            %get3A_744 = arith.constant 3328 : index
            %get3A_745 = vector.load %arg7[%get3A_743, %get3A_744] : memref<256x4096xf32, #tpu.memory_space<vmem>>, vector<256x256xf32>
            %add3A_746 = arith.addf %get3A_745, %select_n3A_742 : vector<256x256xf32>
            %swap3A_747 = arith.constant 0 : index
            %swap3A_748 = arith.constant 3328 : index
            %swap3A_749 = vector.load %arg7[%swap3A_747, %swap3A_748] : memref<256x4096xf32, #tpu.memory_space<vmem>>, vector<256x256xf32>
            tpu.vector_store %arg7[%swap3A_747, %swap3A_748], %add3A_746 {strides = array<i32>} : memref<256x4096xf32, #tpu.memory_space<vmem>>, vector<256x256xf32>,
            %le3A_750 = arith.constant 14 : i32
            %le3A_751 = vector.broadcast %le3A_750 : i32 to vector<256x256xi32>
            %le3A_752 = arith.cmpi sle, %add3A_288, %le3A_751 : vector<256x256xi32>
            %jit3A_753 = arith.constant 1.000000e+00 : f32
            %jit3A_754 = arith.constant 0.000000e+00 : f32
            %broadcast_in_dim3A_755 = vector.broadcast %jit3A_753 : f32 to vector<256x256xf32>
            %broadcast_in_dim3A_756 = vector.broadcast %jit3A_754 : f32 to vector<256x256xf32>
            %select_n3A_757 = arith.select %le3A_752, %broadcast_in_dim3A_755, %broadcast_in_dim3A_756 : vector<256x256xi1>, vector<256x256xf32>
            %get3A_758 = arith.constant 0 : index
            %get3A_759 = arith.constant 3584 : index
            %get3A_760 = vector.load %arg7[%get3A_758, %get3A_759] : memref<256x4096xf32, #tpu.memory_space<vmem>>, vector<256x256xf32>
            %add3A_761 = arith.addf %get3A_760, %select_n3A_757 : vector<256x256xf32>
            %swap3A_762 = arith.constant 0 : index
            %swap3A_763 = arith.constant 3584 : index
            %swap3A_764 = vector.load %arg7[%swap3A_762, %swap3A_763] : memref<256x4096xf32, #tpu.memory_space<vmem>>, vector<256x256xf32>
            tpu.vector_store %arg7[%swap3A_762, %swap3A_763], %add3A_761 {strides = array<i32>} : memref<256x4096xf32, #tpu.memory_space<vmem>>, vector<256x256xf32>,
            %le3A_765 = arith.constant 15 : i32
            %le3A_766 = vector.broadcast %le3A_765 : i32 to vector<256x256xi32>
            %le3A_767 = arith.cmpi sle, %add3A_288, %le3A_766 : vector<256x256xi32>
            %jit3A_768 = arith.constant 1.000000e+00 : f32
            %jit3A_769 = arith.constant 0.000000e+00 : f32
            %broadcast_in_dim3A_770 = vector.broadcast %jit3A_768 : f32 to vector<256x256xf32>
            %broadcast_in_dim3A_771 = vector.broadcast %jit3A_769 : f32 to vector<256x256xf32>
            %select_n3A_772 = arith.select %le3A_767, %broadcast_in_dim3A_770, %broadcast_in_dim3A_771 : vector<256x256xi1>, vector<256x256xf32>
            %get3A_773 = arith.constant 0 : index
            %get3A_774 = arith.constant 3840 : index
            %get3A_775 = vector.load %arg7[%get3A_773, %get3A_774] : memref<256x4096xf32, #tpu.memory_space<vmem>>, vector<256x256xf32>
            %add3A_776 = arith.addf %get3A_775, %select_n3A_772 : vector<256x256xf32>
            %swap3A_777 = arith.constant 0 : index
            %swap3A_778 = arith.constant 3840 : index
            %swap3A_779 = vector.load %arg7[%swap3A_777, %swap3A_778] : memref<256x4096xf32, #tpu.memory_space<vmem>>, vector<256x256xf32>
            tpu.vector_store %arg7[%swap3A_777, %swap3A_778], %add3A_776 {strides = array<i32>} : memref<256x4096xf32, #tpu.memory_space<vmem>>, vector<256x256xf32>,
          } else {
          }
          %slice3A_538 = vector.extract_strided_slice %add3A_252 {offsets = [0, 255], sizes = [256, 1], strides = [1, 1]} : vector<256x256xi32> to vector<256x1xi32>
          %slice3A_539 = vector.extract_strided_slice %add3A_288 {offsets = [0, 255], sizes = [256, 1], strides = [1, 1]} : vector<256x256xi32> to vector<256x1xi32>
          scf.yield %slice3A_538, %slice3A_539 : vector<256x1xi32>, vector<256x1xi32>
        } else {
          scf.yield %cond3A_128#0, %cond3A_128#1 : vector<256x1xi32>, vector<256x1xi32>
        }
        %reduce_min3A_140 = vector.shape_cast %cond3A_139#0 : vector<256x1xi32> to vector<1x256x1xi32>
        %reduce_min3A_141 = arith.constant dense<2147483647> : vector<1xi32>
        %reduce_min3A_142 = vector.multi_reduction <minsi>, %reduce_min3A_140, %reduce_min3A_141 [1, 2] : vector<1x256x1xi32> to vector<1xi32>
        %reduce_min3A_143 = vector.shape_cast %reduce_min3A_142 : vector<1xi32> to vector<1x1x1xi32>
        %reduce_min3A_144 = vector.extract %reduce_min3A_143[0, 0, 0] : i32 from vector<1x1x1xi32>
        %lt3A_145 = arith.constant 16 : i32
        %lt3A_146 = arith.cmpi slt, %reduce_min3A_144, %lt3A_145 : i32
        %convert_element_type3A_147 = arith.extui %lt3A_146 : i1 to i32
        %cond3A_148 = arith.constant 0 : i32
        %cond3A_149 = arith.cmpi ne, %convert_element_type3A_147, %cond3A_148 : i32
        %cond3A_150:2 = scf.if %cond3A_149 -> (vector<256x1xi32>, vector<256x1xi32>) {
          %slice3A = vector.extract_strided_slice %get3A_106 {offsets = [0, 768], sizes = [1, 256], strides = [1, 1]} : vector<4x2048xf32> to vector<1x256xf32>
          %sub3A_195 = vector.broadcast %get3A_1 : vector<256x1xf32> to vector<256x256xf32>
          %sub3A_196 = vector.broadcast %slice3A : vector<1x256xf32> to vector<256x256xf32>
          %sub3A_197 = arith.subf %sub3A_195, %sub3A_196 : vector<256x256xf32>
          %slice3A_198 = vector.extract_strided_slice %get3A_106 {offsets = [1, 768], sizes = [1, 256], strides = [1, 1]} : vector<4x2048xf32> to vector<1x256xf32>
          %sub3A_199 = vector.broadcast %get3A_4 : vector<256x1xf32> to vector<256x256xf32>
          %sub3A_200 = vector.broadcast %slice3A_198 : vector<1x256xf32> to vector<256x256xf32>
          %sub3A_201 = arith.subf %sub3A_199, %sub3A_200 : vector<256x256xf32>
          %slice3A_202 = vector.extract_strided_slice %get3A_106 {offsets = [2, 768], sizes = [1, 256], strides = [1, 1]} : vector<4x2048xf32> to vector<1x256xf32>
          %sub3A_203 = vector.broadcast %get3A_7 : vector<256x1xf32> to vector<256x256xf32>
          %sub3A_204 = vector.broadcast %slice3A_202 : vector<1x256xf32> to vector<256x256xf32>
          %sub3A_205 = arith.subf %sub3A_203, %sub3A_204 : vector<256x256xf32>
          %mul3A = arith.mulf %sub3A_197, %sub3A_197 : vector<256x256xf32>
          %mul3A_206 = arith.mulf %sub3A_201, %sub3A_201 : vector<256x256xf32>
          %add3A = arith.addf %mul3A, %mul3A_206 : vector<256x256xf32>
          %mul3A_207 = arith.mulf %sub3A_205, %sub3A_205 : vector<256x256xf32>
          %add3A_208 = arith.addf %add3A, %mul3A_207 : vector<256x256xf32>
          %lt3A_209 = arith.constant 1.600000e-01 : f32
          %lt3A_210 = vector.broadcast %lt3A_209 : f32 to vector<256x256xf32>
          %lt3A_211 = arith.cmpf olt, %add3A_208, %lt3A_210 : vector<256x256xf32>
          %convert_element_type3A_212 = arith.extui %lt3A_211 : vector<256x256xi1> to vector<256x256xi32>
          %lt3A_213 = arith.constant 6.400000e-01 : f32
          %lt3A_214 = vector.broadcast %lt3A_213 : f32 to vector<256x256xf32>
          %lt3A_215 = arith.cmpf olt, %add3A_208, %lt3A_214 : vector<256x256xf32>
          %convert_element_type3A_216 = arith.extui %lt3A_215 : vector<256x256xi1> to vector<256x256xi32>
          %broadcast_in_dim3A_217 = arith.constant 0 : i32
          %broadcast_in_dim3A_218 = vector.broadcast %broadcast_in_dim3A_217 : i32 to vector<256x256xi32>
          %slice3A_219 = vector.extract_strided_slice %broadcast_in_dim3A_218 {offsets = [0, 0], sizes = [256, 1], strides = [1, 1]} : vector<256x256xi32> to vector<256x1xi32>
          %slice3A_220 = vector.extract_strided_slice %convert_element_type3A_212 {offsets = [0, 0], sizes = [256, 255], strides = [1, 1]} : vector<256x256xi32> to vector<256x255xi32>
          %concatenate3A_221 = tpu.concatenate %slice3A_219, %slice3A_220 in 1 : vector<256x1xi32>, vector<256x255xi32> -> vector<256x256xi32>
          %add3A_222 = arith.addi %convert_element_type3A_212, %concatenate3A_221 : vector<256x256xi32>
          %slice3A_223 = vector.extract_strided_slice %broadcast_in_dim3A_218 {offsets = [0, 0], sizes = [256, 2], strides = [1, 1]} : vector<256x256xi32> to vector<256x2xi32>
          %slice3A_224 = vector.extract_strided_slice %add3A_222 {offsets = [0, 0], sizes = [256, 254], strides = [1, 1]} : vector<256x256xi32> to vector<256x254xi32>
          %concatenate3A_225 = tpu.concatenate %slice3A_223, %slice3A_224 in 1 : vector<256x2xi32>, vector<256x254xi32> -> vector<256x256xi32>
          %add3A_226 = arith.addi %add3A_222, %concatenate3A_225 : vector<256x256xi32>
          %slice3A_227 = vector.extract_strided_slice %broadcast_in_dim3A_218 {offsets = [0, 0], sizes = [256, 4], strides = [1, 1]} : vector<256x256xi32> to vector<256x4xi32>
          %slice3A_228 = vector.extract_strided_slice %add3A_226 {offsets = [0, 0], sizes = [256, 252], strides = [1, 1]} : vector<256x256xi32> to vector<256x252xi32>
          %concatenate3A_229 = tpu.concatenate %slice3A_227, %slice3A_228 in 1 : vector<256x4xi32>, vector<256x252xi32> -> vector<256x256xi32>
          %add3A_230 = arith.addi %add3A_226, %concatenate3A_229 : vector<256x256xi32>
          %slice3A_231 = vector.extract_strided_slice %broadcast_in_dim3A_218 {offsets = [0, 0], sizes = [256, 8], strides = [1, 1]} : vector<256x256xi32> to vector<256x8xi32>
          %slice3A_232 = vector.extract_strided_slice %add3A_230 {offsets = [0, 0], sizes = [256, 248], strides = [1, 1]} : vector<256x256xi32> to vector<256x248xi32>
          %concatenate3A_233 = tpu.concatenate %slice3A_231, %slice3A_232 in 1 : vector<256x8xi32>, vector<256x248xi32> -> vector<256x256xi32>
          %add3A_234 = arith.addi %add3A_230, %concatenate3A_233 : vector<256x256xi32>
          %slice3A_235 = vector.extract_strided_slice %broadcast_in_dim3A_218 {offsets = [0, 0], sizes = [256, 16], strides = [1, 1]} : vector<256x256xi32> to vector<256x16xi32>
          %slice3A_236 = vector.extract_strided_slice %add3A_234 {offsets = [0, 0], sizes = [256, 240], strides = [1, 1]} : vector<256x256xi32> to vector<256x240xi32>
          %concatenate3A_237 = tpu.concatenate %slice3A_235, %slice3A_236 in 1 : vector<256x16xi32>, vector<256x240xi32> -> vector<256x256xi32>
          %add3A_238 = arith.addi %add3A_234, %concatenate3A_237 : vector<256x256xi32>
          %slice3A_239 = vector.extract_strided_slice %broadcast_in_dim3A_218 {offsets = [0, 0], sizes = [256, 32], strides = [1, 1]} : vector<256x256xi32> to vector<256x32xi32>
          %slice3A_240 = vector.extract_strided_slice %add3A_238 {offsets = [0, 0], sizes = [256, 224], strides = [1, 1]} : vector<256x256xi32> to vector<256x224xi32>
          %concatenate3A_241 = tpu.concatenate %slice3A_239, %slice3A_240 in 1 : vector<256x32xi32>, vector<256x224xi32> -> vector<256x256xi32>
          %add3A_242 = arith.addi %add3A_238, %concatenate3A_241 : vector<256x256xi32>
          %slice3A_243 = vector.extract_strided_slice %broadcast_in_dim3A_218 {offsets = [0, 0], sizes = [256, 64], strides = [1, 1]} : vector<256x256xi32> to vector<256x64xi32>
          %slice3A_244 = vector.extract_strided_slice %add3A_242 {offsets = [0, 0], sizes = [256, 192], strides = [1, 1]} : vector<256x256xi32> to vector<256x192xi32>
          %concatenate3A_245 = tpu.concatenate %slice3A_243, %slice3A_244 in 1 : vector<256x64xi32>, vector<256x192xi32> -> vector<256x256xi32>
          %add3A_246 = arith.addi %add3A_242, %concatenate3A_245 : vector<256x256xi32>
          %slice3A_247 = vector.extract_strided_slice %broadcast_in_dim3A_218 {offsets = [0, 0], sizes = [256, 128], strides = [1, 1]} : vector<256x256xi32> to vector<256x128xi32>
          %slice3A_248 = vector.extract_strided_slice %add3A_246 {offsets = [0, 0], sizes = [256, 128], strides = [1, 1]} : vector<256x256xi32> to vector<256x128xi32>
          %concatenate3A_249 = tpu.concatenate %slice3A_247, %slice3A_248 in 1 : vector<256x128xi32>, vector<256x128xi32> -> vector<256x256xi32>
          %add3A_250 = arith.addi %add3A_246, %concatenate3A_249 : vector<256x256xi32>
          %add3A_251 = vector.broadcast %cond3A_139#0 : vector<256x1xi32> to vector<256x256xi32>
          %add3A_252 = arith.addi %add3A_251, %add3A_250 : vector<256x256xi32>
          %broadcast_in_dim3A_253 = arith.constant 0 : i32
          %broadcast_in_dim3A_254 = vector.broadcast %broadcast_in_dim3A_253 : i32 to vector<256x256xi32>
          %slice3A_255 = vector.extract_strided_slice %broadcast_in_dim3A_254 {offsets = [0, 0], sizes = [256, 1], strides = [1, 1]} : vector<256x256xi32> to vector<256x1xi32>
          %slice3A_256 = vector.extract_strided_slice %convert_element_type3A_216 {offsets = [0, 0], sizes = [256, 255], strides = [1, 1]} : vector<256x256xi32> to vector<256x255xi32>
          %concatenate3A_257 = tpu.concatenate %slice3A_255, %slice3A_256 in 1 : vector<256x1xi32>, vector<256x255xi32> -> vector<256x256xi32>
          %add3A_258 = arith.addi %convert_element_type3A_216, %concatenate3A_257 : vector<256x256xi32>
          %slice3A_259 = vector.extract_strided_slice %broadcast_in_dim3A_254 {offsets = [0, 0], sizes = [256, 2], strides = [1, 1]} : vector<256x256xi32> to vector<256x2xi32>
          %slice3A_260 = vector.extract_strided_slice %add3A_258 {offsets = [0, 0], sizes = [256, 254], strides = [1, 1]} : vector<256x256xi32> to vector<256x254xi32>
          %concatenate3A_261 = tpu.concatenate %slice3A_259, %slice3A_260 in 1 : vector<256x2xi32>, vector<256x254xi32> -> vector<256x256xi32>
          %add3A_262 = arith.addi %add3A_258, %concatenate3A_261 : vector<256x256xi32>
          %slice3A_263 = vector.extract_strided_slice %broadcast_in_dim3A_254 {offsets = [0, 0], sizes = [256, 4], strides = [1, 1]} : vector<256x256xi32> to vector<256x4xi32>
          %slice3A_264 = vector.extract_strided_slice %add3A_262 {offsets = [0, 0], sizes = [256, 252], strides = [1, 1]} : vector<256x256xi32> to vector<256x252xi32>
          %concatenate3A_265 = tpu.concatenate %slice3A_263, %slice3A_264 in 1 : vector<256x4xi32>, vector<256x252xi32> -> vector<256x256xi32>
          %add3A_266 = arith.addi %add3A_262, %concatenate3A_265 : vector<256x256xi32>
          %slice3A_267 = vector.extract_strided_slice %broadcast_in_dim3A_254 {offsets = [0, 0], sizes = [256, 8], strides = [1, 1]} : vector<256x256xi32> to vector<256x8xi32>
          %slice3A_268 = vector.extract_strided_slice %add3A_266 {offsets = [0, 0], sizes = [256, 248], strides = [1, 1]} : vector<256x256xi32> to vector<256x248xi32>
          %concatenate3A_269 = tpu.concatenate %slice3A_267, %slice3A_268 in 1 : vector<256x8xi32>, vector<256x248xi32> -> vector<256x256xi32>
          %add3A_270 = arith.addi %add3A_266, %concatenate3A_269 : vector<256x256xi32>
          %slice3A_271 = vector.extract_strided_slice %broadcast_in_dim3A_254 {offsets = [0, 0], sizes = [256, 16], strides = [1, 1]} : vector<256x256xi32> to vector<256x16xi32>
          %slice3A_272 = vector.extract_strided_slice %add3A_270 {offsets = [0, 0], sizes = [256, 240], strides = [1, 1]} : vector<256x256xi32> to vector<256x240xi32>
          %concatenate3A_273 = tpu.concatenate %slice3A_271, %slice3A_272 in 1 : vector<256x16xi32>, vector<256x240xi32> -> vector<256x256xi32>
          %add3A_274 = arith.addi %add3A_270, %concatenate3A_273 : vector<256x256xi32>
          %slice3A_275 = vector.extract_strided_slice %broadcast_in_dim3A_254 {offsets = [0, 0], sizes = [256, 32], strides = [1, 1]} : vector<256x256xi32> to vector<256x32xi32>
          %slice3A_276 = vector.extract_strided_slice %add3A_274 {offsets = [0, 0], sizes = [256, 224], strides = [1, 1]} : vector<256x256xi32> to vector<256x224xi32>
          %concatenate3A_277 = tpu.concatenate %slice3A_275, %slice3A_276 in 1 : vector<256x32xi32>, vector<256x224xi32> -> vector<256x256xi32>
          %add3A_278 = arith.addi %add3A_274, %concatenate3A_277 : vector<256x256xi32>
          %slice3A_279 = vector.extract_strided_slice %broadcast_in_dim3A_254 {offsets = [0, 0], sizes = [256, 64], strides = [1, 1]} : vector<256x256xi32> to vector<256x64xi32>
          %slice3A_280 = vector.extract_strided_slice %add3A_278 {offsets = [0, 0], sizes = [256, 192], strides = [1, 1]} : vector<256x256xi32> to vector<256x192xi32>
          %concatenate3A_281 = tpu.concatenate %slice3A_279, %slice3A_280 in 1 : vector<256x64xi32>, vector<256x192xi32> -> vector<256x256xi32>
          %add3A_282 = arith.addi %add3A_278, %concatenate3A_281 : vector<256x256xi32>
          %slice3A_283 = vector.extract_strided_slice %broadcast_in_dim3A_254 {offsets = [0, 0], sizes = [256, 128], strides = [1, 1]} : vector<256x256xi32> to vector<256x128xi32>
          %slice3A_284 = vector.extract_strided_slice %add3A_282 {offsets = [0, 0], sizes = [256, 128], strides = [1, 1]} : vector<256x256xi32> to vector<256x128xi32>
          %concatenate3A_285 = tpu.concatenate %slice3A_283, %slice3A_284 in 1 : vector<256x128xi32>, vector<256x128xi32> -> vector<256x256xi32>
          %add3A_286 = arith.addi %add3A_282, %concatenate3A_285 : vector<256x256xi32>
          %add3A_287 = vector.broadcast %cond3A_139#1 : vector<256x1xi32> to vector<256x256xi32>
          %add3A_288 = arith.addi %add3A_287, %add3A_286 : vector<256x256xi32>
          %le3A = arith.constant 0 : i32
          %le3A_289 = vector.broadcast %le3A : i32 to vector<256x256xi32>
          %le3A_290 = arith.cmpi sle, %add3A_252, %le3A_289 : vector<256x256xi32>
          %jit3A_291 = arith.constant 1.000000e+00 : f32
          %jit3A_292 = arith.constant 0.000000e+00 : f32
          %broadcast_in_dim3A_293 = vector.broadcast %jit3A_291 : f32 to vector<256x256xf32>
          %broadcast_in_dim3A_294 = vector.broadcast %jit3A_292 : f32 to vector<256x256xf32>
          %select_n3A_295 = arith.select %le3A_290, %broadcast_in_dim3A_293, %broadcast_in_dim3A_294 : vector<256x256xi1>, vector<256x256xf32>
          %get3A_296 = arith.constant 0 : index
          %get3A_297 = arith.constant 0 : index
          %get3A_298 = vector.load %arg6[%get3A_296, %get3A_297] : memref<256x4096xf32, #tpu.memory_space<vmem>>, vector<256x256xf32>
          %add3A_299 = arith.addf %get3A_298, %select_n3A_295 : vector<256x256xf32>
          %swap3A_300 = arith.constant 0 : index
          %swap3A_301 = arith.constant 0 : index
          %swap3A_302 = vector.load %arg6[%swap3A_300, %swap3A_301] : memref<256x4096xf32, #tpu.memory_space<vmem>>, vector<256x256xf32>
          tpu.vector_store %arg6[%swap3A_300, %swap3A_301], %add3A_299 {strides = array<i32>} : memref<256x4096xf32, #tpu.memory_space<vmem>>, vector<256x256xf32>,
          %le3A_303 = arith.constant 1 : i32
          %le3A_304 = vector.broadcast %le3A_303 : i32 to vector<256x256xi32>
          %le3A_305 = arith.cmpi sle, %add3A_252, %le3A_304 : vector<256x256xi32>
          %jit3A_306 = arith.constant 1.000000e+00 : f32
          %jit3A_307 = arith.constant 0.000000e+00 : f32
          %broadcast_in_dim3A_308 = vector.broadcast %jit3A_306 : f32 to vector<256x256xf32>
          %broadcast_in_dim3A_309 = vector.broadcast %jit3A_307 : f32 to vector<256x256xf32>
          %select_n3A_310 = arith.select %le3A_305, %broadcast_in_dim3A_308, %broadcast_in_dim3A_309 : vector<256x256xi1>, vector<256x256xf32>
          %get3A_311 = arith.constant 0 : index
          %get3A_312 = arith.constant 256 : index
          %get3A_313 = vector.load %arg6[%get3A_311, %get3A_312] : memref<256x4096xf32, #tpu.memory_space<vmem>>, vector<256x256xf32>
          %add3A_314 = arith.addf %get3A_313, %select_n3A_310 : vector<256x256xf32>
          %swap3A_315 = arith.constant 0 : index
          %swap3A_316 = arith.constant 256 : index
          %swap3A_317 = vector.load %arg6[%swap3A_315, %swap3A_316] : memref<256x4096xf32, #tpu.memory_space<vmem>>, vector<256x256xf32>
          tpu.vector_store %arg6[%swap3A_315, %swap3A_316], %add3A_314 {strides = array<i32>} : memref<256x4096xf32, #tpu.memory_space<vmem>>, vector<256x256xf32>,
          %le3A_318 = arith.constant 2 : i32
          %le3A_319 = vector.broadcast %le3A_318 : i32 to vector<256x256xi32>
          %le3A_320 = arith.cmpi sle, %add3A_252, %le3A_319 : vector<256x256xi32>
          %jit3A_321 = arith.constant 1.000000e+00 : f32
          %jit3A_322 = arith.constant 0.000000e+00 : f32
          %broadcast_in_dim3A_323 = vector.broadcast %jit3A_321 : f32 to vector<256x256xf32>
          %broadcast_in_dim3A_324 = vector.broadcast %jit3A_322 : f32 to vector<256x256xf32>
          %select_n3A_325 = arith.select %le3A_320, %broadcast_in_dim3A_323, %broadcast_in_dim3A_324 : vector<256x256xi1>, vector<256x256xf32>
          %get3A_326 = arith.constant 0 : index
          %get3A_327 = arith.constant 512 : index
          %get3A_328 = vector.load %arg6[%get3A_326, %get3A_327] : memref<256x4096xf32, #tpu.memory_space<vmem>>, vector<256x256xf32>
          %add3A_329 = arith.addf %get3A_328, %select_n3A_325 : vector<256x256xf32>
          %swap3A_330 = arith.constant 0 : index
          %swap3A_331 = arith.constant 512 : index
          %swap3A_332 = vector.load %arg6[%swap3A_330, %swap3A_331] : memref<256x4096xf32, #tpu.memory_space<vmem>>, vector<256x256xf32>
          tpu.vector_store %arg6[%swap3A_330, %swap3A_331], %add3A_329 {strides = array<i32>} : memref<256x4096xf32, #tpu.memory_space<vmem>>, vector<256x256xf32>,
          %le3A_333 = arith.constant 3 : i32
          %le3A_334 = vector.broadcast %le3A_333 : i32 to vector<256x256xi32>
          %le3A_335 = arith.cmpi sle, %add3A_252, %le3A_334 : vector<256x256xi32>
          %jit3A_336 = arith.constant 1.000000e+00 : f32
          %jit3A_337 = arith.constant 0.000000e+00 : f32
          %broadcast_in_dim3A_338 = vector.broadcast %jit3A_336 : f32 to vector<256x256xf32>
          %broadcast_in_dim3A_339 = vector.broadcast %jit3A_337 : f32 to vector<256x256xf32>
          %select_n3A_340 = arith.select %le3A_335, %broadcast_in_dim3A_338, %broadcast_in_dim3A_339 : vector<256x256xi1>, vector<256x256xf32>
          %get3A_341 = arith.constant 0 : index
          %get3A_342 = arith.constant 768 : index
          %get3A_343 = vector.load %arg6[%get3A_341, %get3A_342] : memref<256x4096xf32, #tpu.memory_space<vmem>>, vector<256x256xf32>
          %add3A_344 = arith.addf %get3A_343, %select_n3A_340 : vector<256x256xf32>
          %swap3A_345 = arith.constant 0 : index
          %swap3A_346 = arith.constant 768 : index
          %swap3A_347 = vector.load %arg6[%swap3A_345, %swap3A_346] : memref<256x4096xf32, #tpu.memory_space<vmem>>, vector<256x256xf32>
          tpu.vector_store %arg6[%swap3A_345, %swap3A_346], %add3A_344 {strides = array<i32>} : memref<256x4096xf32, #tpu.memory_space<vmem>>, vector<256x256xf32>,
          %le3A_348 = arith.constant 4 : i32
          %le3A_349 = vector.broadcast %le3A_348 : i32 to vector<256x256xi32>
          %le3A_350 = arith.cmpi sle, %add3A_252, %le3A_349 : vector<256x256xi32>
          %jit3A_351 = arith.constant 1.000000e+00 : f32
          %jit3A_352 = arith.constant 0.000000e+00 : f32
          %broadcast_in_dim3A_353 = vector.broadcast %jit3A_351 : f32 to vector<256x256xf32>
          %broadcast_in_dim3A_354 = vector.broadcast %jit3A_352 : f32 to vector<256x256xf32>
          %select_n3A_355 = arith.select %le3A_350, %broadcast_in_dim3A_353, %broadcast_in_dim3A_354 : vector<256x256xi1>, vector<256x256xf32>
          %get3A_356 = arith.constant 0 : index
          %get3A_357 = arith.constant 1024 : index
          %get3A_358 = vector.load %arg6[%get3A_356, %get3A_357] : memref<256x4096xf32, #tpu.memory_space<vmem>>, vector<256x256xf32>
          %add3A_359 = arith.addf %get3A_358, %select_n3A_355 : vector<256x256xf32>
          %swap3A_360 = arith.constant 0 : index
          %swap3A_361 = arith.constant 1024 : index
          %swap3A_362 = vector.load %arg6[%swap3A_360, %swap3A_361] : memref<256x4096xf32, #tpu.memory_space<vmem>>, vector<256x256xf32>
          tpu.vector_store %arg6[%swap3A_360, %swap3A_361], %add3A_359 {strides = array<i32>} : memref<256x4096xf32, #tpu.memory_space<vmem>>, vector<256x256xf32>,
          %le3A_363 = arith.constant 5 : i32
          %le3A_364 = vector.broadcast %le3A_363 : i32 to vector<256x256xi32>
          %le3A_365 = arith.cmpi sle, %add3A_252, %le3A_364 : vector<256x256xi32>
          %jit3A_366 = arith.constant 1.000000e+00 : f32
          %jit3A_367 = arith.constant 0.000000e+00 : f32
          %broadcast_in_dim3A_368 = vector.broadcast %jit3A_366 : f32 to vector<256x256xf32>
          %broadcast_in_dim3A_369 = vector.broadcast %jit3A_367 : f32 to vector<256x256xf32>
          %select_n3A_370 = arith.select %le3A_365, %broadcast_in_dim3A_368, %broadcast_in_dim3A_369 : vector<256x256xi1>, vector<256x256xf32>
          %get3A_371 = arith.constant 0 : index
          %get3A_372 = arith.constant 1280 : index
          %get3A_373 = vector.load %arg6[%get3A_371, %get3A_372] : memref<256x4096xf32, #tpu.memory_space<vmem>>, vector<256x256xf32>
          %add3A_374 = arith.addf %get3A_373, %select_n3A_370 : vector<256x256xf32>
          %swap3A_375 = arith.constant 0 : index
          %swap3A_376 = arith.constant 1280 : index
          %swap3A_377 = vector.load %arg6[%swap3A_375, %swap3A_376] : memref<256x4096xf32, #tpu.memory_space<vmem>>, vector<256x256xf32>
          tpu.vector_store %arg6[%swap3A_375, %swap3A_376], %add3A_374 {strides = array<i32>} : memref<256x4096xf32, #tpu.memory_space<vmem>>, vector<256x256xf32>,
          %le3A_378 = arith.constant 6 : i32
          %le3A_379 = vector.broadcast %le3A_378 : i32 to vector<256x256xi32>
          %le3A_380 = arith.cmpi sle, %add3A_252, %le3A_379 : vector<256x256xi32>
          %jit3A_381 = arith.constant 1.000000e+00 : f32
          %jit3A_382 = arith.constant 0.000000e+00 : f32
          %broadcast_in_dim3A_383 = vector.broadcast %jit3A_381 : f32 to vector<256x256xf32>
          %broadcast_in_dim3A_384 = vector.broadcast %jit3A_382 : f32 to vector<256x256xf32>
          %select_n3A_385 = arith.select %le3A_380, %broadcast_in_dim3A_383, %broadcast_in_dim3A_384 : vector<256x256xi1>, vector<256x256xf32>
          %get3A_386 = arith.constant 0 : index
          %get3A_387 = arith.constant 1536 : index
          %get3A_388 = vector.load %arg6[%get3A_386, %get3A_387] : memref<256x4096xf32, #tpu.memory_space<vmem>>, vector<256x256xf32>
          %add3A_389 = arith.addf %get3A_388, %select_n3A_385 : vector<256x256xf32>
          %swap3A_390 = arith.constant 0 : index
          %swap3A_391 = arith.constant 1536 : index
          %swap3A_392 = vector.load %arg6[%swap3A_390, %swap3A_391] : memref<256x4096xf32, #tpu.memory_space<vmem>>, vector<256x256xf32>
          tpu.vector_store %arg6[%swap3A_390, %swap3A_391], %add3A_389 {strides = array<i32>} : memref<256x4096xf32, #tpu.memory_space<vmem>>, vector<256x256xf32>,
          %le3A_393 = arith.constant 7 : i32
          %le3A_394 = vector.broadcast %le3A_393 : i32 to vector<256x256xi32>
          %le3A_395 = arith.cmpi sle, %add3A_252, %le3A_394 : vector<256x256xi32>
          %jit3A_396 = arith.constant 1.000000e+00 : f32
          %jit3A_397 = arith.constant 0.000000e+00 : f32
          %broadcast_in_dim3A_398 = vector.broadcast %jit3A_396 : f32 to vector<256x256xf32>
          %broadcast_in_dim3A_399 = vector.broadcast %jit3A_397 : f32 to vector<256x256xf32>
          %select_n3A_400 = arith.select %le3A_395, %broadcast_in_dim3A_398, %broadcast_in_dim3A_399 : vector<256x256xi1>, vector<256x256xf32>
          %get3A_401 = arith.constant 0 : index
          %get3A_402 = arith.constant 1792 : index
          %get3A_403 = vector.load %arg6[%get3A_401, %get3A_402] : memref<256x4096xf32, #tpu.memory_space<vmem>>, vector<256x256xf32>
          %add3A_404 = arith.addf %get3A_403, %select_n3A_400 : vector<256x256xf32>
          %swap3A_405 = arith.constant 0 : index
          %swap3A_406 = arith.constant 1792 : index
          %swap3A_407 = vector.load %arg6[%swap3A_405, %swap3A_406] : memref<256x4096xf32, #tpu.memory_space<vmem>>, vector<256x256xf32>
          tpu.vector_store %arg6[%swap3A_405, %swap3A_406], %add3A_404 {strides = array<i32>} : memref<256x4096xf32, #tpu.memory_space<vmem>>, vector<256x256xf32>,
          %le3A_408 = arith.constant 8 : i32
          %le3A_409 = vector.broadcast %le3A_408 : i32 to vector<256x256xi32>
          %le3A_410 = arith.cmpi sle, %add3A_252, %le3A_409 : vector<256x256xi32>
          %jit3A_411 = arith.constant 1.000000e+00 : f32
          %jit3A_412 = arith.constant 0.000000e+00 : f32
          %broadcast_in_dim3A_413 = vector.broadcast %jit3A_411 : f32 to vector<256x256xf32>
          %broadcast_in_dim3A_414 = vector.broadcast %jit3A_412 : f32 to vector<256x256xf32>
          %select_n3A_415 = arith.select %le3A_410, %broadcast_in_dim3A_413, %broadcast_in_dim3A_414 : vector<256x256xi1>, vector<256x256xf32>
          %get3A_416 = arith.constant 0 : index
          %get3A_417 = arith.constant 2048 : index
          %get3A_418 = vector.load %arg6[%get3A_416, %get3A_417] : memref<256x4096xf32, #tpu.memory_space<vmem>>, vector<256x256xf32>
          %add3A_419 = arith.addf %get3A_418, %select_n3A_415 : vector<256x256xf32>
          %swap3A_420 = arith.constant 0 : index
          %swap3A_421 = arith.constant 2048 : index
          %swap3A_422 = vector.load %arg6[%swap3A_420, %swap3A_421] : memref<256x4096xf32, #tpu.memory_space<vmem>>, vector<256x256xf32>
          tpu.vector_store %arg6[%swap3A_420, %swap3A_421], %add3A_419 {strides = array<i32>} : memref<256x4096xf32, #tpu.memory_space<vmem>>, vector<256x256xf32>,
          %le3A_423 = arith.constant 9 : i32
          %le3A_424 = vector.broadcast %le3A_423 : i32 to vector<256x256xi32>
          %le3A_425 = arith.cmpi sle, %add3A_252, %le3A_424 : vector<256x256xi32>
          %jit3A_426 = arith.constant 1.000000e+00 : f32
          %jit3A_427 = arith.constant 0.000000e+00 : f32
          %broadcast_in_dim3A_428 = vector.broadcast %jit3A_426 : f32 to vector<256x256xf32>
          %broadcast_in_dim3A_429 = vector.broadcast %jit3A_427 : f32 to vector<256x256xf32>
          %select_n3A_430 = arith.select %le3A_425, %broadcast_in_dim3A_428, %broadcast_in_dim3A_429 : vector<256x256xi1>, vector<256x256xf32>
          %get3A_431 = arith.constant 0 : index
          %get3A_432 = arith.constant 2304 : index
          %get3A_433 = vector.load %arg6[%get3A_431, %get3A_432] : memref<256x4096xf32, #tpu.memory_space<vmem>>, vector<256x256xf32>
          %add3A_434 = arith.addf %get3A_433, %select_n3A_430 : vector<256x256xf32>
          %swap3A_435 = arith.constant 0 : index
          %swap3A_436 = arith.constant 2304 : index
          %swap3A_437 = vector.load %arg6[%swap3A_435, %swap3A_436] : memref<256x4096xf32, #tpu.memory_space<vmem>>, vector<256x256xf32>
          tpu.vector_store %arg6[%swap3A_435, %swap3A_436], %add3A_434 {strides = array<i32>} : memref<256x4096xf32, #tpu.memory_space<vmem>>, vector<256x256xf32>,
          %le3A_438 = arith.constant 10 : i32
          %le3A_439 = vector.broadcast %le3A_438 : i32 to vector<256x256xi32>
          %le3A_440 = arith.cmpi sle, %add3A_252, %le3A_439 : vector<256x256xi32>
          %jit3A_441 = arith.constant 1.000000e+00 : f32
          %jit3A_442 = arith.constant 0.000000e+00 : f32
          %broadcast_in_dim3A_443 = vector.broadcast %jit3A_441 : f32 to vector<256x256xf32>
          %broadcast_in_dim3A_444 = vector.broadcast %jit3A_442 : f32 to vector<256x256xf32>
          %select_n3A_445 = arith.select %le3A_440, %broadcast_in_dim3A_443, %broadcast_in_dim3A_444 : vector<256x256xi1>, vector<256x256xf32>
          %get3A_446 = arith.constant 0 : index
          %get3A_447 = arith.constant 2560 : index
          %get3A_448 = vector.load %arg6[%get3A_446, %get3A_447] : memref<256x4096xf32, #tpu.memory_space<vmem>>, vector<256x256xf32>
          %add3A_449 = arith.addf %get3A_448, %select_n3A_445 : vector<256x256xf32>
          %swap3A_450 = arith.constant 0 : index
          %swap3A_451 = arith.constant 2560 : index
          %swap3A_452 = vector.load %arg6[%swap3A_450, %swap3A_451] : memref<256x4096xf32, #tpu.memory_space<vmem>>, vector<256x256xf32>
          tpu.vector_store %arg6[%swap3A_450, %swap3A_451], %add3A_449 {strides = array<i32>} : memref<256x4096xf32, #tpu.memory_space<vmem>>, vector<256x256xf32>,
          %le3A_453 = arith.constant 11 : i32
          %le3A_454 = vector.broadcast %le3A_453 : i32 to vector<256x256xi32>
          %le3A_455 = arith.cmpi sle, %add3A_252, %le3A_454 : vector<256x256xi32>
          %jit3A_456 = arith.constant 1.000000e+00 : f32
          %jit3A_457 = arith.constant 0.000000e+00 : f32
          %broadcast_in_dim3A_458 = vector.broadcast %jit3A_456 : f32 to vector<256x256xf32>
          %broadcast_in_dim3A_459 = vector.broadcast %jit3A_457 : f32 to vector<256x256xf32>
          %select_n3A_460 = arith.select %le3A_455, %broadcast_in_dim3A_458, %broadcast_in_dim3A_459 : vector<256x256xi1>, vector<256x256xf32>
          %get3A_461 = arith.constant 0 : index
          %get3A_462 = arith.constant 2816 : index
          %get3A_463 = vector.load %arg6[%get3A_461, %get3A_462] : memref<256x4096xf32, #tpu.memory_space<vmem>>, vector<256x256xf32>
          %add3A_464 = arith.addf %get3A_463, %select_n3A_460 : vector<256x256xf32>
          %swap3A_465 = arith.constant 0 : index
          %swap3A_466 = arith.constant 2816 : index
          %swap3A_467 = vector.load %arg6[%swap3A_465, %swap3A_466] : memref<256x4096xf32, #tpu.memory_space<vmem>>, vector<256x256xf32>
          tpu.vector_store %arg6[%swap3A_465, %swap3A_466], %add3A_464 {strides = array<i32>} : memref<256x4096xf32, #tpu.memory_space<vmem>>, vector<256x256xf32>,
          %le3A_468 = arith.constant 12 : i32
          %le3A_469 = vector.broadcast %le3A_468 : i32 to vector<256x256xi32>
          %le3A_470 = arith.cmpi sle, %add3A_252, %le3A_469 : vector<256x256xi32>
          %jit3A_471 = arith.constant 1.000000e+00 : f32
          %jit3A_472 = arith.constant 0.000000e+00 : f32
          %broadcast_in_dim3A_473 = vector.broadcast %jit3A_471 : f32 to vector<256x256xf32>
          %broadcast_in_dim3A_474 = vector.broadcast %jit3A_472 : f32 to vector<256x256xf32>
          %select_n3A_475 = arith.select %le3A_470, %broadcast_in_dim3A_473, %broadcast_in_dim3A_474 : vector<256x256xi1>, vector<256x256xf32>
          %get3A_476 = arith.constant 0 : index
          %get3A_477 = arith.constant 3072 : index
          %get3A_478 = vector.load %arg6[%get3A_476, %get3A_477] : memref<256x4096xf32, #tpu.memory_space<vmem>>, vector<256x256xf32>
          %add3A_479 = arith.addf %get3A_478, %select_n3A_475 : vector<256x256xf32>
          %swap3A_480 = arith.constant 0 : index
          %swap3A_481 = arith.constant 3072 : index
          %swap3A_482 = vector.load %arg6[%swap3A_480, %swap3A_481] : memref<256x4096xf32, #tpu.memory_space<vmem>>, vector<256x256xf32>
          tpu.vector_store %arg6[%swap3A_480, %swap3A_481], %add3A_479 {strides = array<i32>} : memref<256x4096xf32, #tpu.memory_space<vmem>>, vector<256x256xf32>,
          %le3A_483 = arith.constant 13 : i32
          %le3A_484 = vector.broadcast %le3A_483 : i32 to vector<256x256xi32>
          %le3A_485 = arith.cmpi sle, %add3A_252, %le3A_484 : vector<256x256xi32>
          %jit3A_486 = arith.constant 1.000000e+00 : f32
          %jit3A_487 = arith.constant 0.000000e+00 : f32
          %broadcast_in_dim3A_488 = vector.broadcast %jit3A_486 : f32 to vector<256x256xf32>
          %broadcast_in_dim3A_489 = vector.broadcast %jit3A_487 : f32 to vector<256x256xf32>
          %select_n3A_490 = arith.select %le3A_485, %broadcast_in_dim3A_488, %broadcast_in_dim3A_489 : vector<256x256xi1>, vector<256x256xf32>
          %get3A_491 = arith.constant 0 : index
          %get3A_492 = arith.constant 3328 : index
          %get3A_493 = vector.load %arg6[%get3A_491, %get3A_492] : memref<256x4096xf32, #tpu.memory_space<vmem>>, vector<256x256xf32>
          %add3A_494 = arith.addf %get3A_493, %select_n3A_490 : vector<256x256xf32>
          %swap3A_495 = arith.constant 0 : index
          %swap3A_496 = arith.constant 3328 : index
          %swap3A_497 = vector.load %arg6[%swap3A_495, %swap3A_496] : memref<256x4096xf32, #tpu.memory_space<vmem>>, vector<256x256xf32>
          tpu.vector_store %arg6[%swap3A_495, %swap3A_496], %add3A_494 {strides = array<i32>} : memref<256x4096xf32, #tpu.memory_space<vmem>>, vector<256x256xf32>,
          %le3A_498 = arith.constant 14 : i32
          %le3A_499 = vector.broadcast %le3A_498 : i32 to vector<256x256xi32>
          %le3A_500 = arith.cmpi sle, %add3A_252, %le3A_499 : vector<256x256xi32>
          %jit3A_501 = arith.constant 1.000000e+00 : f32
          %jit3A_502 = arith.constant 0.000000e+00 : f32
          %broadcast_in_dim3A_503 = vector.broadcast %jit3A_501 : f32 to vector<256x256xf32>
          %broadcast_in_dim3A_504 = vector.broadcast %jit3A_502 : f32 to vector<256x256xf32>
          %select_n3A_505 = arith.select %le3A_500, %broadcast_in_dim3A_503, %broadcast_in_dim3A_504 : vector<256x256xi1>, vector<256x256xf32>
          %get3A_506 = arith.constant 0 : index
          %get3A_507 = arith.constant 3584 : index
          %get3A_508 = vector.load %arg6[%get3A_506, %get3A_507] : memref<256x4096xf32, #tpu.memory_space<vmem>>, vector<256x256xf32>
          %add3A_509 = arith.addf %get3A_508, %select_n3A_505 : vector<256x256xf32>
          %swap3A_510 = arith.constant 0 : index
          %swap3A_511 = arith.constant 3584 : index
          %swap3A_512 = vector.load %arg6[%swap3A_510, %swap3A_511] : memref<256x4096xf32, #tpu.memory_space<vmem>>, vector<256x256xf32>
          tpu.vector_store %arg6[%swap3A_510, %swap3A_511], %add3A_509 {strides = array<i32>} : memref<256x4096xf32, #tpu.memory_space<vmem>>, vector<256x256xf32>,
          %le3A_513 = arith.constant 15 : i32
          %le3A_514 = vector.broadcast %le3A_513 : i32 to vector<256x256xi32>
          %le3A_515 = arith.cmpi sle, %add3A_252, %le3A_514 : vector<256x256xi32>
          %jit3A_516 = arith.constant 1.000000e+00 : f32
          %jit3A_517 = arith.constant 0.000000e+00 : f32
          %broadcast_in_dim3A_518 = vector.broadcast %jit3A_516 : f32 to vector<256x256xf32>
          %broadcast_in_dim3A_519 = vector.broadcast %jit3A_517 : f32 to vector<256x256xf32>
          %select_n3A_520 = arith.select %le3A_515, %broadcast_in_dim3A_518, %broadcast_in_dim3A_519 : vector<256x256xi1>, vector<256x256xf32>
          %get3A_521 = arith.constant 0 : index
          %get3A_522 = arith.constant 3840 : index
          %get3A_523 = vector.load %arg6[%get3A_521, %get3A_522] : memref<256x4096xf32, #tpu.memory_space<vmem>>, vector<256x256xf32>
          %add3A_524 = arith.addf %get3A_523, %select_n3A_520 : vector<256x256xf32>
          %swap3A_525 = arith.constant 0 : index
          %swap3A_526 = arith.constant 3840 : index
          %swap3A_527 = vector.load %arg6[%swap3A_525, %swap3A_526] : memref<256x4096xf32, #tpu.memory_space<vmem>>, vector<256x256xf32>
          tpu.vector_store %arg6[%swap3A_525, %swap3A_526], %add3A_524 {strides = array<i32>} : memref<256x4096xf32, #tpu.memory_space<vmem>>, vector<256x256xf32>,
          %reduce_min3A_528 = vector.shape_cast %cond3A_139#1 : vector<256x1xi32> to vector<1x256x1xi32>
          %reduce_min3A_529 = arith.constant dense<2147483647> : vector<1xi32>
          %reduce_min3A_530 = vector.multi_reduction <minsi>, %reduce_min3A_528, %reduce_min3A_529 [1, 2] : vector<1x256x1xi32> to vector<1xi32>
          %reduce_min3A_531 = vector.shape_cast %reduce_min3A_530 : vector<1xi32> to vector<1x1x1xi32>
          %reduce_min3A_532 = vector.extract %reduce_min3A_531[0, 0, 0] : i32 from vector<1x1x1xi32>
          %lt3A_533 = arith.constant 16 : i32
          %lt3A_534 = arith.cmpi slt, %reduce_min3A_532, %lt3A_533 : i32
          %convert_element_type3A_535 = arith.extui %lt3A_534 : i1 to i32
          %cond3A_536 = arith.constant 0 : i32
          %cond3A_537 = arith.cmpi ne, %convert_element_type3A_535, %cond3A_536 : i32
          scf.if %cond3A_537 {
            %le3A_540 = arith.constant 0 : i32
            %le3A_541 = vector.broadcast %le3A_540 : i32 to vector<256x256xi32>
            %le3A_542 = arith.cmpi sle, %add3A_288, %le3A_541 : vector<256x256xi32>
            %jit3A_543 = arith.constant 1.000000e+00 : f32
            %jit3A_544 = arith.constant 0.000000e+00 : f32
            %broadcast_in_dim3A_545 = vector.broadcast %jit3A_543 : f32 to vector<256x256xf32>
            %broadcast_in_dim3A_546 = vector.broadcast %jit3A_544 : f32 to vector<256x256xf32>
            %select_n3A_547 = arith.select %le3A_542, %broadcast_in_dim3A_545, %broadcast_in_dim3A_546 : vector<256x256xi1>, vector<256x256xf32>
            %get3A_548 = arith.constant 0 : index
            %get3A_549 = arith.constant 0 : index
            %get3A_550 = vector.load %arg7[%get3A_548, %get3A_549] : memref<256x4096xf32, #tpu.memory_space<vmem>>, vector<256x256xf32>
            %add3A_551 = arith.addf %get3A_550, %select_n3A_547 : vector<256x256xf32>
            %swap3A_552 = arith.constant 0 : index
            %swap3A_553 = arith.constant 0 : index
            %swap3A_554 = vector.load %arg7[%swap3A_552, %swap3A_553] : memref<256x4096xf32, #tpu.memory_space<vmem>>, vector<256x256xf32>
            tpu.vector_store %arg7[%swap3A_552, %swap3A_553], %add3A_551 {strides = array<i32>} : memref<256x4096xf32, #tpu.memory_space<vmem>>, vector<256x256xf32>,
            %le3A_555 = arith.constant 1 : i32
            %le3A_556 = vector.broadcast %le3A_555 : i32 to vector<256x256xi32>
            %le3A_557 = arith.cmpi sle, %add3A_288, %le3A_556 : vector<256x256xi32>
            %jit3A_558 = arith.constant 1.000000e+00 : f32
            %jit3A_559 = arith.constant 0.000000e+00 : f32
            %broadcast_in_dim3A_560 = vector.broadcast %jit3A_558 : f32 to vector<256x256xf32>
            %broadcast_in_dim3A_561 = vector.broadcast %jit3A_559 : f32 to vector<256x256xf32>
            %select_n3A_562 = arith.select %le3A_557, %broadcast_in_dim3A_560, %broadcast_in_dim3A_561 : vector<256x256xi1>, vector<256x256xf32>
            %get3A_563 = arith.constant 0 : index
            %get3A_564 = arith.constant 256 : index
            %get3A_565 = vector.load %arg7[%get3A_563, %get3A_564] : memref<256x4096xf32, #tpu.memory_space<vmem>>, vector<256x256xf32>
            %add3A_566 = arith.addf %get3A_565, %select_n3A_562 : vector<256x256xf32>
            %swap3A_567 = arith.constant 0 : index
            %swap3A_568 = arith.constant 256 : index
            %swap3A_569 = vector.load %arg7[%swap3A_567, %swap3A_568] : memref<256x4096xf32, #tpu.memory_space<vmem>>, vector<256x256xf32>
            tpu.vector_store %arg7[%swap3A_567, %swap3A_568], %add3A_566 {strides = array<i32>} : memref<256x4096xf32, #tpu.memory_space<vmem>>, vector<256x256xf32>,
            %le3A_570 = arith.constant 2 : i32
            %le3A_571 = vector.broadcast %le3A_570 : i32 to vector<256x256xi32>
            %le3A_572 = arith.cmpi sle, %add3A_288, %le3A_571 : vector<256x256xi32>
            %jit3A_573 = arith.constant 1.000000e+00 : f32
            %jit3A_574 = arith.constant 0.000000e+00 : f32
            %broadcast_in_dim3A_575 = vector.broadcast %jit3A_573 : f32 to vector<256x256xf32>
            %broadcast_in_dim3A_576 = vector.broadcast %jit3A_574 : f32 to vector<256x256xf32>
            %select_n3A_577 = arith.select %le3A_572, %broadcast_in_dim3A_575, %broadcast_in_dim3A_576 : vector<256x256xi1>, vector<256x256xf32>
            %get3A_578 = arith.constant 0 : index
            %get3A_579 = arith.constant 512 : index
            %get3A_580 = vector.load %arg7[%get3A_578, %get3A_579] : memref<256x4096xf32, #tpu.memory_space<vmem>>, vector<256x256xf32>
            %add3A_581 = arith.addf %get3A_580, %select_n3A_577 : vector<256x256xf32>
            %swap3A_582 = arith.constant 0 : index
            %swap3A_583 = arith.constant 512 : index
            %swap3A_584 = vector.load %arg7[%swap3A_582, %swap3A_583] : memref<256x4096xf32, #tpu.memory_space<vmem>>, vector<256x256xf32>
            tpu.vector_store %arg7[%swap3A_582, %swap3A_583], %add3A_581 {strides = array<i32>} : memref<256x4096xf32, #tpu.memory_space<vmem>>, vector<256x256xf32>,
            %le3A_585 = arith.constant 3 : i32
            %le3A_586 = vector.broadcast %le3A_585 : i32 to vector<256x256xi32>
            %le3A_587 = arith.cmpi sle, %add3A_288, %le3A_586 : vector<256x256xi32>
            %jit3A_588 = arith.constant 1.000000e+00 : f32
            %jit3A_589 = arith.constant 0.000000e+00 : f32
            %broadcast_in_dim3A_590 = vector.broadcast %jit3A_588 : f32 to vector<256x256xf32>
            %broadcast_in_dim3A_591 = vector.broadcast %jit3A_589 : f32 to vector<256x256xf32>
            %select_n3A_592 = arith.select %le3A_587, %broadcast_in_dim3A_590, %broadcast_in_dim3A_591 : vector<256x256xi1>, vector<256x256xf32>
            %get3A_593 = arith.constant 0 : index
            %get3A_594 = arith.constant 768 : index
            %get3A_595 = vector.load %arg7[%get3A_593, %get3A_594] : memref<256x4096xf32, #tpu.memory_space<vmem>>, vector<256x256xf32>
            %add3A_596 = arith.addf %get3A_595, %select_n3A_592 : vector<256x256xf32>
            %swap3A_597 = arith.constant 0 : index
            %swap3A_598 = arith.constant 768 : index
            %swap3A_599 = vector.load %arg7[%swap3A_597, %swap3A_598] : memref<256x4096xf32, #tpu.memory_space<vmem>>, vector<256x256xf32>
            tpu.vector_store %arg7[%swap3A_597, %swap3A_598], %add3A_596 {strides = array<i32>} : memref<256x4096xf32, #tpu.memory_space<vmem>>, vector<256x256xf32>,
            %le3A_600 = arith.constant 4 : i32
            %le3A_601 = vector.broadcast %le3A_600 : i32 to vector<256x256xi32>
            %le3A_602 = arith.cmpi sle, %add3A_288, %le3A_601 : vector<256x256xi32>
            %jit3A_603 = arith.constant 1.000000e+00 : f32
            %jit3A_604 = arith.constant 0.000000e+00 : f32
            %broadcast_in_dim3A_605 = vector.broadcast %jit3A_603 : f32 to vector<256x256xf32>
            %broadcast_in_dim3A_606 = vector.broadcast %jit3A_604 : f32 to vector<256x256xf32>
            %select_n3A_607 = arith.select %le3A_602, %broadcast_in_dim3A_605, %broadcast_in_dim3A_606 : vector<256x256xi1>, vector<256x256xf32>
            %get3A_608 = arith.constant 0 : index
            %get3A_609 = arith.constant 1024 : index
            %get3A_610 = vector.load %arg7[%get3A_608, %get3A_609] : memref<256x4096xf32, #tpu.memory_space<vmem>>, vector<256x256xf32>
            %add3A_611 = arith.addf %get3A_610, %select_n3A_607 : vector<256x256xf32>
            %swap3A_612 = arith.constant 0 : index
            %swap3A_613 = arith.constant 1024 : index
            %swap3A_614 = vector.load %arg7[%swap3A_612, %swap3A_613] : memref<256x4096xf32, #tpu.memory_space<vmem>>, vector<256x256xf32>
            tpu.vector_store %arg7[%swap3A_612, %swap3A_613], %add3A_611 {strides = array<i32>} : memref<256x4096xf32, #tpu.memory_space<vmem>>, vector<256x256xf32>,
            %le3A_615 = arith.constant 5 : i32
            %le3A_616 = vector.broadcast %le3A_615 : i32 to vector<256x256xi32>
            %le3A_617 = arith.cmpi sle, %add3A_288, %le3A_616 : vector<256x256xi32>
            %jit3A_618 = arith.constant 1.000000e+00 : f32
            %jit3A_619 = arith.constant 0.000000e+00 : f32
            %broadcast_in_dim3A_620 = vector.broadcast %jit3A_618 : f32 to vector<256x256xf32>
            %broadcast_in_dim3A_621 = vector.broadcast %jit3A_619 : f32 to vector<256x256xf32>
            %select_n3A_622 = arith.select %le3A_617, %broadcast_in_dim3A_620, %broadcast_in_dim3A_621 : vector<256x256xi1>, vector<256x256xf32>
            %get3A_623 = arith.constant 0 : index
            %get3A_624 = arith.constant 1280 : index
            %get3A_625 = vector.load %arg7[%get3A_623, %get3A_624] : memref<256x4096xf32, #tpu.memory_space<vmem>>, vector<256x256xf32>
            %add3A_626 = arith.addf %get3A_625, %select_n3A_622 : vector<256x256xf32>
            %swap3A_627 = arith.constant 0 : index
            %swap3A_628 = arith.constant 1280 : index
            %swap3A_629 = vector.load %arg7[%swap3A_627, %swap3A_628] : memref<256x4096xf32, #tpu.memory_space<vmem>>, vector<256x256xf32>
            tpu.vector_store %arg7[%swap3A_627, %swap3A_628], %add3A_626 {strides = array<i32>} : memref<256x4096xf32, #tpu.memory_space<vmem>>, vector<256x256xf32>,
            %le3A_630 = arith.constant 6 : i32
            %le3A_631 = vector.broadcast %le3A_630 : i32 to vector<256x256xi32>
            %le3A_632 = arith.cmpi sle, %add3A_288, %le3A_631 : vector<256x256xi32>
            %jit3A_633 = arith.constant 1.000000e+00 : f32
            %jit3A_634 = arith.constant 0.000000e+00 : f32
            %broadcast_in_dim3A_635 = vector.broadcast %jit3A_633 : f32 to vector<256x256xf32>
            %broadcast_in_dim3A_636 = vector.broadcast %jit3A_634 : f32 to vector<256x256xf32>
            %select_n3A_637 = arith.select %le3A_632, %broadcast_in_dim3A_635, %broadcast_in_dim3A_636 : vector<256x256xi1>, vector<256x256xf32>
            %get3A_638 = arith.constant 0 : index
            %get3A_639 = arith.constant 1536 : index
            %get3A_640 = vector.load %arg7[%get3A_638, %get3A_639] : memref<256x4096xf32, #tpu.memory_space<vmem>>, vector<256x256xf32>
            %add3A_641 = arith.addf %get3A_640, %select_n3A_637 : vector<256x256xf32>
            %swap3A_642 = arith.constant 0 : index
            %swap3A_643 = arith.constant 1536 : index
            %swap3A_644 = vector.load %arg7[%swap3A_642, %swap3A_643] : memref<256x4096xf32, #tpu.memory_space<vmem>>, vector<256x256xf32>
            tpu.vector_store %arg7[%swap3A_642, %swap3A_643], %add3A_641 {strides = array<i32>} : memref<256x4096xf32, #tpu.memory_space<vmem>>, vector<256x256xf32>,
            %le3A_645 = arith.constant 7 : i32
            %le3A_646 = vector.broadcast %le3A_645 : i32 to vector<256x256xi32>
            %le3A_647 = arith.cmpi sle, %add3A_288, %le3A_646 : vector<256x256xi32>
            %jit3A_648 = arith.constant 1.000000e+00 : f32
            %jit3A_649 = arith.constant 0.000000e+00 : f32
            %broadcast_in_dim3A_650 = vector.broadcast %jit3A_648 : f32 to vector<256x256xf32>
            %broadcast_in_dim3A_651 = vector.broadcast %jit3A_649 : f32 to vector<256x256xf32>
            %select_n3A_652 = arith.select %le3A_647, %broadcast_in_dim3A_650, %broadcast_in_dim3A_651 : vector<256x256xi1>, vector<256x256xf32>
            %get3A_653 = arith.constant 0 : index
            %get3A_654 = arith.constant 1792 : index
            %get3A_655 = vector.load %arg7[%get3A_653, %get3A_654] : memref<256x4096xf32, #tpu.memory_space<vmem>>, vector<256x256xf32>
            %add3A_656 = arith.addf %get3A_655, %select_n3A_652 : vector<256x256xf32>
            %swap3A_657 = arith.constant 0 : index
            %swap3A_658 = arith.constant 1792 : index
            %swap3A_659 = vector.load %arg7[%swap3A_657, %swap3A_658] : memref<256x4096xf32, #tpu.memory_space<vmem>>, vector<256x256xf32>
            tpu.vector_store %arg7[%swap3A_657, %swap3A_658], %add3A_656 {strides = array<i32>} : memref<256x4096xf32, #tpu.memory_space<vmem>>, vector<256x256xf32>,
            %le3A_660 = arith.constant 8 : i32
            %le3A_661 = vector.broadcast %le3A_660 : i32 to vector<256x256xi32>
            %le3A_662 = arith.cmpi sle, %add3A_288, %le3A_661 : vector<256x256xi32>
            %jit3A_663 = arith.constant 1.000000e+00 : f32
            %jit3A_664 = arith.constant 0.000000e+00 : f32
            %broadcast_in_dim3A_665 = vector.broadcast %jit3A_663 : f32 to vector<256x256xf32>
            %broadcast_in_dim3A_666 = vector.broadcast %jit3A_664 : f32 to vector<256x256xf32>
            %select_n3A_667 = arith.select %le3A_662, %broadcast_in_dim3A_665, %broadcast_in_dim3A_666 : vector<256x256xi1>, vector<256x256xf32>
            %get3A_668 = arith.constant 0 : index
            %get3A_669 = arith.constant 2048 : index
            %get3A_670 = vector.load %arg7[%get3A_668, %get3A_669] : memref<256x4096xf32, #tpu.memory_space<vmem>>, vector<256x256xf32>
            %add3A_671 = arith.addf %get3A_670, %select_n3A_667 : vector<256x256xf32>
            %swap3A_672 = arith.constant 0 : index
            %swap3A_673 = arith.constant 2048 : index
            %swap3A_674 = vector.load %arg7[%swap3A_672, %swap3A_673] : memref<256x4096xf32, #tpu.memory_space<vmem>>, vector<256x256xf32>
            tpu.vector_store %arg7[%swap3A_672, %swap3A_673], %add3A_671 {strides = array<i32>} : memref<256x4096xf32, #tpu.memory_space<vmem>>, vector<256x256xf32>,
            %le3A_675 = arith.constant 9 : i32
            %le3A_676 = vector.broadcast %le3A_675 : i32 to vector<256x256xi32>
            %le3A_677 = arith.cmpi sle, %add3A_288, %le3A_676 : vector<256x256xi32>
            %jit3A_678 = arith.constant 1.000000e+00 : f32
            %jit3A_679 = arith.constant 0.000000e+00 : f32
            %broadcast_in_dim3A_680 = vector.broadcast %jit3A_678 : f32 to vector<256x256xf32>
            %broadcast_in_dim3A_681 = vector.broadcast %jit3A_679 : f32 to vector<256x256xf32>
            %select_n3A_682 = arith.select %le3A_677, %broadcast_in_dim3A_680, %broadcast_in_dim3A_681 : vector<256x256xi1>, vector<256x256xf32>
            %get3A_683 = arith.constant 0 : index
            %get3A_684 = arith.constant 2304 : index
            %get3A_685 = vector.load %arg7[%get3A_683, %get3A_684] : memref<256x4096xf32, #tpu.memory_space<vmem>>, vector<256x256xf32>
            %add3A_686 = arith.addf %get3A_685, %select_n3A_682 : vector<256x256xf32>
            %swap3A_687 = arith.constant 0 : index
            %swap3A_688 = arith.constant 2304 : index
            %swap3A_689 = vector.load %arg7[%swap3A_687, %swap3A_688] : memref<256x4096xf32, #tpu.memory_space<vmem>>, vector<256x256xf32>
            tpu.vector_store %arg7[%swap3A_687, %swap3A_688], %add3A_686 {strides = array<i32>} : memref<256x4096xf32, #tpu.memory_space<vmem>>, vector<256x256xf32>,
            %le3A_690 = arith.constant 10 : i32
            %le3A_691 = vector.broadcast %le3A_690 : i32 to vector<256x256xi32>
            %le3A_692 = arith.cmpi sle, %add3A_288, %le3A_691 : vector<256x256xi32>
            %jit3A_693 = arith.constant 1.000000e+00 : f32
            %jit3A_694 = arith.constant 0.000000e+00 : f32
            %broadcast_in_dim3A_695 = vector.broadcast %jit3A_693 : f32 to vector<256x256xf32>
            %broadcast_in_dim3A_696 = vector.broadcast %jit3A_694 : f32 to vector<256x256xf32>
            %select_n3A_697 = arith.select %le3A_692, %broadcast_in_dim3A_695, %broadcast_in_dim3A_696 : vector<256x256xi1>, vector<256x256xf32>
            %get3A_698 = arith.constant 0 : index
            %get3A_699 = arith.constant 2560 : index
            %get3A_700 = vector.load %arg7[%get3A_698, %get3A_699] : memref<256x4096xf32, #tpu.memory_space<vmem>>, vector<256x256xf32>
            %add3A_701 = arith.addf %get3A_700, %select_n3A_697 : vector<256x256xf32>
            %swap3A_702 = arith.constant 0 : index
            %swap3A_703 = arith.constant 2560 : index
            %swap3A_704 = vector.load %arg7[%swap3A_702, %swap3A_703] : memref<256x4096xf32, #tpu.memory_space<vmem>>, vector<256x256xf32>
            tpu.vector_store %arg7[%swap3A_702, %swap3A_703], %add3A_701 {strides = array<i32>} : memref<256x4096xf32, #tpu.memory_space<vmem>>, vector<256x256xf32>,
            %le3A_705 = arith.constant 11 : i32
            %le3A_706 = vector.broadcast %le3A_705 : i32 to vector<256x256xi32>
            %le3A_707 = arith.cmpi sle, %add3A_288, %le3A_706 : vector<256x256xi32>
            %jit3A_708 = arith.constant 1.000000e+00 : f32
            %jit3A_709 = arith.constant 0.000000e+00 : f32
            %broadcast_in_dim3A_710 = vector.broadcast %jit3A_708 : f32 to vector<256x256xf32>
            %broadcast_in_dim3A_711 = vector.broadcast %jit3A_709 : f32 to vector<256x256xf32>
            %select_n3A_712 = arith.select %le3A_707, %broadcast_in_dim3A_710, %broadcast_in_dim3A_711 : vector<256x256xi1>, vector<256x256xf32>
            %get3A_713 = arith.constant 0 : index
            %get3A_714 = arith.constant 2816 : index
            %get3A_715 = vector.load %arg7[%get3A_713, %get3A_714] : memref<256x4096xf32, #tpu.memory_space<vmem>>, vector<256x256xf32>
            %add3A_716 = arith.addf %get3A_715, %select_n3A_712 : vector<256x256xf32>
            %swap3A_717 = arith.constant 0 : index
            %swap3A_718 = arith.constant 2816 : index
            %swap3A_719 = vector.load %arg7[%swap3A_717, %swap3A_718] : memref<256x4096xf32, #tpu.memory_space<vmem>>, vector<256x256xf32>
            tpu.vector_store %arg7[%swap3A_717, %swap3A_718], %add3A_716 {strides = array<i32>} : memref<256x4096xf32, #tpu.memory_space<vmem>>, vector<256x256xf32>,
            %le3A_720 = arith.constant 12 : i32
            %le3A_721 = vector.broadcast %le3A_720 : i32 to vector<256x256xi32>
            %le3A_722 = arith.cmpi sle, %add3A_288, %le3A_721 : vector<256x256xi32>
            %jit3A_723 = arith.constant 1.000000e+00 : f32
            %jit3A_724 = arith.constant 0.000000e+00 : f32
            %broadcast_in_dim3A_725 = vector.broadcast %jit3A_723 : f32 to vector<256x256xf32>
            %broadcast_in_dim3A_726 = vector.broadcast %jit3A_724 : f32 to vector<256x256xf32>
            %select_n3A_727 = arith.select %le3A_722, %broadcast_in_dim3A_725, %broadcast_in_dim3A_726 : vector<256x256xi1>, vector<256x256xf32>
            %get3A_728 = arith.constant 0 : index
            %get3A_729 = arith.constant 3072 : index
            %get3A_730 = vector.load %arg7[%get3A_728, %get3A_729] : memref<256x4096xf32, #tpu.memory_space<vmem>>, vector<256x256xf32>
            %add3A_731 = arith.addf %get3A_730, %select_n3A_727 : vector<256x256xf32>
            %swap3A_732 = arith.constant 0 : index
            %swap3A_733 = arith.constant 3072 : index
            %swap3A_734 = vector.load %arg7[%swap3A_732, %swap3A_733] : memref<256x4096xf32, #tpu.memory_space<vmem>>, vector<256x256xf32>
            tpu.vector_store %arg7[%swap3A_732, %swap3A_733], %add3A_731 {strides = array<i32>} : memref<256x4096xf32, #tpu.memory_space<vmem>>, vector<256x256xf32>,
            %le3A_735 = arith.constant 13 : i32
            %le3A_736 = vector.broadcast %le3A_735 : i32 to vector<256x256xi32>
            %le3A_737 = arith.cmpi sle, %add3A_288, %le3A_736 : vector<256x256xi32>
            %jit3A_738 = arith.constant 1.000000e+00 : f32
            %jit3A_739 = arith.constant 0.000000e+00 : f32
            %broadcast_in_dim3A_740 = vector.broadcast %jit3A_738 : f32 to vector<256x256xf32>
            %broadcast_in_dim3A_741 = vector.broadcast %jit3A_739 : f32 to vector<256x256xf32>
            %select_n3A_742 = arith.select %le3A_737, %broadcast_in_dim3A_740, %broadcast_in_dim3A_741 : vector<256x256xi1>, vector<256x256xf32>
            %get3A_743 = arith.constant 0 : index
            %get3A_744 = arith.constant 3328 : index
            %get3A_745 = vector.load %arg7[%get3A_743, %get3A_744] : memref<256x4096xf32, #tpu.memory_space<vmem>>, vector<256x256xf32>
            %add3A_746 = arith.addf %get3A_745, %select_n3A_742 : vector<256x256xf32>
            %swap3A_747 = arith.constant 0 : index
            %swap3A_748 = arith.constant 3328 : index
            %swap3A_749 = vector.load %arg7[%swap3A_747, %swap3A_748] : memref<256x4096xf32, #tpu.memory_space<vmem>>, vector<256x256xf32>
            tpu.vector_store %arg7[%swap3A_747, %swap3A_748], %add3A_746 {strides = array<i32>} : memref<256x4096xf32, #tpu.memory_space<vmem>>, vector<256x256xf32>,
            %le3A_750 = arith.constant 14 : i32
            %le3A_751 = vector.broadcast %le3A_750 : i32 to vector<256x256xi32>
            %le3A_752 = arith.cmpi sle, %add3A_288, %le3A_751 : vector<256x256xi32>
            %jit3A_753 = arith.constant 1.000000e+00 : f32
            %jit3A_754 = arith.constant 0.000000e+00 : f32
            %broadcast_in_dim3A_755 = vector.broadcast %jit3A_753 : f32 to vector<256x256xf32>
            %broadcast_in_dim3A_756 = vector.broadcast %jit3A_754 : f32 to vector<256x256xf32>
            %select_n3A_757 = arith.select %le3A_752, %broadcast_in_dim3A_755, %broadcast_in_dim3A_756 : vector<256x256xi1>, vector<256x256xf32>
            %get3A_758 = arith.constant 0 : index
            %get3A_759 = arith.constant 3584 : index
            %get3A_760 = vector.load %arg7[%get3A_758, %get3A_759] : memref<256x4096xf32, #tpu.memory_space<vmem>>, vector<256x256xf32>
            %add3A_761 = arith.addf %get3A_760, %select_n3A_757 : vector<256x256xf32>
            %swap3A_762 = arith.constant 0 : index
            %swap3A_763 = arith.constant 3584 : index
            %swap3A_764 = vector.load %arg7[%swap3A_762, %swap3A_763] : memref<256x4096xf32, #tpu.memory_space<vmem>>, vector<256x256xf32>
            tpu.vector_store %arg7[%swap3A_762, %swap3A_763], %add3A_761 {strides = array<i32>} : memref<256x4096xf32, #tpu.memory_space<vmem>>, vector<256x256xf32>,
            %le3A_765 = arith.constant 15 : i32
            %le3A_766 = vector.broadcast %le3A_765 : i32 to vector<256x256xi32>
            %le3A_767 = arith.cmpi sle, %add3A_288, %le3A_766 : vector<256x256xi32>
            %jit3A_768 = arith.constant 1.000000e+00 : f32
            %jit3A_769 = arith.constant 0.000000e+00 : f32
            %broadcast_in_dim3A_770 = vector.broadcast %jit3A_768 : f32 to vector<256x256xf32>
            %broadcast_in_dim3A_771 = vector.broadcast %jit3A_769 : f32 to vector<256x256xf32>
            %select_n3A_772 = arith.select %le3A_767, %broadcast_in_dim3A_770, %broadcast_in_dim3A_771 : vector<256x256xi1>, vector<256x256xf32>
            %get3A_773 = arith.constant 0 : index
            %get3A_774 = arith.constant 3840 : index
            %get3A_775 = vector.load %arg7[%get3A_773, %get3A_774] : memref<256x4096xf32, #tpu.memory_space<vmem>>, vector<256x256xf32>
            %add3A_776 = arith.addf %get3A_775, %select_n3A_772 : vector<256x256xf32>
            %swap3A_777 = arith.constant 0 : index
            %swap3A_778 = arith.constant 3840 : index
            %swap3A_779 = vector.load %arg7[%swap3A_777, %swap3A_778] : memref<256x4096xf32, #tpu.memory_space<vmem>>, vector<256x256xf32>
            tpu.vector_store %arg7[%swap3A_777, %swap3A_778], %add3A_776 {strides = array<i32>} : memref<256x4096xf32, #tpu.memory_space<vmem>>, vector<256x256xf32>,
          } else {
          }
          %slice3A_538 = vector.extract_strided_slice %add3A_252 {offsets = [0, 255], sizes = [256, 1], strides = [1, 1]} : vector<256x256xi32> to vector<256x1xi32>
          %slice3A_539 = vector.extract_strided_slice %add3A_288 {offsets = [0, 255], sizes = [256, 1], strides = [1, 1]} : vector<256x256xi32> to vector<256x1xi32>
          scf.yield %slice3A_538, %slice3A_539 : vector<256x1xi32>, vector<256x1xi32>
        } else {
          scf.yield %cond3A_139#0, %cond3A_139#1 : vector<256x1xi32>, vector<256x1xi32>
        }
        %reduce_min3A_151 = vector.shape_cast %cond3A_150#0 : vector<256x1xi32> to vector<1x256x1xi32>
        %reduce_min3A_152 = arith.constant dense<2147483647> : vector<1xi32>
        %reduce_min3A_153 = vector.multi_reduction <minsi>, %reduce_min3A_151, %reduce_min3A_152 [1, 2] : vector<1x256x1xi32> to vector<1xi32>
        %reduce_min3A_154 = vector.shape_cast %reduce_min3A_153 : vector<1xi32> to vector<1x1x1xi32>
        %reduce_min3A_155 = vector.extract %reduce_min3A_154[0, 0, 0] : i32 from vector<1x1x1xi32>
        %lt3A_156 = arith.constant 16 : i32
        %lt3A_157 = arith.cmpi slt, %reduce_min3A_155, %lt3A_156 : i32
        %convert_element_type3A_158 = arith.extui %lt3A_157 : i1 to i32
        %cond3A_159 = arith.constant 0 : i32
        %cond3A_160 = arith.cmpi ne, %convert_element_type3A_158, %cond3A_159 : i32
        %cond3A_161:2 = scf.if %cond3A_160 -> (vector<256x1xi32>, vector<256x1xi32>) {
          %slice3A = vector.extract_strided_slice %get3A_106 {offsets = [0, 1024], sizes = [1, 256], strides = [1, 1]} : vector<4x2048xf32> to vector<1x256xf32>
          %sub3A_195 = vector.broadcast %get3A_1 : vector<256x1xf32> to vector<256x256xf32>
          %sub3A_196 = vector.broadcast %slice3A : vector<1x256xf32> to vector<256x256xf32>
          %sub3A_197 = arith.subf %sub3A_195, %sub3A_196 : vector<256x256xf32>
          %slice3A_198 = vector.extract_strided_slice %get3A_106 {offsets = [1, 1024], sizes = [1, 256], strides = [1, 1]} : vector<4x2048xf32> to vector<1x256xf32>
          %sub3A_199 = vector.broadcast %get3A_4 : vector<256x1xf32> to vector<256x256xf32>
          %sub3A_200 = vector.broadcast %slice3A_198 : vector<1x256xf32> to vector<256x256xf32>
          %sub3A_201 = arith.subf %sub3A_199, %sub3A_200 : vector<256x256xf32>
          %slice3A_202 = vector.extract_strided_slice %get3A_106 {offsets = [2, 1024], sizes = [1, 256], strides = [1, 1]} : vector<4x2048xf32> to vector<1x256xf32>
          %sub3A_203 = vector.broadcast %get3A_7 : vector<256x1xf32> to vector<256x256xf32>
          %sub3A_204 = vector.broadcast %slice3A_202 : vector<1x256xf32> to vector<256x256xf32>
          %sub3A_205 = arith.subf %sub3A_203, %sub3A_204 : vector<256x256xf32>
          %mul3A = arith.mulf %sub3A_197, %sub3A_197 : vector<256x256xf32>
          %mul3A_206 = arith.mulf %sub3A_201, %sub3A_201 : vector<256x256xf32>
          %add3A = arith.addf %mul3A, %mul3A_206 : vector<256x256xf32>
          %mul3A_207 = arith.mulf %sub3A_205, %sub3A_205 : vector<256x256xf32>
          %add3A_208 = arith.addf %add3A, %mul3A_207 : vector<256x256xf32>
          %lt3A_209 = arith.constant 1.600000e-01 : f32
          %lt3A_210 = vector.broadcast %lt3A_209 : f32 to vector<256x256xf32>
          %lt3A_211 = arith.cmpf olt, %add3A_208, %lt3A_210 : vector<256x256xf32>
          %convert_element_type3A_212 = arith.extui %lt3A_211 : vector<256x256xi1> to vector<256x256xi32>
          %lt3A_213 = arith.constant 6.400000e-01 : f32
          %lt3A_214 = vector.broadcast %lt3A_213 : f32 to vector<256x256xf32>
          %lt3A_215 = arith.cmpf olt, %add3A_208, %lt3A_214 : vector<256x256xf32>
          %convert_element_type3A_216 = arith.extui %lt3A_215 : vector<256x256xi1> to vector<256x256xi32>
          %broadcast_in_dim3A_217 = arith.constant 0 : i32
          %broadcast_in_dim3A_218 = vector.broadcast %broadcast_in_dim3A_217 : i32 to vector<256x256xi32>
          %slice3A_219 = vector.extract_strided_slice %broadcast_in_dim3A_218 {offsets = [0, 0], sizes = [256, 1], strides = [1, 1]} : vector<256x256xi32> to vector<256x1xi32>
          %slice3A_220 = vector.extract_strided_slice %convert_element_type3A_212 {offsets = [0, 0], sizes = [256, 255], strides = [1, 1]} : vector<256x256xi32> to vector<256x255xi32>
          %concatenate3A_221 = tpu.concatenate %slice3A_219, %slice3A_220 in 1 : vector<256x1xi32>, vector<256x255xi32> -> vector<256x256xi32>
          %add3A_222 = arith.addi %convert_element_type3A_212, %concatenate3A_221 : vector<256x256xi32>
          %slice3A_223 = vector.extract_strided_slice %broadcast_in_dim3A_218 {offsets = [0, 0], sizes = [256, 2], strides = [1, 1]} : vector<256x256xi32> to vector<256x2xi32>
          %slice3A_224 = vector.extract_strided_slice %add3A_222 {offsets = [0, 0], sizes = [256, 254], strides = [1, 1]} : vector<256x256xi32> to vector<256x254xi32>
          %concatenate3A_225 = tpu.concatenate %slice3A_223, %slice3A_224 in 1 : vector<256x2xi32>, vector<256x254xi32> -> vector<256x256xi32>
          %add3A_226 = arith.addi %add3A_222, %concatenate3A_225 : vector<256x256xi32>
          %slice3A_227 = vector.extract_strided_slice %broadcast_in_dim3A_218 {offsets = [0, 0], sizes = [256, 4], strides = [1, 1]} : vector<256x256xi32> to vector<256x4xi32>
          %slice3A_228 = vector.extract_strided_slice %add3A_226 {offsets = [0, 0], sizes = [256, 252], strides = [1, 1]} : vector<256x256xi32> to vector<256x252xi32>
          %concatenate3A_229 = tpu.concatenate %slice3A_227, %slice3A_228 in 1 : vector<256x4xi32>, vector<256x252xi32> -> vector<256x256xi32>
          %add3A_230 = arith.addi %add3A_226, %concatenate3A_229 : vector<256x256xi32>
          %slice3A_231 = vector.extract_strided_slice %broadcast_in_dim3A_218 {offsets = [0, 0], sizes = [256, 8], strides = [1, 1]} : vector<256x256xi32> to vector<256x8xi32>
          %slice3A_232 = vector.extract_strided_slice %add3A_230 {offsets = [0, 0], sizes = [256, 248], strides = [1, 1]} : vector<256x256xi32> to vector<256x248xi32>
          %concatenate3A_233 = tpu.concatenate %slice3A_231, %slice3A_232 in 1 : vector<256x8xi32>, vector<256x248xi32> -> vector<256x256xi32>
          %add3A_234 = arith.addi %add3A_230, %concatenate3A_233 : vector<256x256xi32>
          %slice3A_235 = vector.extract_strided_slice %broadcast_in_dim3A_218 {offsets = [0, 0], sizes = [256, 16], strides = [1, 1]} : vector<256x256xi32> to vector<256x16xi32>
          %slice3A_236 = vector.extract_strided_slice %add3A_234 {offsets = [0, 0], sizes = [256, 240], strides = [1, 1]} : vector<256x256xi32> to vector<256x240xi32>
          %concatenate3A_237 = tpu.concatenate %slice3A_235, %slice3A_236 in 1 : vector<256x16xi32>, vector<256x240xi32> -> vector<256x256xi32>
          %add3A_238 = arith.addi %add3A_234, %concatenate3A_237 : vector<256x256xi32>
          %slice3A_239 = vector.extract_strided_slice %broadcast_in_dim3A_218 {offsets = [0, 0], sizes = [256, 32], strides = [1, 1]} : vector<256x256xi32> to vector<256x32xi32>
          %slice3A_240 = vector.extract_strided_slice %add3A_238 {offsets = [0, 0], sizes = [256, 224], strides = [1, 1]} : vector<256x256xi32> to vector<256x224xi32>
          %concatenate3A_241 = tpu.concatenate %slice3A_239, %slice3A_240 in 1 : vector<256x32xi32>, vector<256x224xi32> -> vector<256x256xi32>
          %add3A_242 = arith.addi %add3A_238, %concatenate3A_241 : vector<256x256xi32>
          %slice3A_243 = vector.extract_strided_slice %broadcast_in_dim3A_218 {offsets = [0, 0], sizes = [256, 64], strides = [1, 1]} : vector<256x256xi32> to vector<256x64xi32>
          %slice3A_244 = vector.extract_strided_slice %add3A_242 {offsets = [0, 0], sizes = [256, 192], strides = [1, 1]} : vector<256x256xi32> to vector<256x192xi32>
          %concatenate3A_245 = tpu.concatenate %slice3A_243, %slice3A_244 in 1 : vector<256x64xi32>, vector<256x192xi32> -> vector<256x256xi32>
          %add3A_246 = arith.addi %add3A_242, %concatenate3A_245 : vector<256x256xi32>
          %slice3A_247 = vector.extract_strided_slice %broadcast_in_dim3A_218 {offsets = [0, 0], sizes = [256, 128], strides = [1, 1]} : vector<256x256xi32> to vector<256x128xi32>
          %slice3A_248 = vector.extract_strided_slice %add3A_246 {offsets = [0, 0], sizes = [256, 128], strides = [1, 1]} : vector<256x256xi32> to vector<256x128xi32>
          %concatenate3A_249 = tpu.concatenate %slice3A_247, %slice3A_248 in 1 : vector<256x128xi32>, vector<256x128xi32> -> vector<256x256xi32>
          %add3A_250 = arith.addi %add3A_246, %concatenate3A_249 : vector<256x256xi32>
          %add3A_251 = vector.broadcast %cond3A_150#0 : vector<256x1xi32> to vector<256x256xi32>
          %add3A_252 = arith.addi %add3A_251, %add3A_250 : vector<256x256xi32>
          %broadcast_in_dim3A_253 = arith.constant 0 : i32
          %broadcast_in_dim3A_254 = vector.broadcast %broadcast_in_dim3A_253 : i32 to vector<256x256xi32>
          %slice3A_255 = vector.extract_strided_slice %broadcast_in_dim3A_254 {offsets = [0, 0], sizes = [256, 1], strides = [1, 1]} : vector<256x256xi32> to vector<256x1xi32>
          %slice3A_256 = vector.extract_strided_slice %convert_element_type3A_216 {offsets = [0, 0], sizes = [256, 255], strides = [1, 1]} : vector<256x256xi32> to vector<256x255xi32>
          %concatenate3A_257 = tpu.concatenate %slice3A_255, %slice3A_256 in 1 : vector<256x1xi32>, vector<256x255xi32> -> vector<256x256xi32>
          %add3A_258 = arith.addi %convert_element_type3A_216, %concatenate3A_257 : vector<256x256xi32>
          %slice3A_259 = vector.extract_strided_slice %broadcast_in_dim3A_254 {offsets = [0, 0], sizes = [256, 2], strides = [1, 1]} : vector<256x256xi32> to vector<256x2xi32>
          %slice3A_260 = vector.extract_strided_slice %add3A_258 {offsets = [0, 0], sizes = [256, 254], strides = [1, 1]} : vector<256x256xi32> to vector<256x254xi32>
          %concatenate3A_261 = tpu.concatenate %slice3A_259, %slice3A_260 in 1 : vector<256x2xi32>, vector<256x254xi32> -> vector<256x256xi32>
          %add3A_262 = arith.addi %add3A_258, %concatenate3A_261 : vector<256x256xi32>
          %slice3A_263 = vector.extract_strided_slice %broadcast_in_dim3A_254 {offsets = [0, 0], sizes = [256, 4], strides = [1, 1]} : vector<256x256xi32> to vector<256x4xi32>
          %slice3A_264 = vector.extract_strided_slice %add3A_262 {offsets = [0, 0], sizes = [256, 252], strides = [1, 1]} : vector<256x256xi32> to vector<256x252xi32>
          %concatenate3A_265 = tpu.concatenate %slice3A_263, %slice3A_264 in 1 : vector<256x4xi32>, vector<256x252xi32> -> vector<256x256xi32>
          %add3A_266 = arith.addi %add3A_262, %concatenate3A_265 : vector<256x256xi32>
          %slice3A_267 = vector.extract_strided_slice %broadcast_in_dim3A_254 {offsets = [0, 0], sizes = [256, 8], strides = [1, 1]} : vector<256x256xi32> to vector<256x8xi32>
          %slice3A_268 = vector.extract_strided_slice %add3A_266 {offsets = [0, 0], sizes = [256, 248], strides = [1, 1]} : vector<256x256xi32> to vector<256x248xi32>
          %concatenate3A_269 = tpu.concatenate %slice3A_267, %slice3A_268 in 1 : vector<256x8xi32>, vector<256x248xi32> -> vector<256x256xi32>
          %add3A_270 = arith.addi %add3A_266, %concatenate3A_269 : vector<256x256xi32>
          %slice3A_271 = vector.extract_strided_slice %broadcast_in_dim3A_254 {offsets = [0, 0], sizes = [256, 16], strides = [1, 1]} : vector<256x256xi32> to vector<256x16xi32>
          %slice3A_272 = vector.extract_strided_slice %add3A_270 {offsets = [0, 0], sizes = [256, 240], strides = [1, 1]} : vector<256x256xi32> to vector<256x240xi32>
          %concatenate3A_273 = tpu.concatenate %slice3A_271, %slice3A_272 in 1 : vector<256x16xi32>, vector<256x240xi32> -> vector<256x256xi32>
          %add3A_274 = arith.addi %add3A_270, %concatenate3A_273 : vector<256x256xi32>
          %slice3A_275 = vector.extract_strided_slice %broadcast_in_dim3A_254 {offsets = [0, 0], sizes = [256, 32], strides = [1, 1]} : vector<256x256xi32> to vector<256x32xi32>
          %slice3A_276 = vector.extract_strided_slice %add3A_274 {offsets = [0, 0], sizes = [256, 224], strides = [1, 1]} : vector<256x256xi32> to vector<256x224xi32>
          %concatenate3A_277 = tpu.concatenate %slice3A_275, %slice3A_276 in 1 : vector<256x32xi32>, vector<256x224xi32> -> vector<256x256xi32>
          %add3A_278 = arith.addi %add3A_274, %concatenate3A_277 : vector<256x256xi32>
          %slice3A_279 = vector.extract_strided_slice %broadcast_in_dim3A_254 {offsets = [0, 0], sizes = [256, 64], strides = [1, 1]} : vector<256x256xi32> to vector<256x64xi32>
          %slice3A_280 = vector.extract_strided_slice %add3A_278 {offsets = [0, 0], sizes = [256, 192], strides = [1, 1]} : vector<256x256xi32> to vector<256x192xi32>
          %concatenate3A_281 = tpu.concatenate %slice3A_279, %slice3A_280 in 1 : vector<256x64xi32>, vector<256x192xi32> -> vector<256x256xi32>
          %add3A_282 = arith.addi %add3A_278, %concatenate3A_281 : vector<256x256xi32>
          %slice3A_283 = vector.extract_strided_slice %broadcast_in_dim3A_254 {offsets = [0, 0], sizes = [256, 128], strides = [1, 1]} : vector<256x256xi32> to vector<256x128xi32>
          %slice3A_284 = vector.extract_strided_slice %add3A_282 {offsets = [0, 0], sizes = [256, 128], strides = [1, 1]} : vector<256x256xi32> to vector<256x128xi32>
          %concatenate3A_285 = tpu.concatenate %slice3A_283, %slice3A_284 in 1 : vector<256x128xi32>, vector<256x128xi32> -> vector<256x256xi32>
          %add3A_286 = arith.addi %add3A_282, %concatenate3A_285 : vector<256x256xi32>
          %add3A_287 = vector.broadcast %cond3A_150#1 : vector<256x1xi32> to vector<256x256xi32>
          %add3A_288 = arith.addi %add3A_287, %add3A_286 : vector<256x256xi32>
          %le3A = arith.constant 0 : i32
          %le3A_289 = vector.broadcast %le3A : i32 to vector<256x256xi32>
          %le3A_290 = arith.cmpi sle, %add3A_252, %le3A_289 : vector<256x256xi32>
          %jit3A_291 = arith.constant 1.000000e+00 : f32
          %jit3A_292 = arith.constant 0.000000e+00 : f32
          %broadcast_in_dim3A_293 = vector.broadcast %jit3A_291 : f32 to vector<256x256xf32>
          %broadcast_in_dim3A_294 = vector.broadcast %jit3A_292 : f32 to vector<256x256xf32>
          %select_n3A_295 = arith.select %le3A_290, %broadcast_in_dim3A_293, %broadcast_in_dim3A_294 : vector<256x256xi1>, vector<256x256xf32>
          %get3A_296 = arith.constant 0 : index
          %get3A_297 = arith.constant 0 : index
          %get3A_298 = vector.load %arg6[%get3A_296, %get3A_297] : memref<256x4096xf32, #tpu.memory_space<vmem>>, vector<256x256xf32>
          %add3A_299 = arith.addf %get3A_298, %select_n3A_295 : vector<256x256xf32>
          %swap3A_300 = arith.constant 0 : index
          %swap3A_301 = arith.constant 0 : index
          %swap3A_302 = vector.load %arg6[%swap3A_300, %swap3A_301] : memref<256x4096xf32, #tpu.memory_space<vmem>>, vector<256x256xf32>
          tpu.vector_store %arg6[%swap3A_300, %swap3A_301], %add3A_299 {strides = array<i32>} : memref<256x4096xf32, #tpu.memory_space<vmem>>, vector<256x256xf32>,
          %le3A_303 = arith.constant 1 : i32
          %le3A_304 = vector.broadcast %le3A_303 : i32 to vector<256x256xi32>
          %le3A_305 = arith.cmpi sle, %add3A_252, %le3A_304 : vector<256x256xi32>
          %jit3A_306 = arith.constant 1.000000e+00 : f32
          %jit3A_307 = arith.constant 0.000000e+00 : f32
          %broadcast_in_dim3A_308 = vector.broadcast %jit3A_306 : f32 to vector<256x256xf32>
          %broadcast_in_dim3A_309 = vector.broadcast %jit3A_307 : f32 to vector<256x256xf32>
          %select_n3A_310 = arith.select %le3A_305, %broadcast_in_dim3A_308, %broadcast_in_dim3A_309 : vector<256x256xi1>, vector<256x256xf32>
          %get3A_311 = arith.constant 0 : index
          %get3A_312 = arith.constant 256 : index
          %get3A_313 = vector.load %arg6[%get3A_311, %get3A_312] : memref<256x4096xf32, #tpu.memory_space<vmem>>, vector<256x256xf32>
          %add3A_314 = arith.addf %get3A_313, %select_n3A_310 : vector<256x256xf32>
          %swap3A_315 = arith.constant 0 : index
          %swap3A_316 = arith.constant 256 : index
          %swap3A_317 = vector.load %arg6[%swap3A_315, %swap3A_316] : memref<256x4096xf32, #tpu.memory_space<vmem>>, vector<256x256xf32>
          tpu.vector_store %arg6[%swap3A_315, %swap3A_316], %add3A_314 {strides = array<i32>} : memref<256x4096xf32, #tpu.memory_space<vmem>>, vector<256x256xf32>,
          %le3A_318 = arith.constant 2 : i32
          %le3A_319 = vector.broadcast %le3A_318 : i32 to vector<256x256xi32>
          %le3A_320 = arith.cmpi sle, %add3A_252, %le3A_319 : vector<256x256xi32>
          %jit3A_321 = arith.constant 1.000000e+00 : f32
          %jit3A_322 = arith.constant 0.000000e+00 : f32
          %broadcast_in_dim3A_323 = vector.broadcast %jit3A_321 : f32 to vector<256x256xf32>
          %broadcast_in_dim3A_324 = vector.broadcast %jit3A_322 : f32 to vector<256x256xf32>
          %select_n3A_325 = arith.select %le3A_320, %broadcast_in_dim3A_323, %broadcast_in_dim3A_324 : vector<256x256xi1>, vector<256x256xf32>
          %get3A_326 = arith.constant 0 : index
          %get3A_327 = arith.constant 512 : index
          %get3A_328 = vector.load %arg6[%get3A_326, %get3A_327] : memref<256x4096xf32, #tpu.memory_space<vmem>>, vector<256x256xf32>
          %add3A_329 = arith.addf %get3A_328, %select_n3A_325 : vector<256x256xf32>
          %swap3A_330 = arith.constant 0 : index
          %swap3A_331 = arith.constant 512 : index
          %swap3A_332 = vector.load %arg6[%swap3A_330, %swap3A_331] : memref<256x4096xf32, #tpu.memory_space<vmem>>, vector<256x256xf32>
          tpu.vector_store %arg6[%swap3A_330, %swap3A_331], %add3A_329 {strides = array<i32>} : memref<256x4096xf32, #tpu.memory_space<vmem>>, vector<256x256xf32>,
          %le3A_333 = arith.constant 3 : i32
          %le3A_334 = vector.broadcast %le3A_333 : i32 to vector<256x256xi32>
          %le3A_335 = arith.cmpi sle, %add3A_252, %le3A_334 : vector<256x256xi32>
          %jit3A_336 = arith.constant 1.000000e+00 : f32
          %jit3A_337 = arith.constant 0.000000e+00 : f32
          %broadcast_in_dim3A_338 = vector.broadcast %jit3A_336 : f32 to vector<256x256xf32>
          %broadcast_in_dim3A_339 = vector.broadcast %jit3A_337 : f32 to vector<256x256xf32>
          %select_n3A_340 = arith.select %le3A_335, %broadcast_in_dim3A_338, %broadcast_in_dim3A_339 : vector<256x256xi1>, vector<256x256xf32>
          %get3A_341 = arith.constant 0 : index
          %get3A_342 = arith.constant 768 : index
          %get3A_343 = vector.load %arg6[%get3A_341, %get3A_342] : memref<256x4096xf32, #tpu.memory_space<vmem>>, vector<256x256xf32>
          %add3A_344 = arith.addf %get3A_343, %select_n3A_340 : vector<256x256xf32>
          %swap3A_345 = arith.constant 0 : index
          %swap3A_346 = arith.constant 768 : index
          %swap3A_347 = vector.load %arg6[%swap3A_345, %swap3A_346] : memref<256x4096xf32, #tpu.memory_space<vmem>>, vector<256x256xf32>
          tpu.vector_store %arg6[%swap3A_345, %swap3A_346], %add3A_344 {strides = array<i32>} : memref<256x4096xf32, #tpu.memory_space<vmem>>, vector<256x256xf32>,
          %le3A_348 = arith.constant 4 : i32
          %le3A_349 = vector.broadcast %le3A_348 : i32 to vector<256x256xi32>
          %le3A_350 = arith.cmpi sle, %add3A_252, %le3A_349 : vector<256x256xi32>
          %jit3A_351 = arith.constant 1.000000e+00 : f32
          %jit3A_352 = arith.constant 0.000000e+00 : f32
          %broadcast_in_dim3A_353 = vector.broadcast %jit3A_351 : f32 to vector<256x256xf32>
          %broadcast_in_dim3A_354 = vector.broadcast %jit3A_352 : f32 to vector<256x256xf32>
          %select_n3A_355 = arith.select %le3A_350, %broadcast_in_dim3A_353, %broadcast_in_dim3A_354 : vector<256x256xi1>, vector<256x256xf32>
          %get3A_356 = arith.constant 0 : index
          %get3A_357 = arith.constant 1024 : index
          %get3A_358 = vector.load %arg6[%get3A_356, %get3A_357] : memref<256x4096xf32, #tpu.memory_space<vmem>>, vector<256x256xf32>
          %add3A_359 = arith.addf %get3A_358, %select_n3A_355 : vector<256x256xf32>
          %swap3A_360 = arith.constant 0 : index
          %swap3A_361 = arith.constant 1024 : index
          %swap3A_362 = vector.load %arg6[%swap3A_360, %swap3A_361] : memref<256x4096xf32, #tpu.memory_space<vmem>>, vector<256x256xf32>
          tpu.vector_store %arg6[%swap3A_360, %swap3A_361], %add3A_359 {strides = array<i32>} : memref<256x4096xf32, #tpu.memory_space<vmem>>, vector<256x256xf32>,
          %le3A_363 = arith.constant 5 : i32
          %le3A_364 = vector.broadcast %le3A_363 : i32 to vector<256x256xi32>
          %le3A_365 = arith.cmpi sle, %add3A_252, %le3A_364 : vector<256x256xi32>
          %jit3A_366 = arith.constant 1.000000e+00 : f32
          %jit3A_367 = arith.constant 0.000000e+00 : f32
          %broadcast_in_dim3A_368 = vector.broadcast %jit3A_366 : f32 to vector<256x256xf32>
          %broadcast_in_dim3A_369 = vector.broadcast %jit3A_367 : f32 to vector<256x256xf32>
          %select_n3A_370 = arith.select %le3A_365, %broadcast_in_dim3A_368, %broadcast_in_dim3A_369 : vector<256x256xi1>, vector<256x256xf32>
          %get3A_371 = arith.constant 0 : index
          %get3A_372 = arith.constant 1280 : index
          %get3A_373 = vector.load %arg6[%get3A_371, %get3A_372] : memref<256x4096xf32, #tpu.memory_space<vmem>>, vector<256x256xf32>
          %add3A_374 = arith.addf %get3A_373, %select_n3A_370 : vector<256x256xf32>
          %swap3A_375 = arith.constant 0 : index
          %swap3A_376 = arith.constant 1280 : index
          %swap3A_377 = vector.load %arg6[%swap3A_375, %swap3A_376] : memref<256x4096xf32, #tpu.memory_space<vmem>>, vector<256x256xf32>
          tpu.vector_store %arg6[%swap3A_375, %swap3A_376], %add3A_374 {strides = array<i32>} : memref<256x4096xf32, #tpu.memory_space<vmem>>, vector<256x256xf32>,
          %le3A_378 = arith.constant 6 : i32
          %le3A_379 = vector.broadcast %le3A_378 : i32 to vector<256x256xi32>
          %le3A_380 = arith.cmpi sle, %add3A_252, %le3A_379 : vector<256x256xi32>
          %jit3A_381 = arith.constant 1.000000e+00 : f32
          %jit3A_382 = arith.constant 0.000000e+00 : f32
          %broadcast_in_dim3A_383 = vector.broadcast %jit3A_381 : f32 to vector<256x256xf32>
          %broadcast_in_dim3A_384 = vector.broadcast %jit3A_382 : f32 to vector<256x256xf32>
          %select_n3A_385 = arith.select %le3A_380, %broadcast_in_dim3A_383, %broadcast_in_dim3A_384 : vector<256x256xi1>, vector<256x256xf32>
          %get3A_386 = arith.constant 0 : index
          %get3A_387 = arith.constant 1536 : index
          %get3A_388 = vector.load %arg6[%get3A_386, %get3A_387] : memref<256x4096xf32, #tpu.memory_space<vmem>>, vector<256x256xf32>
          %add3A_389 = arith.addf %get3A_388, %select_n3A_385 : vector<256x256xf32>
          %swap3A_390 = arith.constant 0 : index
          %swap3A_391 = arith.constant 1536 : index
          %swap3A_392 = vector.load %arg6[%swap3A_390, %swap3A_391] : memref<256x4096xf32, #tpu.memory_space<vmem>>, vector<256x256xf32>
          tpu.vector_store %arg6[%swap3A_390, %swap3A_391], %add3A_389 {strides = array<i32>} : memref<256x4096xf32, #tpu.memory_space<vmem>>, vector<256x256xf32>,
          %le3A_393 = arith.constant 7 : i32
          %le3A_394 = vector.broadcast %le3A_393 : i32 to vector<256x256xi32>
          %le3A_395 = arith.cmpi sle, %add3A_252, %le3A_394 : vector<256x256xi32>
          %jit3A_396 = arith.constant 1.000000e+00 : f32
          %jit3A_397 = arith.constant 0.000000e+00 : f32
          %broadcast_in_dim3A_398 = vector.broadcast %jit3A_396 : f32 to vector<256x256xf32>
          %broadcast_in_dim3A_399 = vector.broadcast %jit3A_397 : f32 to vector<256x256xf32>
          %select_n3A_400 = arith.select %le3A_395, %broadcast_in_dim3A_398, %broadcast_in_dim3A_399 : vector<256x256xi1>, vector<256x256xf32>
          %get3A_401 = arith.constant 0 : index
          %get3A_402 = arith.constant 1792 : index
          %get3A_403 = vector.load %arg6[%get3A_401, %get3A_402] : memref<256x4096xf32, #tpu.memory_space<vmem>>, vector<256x256xf32>
          %add3A_404 = arith.addf %get3A_403, %select_n3A_400 : vector<256x256xf32>
          %swap3A_405 = arith.constant 0 : index
          %swap3A_406 = arith.constant 1792 : index
          %swap3A_407 = vector.load %arg6[%swap3A_405, %swap3A_406] : memref<256x4096xf32, #tpu.memory_space<vmem>>, vector<256x256xf32>
          tpu.vector_store %arg6[%swap3A_405, %swap3A_406], %add3A_404 {strides = array<i32>} : memref<256x4096xf32, #tpu.memory_space<vmem>>, vector<256x256xf32>,
          %le3A_408 = arith.constant 8 : i32
          %le3A_409 = vector.broadcast %le3A_408 : i32 to vector<256x256xi32>
          %le3A_410 = arith.cmpi sle, %add3A_252, %le3A_409 : vector<256x256xi32>
          %jit3A_411 = arith.constant 1.000000e+00 : f32
          %jit3A_412 = arith.constant 0.000000e+00 : f32
          %broadcast_in_dim3A_413 = vector.broadcast %jit3A_411 : f32 to vector<256x256xf32>
          %broadcast_in_dim3A_414 = vector.broadcast %jit3A_412 : f32 to vector<256x256xf32>
          %select_n3A_415 = arith.select %le3A_410, %broadcast_in_dim3A_413, %broadcast_in_dim3A_414 : vector<256x256xi1>, vector<256x256xf32>
          %get3A_416 = arith.constant 0 : index
          %get3A_417 = arith.constant 2048 : index
          %get3A_418 = vector.load %arg6[%get3A_416, %get3A_417] : memref<256x4096xf32, #tpu.memory_space<vmem>>, vector<256x256xf32>
          %add3A_419 = arith.addf %get3A_418, %select_n3A_415 : vector<256x256xf32>
          %swap3A_420 = arith.constant 0 : index
          %swap3A_421 = arith.constant 2048 : index
          %swap3A_422 = vector.load %arg6[%swap3A_420, %swap3A_421] : memref<256x4096xf32, #tpu.memory_space<vmem>>, vector<256x256xf32>
          tpu.vector_store %arg6[%swap3A_420, %swap3A_421], %add3A_419 {strides = array<i32>} : memref<256x4096xf32, #tpu.memory_space<vmem>>, vector<256x256xf32>,
          %le3A_423 = arith.constant 9 : i32
          %le3A_424 = vector.broadcast %le3A_423 : i32 to vector<256x256xi32>
          %le3A_425 = arith.cmpi sle, %add3A_252, %le3A_424 : vector<256x256xi32>
          %jit3A_426 = arith.constant 1.000000e+00 : f32
          %jit3A_427 = arith.constant 0.000000e+00 : f32
          %broadcast_in_dim3A_428 = vector.broadcast %jit3A_426 : f32 to vector<256x256xf32>
          %broadcast_in_dim3A_429 = vector.broadcast %jit3A_427 : f32 to vector<256x256xf32>
          %select_n3A_430 = arith.select %le3A_425, %broadcast_in_dim3A_428, %broadcast_in_dim3A_429 : vector<256x256xi1>, vector<256x256xf32>
          %get3A_431 = arith.constant 0 : index
          %get3A_432 = arith.constant 2304 : index
          %get3A_433 = vector.load %arg6[%get3A_431, %get3A_432] : memref<256x4096xf32, #tpu.memory_space<vmem>>, vector<256x256xf32>
          %add3A_434 = arith.addf %get3A_433, %select_n3A_430 : vector<256x256xf32>
          %swap3A_435 = arith.constant 0 : index
          %swap3A_436 = arith.constant 2304 : index
          %swap3A_437 = vector.load %arg6[%swap3A_435, %swap3A_436] : memref<256x4096xf32, #tpu.memory_space<vmem>>, vector<256x256xf32>
          tpu.vector_store %arg6[%swap3A_435, %swap3A_436], %add3A_434 {strides = array<i32>} : memref<256x4096xf32, #tpu.memory_space<vmem>>, vector<256x256xf32>,
          %le3A_438 = arith.constant 10 : i32
          %le3A_439 = vector.broadcast %le3A_438 : i32 to vector<256x256xi32>
          %le3A_440 = arith.cmpi sle, %add3A_252, %le3A_439 : vector<256x256xi32>
          %jit3A_441 = arith.constant 1.000000e+00 : f32
          %jit3A_442 = arith.constant 0.000000e+00 : f32
          %broadcast_in_dim3A_443 = vector.broadcast %jit3A_441 : f32 to vector<256x256xf32>
          %broadcast_in_dim3A_444 = vector.broadcast %jit3A_442 : f32 to vector<256x256xf32>
          %select_n3A_445 = arith.select %le3A_440, %broadcast_in_dim3A_443, %broadcast_in_dim3A_444 : vector<256x256xi1>, vector<256x256xf32>
          %get3A_446 = arith.constant 0 : index
          %get3A_447 = arith.constant 2560 : index
          %get3A_448 = vector.load %arg6[%get3A_446, %get3A_447] : memref<256x4096xf32, #tpu.memory_space<vmem>>, vector<256x256xf32>
          %add3A_449 = arith.addf %get3A_448, %select_n3A_445 : vector<256x256xf32>
          %swap3A_450 = arith.constant 0 : index
          %swap3A_451 = arith.constant 2560 : index
          %swap3A_452 = vector.load %arg6[%swap3A_450, %swap3A_451] : memref<256x4096xf32, #tpu.memory_space<vmem>>, vector<256x256xf32>
          tpu.vector_store %arg6[%swap3A_450, %swap3A_451], %add3A_449 {strides = array<i32>} : memref<256x4096xf32, #tpu.memory_space<vmem>>, vector<256x256xf32>,
          %le3A_453 = arith.constant 11 : i32
          %le3A_454 = vector.broadcast %le3A_453 : i32 to vector<256x256xi32>
          %le3A_455 = arith.cmpi sle, %add3A_252, %le3A_454 : vector<256x256xi32>
          %jit3A_456 = arith.constant 1.000000e+00 : f32
          %jit3A_457 = arith.constant 0.000000e+00 : f32
          %broadcast_in_dim3A_458 = vector.broadcast %jit3A_456 : f32 to vector<256x256xf32>
          %broadcast_in_dim3A_459 = vector.broadcast %jit3A_457 : f32 to vector<256x256xf32>
          %select_n3A_460 = arith.select %le3A_455, %broadcast_in_dim3A_458, %broadcast_in_dim3A_459 : vector<256x256xi1>, vector<256x256xf32>
          %get3A_461 = arith.constant 0 : index
          %get3A_462 = arith.constant 2816 : index
          %get3A_463 = vector.load %arg6[%get3A_461, %get3A_462] : memref<256x4096xf32, #tpu.memory_space<vmem>>, vector<256x256xf32>
          %add3A_464 = arith.addf %get3A_463, %select_n3A_460 : vector<256x256xf32>
          %swap3A_465 = arith.constant 0 : index
          %swap3A_466 = arith.constant 2816 : index
          %swap3A_467 = vector.load %arg6[%swap3A_465, %swap3A_466] : memref<256x4096xf32, #tpu.memory_space<vmem>>, vector<256x256xf32>
          tpu.vector_store %arg6[%swap3A_465, %swap3A_466], %add3A_464 {strides = array<i32>} : memref<256x4096xf32, #tpu.memory_space<vmem>>, vector<256x256xf32>,
          %le3A_468 = arith.constant 12 : i32
          %le3A_469 = vector.broadcast %le3A_468 : i32 to vector<256x256xi32>
          %le3A_470 = arith.cmpi sle, %add3A_252, %le3A_469 : vector<256x256xi32>
          %jit3A_471 = arith.constant 1.000000e+00 : f32
          %jit3A_472 = arith.constant 0.000000e+00 : f32
          %broadcast_in_dim3A_473 = vector.broadcast %jit3A_471 : f32 to vector<256x256xf32>
          %broadcast_in_dim3A_474 = vector.broadcast %jit3A_472 : f32 to vector<256x256xf32>
          %select_n3A_475 = arith.select %le3A_470, %broadcast_in_dim3A_473, %broadcast_in_dim3A_474 : vector<256x256xi1>, vector<256x256xf32>
          %get3A_476 = arith.constant 0 : index
          %get3A_477 = arith.constant 3072 : index
          %get3A_478 = vector.load %arg6[%get3A_476, %get3A_477] : memref<256x4096xf32, #tpu.memory_space<vmem>>, vector<256x256xf32>
          %add3A_479 = arith.addf %get3A_478, %select_n3A_475 : vector<256x256xf32>
          %swap3A_480 = arith.constant 0 : index
          %swap3A_481 = arith.constant 3072 : index
          %swap3A_482 = vector.load %arg6[%swap3A_480, %swap3A_481] : memref<256x4096xf32, #tpu.memory_space<vmem>>, vector<256x256xf32>
          tpu.vector_store %arg6[%swap3A_480, %swap3A_481], %add3A_479 {strides = array<i32>} : memref<256x4096xf32, #tpu.memory_space<vmem>>, vector<256x256xf32>,
          %le3A_483 = arith.constant 13 : i32
          %le3A_484 = vector.broadcast %le3A_483 : i32 to vector<256x256xi32>
          %le3A_485 = arith.cmpi sle, %add3A_252, %le3A_484 : vector<256x256xi32>
          %jit3A_486 = arith.constant 1.000000e+00 : f32
          %jit3A_487 = arith.constant 0.000000e+00 : f32
          %broadcast_in_dim3A_488 = vector.broadcast %jit3A_486 : f32 to vector<256x256xf32>
          %broadcast_in_dim3A_489 = vector.broadcast %jit3A_487 : f32 to vector<256x256xf32>
          %select_n3A_490 = arith.select %le3A_485, %broadcast_in_dim3A_488, %broadcast_in_dim3A_489 : vector<256x256xi1>, vector<256x256xf32>
          %get3A_491 = arith.constant 0 : index
          %get3A_492 = arith.constant 3328 : index
          %get3A_493 = vector.load %arg6[%get3A_491, %get3A_492] : memref<256x4096xf32, #tpu.memory_space<vmem>>, vector<256x256xf32>
          %add3A_494 = arith.addf %get3A_493, %select_n3A_490 : vector<256x256xf32>
          %swap3A_495 = arith.constant 0 : index
          %swap3A_496 = arith.constant 3328 : index
          %swap3A_497 = vector.load %arg6[%swap3A_495, %swap3A_496] : memref<256x4096xf32, #tpu.memory_space<vmem>>, vector<256x256xf32>
          tpu.vector_store %arg6[%swap3A_495, %swap3A_496], %add3A_494 {strides = array<i32>} : memref<256x4096xf32, #tpu.memory_space<vmem>>, vector<256x256xf32>,
          %le3A_498 = arith.constant 14 : i32
          %le3A_499 = vector.broadcast %le3A_498 : i32 to vector<256x256xi32>
          %le3A_500 = arith.cmpi sle, %add3A_252, %le3A_499 : vector<256x256xi32>
          %jit3A_501 = arith.constant 1.000000e+00 : f32
          %jit3A_502 = arith.constant 0.000000e+00 : f32
          %broadcast_in_dim3A_503 = vector.broadcast %jit3A_501 : f32 to vector<256x256xf32>
          %broadcast_in_dim3A_504 = vector.broadcast %jit3A_502 : f32 to vector<256x256xf32>
          %select_n3A_505 = arith.select %le3A_500, %broadcast_in_dim3A_503, %broadcast_in_dim3A_504 : vector<256x256xi1>, vector<256x256xf32>
          %get3A_506 = arith.constant 0 : index
          %get3A_507 = arith.constant 3584 : index
          %get3A_508 = vector.load %arg6[%get3A_506, %get3A_507] : memref<256x4096xf32, #tpu.memory_space<vmem>>, vector<256x256xf32>
          %add3A_509 = arith.addf %get3A_508, %select_n3A_505 : vector<256x256xf32>
          %swap3A_510 = arith.constant 0 : index
          %swap3A_511 = arith.constant 3584 : index
          %swap3A_512 = vector.load %arg6[%swap3A_510, %swap3A_511] : memref<256x4096xf32, #tpu.memory_space<vmem>>, vector<256x256xf32>
          tpu.vector_store %arg6[%swap3A_510, %swap3A_511], %add3A_509 {strides = array<i32>} : memref<256x4096xf32, #tpu.memory_space<vmem>>, vector<256x256xf32>,
          %le3A_513 = arith.constant 15 : i32
          %le3A_514 = vector.broadcast %le3A_513 : i32 to vector<256x256xi32>
          %le3A_515 = arith.cmpi sle, %add3A_252, %le3A_514 : vector<256x256xi32>
          %jit3A_516 = arith.constant 1.000000e+00 : f32
          %jit3A_517 = arith.constant 0.000000e+00 : f32
          %broadcast_in_dim3A_518 = vector.broadcast %jit3A_516 : f32 to vector<256x256xf32>
          %broadcast_in_dim3A_519 = vector.broadcast %jit3A_517 : f32 to vector<256x256xf32>
          %select_n3A_520 = arith.select %le3A_515, %broadcast_in_dim3A_518, %broadcast_in_dim3A_519 : vector<256x256xi1>, vector<256x256xf32>
          %get3A_521 = arith.constant 0 : index
          %get3A_522 = arith.constant 3840 : index
          %get3A_523 = vector.load %arg6[%get3A_521, %get3A_522] : memref<256x4096xf32, #tpu.memory_space<vmem>>, vector<256x256xf32>
          %add3A_524 = arith.addf %get3A_523, %select_n3A_520 : vector<256x256xf32>
          %swap3A_525 = arith.constant 0 : index
          %swap3A_526 = arith.constant 3840 : index
          %swap3A_527 = vector.load %arg6[%swap3A_525, %swap3A_526] : memref<256x4096xf32, #tpu.memory_space<vmem>>, vector<256x256xf32>
          tpu.vector_store %arg6[%swap3A_525, %swap3A_526], %add3A_524 {strides = array<i32>} : memref<256x4096xf32, #tpu.memory_space<vmem>>, vector<256x256xf32>,
          %reduce_min3A_528 = vector.shape_cast %cond3A_150#1 : vector<256x1xi32> to vector<1x256x1xi32>
          %reduce_min3A_529 = arith.constant dense<2147483647> : vector<1xi32>
          %reduce_min3A_530 = vector.multi_reduction <minsi>, %reduce_min3A_528, %reduce_min3A_529 [1, 2] : vector<1x256x1xi32> to vector<1xi32>
          %reduce_min3A_531 = vector.shape_cast %reduce_min3A_530 : vector<1xi32> to vector<1x1x1xi32>
          %reduce_min3A_532 = vector.extract %reduce_min3A_531[0, 0, 0] : i32 from vector<1x1x1xi32>
          %lt3A_533 = arith.constant 16 : i32
          %lt3A_534 = arith.cmpi slt, %reduce_min3A_532, %lt3A_533 : i32
          %convert_element_type3A_535 = arith.extui %lt3A_534 : i1 to i32
          %cond3A_536 = arith.constant 0 : i32
          %cond3A_537 = arith.cmpi ne, %convert_element_type3A_535, %cond3A_536 : i32
          scf.if %cond3A_537 {
            %le3A_540 = arith.constant 0 : i32
            %le3A_541 = vector.broadcast %le3A_540 : i32 to vector<256x256xi32>
            %le3A_542 = arith.cmpi sle, %add3A_288, %le3A_541 : vector<256x256xi32>
            %jit3A_543 = arith.constant 1.000000e+00 : f32
            %jit3A_544 = arith.constant 0.000000e+00 : f32
            %broadcast_in_dim3A_545 = vector.broadcast %jit3A_543 : f32 to vector<256x256xf32>
            %broadcast_in_dim3A_546 = vector.broadcast %jit3A_544 : f32 to vector<256x256xf32>
            %select_n3A_547 = arith.select %le3A_542, %broadcast_in_dim3A_545, %broadcast_in_dim3A_546 : vector<256x256xi1>, vector<256x256xf32>
            %get3A_548 = arith.constant 0 : index
            %get3A_549 = arith.constant 0 : index
            %get3A_550 = vector.load %arg7[%get3A_548, %get3A_549] : memref<256x4096xf32, #tpu.memory_space<vmem>>, vector<256x256xf32>
            %add3A_551 = arith.addf %get3A_550, %select_n3A_547 : vector<256x256xf32>
            %swap3A_552 = arith.constant 0 : index
            %swap3A_553 = arith.constant 0 : index
            %swap3A_554 = vector.load %arg7[%swap3A_552, %swap3A_553] : memref<256x4096xf32, #tpu.memory_space<vmem>>, vector<256x256xf32>
            tpu.vector_store %arg7[%swap3A_552, %swap3A_553], %add3A_551 {strides = array<i32>} : memref<256x4096xf32, #tpu.memory_space<vmem>>, vector<256x256xf32>,
            %le3A_555 = arith.constant 1 : i32
            %le3A_556 = vector.broadcast %le3A_555 : i32 to vector<256x256xi32>
            %le3A_557 = arith.cmpi sle, %add3A_288, %le3A_556 : vector<256x256xi32>
            %jit3A_558 = arith.constant 1.000000e+00 : f32
            %jit3A_559 = arith.constant 0.000000e+00 : f32
            %broadcast_in_dim3A_560 = vector.broadcast %jit3A_558 : f32 to vector<256x256xf32>
            %broadcast_in_dim3A_561 = vector.broadcast %jit3A_559 : f32 to vector<256x256xf32>
            %select_n3A_562 = arith.select %le3A_557, %broadcast_in_dim3A_560, %broadcast_in_dim3A_561 : vector<256x256xi1>, vector<256x256xf32>
            %get3A_563 = arith.constant 0 : index
            %get3A_564 = arith.constant 256 : index
            %get3A_565 = vector.load %arg7[%get3A_563, %get3A_564] : memref<256x4096xf32, #tpu.memory_space<vmem>>, vector<256x256xf32>
            %add3A_566 = arith.addf %get3A_565, %select_n3A_562 : vector<256x256xf32>
            %swap3A_567 = arith.constant 0 : index
            %swap3A_568 = arith.constant 256 : index
            %swap3A_569 = vector.load %arg7[%swap3A_567, %swap3A_568] : memref<256x4096xf32, #tpu.memory_space<vmem>>, vector<256x256xf32>
            tpu.vector_store %arg7[%swap3A_567, %swap3A_568], %add3A_566 {strides = array<i32>} : memref<256x4096xf32, #tpu.memory_space<vmem>>, vector<256x256xf32>,
            %le3A_570 = arith.constant 2 : i32
            %le3A_571 = vector.broadcast %le3A_570 : i32 to vector<256x256xi32>
            %le3A_572 = arith.cmpi sle, %add3A_288, %le3A_571 : vector<256x256xi32>
            %jit3A_573 = arith.constant 1.000000e+00 : f32
            %jit3A_574 = arith.constant 0.000000e+00 : f32
            %broadcast_in_dim3A_575 = vector.broadcast %jit3A_573 : f32 to vector<256x256xf32>
            %broadcast_in_dim3A_576 = vector.broadcast %jit3A_574 : f32 to vector<256x256xf32>
            %select_n3A_577 = arith.select %le3A_572, %broadcast_in_dim3A_575, %broadcast_in_dim3A_576 : vector<256x256xi1>, vector<256x256xf32>
            %get3A_578 = arith.constant 0 : index
            %get3A_579 = arith.constant 512 : index
            %get3A_580 = vector.load %arg7[%get3A_578, %get3A_579] : memref<256x4096xf32, #tpu.memory_space<vmem>>, vector<256x256xf32>
            %add3A_581 = arith.addf %get3A_580, %select_n3A_577 : vector<256x256xf32>
            %swap3A_582 = arith.constant 0 : index
            %swap3A_583 = arith.constant 512 : index
            %swap3A_584 = vector.load %arg7[%swap3A_582, %swap3A_583] : memref<256x4096xf32, #tpu.memory_space<vmem>>, vector<256x256xf32>
            tpu.vector_store %arg7[%swap3A_582, %swap3A_583], %add3A_581 {strides = array<i32>} : memref<256x4096xf32, #tpu.memory_space<vmem>>, vector<256x256xf32>,
            %le3A_585 = arith.constant 3 : i32
            %le3A_586 = vector.broadcast %le3A_585 : i32 to vector<256x256xi32>
            %le3A_587 = arith.cmpi sle, %add3A_288, %le3A_586 : vector<256x256xi32>
            %jit3A_588 = arith.constant 1.000000e+00 : f32
            %jit3A_589 = arith.constant 0.000000e+00 : f32
            %broadcast_in_dim3A_590 = vector.broadcast %jit3A_588 : f32 to vector<256x256xf32>
            %broadcast_in_dim3A_591 = vector.broadcast %jit3A_589 : f32 to vector<256x256xf32>
            %select_n3A_592 = arith.select %le3A_587, %broadcast_in_dim3A_590, %broadcast_in_dim3A_591 : vector<256x256xi1>, vector<256x256xf32>
            %get3A_593 = arith.constant 0 : index
            %get3A_594 = arith.constant 768 : index
            %get3A_595 = vector.load %arg7[%get3A_593, %get3A_594] : memref<256x4096xf32, #tpu.memory_space<vmem>>, vector<256x256xf32>
            %add3A_596 = arith.addf %get3A_595, %select_n3A_592 : vector<256x256xf32>
            %swap3A_597 = arith.constant 0 : index
            %swap3A_598 = arith.constant 768 : index
            %swap3A_599 = vector.load %arg7[%swap3A_597, %swap3A_598] : memref<256x4096xf32, #tpu.memory_space<vmem>>, vector<256x256xf32>
            tpu.vector_store %arg7[%swap3A_597, %swap3A_598], %add3A_596 {strides = array<i32>} : memref<256x4096xf32, #tpu.memory_space<vmem>>, vector<256x256xf32>,
            %le3A_600 = arith.constant 4 : i32
            %le3A_601 = vector.broadcast %le3A_600 : i32 to vector<256x256xi32>
            %le3A_602 = arith.cmpi sle, %add3A_288, %le3A_601 : vector<256x256xi32>
            %jit3A_603 = arith.constant 1.000000e+00 : f32
            %jit3A_604 = arith.constant 0.000000e+00 : f32
            %broadcast_in_dim3A_605 = vector.broadcast %jit3A_603 : f32 to vector<256x256xf32>
            %broadcast_in_dim3A_606 = vector.broadcast %jit3A_604 : f32 to vector<256x256xf32>
            %select_n3A_607 = arith.select %le3A_602, %broadcast_in_dim3A_605, %broadcast_in_dim3A_606 : vector<256x256xi1>, vector<256x256xf32>
            %get3A_608 = arith.constant 0 : index
            %get3A_609 = arith.constant 1024 : index
            %get3A_610 = vector.load %arg7[%get3A_608, %get3A_609] : memref<256x4096xf32, #tpu.memory_space<vmem>>, vector<256x256xf32>
            %add3A_611 = arith.addf %get3A_610, %select_n3A_607 : vector<256x256xf32>
            %swap3A_612 = arith.constant 0 : index
            %swap3A_613 = arith.constant 1024 : index
            %swap3A_614 = vector.load %arg7[%swap3A_612, %swap3A_613] : memref<256x4096xf32, #tpu.memory_space<vmem>>, vector<256x256xf32>
            tpu.vector_store %arg7[%swap3A_612, %swap3A_613], %add3A_611 {strides = array<i32>} : memref<256x4096xf32, #tpu.memory_space<vmem>>, vector<256x256xf32>,
            %le3A_615 = arith.constant 5 : i32
            %le3A_616 = vector.broadcast %le3A_615 : i32 to vector<256x256xi32>
            %le3A_617 = arith.cmpi sle, %add3A_288, %le3A_616 : vector<256x256xi32>
            %jit3A_618 = arith.constant 1.000000e+00 : f32
            %jit3A_619 = arith.constant 0.000000e+00 : f32
            %broadcast_in_dim3A_620 = vector.broadcast %jit3A_618 : f32 to vector<256x256xf32>
            %broadcast_in_dim3A_621 = vector.broadcast %jit3A_619 : f32 to vector<256x256xf32>
            %select_n3A_622 = arith.select %le3A_617, %broadcast_in_dim3A_620, %broadcast_in_dim3A_621 : vector<256x256xi1>, vector<256x256xf32>
            %get3A_623 = arith.constant 0 : index
            %get3A_624 = arith.constant 1280 : index
            %get3A_625 = vector.load %arg7[%get3A_623, %get3A_624] : memref<256x4096xf32, #tpu.memory_space<vmem>>, vector<256x256xf32>
            %add3A_626 = arith.addf %get3A_625, %select_n3A_622 : vector<256x256xf32>
            %swap3A_627 = arith.constant 0 : index
            %swap3A_628 = arith.constant 1280 : index
            %swap3A_629 = vector.load %arg7[%swap3A_627, %swap3A_628] : memref<256x4096xf32, #tpu.memory_space<vmem>>, vector<256x256xf32>
            tpu.vector_store %arg7[%swap3A_627, %swap3A_628], %add3A_626 {strides = array<i32>} : memref<256x4096xf32, #tpu.memory_space<vmem>>, vector<256x256xf32>,
            %le3A_630 = arith.constant 6 : i32
            %le3A_631 = vector.broadcast %le3A_630 : i32 to vector<256x256xi32>
            %le3A_632 = arith.cmpi sle, %add3A_288, %le3A_631 : vector<256x256xi32>
            %jit3A_633 = arith.constant 1.000000e+00 : f32
            %jit3A_634 = arith.constant 0.000000e+00 : f32
            %broadcast_in_dim3A_635 = vector.broadcast %jit3A_633 : f32 to vector<256x256xf32>
            %broadcast_in_dim3A_636 = vector.broadcast %jit3A_634 : f32 to vector<256x256xf32>
            %select_n3A_637 = arith.select %le3A_632, %broadcast_in_dim3A_635, %broadcast_in_dim3A_636 : vector<256x256xi1>, vector<256x256xf32>
            %get3A_638 = arith.constant 0 : index
            %get3A_639 = arith.constant 1536 : index
            %get3A_640 = vector.load %arg7[%get3A_638, %get3A_639] : memref<256x4096xf32, #tpu.memory_space<vmem>>, vector<256x256xf32>
            %add3A_641 = arith.addf %get3A_640, %select_n3A_637 : vector<256x256xf32>
            %swap3A_642 = arith.constant 0 : index
            %swap3A_643 = arith.constant 1536 : index
            %swap3A_644 = vector.load %arg7[%swap3A_642, %swap3A_643] : memref<256x4096xf32, #tpu.memory_space<vmem>>, vector<256x256xf32>
            tpu.vector_store %arg7[%swap3A_642, %swap3A_643], %add3A_641 {strides = array<i32>} : memref<256x4096xf32, #tpu.memory_space<vmem>>, vector<256x256xf32>,
            %le3A_645 = arith.constant 7 : i32
            %le3A_646 = vector.broadcast %le3A_645 : i32 to vector<256x256xi32>
            %le3A_647 = arith.cmpi sle, %add3A_288, %le3A_646 : vector<256x256xi32>
            %jit3A_648 = arith.constant 1.000000e+00 : f32
            %jit3A_649 = arith.constant 0.000000e+00 : f32
            %broadcast_in_dim3A_650 = vector.broadcast %jit3A_648 : f32 to vector<256x256xf32>
            %broadcast_in_dim3A_651 = vector.broadcast %jit3A_649 : f32 to vector<256x256xf32>
            %select_n3A_652 = arith.select %le3A_647, %broadcast_in_dim3A_650, %broadcast_in_dim3A_651 : vector<256x256xi1>, vector<256x256xf32>
            %get3A_653 = arith.constant 0 : index
            %get3A_654 = arith.constant 1792 : index
            %get3A_655 = vector.load %arg7[%get3A_653, %get3A_654] : memref<256x4096xf32, #tpu.memory_space<vmem>>, vector<256x256xf32>
            %add3A_656 = arith.addf %get3A_655, %select_n3A_652 : vector<256x256xf32>
            %swap3A_657 = arith.constant 0 : index
            %swap3A_658 = arith.constant 1792 : index
            %swap3A_659 = vector.load %arg7[%swap3A_657, %swap3A_658] : memref<256x4096xf32, #tpu.memory_space<vmem>>, vector<256x256xf32>
            tpu.vector_store %arg7[%swap3A_657, %swap3A_658], %add3A_656 {strides = array<i32>} : memref<256x4096xf32, #tpu.memory_space<vmem>>, vector<256x256xf32>,
            %le3A_660 = arith.constant 8 : i32
            %le3A_661 = vector.broadcast %le3A_660 : i32 to vector<256x256xi32>
            %le3A_662 = arith.cmpi sle, %add3A_288, %le3A_661 : vector<256x256xi32>
            %jit3A_663 = arith.constant 1.000000e+00 : f32
            %jit3A_664 = arith.constant 0.000000e+00 : f32
            %broadcast_in_dim3A_665 = vector.broadcast %jit3A_663 : f32 to vector<256x256xf32>
            %broadcast_in_dim3A_666 = vector.broadcast %jit3A_664 : f32 to vector<256x256xf32>
            %select_n3A_667 = arith.select %le3A_662, %broadcast_in_dim3A_665, %broadcast_in_dim3A_666 : vector<256x256xi1>, vector<256x256xf32>
            %get3A_668 = arith.constant 0 : index
            %get3A_669 = arith.constant 2048 : index
            %get3A_670 = vector.load %arg7[%get3A_668, %get3A_669] : memref<256x4096xf32, #tpu.memory_space<vmem>>, vector<256x256xf32>
            %add3A_671 = arith.addf %get3A_670, %select_n3A_667 : vector<256x256xf32>
            %swap3A_672 = arith.constant 0 : index
            %swap3A_673 = arith.constant 2048 : index
            %swap3A_674 = vector.load %arg7[%swap3A_672, %swap3A_673] : memref<256x4096xf32, #tpu.memory_space<vmem>>, vector<256x256xf32>
            tpu.vector_store %arg7[%swap3A_672, %swap3A_673], %add3A_671 {strides = array<i32>} : memref<256x4096xf32, #tpu.memory_space<vmem>>, vector<256x256xf32>,
            %le3A_675 = arith.constant 9 : i32
            %le3A_676 = vector.broadcast %le3A_675 : i32 to vector<256x256xi32>
            %le3A_677 = arith.cmpi sle, %add3A_288, %le3A_676 : vector<256x256xi32>
            %jit3A_678 = arith.constant 1.000000e+00 : f32
            %jit3A_679 = arith.constant 0.000000e+00 : f32
            %broadcast_in_dim3A_680 = vector.broadcast %jit3A_678 : f32 to vector<256x256xf32>
            %broadcast_in_dim3A_681 = vector.broadcast %jit3A_679 : f32 to vector<256x256xf32>
            %select_n3A_682 = arith.select %le3A_677, %broadcast_in_dim3A_680, %broadcast_in_dim3A_681 : vector<256x256xi1>, vector<256x256xf32>
            %get3A_683 = arith.constant 0 : index
            %get3A_684 = arith.constant 2304 : index
            %get3A_685 = vector.load %arg7[%get3A_683, %get3A_684] : memref<256x4096xf32, #tpu.memory_space<vmem>>, vector<256x256xf32>
            %add3A_686 = arith.addf %get3A_685, %select_n3A_682 : vector<256x256xf32>
            %swap3A_687 = arith.constant 0 : index
            %swap3A_688 = arith.constant 2304 : index
            %swap3A_689 = vector.load %arg7[%swap3A_687, %swap3A_688] : memref<256x4096xf32, #tpu.memory_space<vmem>>, vector<256x256xf32>
            tpu.vector_store %arg7[%swap3A_687, %swap3A_688], %add3A_686 {strides = array<i32>} : memref<256x4096xf32, #tpu.memory_space<vmem>>, vector<256x256xf32>,
            %le3A_690 = arith.constant 10 : i32
            %le3A_691 = vector.broadcast %le3A_690 : i32 to vector<256x256xi32>
            %le3A_692 = arith.cmpi sle, %add3A_288, %le3A_691 : vector<256x256xi32>
            %jit3A_693 = arith.constant 1.000000e+00 : f32
            %jit3A_694 = arith.constant 0.000000e+00 : f32
            %broadcast_in_dim3A_695 = vector.broadcast %jit3A_693 : f32 to vector<256x256xf32>
            %broadcast_in_dim3A_696 = vector.broadcast %jit3A_694 : f32 to vector<256x256xf32>
            %select_n3A_697 = arith.select %le3A_692, %broadcast_in_dim3A_695, %broadcast_in_dim3A_696 : vector<256x256xi1>, vector<256x256xf32>
            %get3A_698 = arith.constant 0 : index
            %get3A_699 = arith.constant 2560 : index
            %get3A_700 = vector.load %arg7[%get3A_698, %get3A_699] : memref<256x4096xf32, #tpu.memory_space<vmem>>, vector<256x256xf32>
            %add3A_701 = arith.addf %get3A_700, %select_n3A_697 : vector<256x256xf32>
            %swap3A_702 = arith.constant 0 : index
            %swap3A_703 = arith.constant 2560 : index
            %swap3A_704 = vector.load %arg7[%swap3A_702, %swap3A_703] : memref<256x4096xf32, #tpu.memory_space<vmem>>, vector<256x256xf32>
            tpu.vector_store %arg7[%swap3A_702, %swap3A_703], %add3A_701 {strides = array<i32>} : memref<256x4096xf32, #tpu.memory_space<vmem>>, vector<256x256xf32>,
            %le3A_705 = arith.constant 11 : i32
            %le3A_706 = vector.broadcast %le3A_705 : i32 to vector<256x256xi32>
            %le3A_707 = arith.cmpi sle, %add3A_288, %le3A_706 : vector<256x256xi32>
            %jit3A_708 = arith.constant 1.000000e+00 : f32
            %jit3A_709 = arith.constant 0.000000e+00 : f32
            %broadcast_in_dim3A_710 = vector.broadcast %jit3A_708 : f32 to vector<256x256xf32>
            %broadcast_in_dim3A_711 = vector.broadcast %jit3A_709 : f32 to vector<256x256xf32>
            %select_n3A_712 = arith.select %le3A_707, %broadcast_in_dim3A_710, %broadcast_in_dim3A_711 : vector<256x256xi1>, vector<256x256xf32>
            %get3A_713 = arith.constant 0 : index
            %get3A_714 = arith.constant 2816 : index
            %get3A_715 = vector.load %arg7[%get3A_713, %get3A_714] : memref<256x4096xf32, #tpu.memory_space<vmem>>, vector<256x256xf32>
            %add3A_716 = arith.addf %get3A_715, %select_n3A_712 : vector<256x256xf32>
            %swap3A_717 = arith.constant 0 : index
            %swap3A_718 = arith.constant 2816 : index
            %swap3A_719 = vector.load %arg7[%swap3A_717, %swap3A_718] : memref<256x4096xf32, #tpu.memory_space<vmem>>, vector<256x256xf32>
            tpu.vector_store %arg7[%swap3A_717, %swap3A_718], %add3A_716 {strides = array<i32>} : memref<256x4096xf32, #tpu.memory_space<vmem>>, vector<256x256xf32>,
            %le3A_720 = arith.constant 12 : i32
            %le3A_721 = vector.broadcast %le3A_720 : i32 to vector<256x256xi32>
            %le3A_722 = arith.cmpi sle, %add3A_288, %le3A_721 : vector<256x256xi32>
            %jit3A_723 = arith.constant 1.000000e+00 : f32
            %jit3A_724 = arith.constant 0.000000e+00 : f32
            %broadcast_in_dim3A_725 = vector.broadcast %jit3A_723 : f32 to vector<256x256xf32>
            %broadcast_in_dim3A_726 = vector.broadcast %jit3A_724 : f32 to vector<256x256xf32>
            %select_n3A_727 = arith.select %le3A_722, %broadcast_in_dim3A_725, %broadcast_in_dim3A_726 : vector<256x256xi1>, vector<256x256xf32>
            %get3A_728 = arith.constant 0 : index
            %get3A_729 = arith.constant 3072 : index
            %get3A_730 = vector.load %arg7[%get3A_728, %get3A_729] : memref<256x4096xf32, #tpu.memory_space<vmem>>, vector<256x256xf32>
            %add3A_731 = arith.addf %get3A_730, %select_n3A_727 : vector<256x256xf32>
            %swap3A_732 = arith.constant 0 : index
            %swap3A_733 = arith.constant 3072 : index
            %swap3A_734 = vector.load %arg7[%swap3A_732, %swap3A_733] : memref<256x4096xf32, #tpu.memory_space<vmem>>, vector<256x256xf32>
            tpu.vector_store %arg7[%swap3A_732, %swap3A_733], %add3A_731 {strides = array<i32>} : memref<256x4096xf32, #tpu.memory_space<vmem>>, vector<256x256xf32>,
            %le3A_735 = arith.constant 13 : i32
            %le3A_736 = vector.broadcast %le3A_735 : i32 to vector<256x256xi32>
            %le3A_737 = arith.cmpi sle, %add3A_288, %le3A_736 : vector<256x256xi32>
            %jit3A_738 = arith.constant 1.000000e+00 : f32
            %jit3A_739 = arith.constant 0.000000e+00 : f32
            %broadcast_in_dim3A_740 = vector.broadcast %jit3A_738 : f32 to vector<256x256xf32>
            %broadcast_in_dim3A_741 = vector.broadcast %jit3A_739 : f32 to vector<256x256xf32>
            %select_n3A_742 = arith.select %le3A_737, %broadcast_in_dim3A_740, %broadcast_in_dim3A_741 : vector<256x256xi1>, vector<256x256xf32>
            %get3A_743 = arith.constant 0 : index
            %get3A_744 = arith.constant 3328 : index
            %get3A_745 = vector.load %arg7[%get3A_743, %get3A_744] : memref<256x4096xf32, #tpu.memory_space<vmem>>, vector<256x256xf32>
            %add3A_746 = arith.addf %get3A_745, %select_n3A_742 : vector<256x256xf32>
            %swap3A_747 = arith.constant 0 : index
            %swap3A_748 = arith.constant 3328 : index
            %swap3A_749 = vector.load %arg7[%swap3A_747, %swap3A_748] : memref<256x4096xf32, #tpu.memory_space<vmem>>, vector<256x256xf32>
            tpu.vector_store %arg7[%swap3A_747, %swap3A_748], %add3A_746 {strides = array<i32>} : memref<256x4096xf32, #tpu.memory_space<vmem>>, vector<256x256xf32>,
            %le3A_750 = arith.constant 14 : i32
            %le3A_751 = vector.broadcast %le3A_750 : i32 to vector<256x256xi32>
            %le3A_752 = arith.cmpi sle, %add3A_288, %le3A_751 : vector<256x256xi32>
            %jit3A_753 = arith.constant 1.000000e+00 : f32
            %jit3A_754 = arith.constant 0.000000e+00 : f32
            %broadcast_in_dim3A_755 = vector.broadcast %jit3A_753 : f32 to vector<256x256xf32>
            %broadcast_in_dim3A_756 = vector.broadcast %jit3A_754 : f32 to vector<256x256xf32>
            %select_n3A_757 = arith.select %le3A_752, %broadcast_in_dim3A_755, %broadcast_in_dim3A_756 : vector<256x256xi1>, vector<256x256xf32>
            %get3A_758 = arith.constant 0 : index
            %get3A_759 = arith.constant 3584 : index
            %get3A_760 = vector.load %arg7[%get3A_758, %get3A_759] : memref<256x4096xf32, #tpu.memory_space<vmem>>, vector<256x256xf32>
            %add3A_761 = arith.addf %get3A_760, %select_n3A_757 : vector<256x256xf32>
            %swap3A_762 = arith.constant 0 : index
            %swap3A_763 = arith.constant 3584 : index
            %swap3A_764 = vector.load %arg7[%swap3A_762, %swap3A_763] : memref<256x4096xf32, #tpu.memory_space<vmem>>, vector<256x256xf32>
            tpu.vector_store %arg7[%swap3A_762, %swap3A_763], %add3A_761 {strides = array<i32>} : memref<256x4096xf32, #tpu.memory_space<vmem>>, vector<256x256xf32>,
            %le3A_765 = arith.constant 15 : i32
            %le3A_766 = vector.broadcast %le3A_765 : i32 to vector<256x256xi32>
            %le3A_767 = arith.cmpi sle, %add3A_288, %le3A_766 : vector<256x256xi32>
            %jit3A_768 = arith.constant 1.000000e+00 : f32
            %jit3A_769 = arith.constant 0.000000e+00 : f32
            %broadcast_in_dim3A_770 = vector.broadcast %jit3A_768 : f32 to vector<256x256xf32>
            %broadcast_in_dim3A_771 = vector.broadcast %jit3A_769 : f32 to vector<256x256xf32>
            %select_n3A_772 = arith.select %le3A_767, %broadcast_in_dim3A_770, %broadcast_in_dim3A_771 : vector<256x256xi1>, vector<256x256xf32>
            %get3A_773 = arith.constant 0 : index
            %get3A_774 = arith.constant 3840 : index
            %get3A_775 = vector.load %arg7[%get3A_773, %get3A_774] : memref<256x4096xf32, #tpu.memory_space<vmem>>, vector<256x256xf32>
            %add3A_776 = arith.addf %get3A_775, %select_n3A_772 : vector<256x256xf32>
            %swap3A_777 = arith.constant 0 : index
            %swap3A_778 = arith.constant 3840 : index
            %swap3A_779 = vector.load %arg7[%swap3A_777, %swap3A_778] : memref<256x4096xf32, #tpu.memory_space<vmem>>, vector<256x256xf32>
            tpu.vector_store %arg7[%swap3A_777, %swap3A_778], %add3A_776 {strides = array<i32>} : memref<256x4096xf32, #tpu.memory_space<vmem>>, vector<256x256xf32>,
          } else {
          }
          %slice3A_538 = vector.extract_strided_slice %add3A_252 {offsets = [0, 255], sizes = [256, 1], strides = [1, 1]} : vector<256x256xi32> to vector<256x1xi32>
          %slice3A_539 = vector.extract_strided_slice %add3A_288 {offsets = [0, 255], sizes = [256, 1], strides = [1, 1]} : vector<256x256xi32> to vector<256x1xi32>
          scf.yield %slice3A_538, %slice3A_539 : vector<256x1xi32>, vector<256x1xi32>
        } else {
          scf.yield %cond3A_150#0, %cond3A_150#1 : vector<256x1xi32>, vector<256x1xi32>
        }
        %reduce_min3A_162 = vector.shape_cast %cond3A_161#0 : vector<256x1xi32> to vector<1x256x1xi32>
        %reduce_min3A_163 = arith.constant dense<2147483647> : vector<1xi32>
        %reduce_min3A_164 = vector.multi_reduction <minsi>, %reduce_min3A_162, %reduce_min3A_163 [1, 2] : vector<1x256x1xi32> to vector<1xi32>
        %reduce_min3A_165 = vector.shape_cast %reduce_min3A_164 : vector<1xi32> to vector<1x1x1xi32>
        %reduce_min3A_166 = vector.extract %reduce_min3A_165[0, 0, 0] : i32 from vector<1x1x1xi32>
        %lt3A_167 = arith.constant 16 : i32
        %lt3A_168 = arith.cmpi slt, %reduce_min3A_166, %lt3A_167 : i32
        %convert_element_type3A_169 = arith.extui %lt3A_168 : i1 to i32
        %cond3A_170 = arith.constant 0 : i32
        %cond3A_171 = arith.cmpi ne, %convert_element_type3A_169, %cond3A_170 : i32
        %cond3A_172:2 = scf.if %cond3A_171 -> (vector<256x1xi32>, vector<256x1xi32>) {
          %slice3A = vector.extract_strided_slice %get3A_106 {offsets = [0, 1280], sizes = [1, 256], strides = [1, 1]} : vector<4x2048xf32> to vector<1x256xf32>
          %sub3A_195 = vector.broadcast %get3A_1 : vector<256x1xf32> to vector<256x256xf32>
          %sub3A_196 = vector.broadcast %slice3A : vector<1x256xf32> to vector<256x256xf32>
          %sub3A_197 = arith.subf %sub3A_195, %sub3A_196 : vector<256x256xf32>
          %slice3A_198 = vector.extract_strided_slice %get3A_106 {offsets = [1, 1280], sizes = [1, 256], strides = [1, 1]} : vector<4x2048xf32> to vector<1x256xf32>
          %sub3A_199 = vector.broadcast %get3A_4 : vector<256x1xf32> to vector<256x256xf32>
          %sub3A_200 = vector.broadcast %slice3A_198 : vector<1x256xf32> to vector<256x256xf32>
          %sub3A_201 = arith.subf %sub3A_199, %sub3A_200 : vector<256x256xf32>
          %slice3A_202 = vector.extract_strided_slice %get3A_106 {offsets = [2, 1280], sizes = [1, 256], strides = [1, 1]} : vector<4x2048xf32> to vector<1x256xf32>
          %sub3A_203 = vector.broadcast %get3A_7 : vector<256x1xf32> to vector<256x256xf32>
          %sub3A_204 = vector.broadcast %slice3A_202 : vector<1x256xf32> to vector<256x256xf32>
          %sub3A_205 = arith.subf %sub3A_203, %sub3A_204 : vector<256x256xf32>
          %mul3A = arith.mulf %sub3A_197, %sub3A_197 : vector<256x256xf32>
          %mul3A_206 = arith.mulf %sub3A_201, %sub3A_201 : vector<256x256xf32>
          %add3A = arith.addf %mul3A, %mul3A_206 : vector<256x256xf32>
          %mul3A_207 = arith.mulf %sub3A_205, %sub3A_205 : vector<256x256xf32>
          %add3A_208 = arith.addf %add3A, %mul3A_207 : vector<256x256xf32>
          %lt3A_209 = arith.constant 1.600000e-01 : f32
          %lt3A_210 = vector.broadcast %lt3A_209 : f32 to vector<256x256xf32>
          %lt3A_211 = arith.cmpf olt, %add3A_208, %lt3A_210 : vector<256x256xf32>
          %convert_element_type3A_212 = arith.extui %lt3A_211 : vector<256x256xi1> to vector<256x256xi32>
          %lt3A_213 = arith.constant 6.400000e-01 : f32
          %lt3A_214 = vector.broadcast %lt3A_213 : f32 to vector<256x256xf32>
          %lt3A_215 = arith.cmpf olt, %add3A_208, %lt3A_214 : vector<256x256xf32>
          %convert_element_type3A_216 = arith.extui %lt3A_215 : vector<256x256xi1> to vector<256x256xi32>
          %broadcast_in_dim3A_217 = arith.constant 0 : i32
          %broadcast_in_dim3A_218 = vector.broadcast %broadcast_in_dim3A_217 : i32 to vector<256x256xi32>
          %slice3A_219 = vector.extract_strided_slice %broadcast_in_dim3A_218 {offsets = [0, 0], sizes = [256, 1], strides = [1, 1]} : vector<256x256xi32> to vector<256x1xi32>
          %slice3A_220 = vector.extract_strided_slice %convert_element_type3A_212 {offsets = [0, 0], sizes = [256, 255], strides = [1, 1]} : vector<256x256xi32> to vector<256x255xi32>
          %concatenate3A_221 = tpu.concatenate %slice3A_219, %slice3A_220 in 1 : vector<256x1xi32>, vector<256x255xi32> -> vector<256x256xi32>
          %add3A_222 = arith.addi %convert_element_type3A_212, %concatenate3A_221 : vector<256x256xi32>
          %slice3A_223 = vector.extract_strided_slice %broadcast_in_dim3A_218 {offsets = [0, 0], sizes = [256, 2], strides = [1, 1]} : vector<256x256xi32> to vector<256x2xi32>
          %slice3A_224 = vector.extract_strided_slice %add3A_222 {offsets = [0, 0], sizes = [256, 254], strides = [1, 1]} : vector<256x256xi32> to vector<256x254xi32>
          %concatenate3A_225 = tpu.concatenate %slice3A_223, %slice3A_224 in 1 : vector<256x2xi32>, vector<256x254xi32> -> vector<256x256xi32>
          %add3A_226 = arith.addi %add3A_222, %concatenate3A_225 : vector<256x256xi32>
          %slice3A_227 = vector.extract_strided_slice %broadcast_in_dim3A_218 {offsets = [0, 0], sizes = [256, 4], strides = [1, 1]} : vector<256x256xi32> to vector<256x4xi32>
          %slice3A_228 = vector.extract_strided_slice %add3A_226 {offsets = [0, 0], sizes = [256, 252], strides = [1, 1]} : vector<256x256xi32> to vector<256x252xi32>
          %concatenate3A_229 = tpu.concatenate %slice3A_227, %slice3A_228 in 1 : vector<256x4xi32>, vector<256x252xi32> -> vector<256x256xi32>
          %add3A_230 = arith.addi %add3A_226, %concatenate3A_229 : vector<256x256xi32>
          %slice3A_231 = vector.extract_strided_slice %broadcast_in_dim3A_218 {offsets = [0, 0], sizes = [256, 8], strides = [1, 1]} : vector<256x256xi32> to vector<256x8xi32>
          %slice3A_232 = vector.extract_strided_slice %add3A_230 {offsets = [0, 0], sizes = [256, 248], strides = [1, 1]} : vector<256x256xi32> to vector<256x248xi32>
          %concatenate3A_233 = tpu.concatenate %slice3A_231, %slice3A_232 in 1 : vector<256x8xi32>, vector<256x248xi32> -> vector<256x256xi32>
          %add3A_234 = arith.addi %add3A_230, %concatenate3A_233 : vector<256x256xi32>
          %slice3A_235 = vector.extract_strided_slice %broadcast_in_dim3A_218 {offsets = [0, 0], sizes = [256, 16], strides = [1, 1]} : vector<256x256xi32> to vector<256x16xi32>
          %slice3A_236 = vector.extract_strided_slice %add3A_234 {offsets = [0, 0], sizes = [256, 240], strides = [1, 1]} : vector<256x256xi32> to vector<256x240xi32>
          %concatenate3A_237 = tpu.concatenate %slice3A_235, %slice3A_236 in 1 : vector<256x16xi32>, vector<256x240xi32> -> vector<256x256xi32>
          %add3A_238 = arith.addi %add3A_234, %concatenate3A_237 : vector<256x256xi32>
          %slice3A_239 = vector.extract_strided_slice %broadcast_in_dim3A_218 {offsets = [0, 0], sizes = [256, 32], strides = [1, 1]} : vector<256x256xi32> to vector<256x32xi32>
          %slice3A_240 = vector.extract_strided_slice %add3A_238 {offsets = [0, 0], sizes = [256, 224], strides = [1, 1]} : vector<256x256xi32> to vector<256x224xi32>
          %concatenate3A_241 = tpu.concatenate %slice3A_239, %slice3A_240 in 1 : vector<256x32xi32>, vector<256x224xi32> -> vector<256x256xi32>
          %add3A_242 = arith.addi %add3A_238, %concatenate3A_241 : vector<256x256xi32>
          %slice3A_243 = vector.extract_strided_slice %broadcast_in_dim3A_218 {offsets = [0, 0], sizes = [256, 64], strides = [1, 1]} : vector<256x256xi32> to vector<256x64xi32>
          %slice3A_244 = vector.extract_strided_slice %add3A_242 {offsets = [0, 0], sizes = [256, 192], strides = [1, 1]} : vector<256x256xi32> to vector<256x192xi32>
          %concatenate3A_245 = tpu.concatenate %slice3A_243, %slice3A_244 in 1 : vector<256x64xi32>, vector<256x192xi32> -> vector<256x256xi32>
          %add3A_246 = arith.addi %add3A_242, %concatenate3A_245 : vector<256x256xi32>
          %slice3A_247 = vector.extract_strided_slice %broadcast_in_dim3A_218 {offsets = [0, 0], sizes = [256, 128], strides = [1, 1]} : vector<256x256xi32> to vector<256x128xi32>
          %slice3A_248 = vector.extract_strided_slice %add3A_246 {offsets = [0, 0], sizes = [256, 128], strides = [1, 1]} : vector<256x256xi32> to vector<256x128xi32>
          %concatenate3A_249 = tpu.concatenate %slice3A_247, %slice3A_248 in 1 : vector<256x128xi32>, vector<256x128xi32> -> vector<256x256xi32>
          %add3A_250 = arith.addi %add3A_246, %concatenate3A_249 : vector<256x256xi32>
          %add3A_251 = vector.broadcast %cond3A_161#0 : vector<256x1xi32> to vector<256x256xi32>
          %add3A_252 = arith.addi %add3A_251, %add3A_250 : vector<256x256xi32>
          %broadcast_in_dim3A_253 = arith.constant 0 : i32
          %broadcast_in_dim3A_254 = vector.broadcast %broadcast_in_dim3A_253 : i32 to vector<256x256xi32>
          %slice3A_255 = vector.extract_strided_slice %broadcast_in_dim3A_254 {offsets = [0, 0], sizes = [256, 1], strides = [1, 1]} : vector<256x256xi32> to vector<256x1xi32>
          %slice3A_256 = vector.extract_strided_slice %convert_element_type3A_216 {offsets = [0, 0], sizes = [256, 255], strides = [1, 1]} : vector<256x256xi32> to vector<256x255xi32>
          %concatenate3A_257 = tpu.concatenate %slice3A_255, %slice3A_256 in 1 : vector<256x1xi32>, vector<256x255xi32> -> vector<256x256xi32>
          %add3A_258 = arith.addi %convert_element_type3A_216, %concatenate3A_257 : vector<256x256xi32>
          %slice3A_259 = vector.extract_strided_slice %broadcast_in_dim3A_254 {offsets = [0, 0], sizes = [256, 2], strides = [1, 1]} : vector<256x256xi32> to vector<256x2xi32>
          %slice3A_260 = vector.extract_strided_slice %add3A_258 {offsets = [0, 0], sizes = [256, 254], strides = [1, 1]} : vector<256x256xi32> to vector<256x254xi32>
          %concatenate3A_261 = tpu.concatenate %slice3A_259, %slice3A_260 in 1 : vector<256x2xi32>, vector<256x254xi32> -> vector<256x256xi32>
          %add3A_262 = arith.addi %add3A_258, %concatenate3A_261 : vector<256x256xi32>
          %slice3A_263 = vector.extract_strided_slice %broadcast_in_dim3A_254 {offsets = [0, 0], sizes = [256, 4], strides = [1, 1]} : vector<256x256xi32> to vector<256x4xi32>
          %slice3A_264 = vector.extract_strided_slice %add3A_262 {offsets = [0, 0], sizes = [256, 252], strides = [1, 1]} : vector<256x256xi32> to vector<256x252xi32>
          %concatenate3A_265 = tpu.concatenate %slice3A_263, %slice3A_264 in 1 : vector<256x4xi32>, vector<256x252xi32> -> vector<256x256xi32>
          %add3A_266 = arith.addi %add3A_262, %concatenate3A_265 : vector<256x256xi32>
          %slice3A_267 = vector.extract_strided_slice %broadcast_in_dim3A_254 {offsets = [0, 0], sizes = [256, 8], strides = [1, 1]} : vector<256x256xi32> to vector<256x8xi32>
          %slice3A_268 = vector.extract_strided_slice %add3A_266 {offsets = [0, 0], sizes = [256, 248], strides = [1, 1]} : vector<256x256xi32> to vector<256x248xi32>
          %concatenate3A_269 = tpu.concatenate %slice3A_267, %slice3A_268 in 1 : vector<256x8xi32>, vector<256x248xi32> -> vector<256x256xi32>
          %add3A_270 = arith.addi %add3A_266, %concatenate3A_269 : vector<256x256xi32>
          %slice3A_271 = vector.extract_strided_slice %broadcast_in_dim3A_254 {offsets = [0, 0], sizes = [256, 16], strides = [1, 1]} : vector<256x256xi32> to vector<256x16xi32>
          %slice3A_272 = vector.extract_strided_slice %add3A_270 {offsets = [0, 0], sizes = [256, 240], strides = [1, 1]} : vector<256x256xi32> to vector<256x240xi32>
          %concatenate3A_273 = tpu.concatenate %slice3A_271, %slice3A_272 in 1 : vector<256x16xi32>, vector<256x240xi32> -> vector<256x256xi32>
          %add3A_274 = arith.addi %add3A_270, %concatenate3A_273 : vector<256x256xi32>
          %slice3A_275 = vector.extract_strided_slice %broadcast_in_dim3A_254 {offsets = [0, 0], sizes = [256, 32], strides = [1, 1]} : vector<256x256xi32> to vector<256x32xi32>
          %slice3A_276 = vector.extract_strided_slice %add3A_274 {offsets = [0, 0], sizes = [256, 224], strides = [1, 1]} : vector<256x256xi32> to vector<256x224xi32>
          %concatenate3A_277 = tpu.concatenate %slice3A_275, %slice3A_276 in 1 : vector<256x32xi32>, vector<256x224xi32> -> vector<256x256xi32>
          %add3A_278 = arith.addi %add3A_274, %concatenate3A_277 : vector<256x256xi32>
          %slice3A_279 = vector.extract_strided_slice %broadcast_in_dim3A_254 {offsets = [0, 0], sizes = [256, 64], strides = [1, 1]} : vector<256x256xi32> to vector<256x64xi32>
          %slice3A_280 = vector.extract_strided_slice %add3A_278 {offsets = [0, 0], sizes = [256, 192], strides = [1, 1]} : vector<256x256xi32> to vector<256x192xi32>
          %concatenate3A_281 = tpu.concatenate %slice3A_279, %slice3A_280 in 1 : vector<256x64xi32>, vector<256x192xi32> -> vector<256x256xi32>
          %add3A_282 = arith.addi %add3A_278, %concatenate3A_281 : vector<256x256xi32>
          %slice3A_283 = vector.extract_strided_slice %broadcast_in_dim3A_254 {offsets = [0, 0], sizes = [256, 128], strides = [1, 1]} : vector<256x256xi32> to vector<256x128xi32>
          %slice3A_284 = vector.extract_strided_slice %add3A_282 {offsets = [0, 0], sizes = [256, 128], strides = [1, 1]} : vector<256x256xi32> to vector<256x128xi32>
          %concatenate3A_285 = tpu.concatenate %slice3A_283, %slice3A_284 in 1 : vector<256x128xi32>, vector<256x128xi32> -> vector<256x256xi32>
          %add3A_286 = arith.addi %add3A_282, %concatenate3A_285 : vector<256x256xi32>
          %add3A_287 = vector.broadcast %cond3A_161#1 : vector<256x1xi32> to vector<256x256xi32>
          %add3A_288 = arith.addi %add3A_287, %add3A_286 : vector<256x256xi32>
          %le3A = arith.constant 0 : i32
          %le3A_289 = vector.broadcast %le3A : i32 to vector<256x256xi32>
          %le3A_290 = arith.cmpi sle, %add3A_252, %le3A_289 : vector<256x256xi32>
          %jit3A_291 = arith.constant 1.000000e+00 : f32
          %jit3A_292 = arith.constant 0.000000e+00 : f32
          %broadcast_in_dim3A_293 = vector.broadcast %jit3A_291 : f32 to vector<256x256xf32>
          %broadcast_in_dim3A_294 = vector.broadcast %jit3A_292 : f32 to vector<256x256xf32>
          %select_n3A_295 = arith.select %le3A_290, %broadcast_in_dim3A_293, %broadcast_in_dim3A_294 : vector<256x256xi1>, vector<256x256xf32>
          %get3A_296 = arith.constant 0 : index
          %get3A_297 = arith.constant 0 : index
          %get3A_298 = vector.load %arg6[%get3A_296, %get3A_297] : memref<256x4096xf32, #tpu.memory_space<vmem>>, vector<256x256xf32>
          %add3A_299 = arith.addf %get3A_298, %select_n3A_295 : vector<256x256xf32>
          %swap3A_300 = arith.constant 0 : index
          %swap3A_301 = arith.constant 0 : index
          %swap3A_302 = vector.load %arg6[%swap3A_300, %swap3A_301] : memref<256x4096xf32, #tpu.memory_space<vmem>>, vector<256x256xf32>
          tpu.vector_store %arg6[%swap3A_300, %swap3A_301], %add3A_299 {strides = array<i32>} : memref<256x4096xf32, #tpu.memory_space<vmem>>, vector<256x256xf32>,
          %le3A_303 = arith.constant 1 : i32
          %le3A_304 = vector.broadcast %le3A_303 : i32 to vector<256x256xi32>
          %le3A_305 = arith.cmpi sle, %add3A_252, %le3A_304 : vector<256x256xi32>
          %jit3A_306 = arith.constant 1.000000e+00 : f32
          %jit3A_307 = arith.constant 0.000000e+00 : f32
          %broadcast_in_dim3A_308 = vector.broadcast %jit3A_306 : f32 to vector<256x256xf32>
          %broadcast_in_dim3A_309 = vector.broadcast %jit3A_307 : f32 to vector<256x256xf32>
          %select_n3A_310 = arith.select %le3A_305, %broadcast_in_dim3A_308, %broadcast_in_dim3A_309 : vector<256x256xi1>, vector<256x256xf32>
          %get3A_311 = arith.constant 0 : index
          %get3A_312 = arith.constant 256 : index
          %get3A_313 = vector.load %arg6[%get3A_311, %get3A_312] : memref<256x4096xf32, #tpu.memory_space<vmem>>, vector<256x256xf32>
          %add3A_314 = arith.addf %get3A_313, %select_n3A_310 : vector<256x256xf32>
          %swap3A_315 = arith.constant 0 : index
          %swap3A_316 = arith.constant 256 : index
          %swap3A_317 = vector.load %arg6[%swap3A_315, %swap3A_316] : memref<256x4096xf32, #tpu.memory_space<vmem>>, vector<256x256xf32>
          tpu.vector_store %arg6[%swap3A_315, %swap3A_316], %add3A_314 {strides = array<i32>} : memref<256x4096xf32, #tpu.memory_space<vmem>>, vector<256x256xf32>,
          %le3A_318 = arith.constant 2 : i32
          %le3A_319 = vector.broadcast %le3A_318 : i32 to vector<256x256xi32>
          %le3A_320 = arith.cmpi sle, %add3A_252, %le3A_319 : vector<256x256xi32>
          %jit3A_321 = arith.constant 1.000000e+00 : f32
          %jit3A_322 = arith.constant 0.000000e+00 : f32
          %broadcast_in_dim3A_323 = vector.broadcast %jit3A_321 : f32 to vector<256x256xf32>
          %broadcast_in_dim3A_324 = vector.broadcast %jit3A_322 : f32 to vector<256x256xf32>
          %select_n3A_325 = arith.select %le3A_320, %broadcast_in_dim3A_323, %broadcast_in_dim3A_324 : vector<256x256xi1>, vector<256x256xf32>
          %get3A_326 = arith.constant 0 : index
          %get3A_327 = arith.constant 512 : index
          %get3A_328 = vector.load %arg6[%get3A_326, %get3A_327] : memref<256x4096xf32, #tpu.memory_space<vmem>>, vector<256x256xf32>
          %add3A_329 = arith.addf %get3A_328, %select_n3A_325 : vector<256x256xf32>
          %swap3A_330 = arith.constant 0 : index
          %swap3A_331 = arith.constant 512 : index
          %swap3A_332 = vector.load %arg6[%swap3A_330, %swap3A_331] : memref<256x4096xf32, #tpu.memory_space<vmem>>, vector<256x256xf32>
          tpu.vector_store %arg6[%swap3A_330, %swap3A_331], %add3A_329 {strides = array<i32>} : memref<256x4096xf32, #tpu.memory_space<vmem>>, vector<256x256xf32>,
          %le3A_333 = arith.constant 3 : i32
          %le3A_334 = vector.broadcast %le3A_333 : i32 to vector<256x256xi32>
          %le3A_335 = arith.cmpi sle, %add3A_252, %le3A_334 : vector<256x256xi32>
          %jit3A_336 = arith.constant 1.000000e+00 : f32
          %jit3A_337 = arith.constant 0.000000e+00 : f32
          %broadcast_in_dim3A_338 = vector.broadcast %jit3A_336 : f32 to vector<256x256xf32>
          %broadcast_in_dim3A_339 = vector.broadcast %jit3A_337 : f32 to vector<256x256xf32>
          %select_n3A_340 = arith.select %le3A_335, %broadcast_in_dim3A_338, %broadcast_in_dim3A_339 : vector<256x256xi1>, vector<256x256xf32>
          %get3A_341 = arith.constant 0 : index
          %get3A_342 = arith.constant 768 : index
          %get3A_343 = vector.load %arg6[%get3A_341, %get3A_342] : memref<256x4096xf32, #tpu.memory_space<vmem>>, vector<256x256xf32>
          %add3A_344 = arith.addf %get3A_343, %select_n3A_340 : vector<256x256xf32>
          %swap3A_345 = arith.constant 0 : index
          %swap3A_346 = arith.constant 768 : index
          %swap3A_347 = vector.load %arg6[%swap3A_345, %swap3A_346] : memref<256x4096xf32, #tpu.memory_space<vmem>>, vector<256x256xf32>
          tpu.vector_store %arg6[%swap3A_345, %swap3A_346], %add3A_344 {strides = array<i32>} : memref<256x4096xf32, #tpu.memory_space<vmem>>, vector<256x256xf32>,
          %le3A_348 = arith.constant 4 : i32
          %le3A_349 = vector.broadcast %le3A_348 : i32 to vector<256x256xi32>
          %le3A_350 = arith.cmpi sle, %add3A_252, %le3A_349 : vector<256x256xi32>
          %jit3A_351 = arith.constant 1.000000e+00 : f32
          %jit3A_352 = arith.constant 0.000000e+00 : f32
          %broadcast_in_dim3A_353 = vector.broadcast %jit3A_351 : f32 to vector<256x256xf32>
          %broadcast_in_dim3A_354 = vector.broadcast %jit3A_352 : f32 to vector<256x256xf32>
          %select_n3A_355 = arith.select %le3A_350, %broadcast_in_dim3A_353, %broadcast_in_dim3A_354 : vector<256x256xi1>, vector<256x256xf32>
          %get3A_356 = arith.constant 0 : index
          %get3A_357 = arith.constant 1024 : index
          %get3A_358 = vector.load %arg6[%get3A_356, %get3A_357] : memref<256x4096xf32, #tpu.memory_space<vmem>>, vector<256x256xf32>
          %add3A_359 = arith.addf %get3A_358, %select_n3A_355 : vector<256x256xf32>
          %swap3A_360 = arith.constant 0 : index
          %swap3A_361 = arith.constant 1024 : index
          %swap3A_362 = vector.load %arg6[%swap3A_360, %swap3A_361] : memref<256x4096xf32, #tpu.memory_space<vmem>>, vector<256x256xf32>
          tpu.vector_store %arg6[%swap3A_360, %swap3A_361], %add3A_359 {strides = array<i32>} : memref<256x4096xf32, #tpu.memory_space<vmem>>, vector<256x256xf32>,
          %le3A_363 = arith.constant 5 : i32
          %le3A_364 = vector.broadcast %le3A_363 : i32 to vector<256x256xi32>
          %le3A_365 = arith.cmpi sle, %add3A_252, %le3A_364 : vector<256x256xi32>
          %jit3A_366 = arith.constant 1.000000e+00 : f32
          %jit3A_367 = arith.constant 0.000000e+00 : f32
          %broadcast_in_dim3A_368 = vector.broadcast %jit3A_366 : f32 to vector<256x256xf32>
          %broadcast_in_dim3A_369 = vector.broadcast %jit3A_367 : f32 to vector<256x256xf32>
          %select_n3A_370 = arith.select %le3A_365, %broadcast_in_dim3A_368, %broadcast_in_dim3A_369 : vector<256x256xi1>, vector<256x256xf32>
          %get3A_371 = arith.constant 0 : index
          %get3A_372 = arith.constant 1280 : index
          %get3A_373 = vector.load %arg6[%get3A_371, %get3A_372] : memref<256x4096xf32, #tpu.memory_space<vmem>>, vector<256x256xf32>
          %add3A_374 = arith.addf %get3A_373, %select_n3A_370 : vector<256x256xf32>
          %swap3A_375 = arith.constant 0 : index
          %swap3A_376 = arith.constant 1280 : index
          %swap3A_377 = vector.load %arg6[%swap3A_375, %swap3A_376] : memref<256x4096xf32, #tpu.memory_space<vmem>>, vector<256x256xf32>
          tpu.vector_store %arg6[%swap3A_375, %swap3A_376], %add3A_374 {strides = array<i32>} : memref<256x4096xf32, #tpu.memory_space<vmem>>, vector<256x256xf32>,
          %le3A_378 = arith.constant 6 : i32
          %le3A_379 = vector.broadcast %le3A_378 : i32 to vector<256x256xi32>
          %le3A_380 = arith.cmpi sle, %add3A_252, %le3A_379 : vector<256x256xi32>
          %jit3A_381 = arith.constant 1.000000e+00 : f32
          %jit3A_382 = arith.constant 0.000000e+00 : f32
          %broadcast_in_dim3A_383 = vector.broadcast %jit3A_381 : f32 to vector<256x256xf32>
          %broadcast_in_dim3A_384 = vector.broadcast %jit3A_382 : f32 to vector<256x256xf32>
          %select_n3A_385 = arith.select %le3A_380, %broadcast_in_dim3A_383, %broadcast_in_dim3A_384 : vector<256x256xi1>, vector<256x256xf32>
          %get3A_386 = arith.constant 0 : index
          %get3A_387 = arith.constant 1536 : index
          %get3A_388 = vector.load %arg6[%get3A_386, %get3A_387] : memref<256x4096xf32, #tpu.memory_space<vmem>>, vector<256x256xf32>
          %add3A_389 = arith.addf %get3A_388, %select_n3A_385 : vector<256x256xf32>
          %swap3A_390 = arith.constant 0 : index
          %swap3A_391 = arith.constant 1536 : index
          %swap3A_392 = vector.load %arg6[%swap3A_390, %swap3A_391] : memref<256x4096xf32, #tpu.memory_space<vmem>>, vector<256x256xf32>
          tpu.vector_store %arg6[%swap3A_390, %swap3A_391], %add3A_389 {strides = array<i32>} : memref<256x4096xf32, #tpu.memory_space<vmem>>, vector<256x256xf32>,
          %le3A_393 = arith.constant 7 : i32
          %le3A_394 = vector.broadcast %le3A_393 : i32 to vector<256x256xi32>
          %le3A_395 = arith.cmpi sle, %add3A_252, %le3A_394 : vector<256x256xi32>
          %jit3A_396 = arith.constant 1.000000e+00 : f32
          %jit3A_397 = arith.constant 0.000000e+00 : f32
          %broadcast_in_dim3A_398 = vector.broadcast %jit3A_396 : f32 to vector<256x256xf32>
          %broadcast_in_dim3A_399 = vector.broadcast %jit3A_397 : f32 to vector<256x256xf32>
          %select_n3A_400 = arith.select %le3A_395, %broadcast_in_dim3A_398, %broadcast_in_dim3A_399 : vector<256x256xi1>, vector<256x256xf32>
          %get3A_401 = arith.constant 0 : index
          %get3A_402 = arith.constant 1792 : index
          %get3A_403 = vector.load %arg6[%get3A_401, %get3A_402] : memref<256x4096xf32, #tpu.memory_space<vmem>>, vector<256x256xf32>
          %add3A_404 = arith.addf %get3A_403, %select_n3A_400 : vector<256x256xf32>
          %swap3A_405 = arith.constant 0 : index
          %swap3A_406 = arith.constant 1792 : index
          %swap3A_407 = vector.load %arg6[%swap3A_405, %swap3A_406] : memref<256x4096xf32, #tpu.memory_space<vmem>>, vector<256x256xf32>
          tpu.vector_store %arg6[%swap3A_405, %swap3A_406], %add3A_404 {strides = array<i32>} : memref<256x4096xf32, #tpu.memory_space<vmem>>, vector<256x256xf32>,
          %le3A_408 = arith.constant 8 : i32
          %le3A_409 = vector.broadcast %le3A_408 : i32 to vector<256x256xi32>
          %le3A_410 = arith.cmpi sle, %add3A_252, %le3A_409 : vector<256x256xi32>
          %jit3A_411 = arith.constant 1.000000e+00 : f32
          %jit3A_412 = arith.constant 0.000000e+00 : f32
          %broadcast_in_dim3A_413 = vector.broadcast %jit3A_411 : f32 to vector<256x256xf32>
          %broadcast_in_dim3A_414 = vector.broadcast %jit3A_412 : f32 to vector<256x256xf32>
          %select_n3A_415 = arith.select %le3A_410, %broadcast_in_dim3A_413, %broadcast_in_dim3A_414 : vector<256x256xi1>, vector<256x256xf32>
          %get3A_416 = arith.constant 0 : index
          %get3A_417 = arith.constant 2048 : index
          %get3A_418 = vector.load %arg6[%get3A_416, %get3A_417] : memref<256x4096xf32, #tpu.memory_space<vmem>>, vector<256x256xf32>
          %add3A_419 = arith.addf %get3A_418, %select_n3A_415 : vector<256x256xf32>
          %swap3A_420 = arith.constant 0 : index
          %swap3A_421 = arith.constant 2048 : index
          %swap3A_422 = vector.load %arg6[%swap3A_420, %swap3A_421] : memref<256x4096xf32, #tpu.memory_space<vmem>>, vector<256x256xf32>
          tpu.vector_store %arg6[%swap3A_420, %swap3A_421], %add3A_419 {strides = array<i32>} : memref<256x4096xf32, #tpu.memory_space<vmem>>, vector<256x256xf32>,
          %le3A_423 = arith.constant 9 : i32
          %le3A_424 = vector.broadcast %le3A_423 : i32 to vector<256x256xi32>
          %le3A_425 = arith.cmpi sle, %add3A_252, %le3A_424 : vector<256x256xi32>
          %jit3A_426 = arith.constant 1.000000e+00 : f32
          %jit3A_427 = arith.constant 0.000000e+00 : f32
          %broadcast_in_dim3A_428 = vector.broadcast %jit3A_426 : f32 to vector<256x256xf32>
          %broadcast_in_dim3A_429 = vector.broadcast %jit3A_427 : f32 to vector<256x256xf32>
          %select_n3A_430 = arith.select %le3A_425, %broadcast_in_dim3A_428, %broadcast_in_dim3A_429 : vector<256x256xi1>, vector<256x256xf32>
          %get3A_431 = arith.constant 0 : index
          %get3A_432 = arith.constant 2304 : index
          %get3A_433 = vector.load %arg6[%get3A_431, %get3A_432] : memref<256x4096xf32, #tpu.memory_space<vmem>>, vector<256x256xf32>
          %add3A_434 = arith.addf %get3A_433, %select_n3A_430 : vector<256x256xf32>
          %swap3A_435 = arith.constant 0 : index
          %swap3A_436 = arith.constant 2304 : index
          %swap3A_437 = vector.load %arg6[%swap3A_435, %swap3A_436] : memref<256x4096xf32, #tpu.memory_space<vmem>>, vector<256x256xf32>
          tpu.vector_store %arg6[%swap3A_435, %swap3A_436], %add3A_434 {strides = array<i32>} : memref<256x4096xf32, #tpu.memory_space<vmem>>, vector<256x256xf32>,
          %le3A_438 = arith.constant 10 : i32
          %le3A_439 = vector.broadcast %le3A_438 : i32 to vector<256x256xi32>
          %le3A_440 = arith.cmpi sle, %add3A_252, %le3A_439 : vector<256x256xi32>
          %jit3A_441 = arith.constant 1.000000e+00 : f32
          %jit3A_442 = arith.constant 0.000000e+00 : f32
          %broadcast_in_dim3A_443 = vector.broadcast %jit3A_441 : f32 to vector<256x256xf32>
          %broadcast_in_dim3A_444 = vector.broadcast %jit3A_442 : f32 to vector<256x256xf32>
          %select_n3A_445 = arith.select %le3A_440, %broadcast_in_dim3A_443, %broadcast_in_dim3A_444 : vector<256x256xi1>, vector<256x256xf32>
          %get3A_446 = arith.constant 0 : index
          %get3A_447 = arith.constant 2560 : index
          %get3A_448 = vector.load %arg6[%get3A_446, %get3A_447] : memref<256x4096xf32, #tpu.memory_space<vmem>>, vector<256x256xf32>
          %add3A_449 = arith.addf %get3A_448, %select_n3A_445 : vector<256x256xf32>
          %swap3A_450 = arith.constant 0 : index
          %swap3A_451 = arith.constant 2560 : index
          %swap3A_452 = vector.load %arg6[%swap3A_450, %swap3A_451] : memref<256x4096xf32, #tpu.memory_space<vmem>>, vector<256x256xf32>
          tpu.vector_store %arg6[%swap3A_450, %swap3A_451], %add3A_449 {strides = array<i32>} : memref<256x4096xf32, #tpu.memory_space<vmem>>, vector<256x256xf32>,
          %le3A_453 = arith.constant 11 : i32
          %le3A_454 = vector.broadcast %le3A_453 : i32 to vector<256x256xi32>
          %le3A_455 = arith.cmpi sle, %add3A_252, %le3A_454 : vector<256x256xi32>
          %jit3A_456 = arith.constant 1.000000e+00 : f32
          %jit3A_457 = arith.constant 0.000000e+00 : f32
          %broadcast_in_dim3A_458 = vector.broadcast %jit3A_456 : f32 to vector<256x256xf32>
          %broadcast_in_dim3A_459 = vector.broadcast %jit3A_457 : f32 to vector<256x256xf32>
          %select_n3A_460 = arith.select %le3A_455, %broadcast_in_dim3A_458, %broadcast_in_dim3A_459 : vector<256x256xi1>, vector<256x256xf32>
          %get3A_461 = arith.constant 0 : index
          %get3A_462 = arith.constant 2816 : index
          %get3A_463 = vector.load %arg6[%get3A_461, %get3A_462] : memref<256x4096xf32, #tpu.memory_space<vmem>>, vector<256x256xf32>
          %add3A_464 = arith.addf %get3A_463, %select_n3A_460 : vector<256x256xf32>
          %swap3A_465 = arith.constant 0 : index
          %swap3A_466 = arith.constant 2816 : index
          %swap3A_467 = vector.load %arg6[%swap3A_465, %swap3A_466] : memref<256x4096xf32, #tpu.memory_space<vmem>>, vector<256x256xf32>
          tpu.vector_store %arg6[%swap3A_465, %swap3A_466], %add3A_464 {strides = array<i32>} : memref<256x4096xf32, #tpu.memory_space<vmem>>, vector<256x256xf32>,
          %le3A_468 = arith.constant 12 : i32
          %le3A_469 = vector.broadcast %le3A_468 : i32 to vector<256x256xi32>
          %le3A_470 = arith.cmpi sle, %add3A_252, %le3A_469 : vector<256x256xi32>
          %jit3A_471 = arith.constant 1.000000e+00 : f32
          %jit3A_472 = arith.constant 0.000000e+00 : f32
          %broadcast_in_dim3A_473 = vector.broadcast %jit3A_471 : f32 to vector<256x256xf32>
          %broadcast_in_dim3A_474 = vector.broadcast %jit3A_472 : f32 to vector<256x256xf32>
          %select_n3A_475 = arith.select %le3A_470, %broadcast_in_dim3A_473, %broadcast_in_dim3A_474 : vector<256x256xi1>, vector<256x256xf32>
          %get3A_476 = arith.constant 0 : index
          %get3A_477 = arith.constant 3072 : index
          %get3A_478 = vector.load %arg6[%get3A_476, %get3A_477] : memref<256x4096xf32, #tpu.memory_space<vmem>>, vector<256x256xf32>
          %add3A_479 = arith.addf %get3A_478, %select_n3A_475 : vector<256x256xf32>
          %swap3A_480 = arith.constant 0 : index
          %swap3A_481 = arith.constant 3072 : index
          %swap3A_482 = vector.load %arg6[%swap3A_480, %swap3A_481] : memref<256x4096xf32, #tpu.memory_space<vmem>>, vector<256x256xf32>
          tpu.vector_store %arg6[%swap3A_480, %swap3A_481], %add3A_479 {strides = array<i32>} : memref<256x4096xf32, #tpu.memory_space<vmem>>, vector<256x256xf32>,
          %le3A_483 = arith.constant 13 : i32
          %le3A_484 = vector.broadcast %le3A_483 : i32 to vector<256x256xi32>
          %le3A_485 = arith.cmpi sle, %add3A_252, %le3A_484 : vector<256x256xi32>
          %jit3A_486 = arith.constant 1.000000e+00 : f32
          %jit3A_487 = arith.constant 0.000000e+00 : f32
          %broadcast_in_dim3A_488 = vector.broadcast %jit3A_486 : f32 to vector<256x256xf32>
          %broadcast_in_dim3A_489 = vector.broadcast %jit3A_487 : f32 to vector<256x256xf32>
          %select_n3A_490 = arith.select %le3A_485, %broadcast_in_dim3A_488, %broadcast_in_dim3A_489 : vector<256x256xi1>, vector<256x256xf32>
          %get3A_491 = arith.constant 0 : index
          %get3A_492 = arith.constant 3328 : index
          %get3A_493 = vector.load %arg6[%get3A_491, %get3A_492] : memref<256x4096xf32, #tpu.memory_space<vmem>>, vector<256x256xf32>
          %add3A_494 = arith.addf %get3A_493, %select_n3A_490 : vector<256x256xf32>
          %swap3A_495 = arith.constant 0 : index
          %swap3A_496 = arith.constant 3328 : index
          %swap3A_497 = vector.load %arg6[%swap3A_495, %swap3A_496] : memref<256x4096xf32, #tpu.memory_space<vmem>>, vector<256x256xf32>
          tpu.vector_store %arg6[%swap3A_495, %swap3A_496], %add3A_494 {strides = array<i32>} : memref<256x4096xf32, #tpu.memory_space<vmem>>, vector<256x256xf32>,
          %le3A_498 = arith.constant 14 : i32
          %le3A_499 = vector.broadcast %le3A_498 : i32 to vector<256x256xi32>
          %le3A_500 = arith.cmpi sle, %add3A_252, %le3A_499 : vector<256x256xi32>
          %jit3A_501 = arith.constant 1.000000e+00 : f32
          %jit3A_502 = arith.constant 0.000000e+00 : f32
          %broadcast_in_dim3A_503 = vector.broadcast %jit3A_501 : f32 to vector<256x256xf32>
          %broadcast_in_dim3A_504 = vector.broadcast %jit3A_502 : f32 to vector<256x256xf32>
          %select_n3A_505 = arith.select %le3A_500, %broadcast_in_dim3A_503, %broadcast_in_dim3A_504 : vector<256x256xi1>, vector<256x256xf32>
          %get3A_506 = arith.constant 0 : index
          %get3A_507 = arith.constant 3584 : index
          %get3A_508 = vector.load %arg6[%get3A_506, %get3A_507] : memref<256x4096xf32, #tpu.memory_space<vmem>>, vector<256x256xf32>
          %add3A_509 = arith.addf %get3A_508, %select_n3A_505 : vector<256x256xf32>
          %swap3A_510 = arith.constant 0 : index
          %swap3A_511 = arith.constant 3584 : index
          %swap3A_512 = vector.load %arg6[%swap3A_510, %swap3A_511] : memref<256x4096xf32, #tpu.memory_space<vmem>>, vector<256x256xf32>
          tpu.vector_store %arg6[%swap3A_510, %swap3A_511], %add3A_509 {strides = array<i32>} : memref<256x4096xf32, #tpu.memory_space<vmem>>, vector<256x256xf32>,
          %le3A_513 = arith.constant 15 : i32
          %le3A_514 = vector.broadcast %le3A_513 : i32 to vector<256x256xi32>
          %le3A_515 = arith.cmpi sle, %add3A_252, %le3A_514 : vector<256x256xi32>
          %jit3A_516 = arith.constant 1.000000e+00 : f32
          %jit3A_517 = arith.constant 0.000000e+00 : f32
          %broadcast_in_dim3A_518 = vector.broadcast %jit3A_516 : f32 to vector<256x256xf32>
          %broadcast_in_dim3A_519 = vector.broadcast %jit3A_517 : f32 to vector<256x256xf32>
          %select_n3A_520 = arith.select %le3A_515, %broadcast_in_dim3A_518, %broadcast_in_dim3A_519 : vector<256x256xi1>, vector<256x256xf32>
          %get3A_521 = arith.constant 0 : index
          %get3A_522 = arith.constant 3840 : index
          %get3A_523 = vector.load %arg6[%get3A_521, %get3A_522] : memref<256x4096xf32, #tpu.memory_space<vmem>>, vector<256x256xf32>
          %add3A_524 = arith.addf %get3A_523, %select_n3A_520 : vector<256x256xf32>
          %swap3A_525 = arith.constant 0 : index
          %swap3A_526 = arith.constant 3840 : index
          %swap3A_527 = vector.load %arg6[%swap3A_525, %swap3A_526] : memref<256x4096xf32, #tpu.memory_space<vmem>>, vector<256x256xf32>
          tpu.vector_store %arg6[%swap3A_525, %swap3A_526], %add3A_524 {strides = array<i32>} : memref<256x4096xf32, #tpu.memory_space<vmem>>, vector<256x256xf32>,
          %reduce_min3A_528 = vector.shape_cast %cond3A_161#1 : vector<256x1xi32> to vector<1x256x1xi32>
          %reduce_min3A_529 = arith.constant dense<2147483647> : vector<1xi32>
          %reduce_min3A_530 = vector.multi_reduction <minsi>, %reduce_min3A_528, %reduce_min3A_529 [1, 2] : vector<1x256x1xi32> to vector<1xi32>
          %reduce_min3A_531 = vector.shape_cast %reduce_min3A_530 : vector<1xi32> to vector<1x1x1xi32>
          %reduce_min3A_532 = vector.extract %reduce_min3A_531[0, 0, 0] : i32 from vector<1x1x1xi32>
          %lt3A_533 = arith.constant 16 : i32
          %lt3A_534 = arith.cmpi slt, %reduce_min3A_532, %lt3A_533 : i32
          %convert_element_type3A_535 = arith.extui %lt3A_534 : i1 to i32
          %cond3A_536 = arith.constant 0 : i32
          %cond3A_537 = arith.cmpi ne, %convert_element_type3A_535, %cond3A_536 : i32
          scf.if %cond3A_537 {
            %le3A_540 = arith.constant 0 : i32
            %le3A_541 = vector.broadcast %le3A_540 : i32 to vector<256x256xi32>
            %le3A_542 = arith.cmpi sle, %add3A_288, %le3A_541 : vector<256x256xi32>
            %jit3A_543 = arith.constant 1.000000e+00 : f32
            %jit3A_544 = arith.constant 0.000000e+00 : f32
            %broadcast_in_dim3A_545 = vector.broadcast %jit3A_543 : f32 to vector<256x256xf32>
            %broadcast_in_dim3A_546 = vector.broadcast %jit3A_544 : f32 to vector<256x256xf32>
            %select_n3A_547 = arith.select %le3A_542, %broadcast_in_dim3A_545, %broadcast_in_dim3A_546 : vector<256x256xi1>, vector<256x256xf32>
            %get3A_548 = arith.constant 0 : index
            %get3A_549 = arith.constant 0 : index
            %get3A_550 = vector.load %arg7[%get3A_548, %get3A_549] : memref<256x4096xf32, #tpu.memory_space<vmem>>, vector<256x256xf32>
            %add3A_551 = arith.addf %get3A_550, %select_n3A_547 : vector<256x256xf32>
            %swap3A_552 = arith.constant 0 : index
            %swap3A_553 = arith.constant 0 : index
            %swap3A_554 = vector.load %arg7[%swap3A_552, %swap3A_553] : memref<256x4096xf32, #tpu.memory_space<vmem>>, vector<256x256xf32>
            tpu.vector_store %arg7[%swap3A_552, %swap3A_553], %add3A_551 {strides = array<i32>} : memref<256x4096xf32, #tpu.memory_space<vmem>>, vector<256x256xf32>,
            %le3A_555 = arith.constant 1 : i32
            %le3A_556 = vector.broadcast %le3A_555 : i32 to vector<256x256xi32>
            %le3A_557 = arith.cmpi sle, %add3A_288, %le3A_556 : vector<256x256xi32>
            %jit3A_558 = arith.constant 1.000000e+00 : f32
            %jit3A_559 = arith.constant 0.000000e+00 : f32
            %broadcast_in_dim3A_560 = vector.broadcast %jit3A_558 : f32 to vector<256x256xf32>
            %broadcast_in_dim3A_561 = vector.broadcast %jit3A_559 : f32 to vector<256x256xf32>
            %select_n3A_562 = arith.select %le3A_557, %broadcast_in_dim3A_560, %broadcast_in_dim3A_561 : vector<256x256xi1>, vector<256x256xf32>
            %get3A_563 = arith.constant 0 : index
            %get3A_564 = arith.constant 256 : index
            %get3A_565 = vector.load %arg7[%get3A_563, %get3A_564] : memref<256x4096xf32, #tpu.memory_space<vmem>>, vector<256x256xf32>
            %add3A_566 = arith.addf %get3A_565, %select_n3A_562 : vector<256x256xf32>
            %swap3A_567 = arith.constant 0 : index
            %swap3A_568 = arith.constant 256 : index
            %swap3A_569 = vector.load %arg7[%swap3A_567, %swap3A_568] : memref<256x4096xf32, #tpu.memory_space<vmem>>, vector<256x256xf32>
            tpu.vector_store %arg7[%swap3A_567, %swap3A_568], %add3A_566 {strides = array<i32>} : memref<256x4096xf32, #tpu.memory_space<vmem>>, vector<256x256xf32>,
            %le3A_570 = arith.constant 2 : i32
            %le3A_571 = vector.broadcast %le3A_570 : i32 to vector<256x256xi32>
            %le3A_572 = arith.cmpi sle, %add3A_288, %le3A_571 : vector<256x256xi32>
            %jit3A_573 = arith.constant 1.000000e+00 : f32
            %jit3A_574 = arith.constant 0.000000e+00 : f32
            %broadcast_in_dim3A_575 = vector.broadcast %jit3A_573 : f32 to vector<256x256xf32>
            %broadcast_in_dim3A_576 = vector.broadcast %jit3A_574 : f32 to vector<256x256xf32>
            %select_n3A_577 = arith.select %le3A_572, %broadcast_in_dim3A_575, %broadcast_in_dim3A_576 : vector<256x256xi1>, vector<256x256xf32>
            %get3A_578 = arith.constant 0 : index
            %get3A_579 = arith.constant 512 : index
            %get3A_580 = vector.load %arg7[%get3A_578, %get3A_579] : memref<256x4096xf32, #tpu.memory_space<vmem>>, vector<256x256xf32>
            %add3A_581 = arith.addf %get3A_580, %select_n3A_577 : vector<256x256xf32>
            %swap3A_582 = arith.constant 0 : index
            %swap3A_583 = arith.constant 512 : index
            %swap3A_584 = vector.load %arg7[%swap3A_582, %swap3A_583] : memref<256x4096xf32, #tpu.memory_space<vmem>>, vector<256x256xf32>
            tpu.vector_store %arg7[%swap3A_582, %swap3A_583], %add3A_581 {strides = array<i32>} : memref<256x4096xf32, #tpu.memory_space<vmem>>, vector<256x256xf32>,
            %le3A_585 = arith.constant 3 : i32
            %le3A_586 = vector.broadcast %le3A_585 : i32 to vector<256x256xi32>
            %le3A_587 = arith.cmpi sle, %add3A_288, %le3A_586 : vector<256x256xi32>
            %jit3A_588 = arith.constant 1.000000e+00 : f32
            %jit3A_589 = arith.constant 0.000000e+00 : f32
            %broadcast_in_dim3A_590 = vector.broadcast %jit3A_588 : f32 to vector<256x256xf32>
            %broadcast_in_dim3A_591 = vector.broadcast %jit3A_589 : f32 to vector<256x256xf32>
            %select_n3A_592 = arith.select %le3A_587, %broadcast_in_dim3A_590, %broadcast_in_dim3A_591 : vector<256x256xi1>, vector<256x256xf32>
            %get3A_593 = arith.constant 0 : index
            %get3A_594 = arith.constant 768 : index
            %get3A_595 = vector.load %arg7[%get3A_593, %get3A_594] : memref<256x4096xf32, #tpu.memory_space<vmem>>, vector<256x256xf32>
            %add3A_596 = arith.addf %get3A_595, %select_n3A_592 : vector<256x256xf32>
            %swap3A_597 = arith.constant 0 : index
            %swap3A_598 = arith.constant 768 : index
            %swap3A_599 = vector.load %arg7[%swap3A_597, %swap3A_598] : memref<256x4096xf32, #tpu.memory_space<vmem>>, vector<256x256xf32>
            tpu.vector_store %arg7[%swap3A_597, %swap3A_598], %add3A_596 {strides = array<i32>} : memref<256x4096xf32, #tpu.memory_space<vmem>>, vector<256x256xf32>,
            %le3A_600 = arith.constant 4 : i32
            %le3A_601 = vector.broadcast %le3A_600 : i32 to vector<256x256xi32>
            %le3A_602 = arith.cmpi sle, %add3A_288, %le3A_601 : vector<256x256xi32>
            %jit3A_603 = arith.constant 1.000000e+00 : f32
            %jit3A_604 = arith.constant 0.000000e+00 : f32
            %broadcast_in_dim3A_605 = vector.broadcast %jit3A_603 : f32 to vector<256x256xf32>
            %broadcast_in_dim3A_606 = vector.broadcast %jit3A_604 : f32 to vector<256x256xf32>
            %select_n3A_607 = arith.select %le3A_602, %broadcast_in_dim3A_605, %broadcast_in_dim3A_606 : vector<256x256xi1>, vector<256x256xf32>
            %get3A_608 = arith.constant 0 : index
            %get3A_609 = arith.constant 1024 : index
            %get3A_610 = vector.load %arg7[%get3A_608, %get3A_609] : memref<256x4096xf32, #tpu.memory_space<vmem>>, vector<256x256xf32>
            %add3A_611 = arith.addf %get3A_610, %select_n3A_607 : vector<256x256xf32>
            %swap3A_612 = arith.constant 0 : index
            %swap3A_613 = arith.constant 1024 : index
            %swap3A_614 = vector.load %arg7[%swap3A_612, %swap3A_613] : memref<256x4096xf32, #tpu.memory_space<vmem>>, vector<256x256xf32>
            tpu.vector_store %arg7[%swap3A_612, %swap3A_613], %add3A_611 {strides = array<i32>} : memref<256x4096xf32, #tpu.memory_space<vmem>>, vector<256x256xf32>,
            %le3A_615 = arith.constant 5 : i32
            %le3A_616 = vector.broadcast %le3A_615 : i32 to vector<256x256xi32>
            %le3A_617 = arith.cmpi sle, %add3A_288, %le3A_616 : vector<256x256xi32>
            %jit3A_618 = arith.constant 1.000000e+00 : f32
            %jit3A_619 = arith.constant 0.000000e+00 : f32
            %broadcast_in_dim3A_620 = vector.broadcast %jit3A_618 : f32 to vector<256x256xf32>
            %broadcast_in_dim3A_621 = vector.broadcast %jit3A_619 : f32 to vector<256x256xf32>
            %select_n3A_622 = arith.select %le3A_617, %broadcast_in_dim3A_620, %broadcast_in_dim3A_621 : vector<256x256xi1>, vector<256x256xf32>
            %get3A_623 = arith.constant 0 : index
            %get3A_624 = arith.constant 1280 : index
            %get3A_625 = vector.load %arg7[%get3A_623, %get3A_624] : memref<256x4096xf32, #tpu.memory_space<vmem>>, vector<256x256xf32>
            %add3A_626 = arith.addf %get3A_625, %select_n3A_622 : vector<256x256xf32>
            %swap3A_627 = arith.constant 0 : index
            %swap3A_628 = arith.constant 1280 : index
            %swap3A_629 = vector.load %arg7[%swap3A_627, %swap3A_628] : memref<256x4096xf32, #tpu.memory_space<vmem>>, vector<256x256xf32>
            tpu.vector_store %arg7[%swap3A_627, %swap3A_628], %add3A_626 {strides = array<i32>} : memref<256x4096xf32, #tpu.memory_space<vmem>>, vector<256x256xf32>,
            %le3A_630 = arith.constant 6 : i32
            %le3A_631 = vector.broadcast %le3A_630 : i32 to vector<256x256xi32>
            %le3A_632 = arith.cmpi sle, %add3A_288, %le3A_631 : vector<256x256xi32>
            %jit3A_633 = arith.constant 1.000000e+00 : f32
            %jit3A_634 = arith.constant 0.000000e+00 : f32
            %broadcast_in_dim3A_635 = vector.broadcast %jit3A_633 : f32 to vector<256x256xf32>
            %broadcast_in_dim3A_636 = vector.broadcast %jit3A_634 : f32 to vector<256x256xf32>
            %select_n3A_637 = arith.select %le3A_632, %broadcast_in_dim3A_635, %broadcast_in_dim3A_636 : vector<256x256xi1>, vector<256x256xf32>
            %get3A_638 = arith.constant 0 : index
            %get3A_639 = arith.constant 1536 : index
            %get3A_640 = vector.load %arg7[%get3A_638, %get3A_639] : memref<256x4096xf32, #tpu.memory_space<vmem>>, vector<256x256xf32>
            %add3A_641 = arith.addf %get3A_640, %select_n3A_637 : vector<256x256xf32>
            %swap3A_642 = arith.constant 0 : index
            %swap3A_643 = arith.constant 1536 : index
            %swap3A_644 = vector.load %arg7[%swap3A_642, %swap3A_643] : memref<256x4096xf32, #tpu.memory_space<vmem>>, vector<256x256xf32>
            tpu.vector_store %arg7[%swap3A_642, %swap3A_643], %add3A_641 {strides = array<i32>} : memref<256x4096xf32, #tpu.memory_space<vmem>>, vector<256x256xf32>,
            %le3A_645 = arith.constant 7 : i32
            %le3A_646 = vector.broadcast %le3A_645 : i32 to vector<256x256xi32>
            %le3A_647 = arith.cmpi sle, %add3A_288, %le3A_646 : vector<256x256xi32>
            %jit3A_648 = arith.constant 1.000000e+00 : f32
            %jit3A_649 = arith.constant 0.000000e+00 : f32
            %broadcast_in_dim3A_650 = vector.broadcast %jit3A_648 : f32 to vector<256x256xf32>
            %broadcast_in_dim3A_651 = vector.broadcast %jit3A_649 : f32 to vector<256x256xf32>
            %select_n3A_652 = arith.select %le3A_647, %broadcast_in_dim3A_650, %broadcast_in_dim3A_651 : vector<256x256xi1>, vector<256x256xf32>
            %get3A_653 = arith.constant 0 : index
            %get3A_654 = arith.constant 1792 : index
            %get3A_655 = vector.load %arg7[%get3A_653, %get3A_654] : memref<256x4096xf32, #tpu.memory_space<vmem>>, vector<256x256xf32>
            %add3A_656 = arith.addf %get3A_655, %select_n3A_652 : vector<256x256xf32>
            %swap3A_657 = arith.constant 0 : index
            %swap3A_658 = arith.constant 1792 : index
            %swap3A_659 = vector.load %arg7[%swap3A_657, %swap3A_658] : memref<256x4096xf32, #tpu.memory_space<vmem>>, vector<256x256xf32>
            tpu.vector_store %arg7[%swap3A_657, %swap3A_658], %add3A_656 {strides = array<i32>} : memref<256x4096xf32, #tpu.memory_space<vmem>>, vector<256x256xf32>,
            %le3A_660 = arith.constant 8 : i32
            %le3A_661 = vector.broadcast %le3A_660 : i32 to vector<256x256xi32>
            %le3A_662 = arith.cmpi sle, %add3A_288, %le3A_661 : vector<256x256xi32>
            %jit3A_663 = arith.constant 1.000000e+00 : f32
            %jit3A_664 = arith.constant 0.000000e+00 : f32
            %broadcast_in_dim3A_665 = vector.broadcast %jit3A_663 : f32 to vector<256x256xf32>
            %broadcast_in_dim3A_666 = vector.broadcast %jit3A_664 : f32 to vector<256x256xf32>
            %select_n3A_667 = arith.select %le3A_662, %broadcast_in_dim3A_665, %broadcast_in_dim3A_666 : vector<256x256xi1>, vector<256x256xf32>
            %get3A_668 = arith.constant 0 : index
            %get3A_669 = arith.constant 2048 : index
            %get3A_670 = vector.load %arg7[%get3A_668, %get3A_669] : memref<256x4096xf32, #tpu.memory_space<vmem>>, vector<256x256xf32>
            %add3A_671 = arith.addf %get3A_670, %select_n3A_667 : vector<256x256xf32>
            %swap3A_672 = arith.constant 0 : index
            %swap3A_673 = arith.constant 2048 : index
            %swap3A_674 = vector.load %arg7[%swap3A_672, %swap3A_673] : memref<256x4096xf32, #tpu.memory_space<vmem>>, vector<256x256xf32>
            tpu.vector_store %arg7[%swap3A_672, %swap3A_673], %add3A_671 {strides = array<i32>} : memref<256x4096xf32, #tpu.memory_space<vmem>>, vector<256x256xf32>,
            %le3A_675 = arith.constant 9 : i32
            %le3A_676 = vector.broadcast %le3A_675 : i32 to vector<256x256xi32>
            %le3A_677 = arith.cmpi sle, %add3A_288, %le3A_676 : vector<256x256xi32>
            %jit3A_678 = arith.constant 1.000000e+00 : f32
            %jit3A_679 = arith.constant 0.000000e+00 : f32
            %broadcast_in_dim3A_680 = vector.broadcast %jit3A_678 : f32 to vector<256x256xf32>
            %broadcast_in_dim3A_681 = vector.broadcast %jit3A_679 : f32 to vector<256x256xf32>
            %select_n3A_682 = arith.select %le3A_677, %broadcast_in_dim3A_680, %broadcast_in_dim3A_681 : vector<256x256xi1>, vector<256x256xf32>
            %get3A_683 = arith.constant 0 : index
            %get3A_684 = arith.constant 2304 : index
            %get3A_685 = vector.load %arg7[%get3A_683, %get3A_684] : memref<256x4096xf32, #tpu.memory_space<vmem>>, vector<256x256xf32>
            %add3A_686 = arith.addf %get3A_685, %select_n3A_682 : vector<256x256xf32>
            %swap3A_687 = arith.constant 0 : index
            %swap3A_688 = arith.constant 2304 : index
            %swap3A_689 = vector.load %arg7[%swap3A_687, %swap3A_688] : memref<256x4096xf32, #tpu.memory_space<vmem>>, vector<256x256xf32>
            tpu.vector_store %arg7[%swap3A_687, %swap3A_688], %add3A_686 {strides = array<i32>} : memref<256x4096xf32, #tpu.memory_space<vmem>>, vector<256x256xf32>,
            %le3A_690 = arith.constant 10 : i32
            %le3A_691 = vector.broadcast %le3A_690 : i32 to vector<256x256xi32>
            %le3A_692 = arith.cmpi sle, %add3A_288, %le3A_691 : vector<256x256xi32>
            %jit3A_693 = arith.constant 1.000000e+00 : f32
            %jit3A_694 = arith.constant 0.000000e+00 : f32
            %broadcast_in_dim3A_695 = vector.broadcast %jit3A_693 : f32 to vector<256x256xf32>
            %broadcast_in_dim3A_696 = vector.broadcast %jit3A_694 : f32 to vector<256x256xf32>
            %select_n3A_697 = arith.select %le3A_692, %broadcast_in_dim3A_695, %broadcast_in_dim3A_696 : vector<256x256xi1>, vector<256x256xf32>
            %get3A_698 = arith.constant 0 : index
            %get3A_699 = arith.constant 2560 : index
            %get3A_700 = vector.load %arg7[%get3A_698, %get3A_699] : memref<256x4096xf32, #tpu.memory_space<vmem>>, vector<256x256xf32>
            %add3A_701 = arith.addf %get3A_700, %select_n3A_697 : vector<256x256xf32>
            %swap3A_702 = arith.constant 0 : index
            %swap3A_703 = arith.constant 2560 : index
            %swap3A_704 = vector.load %arg7[%swap3A_702, %swap3A_703] : memref<256x4096xf32, #tpu.memory_space<vmem>>, vector<256x256xf32>
            tpu.vector_store %arg7[%swap3A_702, %swap3A_703], %add3A_701 {strides = array<i32>} : memref<256x4096xf32, #tpu.memory_space<vmem>>, vector<256x256xf32>,
            %le3A_705 = arith.constant 11 : i32
            %le3A_706 = vector.broadcast %le3A_705 : i32 to vector<256x256xi32>
            %le3A_707 = arith.cmpi sle, %add3A_288, %le3A_706 : vector<256x256xi32>
            %jit3A_708 = arith.constant 1.000000e+00 : f32
            %jit3A_709 = arith.constant 0.000000e+00 : f32
            %broadcast_in_dim3A_710 = vector.broadcast %jit3A_708 : f32 to vector<256x256xf32>
            %broadcast_in_dim3A_711 = vector.broadcast %jit3A_709 : f32 to vector<256x256xf32>
            %select_n3A_712 = arith.select %le3A_707, %broadcast_in_dim3A_710, %broadcast_in_dim3A_711 : vector<256x256xi1>, vector<256x256xf32>
            %get3A_713 = arith.constant 0 : index
            %get3A_714 = arith.constant 2816 : index
            %get3A_715 = vector.load %arg7[%get3A_713, %get3A_714] : memref<256x4096xf32, #tpu.memory_space<vmem>>, vector<256x256xf32>
            %add3A_716 = arith.addf %get3A_715, %select_n3A_712 : vector<256x256xf32>
            %swap3A_717 = arith.constant 0 : index
            %swap3A_718 = arith.constant 2816 : index
            %swap3A_719 = vector.load %arg7[%swap3A_717, %swap3A_718] : memref<256x4096xf32, #tpu.memory_space<vmem>>, vector<256x256xf32>
            tpu.vector_store %arg7[%swap3A_717, %swap3A_718], %add3A_716 {strides = array<i32>} : memref<256x4096xf32, #tpu.memory_space<vmem>>, vector<256x256xf32>,
            %le3A_720 = arith.constant 12 : i32
            %le3A_721 = vector.broadcast %le3A_720 : i32 to vector<256x256xi32>
            %le3A_722 = arith.cmpi sle, %add3A_288, %le3A_721 : vector<256x256xi32>
            %jit3A_723 = arith.constant 1.000000e+00 : f32
            %jit3A_724 = arith.constant 0.000000e+00 : f32
            %broadcast_in_dim3A_725 = vector.broadcast %jit3A_723 : f32 to vector<256x256xf32>
            %broadcast_in_dim3A_726 = vector.broadcast %jit3A_724 : f32 to vector<256x256xf32>
            %select_n3A_727 = arith.select %le3A_722, %broadcast_in_dim3A_725, %broadcast_in_dim3A_726 : vector<256x256xi1>, vector<256x256xf32>
            %get3A_728 = arith.constant 0 : index
            %get3A_729 = arith.constant 3072 : index
            %get3A_730 = vector.load %arg7[%get3A_728, %get3A_729] : memref<256x4096xf32, #tpu.memory_space<vmem>>, vector<256x256xf32>
            %add3A_731 = arith.addf %get3A_730, %select_n3A_727 : vector<256x256xf32>
            %swap3A_732 = arith.constant 0 : index
            %swap3A_733 = arith.constant 3072 : index
            %swap3A_734 = vector.load %arg7[%swap3A_732, %swap3A_733] : memref<256x4096xf32, #tpu.memory_space<vmem>>, vector<256x256xf32>
            tpu.vector_store %arg7[%swap3A_732, %swap3A_733], %add3A_731 {strides = array<i32>} : memref<256x4096xf32, #tpu.memory_space<vmem>>, vector<256x256xf32>,
            %le3A_735 = arith.constant 13 : i32
            %le3A_736 = vector.broadcast %le3A_735 : i32 to vector<256x256xi32>
            %le3A_737 = arith.cmpi sle, %add3A_288, %le3A_736 : vector<256x256xi32>
            %jit3A_738 = arith.constant 1.000000e+00 : f32
            %jit3A_739 = arith.constant 0.000000e+00 : f32
            %broadcast_in_dim3A_740 = vector.broadcast %jit3A_738 : f32 to vector<256x256xf32>
            %broadcast_in_dim3A_741 = vector.broadcast %jit3A_739 : f32 to vector<256x256xf32>
            %select_n3A_742 = arith.select %le3A_737, %broadcast_in_dim3A_740, %broadcast_in_dim3A_741 : vector<256x256xi1>, vector<256x256xf32>
            %get3A_743 = arith.constant 0 : index
            %get3A_744 = arith.constant 3328 : index
            %get3A_745 = vector.load %arg7[%get3A_743, %get3A_744] : memref<256x4096xf32, #tpu.memory_space<vmem>>, vector<256x256xf32>
            %add3A_746 = arith.addf %get3A_745, %select_n3A_742 : vector<256x256xf32>
            %swap3A_747 = arith.constant 0 : index
            %swap3A_748 = arith.constant 3328 : index
            %swap3A_749 = vector.load %arg7[%swap3A_747, %swap3A_748] : memref<256x4096xf32, #tpu.memory_space<vmem>>, vector<256x256xf32>
            tpu.vector_store %arg7[%swap3A_747, %swap3A_748], %add3A_746 {strides = array<i32>} : memref<256x4096xf32, #tpu.memory_space<vmem>>, vector<256x256xf32>,
            %le3A_750 = arith.constant 14 : i32
            %le3A_751 = vector.broadcast %le3A_750 : i32 to vector<256x256xi32>
            %le3A_752 = arith.cmpi sle, %add3A_288, %le3A_751 : vector<256x256xi32>
            %jit3A_753 = arith.constant 1.000000e+00 : f32
            %jit3A_754 = arith.constant 0.000000e+00 : f32
            %broadcast_in_dim3A_755 = vector.broadcast %jit3A_753 : f32 to vector<256x256xf32>
            %broadcast_in_dim3A_756 = vector.broadcast %jit3A_754 : f32 to vector<256x256xf32>
            %select_n3A_757 = arith.select %le3A_752, %broadcast_in_dim3A_755, %broadcast_in_dim3A_756 : vector<256x256xi1>, vector<256x256xf32>
            %get3A_758 = arith.constant 0 : index
            %get3A_759 = arith.constant 3584 : index
            %get3A_760 = vector.load %arg7[%get3A_758, %get3A_759] : memref<256x4096xf32, #tpu.memory_space<vmem>>, vector<256x256xf32>
            %add3A_761 = arith.addf %get3A_760, %select_n3A_757 : vector<256x256xf32>
            %swap3A_762 = arith.constant 0 : index
            %swap3A_763 = arith.constant 3584 : index
            %swap3A_764 = vector.load %arg7[%swap3A_762, %swap3A_763] : memref<256x4096xf32, #tpu.memory_space<vmem>>, vector<256x256xf32>
            tpu.vector_store %arg7[%swap3A_762, %swap3A_763], %add3A_761 {strides = array<i32>} : memref<256x4096xf32, #tpu.memory_space<vmem>>, vector<256x256xf32>,
            %le3A_765 = arith.constant 15 : i32
            %le3A_766 = vector.broadcast %le3A_765 : i32 to vector<256x256xi32>
            %le3A_767 = arith.cmpi sle, %add3A_288, %le3A_766 : vector<256x256xi32>
            %jit3A_768 = arith.constant 1.000000e+00 : f32
            %jit3A_769 = arith.constant 0.000000e+00 : f32
            %broadcast_in_dim3A_770 = vector.broadcast %jit3A_768 : f32 to vector<256x256xf32>
            %broadcast_in_dim3A_771 = vector.broadcast %jit3A_769 : f32 to vector<256x256xf32>
            %select_n3A_772 = arith.select %le3A_767, %broadcast_in_dim3A_770, %broadcast_in_dim3A_771 : vector<256x256xi1>, vector<256x256xf32>
            %get3A_773 = arith.constant 0 : index
            %get3A_774 = arith.constant 3840 : index
            %get3A_775 = vector.load %arg7[%get3A_773, %get3A_774] : memref<256x4096xf32, #tpu.memory_space<vmem>>, vector<256x256xf32>
            %add3A_776 = arith.addf %get3A_775, %select_n3A_772 : vector<256x256xf32>
            %swap3A_777 = arith.constant 0 : index
            %swap3A_778 = arith.constant 3840 : index
            %swap3A_779 = vector.load %arg7[%swap3A_777, %swap3A_778] : memref<256x4096xf32, #tpu.memory_space<vmem>>, vector<256x256xf32>
            tpu.vector_store %arg7[%swap3A_777, %swap3A_778], %add3A_776 {strides = array<i32>} : memref<256x4096xf32, #tpu.memory_space<vmem>>, vector<256x256xf32>,
          } else {
          }
          %slice3A_538 = vector.extract_strided_slice %add3A_252 {offsets = [0, 255], sizes = [256, 1], strides = [1, 1]} : vector<256x256xi32> to vector<256x1xi32>
          %slice3A_539 = vector.extract_strided_slice %add3A_288 {offsets = [0, 255], sizes = [256, 1], strides = [1, 1]} : vector<256x256xi32> to vector<256x1xi32>
          scf.yield %slice3A_538, %slice3A_539 : vector<256x1xi32>, vector<256x1xi32>
        } else {
          scf.yield %cond3A_161#0, %cond3A_161#1 : vector<256x1xi32>, vector<256x1xi32>
        }
        %reduce_min3A_173 = vector.shape_cast %cond3A_172#0 : vector<256x1xi32> to vector<1x256x1xi32>
        %reduce_min3A_174 = arith.constant dense<2147483647> : vector<1xi32>
        %reduce_min3A_175 = vector.multi_reduction <minsi>, %reduce_min3A_173, %reduce_min3A_174 [1, 2] : vector<1x256x1xi32> to vector<1xi32>
        %reduce_min3A_176 = vector.shape_cast %reduce_min3A_175 : vector<1xi32> to vector<1x1x1xi32>
        %reduce_min3A_177 = vector.extract %reduce_min3A_176[0, 0, 0] : i32 from vector<1x1x1xi32>
        %lt3A_178 = arith.constant 16 : i32
        %lt3A_179 = arith.cmpi slt, %reduce_min3A_177, %lt3A_178 : i32
        %convert_element_type3A_180 = arith.extui %lt3A_179 : i1 to i32
        %cond3A_181 = arith.constant 0 : i32
        %cond3A_182 = arith.cmpi ne, %convert_element_type3A_180, %cond3A_181 : i32
        %cond3A_183:2 = scf.if %cond3A_182 -> (vector<256x1xi32>, vector<256x1xi32>) {
          %slice3A = vector.extract_strided_slice %get3A_106 {offsets = [0, 1536], sizes = [1, 256], strides = [1, 1]} : vector<4x2048xf32> to vector<1x256xf32>
          %sub3A_195 = vector.broadcast %get3A_1 : vector<256x1xf32> to vector<256x256xf32>
          %sub3A_196 = vector.broadcast %slice3A : vector<1x256xf32> to vector<256x256xf32>
          %sub3A_197 = arith.subf %sub3A_195, %sub3A_196 : vector<256x256xf32>
          %slice3A_198 = vector.extract_strided_slice %get3A_106 {offsets = [1, 1536], sizes = [1, 256], strides = [1, 1]} : vector<4x2048xf32> to vector<1x256xf32>
          %sub3A_199 = vector.broadcast %get3A_4 : vector<256x1xf32> to vector<256x256xf32>
          %sub3A_200 = vector.broadcast %slice3A_198 : vector<1x256xf32> to vector<256x256xf32>
          %sub3A_201 = arith.subf %sub3A_199, %sub3A_200 : vector<256x256xf32>
          %slice3A_202 = vector.extract_strided_slice %get3A_106 {offsets = [2, 1536], sizes = [1, 256], strides = [1, 1]} : vector<4x2048xf32> to vector<1x256xf32>
          %sub3A_203 = vector.broadcast %get3A_7 : vector<256x1xf32> to vector<256x256xf32>
          %sub3A_204 = vector.broadcast %slice3A_202 : vector<1x256xf32> to vector<256x256xf32>
          %sub3A_205 = arith.subf %sub3A_203, %sub3A_204 : vector<256x256xf32>
          %mul3A = arith.mulf %sub3A_197, %sub3A_197 : vector<256x256xf32>
          %mul3A_206 = arith.mulf %sub3A_201, %sub3A_201 : vector<256x256xf32>
          %add3A = arith.addf %mul3A, %mul3A_206 : vector<256x256xf32>
          %mul3A_207 = arith.mulf %sub3A_205, %sub3A_205 : vector<256x256xf32>
          %add3A_208 = arith.addf %add3A, %mul3A_207 : vector<256x256xf32>
          %lt3A_209 = arith.constant 1.600000e-01 : f32
          %lt3A_210 = vector.broadcast %lt3A_209 : f32 to vector<256x256xf32>
          %lt3A_211 = arith.cmpf olt, %add3A_208, %lt3A_210 : vector<256x256xf32>
          %convert_element_type3A_212 = arith.extui %lt3A_211 : vector<256x256xi1> to vector<256x256xi32>
          %lt3A_213 = arith.constant 6.400000e-01 : f32
          %lt3A_214 = vector.broadcast %lt3A_213 : f32 to vector<256x256xf32>
          %lt3A_215 = arith.cmpf olt, %add3A_208, %lt3A_214 : vector<256x256xf32>
          %convert_element_type3A_216 = arith.extui %lt3A_215 : vector<256x256xi1> to vector<256x256xi32>
          %broadcast_in_dim3A_217 = arith.constant 0 : i32
          %broadcast_in_dim3A_218 = vector.broadcast %broadcast_in_dim3A_217 : i32 to vector<256x256xi32>
          %slice3A_219 = vector.extract_strided_slice %broadcast_in_dim3A_218 {offsets = [0, 0], sizes = [256, 1], strides = [1, 1]} : vector<256x256xi32> to vector<256x1xi32>
          %slice3A_220 = vector.extract_strided_slice %convert_element_type3A_212 {offsets = [0, 0], sizes = [256, 255], strides = [1, 1]} : vector<256x256xi32> to vector<256x255xi32>
          %concatenate3A_221 = tpu.concatenate %slice3A_219, %slice3A_220 in 1 : vector<256x1xi32>, vector<256x255xi32> -> vector<256x256xi32>
          %add3A_222 = arith.addi %convert_element_type3A_212, %concatenate3A_221 : vector<256x256xi32>
          %slice3A_223 = vector.extract_strided_slice %broadcast_in_dim3A_218 {offsets = [0, 0], sizes = [256, 2], strides = [1, 1]} : vector<256x256xi32> to vector<256x2xi32>
          %slice3A_224 = vector.extract_strided_slice %add3A_222 {offsets = [0, 0], sizes = [256, 254], strides = [1, 1]} : vector<256x256xi32> to vector<256x254xi32>
          %concatenate3A_225 = tpu.concatenate %slice3A_223, %slice3A_224 in 1 : vector<256x2xi32>, vector<256x254xi32> -> vector<256x256xi32>
          %add3A_226 = arith.addi %add3A_222, %concatenate3A_225 : vector<256x256xi32>
          %slice3A_227 = vector.extract_strided_slice %broadcast_in_dim3A_218 {offsets = [0, 0], sizes = [256, 4], strides = [1, 1]} : vector<256x256xi32> to vector<256x4xi32>
          %slice3A_228 = vector.extract_strided_slice %add3A_226 {offsets = [0, 0], sizes = [256, 252], strides = [1, 1]} : vector<256x256xi32> to vector<256x252xi32>
          %concatenate3A_229 = tpu.concatenate %slice3A_227, %slice3A_228 in 1 : vector<256x4xi32>, vector<256x252xi32> -> vector<256x256xi32>
          %add3A_230 = arith.addi %add3A_226, %concatenate3A_229 : vector<256x256xi32>
          %slice3A_231 = vector.extract_strided_slice %broadcast_in_dim3A_218 {offsets = [0, 0], sizes = [256, 8], strides = [1, 1]} : vector<256x256xi32> to vector<256x8xi32>
          %slice3A_232 = vector.extract_strided_slice %add3A_230 {offsets = [0, 0], sizes = [256, 248], strides = [1, 1]} : vector<256x256xi32> to vector<256x248xi32>
          %concatenate3A_233 = tpu.concatenate %slice3A_231, %slice3A_232 in 1 : vector<256x8xi32>, vector<256x248xi32> -> vector<256x256xi32>
          %add3A_234 = arith.addi %add3A_230, %concatenate3A_233 : vector<256x256xi32>
          %slice3A_235 = vector.extract_strided_slice %broadcast_in_dim3A_218 {offsets = [0, 0], sizes = [256, 16], strides = [1, 1]} : vector<256x256xi32> to vector<256x16xi32>
          %slice3A_236 = vector.extract_strided_slice %add3A_234 {offsets = [0, 0], sizes = [256, 240], strides = [1, 1]} : vector<256x256xi32> to vector<256x240xi32>
          %concatenate3A_237 = tpu.concatenate %slice3A_235, %slice3A_236 in 1 : vector<256x16xi32>, vector<256x240xi32> -> vector<256x256xi32>
          %add3A_238 = arith.addi %add3A_234, %concatenate3A_237 : vector<256x256xi32>
          %slice3A_239 = vector.extract_strided_slice %broadcast_in_dim3A_218 {offsets = [0, 0], sizes = [256, 32], strides = [1, 1]} : vector<256x256xi32> to vector<256x32xi32>
          %slice3A_240 = vector.extract_strided_slice %add3A_238 {offsets = [0, 0], sizes = [256, 224], strides = [1, 1]} : vector<256x256xi32> to vector<256x224xi32>
          %concatenate3A_241 = tpu.concatenate %slice3A_239, %slice3A_240 in 1 : vector<256x32xi32>, vector<256x224xi32> -> vector<256x256xi32>
          %add3A_242 = arith.addi %add3A_238, %concatenate3A_241 : vector<256x256xi32>
          %slice3A_243 = vector.extract_strided_slice %broadcast_in_dim3A_218 {offsets = [0, 0], sizes = [256, 64], strides = [1, 1]} : vector<256x256xi32> to vector<256x64xi32>
          %slice3A_244 = vector.extract_strided_slice %add3A_242 {offsets = [0, 0], sizes = [256, 192], strides = [1, 1]} : vector<256x256xi32> to vector<256x192xi32>
          %concatenate3A_245 = tpu.concatenate %slice3A_243, %slice3A_244 in 1 : vector<256x64xi32>, vector<256x192xi32> -> vector<256x256xi32>
          %add3A_246 = arith.addi %add3A_242, %concatenate3A_245 : vector<256x256xi32>
          %slice3A_247 = vector.extract_strided_slice %broadcast_in_dim3A_218 {offsets = [0, 0], sizes = [256, 128], strides = [1, 1]} : vector<256x256xi32> to vector<256x128xi32>
          %slice3A_248 = vector.extract_strided_slice %add3A_246 {offsets = [0, 0], sizes = [256, 128], strides = [1, 1]} : vector<256x256xi32> to vector<256x128xi32>
          %concatenate3A_249 = tpu.concatenate %slice3A_247, %slice3A_248 in 1 : vector<256x128xi32>, vector<256x128xi32> -> vector<256x256xi32>
          %add3A_250 = arith.addi %add3A_246, %concatenate3A_249 : vector<256x256xi32>
          %add3A_251 = vector.broadcast %cond3A_172#0 : vector<256x1xi32> to vector<256x256xi32>
          %add3A_252 = arith.addi %add3A_251, %add3A_250 : vector<256x256xi32>
          %broadcast_in_dim3A_253 = arith.constant 0 : i32
          %broadcast_in_dim3A_254 = vector.broadcast %broadcast_in_dim3A_253 : i32 to vector<256x256xi32>
          %slice3A_255 = vector.extract_strided_slice %broadcast_in_dim3A_254 {offsets = [0, 0], sizes = [256, 1], strides = [1, 1]} : vector<256x256xi32> to vector<256x1xi32>
          %slice3A_256 = vector.extract_strided_slice %convert_element_type3A_216 {offsets = [0, 0], sizes = [256, 255], strides = [1, 1]} : vector<256x256xi32> to vector<256x255xi32>
          %concatenate3A_257 = tpu.concatenate %slice3A_255, %slice3A_256 in 1 : vector<256x1xi32>, vector<256x255xi32> -> vector<256x256xi32>
          %add3A_258 = arith.addi %convert_element_type3A_216, %concatenate3A_257 : vector<256x256xi32>
          %slice3A_259 = vector.extract_strided_slice %broadcast_in_dim3A_254 {offsets = [0, 0], sizes = [256, 2], strides = [1, 1]} : vector<256x256xi32> to vector<256x2xi32>
          %slice3A_260 = vector.extract_strided_slice %add3A_258 {offsets = [0, 0], sizes = [256, 254], strides = [1, 1]} : vector<256x256xi32> to vector<256x254xi32>
          %concatenate3A_261 = tpu.concatenate %slice3A_259, %slice3A_260 in 1 : vector<256x2xi32>, vector<256x254xi32> -> vector<256x256xi32>
          %add3A_262 = arith.addi %add3A_258, %concatenate3A_261 : vector<256x256xi32>
          %slice3A_263 = vector.extract_strided_slice %broadcast_in_dim3A_254 {offsets = [0, 0], sizes = [256, 4], strides = [1, 1]} : vector<256x256xi32> to vector<256x4xi32>
          %slice3A_264 = vector.extract_strided_slice %add3A_262 {offsets = [0, 0], sizes = [256, 252], strides = [1, 1]} : vector<256x256xi32> to vector<256x252xi32>
          %concatenate3A_265 = tpu.concatenate %slice3A_263, %slice3A_264 in 1 : vector<256x4xi32>, vector<256x252xi32> -> vector<256x256xi32>
          %add3A_266 = arith.addi %add3A_262, %concatenate3A_265 : vector<256x256xi32>
          %slice3A_267 = vector.extract_strided_slice %broadcast_in_dim3A_254 {offsets = [0, 0], sizes = [256, 8], strides = [1, 1]} : vector<256x256xi32> to vector<256x8xi32>
          %slice3A_268 = vector.extract_strided_slice %add3A_266 {offsets = [0, 0], sizes = [256, 248], strides = [1, 1]} : vector<256x256xi32> to vector<256x248xi32>
          %concatenate3A_269 = tpu.concatenate %slice3A_267, %slice3A_268 in 1 : vector<256x8xi32>, vector<256x248xi32> -> vector<256x256xi32>
          %add3A_270 = arith.addi %add3A_266, %concatenate3A_269 : vector<256x256xi32>
          %slice3A_271 = vector.extract_strided_slice %broadcast_in_dim3A_254 {offsets = [0, 0], sizes = [256, 16], strides = [1, 1]} : vector<256x256xi32> to vector<256x16xi32>
          %slice3A_272 = vector.extract_strided_slice %add3A_270 {offsets = [0, 0], sizes = [256, 240], strides = [1, 1]} : vector<256x256xi32> to vector<256x240xi32>
          %concatenate3A_273 = tpu.concatenate %slice3A_271, %slice3A_272 in 1 : vector<256x16xi32>, vector<256x240xi32> -> vector<256x256xi32>
          %add3A_274 = arith.addi %add3A_270, %concatenate3A_273 : vector<256x256xi32>
          %slice3A_275 = vector.extract_strided_slice %broadcast_in_dim3A_254 {offsets = [0, 0], sizes = [256, 32], strides = [1, 1]} : vector<256x256xi32> to vector<256x32xi32>
          %slice3A_276 = vector.extract_strided_slice %add3A_274 {offsets = [0, 0], sizes = [256, 224], strides = [1, 1]} : vector<256x256xi32> to vector<256x224xi32>
          %concatenate3A_277 = tpu.concatenate %slice3A_275, %slice3A_276 in 1 : vector<256x32xi32>, vector<256x224xi32> -> vector<256x256xi32>
          %add3A_278 = arith.addi %add3A_274, %concatenate3A_277 : vector<256x256xi32>
          %slice3A_279 = vector.extract_strided_slice %broadcast_in_dim3A_254 {offsets = [0, 0], sizes = [256, 64], strides = [1, 1]} : vector<256x256xi32> to vector<256x64xi32>
          %slice3A_280 = vector.extract_strided_slice %add3A_278 {offsets = [0, 0], sizes = [256, 192], strides = [1, 1]} : vector<256x256xi32> to vector<256x192xi32>
          %concatenate3A_281 = tpu.concatenate %slice3A_279, %slice3A_280 in 1 : vector<256x64xi32>, vector<256x192xi32> -> vector<256x256xi32>
          %add3A_282 = arith.addi %add3A_278, %concatenate3A_281 : vector<256x256xi32>
          %slice3A_283 = vector.extract_strided_slice %broadcast_in_dim3A_254 {offsets = [0, 0], sizes = [256, 128], strides = [1, 1]} : vector<256x256xi32> to vector<256x128xi32>
          %slice3A_284 = vector.extract_strided_slice %add3A_282 {offsets = [0, 0], sizes = [256, 128], strides = [1, 1]} : vector<256x256xi32> to vector<256x128xi32>
          %concatenate3A_285 = tpu.concatenate %slice3A_283, %slice3A_284 in 1 : vector<256x128xi32>, vector<256x128xi32> -> vector<256x256xi32>
          %add3A_286 = arith.addi %add3A_282, %concatenate3A_285 : vector<256x256xi32>
          %add3A_287 = vector.broadcast %cond3A_172#1 : vector<256x1xi32> to vector<256x256xi32>
          %add3A_288 = arith.addi %add3A_287, %add3A_286 : vector<256x256xi32>
          %le3A = arith.constant 0 : i32
          %le3A_289 = vector.broadcast %le3A : i32 to vector<256x256xi32>
          %le3A_290 = arith.cmpi sle, %add3A_252, %le3A_289 : vector<256x256xi32>
          %jit3A_291 = arith.constant 1.000000e+00 : f32
          %jit3A_292 = arith.constant 0.000000e+00 : f32
          %broadcast_in_dim3A_293 = vector.broadcast %jit3A_291 : f32 to vector<256x256xf32>
          %broadcast_in_dim3A_294 = vector.broadcast %jit3A_292 : f32 to vector<256x256xf32>
          %select_n3A_295 = arith.select %le3A_290, %broadcast_in_dim3A_293, %broadcast_in_dim3A_294 : vector<256x256xi1>, vector<256x256xf32>
          %get3A_296 = arith.constant 0 : index
          %get3A_297 = arith.constant 0 : index
          %get3A_298 = vector.load %arg6[%get3A_296, %get3A_297] : memref<256x4096xf32, #tpu.memory_space<vmem>>, vector<256x256xf32>
          %add3A_299 = arith.addf %get3A_298, %select_n3A_295 : vector<256x256xf32>
          %swap3A_300 = arith.constant 0 : index
          %swap3A_301 = arith.constant 0 : index
          %swap3A_302 = vector.load %arg6[%swap3A_300, %swap3A_301] : memref<256x4096xf32, #tpu.memory_space<vmem>>, vector<256x256xf32>
          tpu.vector_store %arg6[%swap3A_300, %swap3A_301], %add3A_299 {strides = array<i32>} : memref<256x4096xf32, #tpu.memory_space<vmem>>, vector<256x256xf32>,
          %le3A_303 = arith.constant 1 : i32
          %le3A_304 = vector.broadcast %le3A_303 : i32 to vector<256x256xi32>
          %le3A_305 = arith.cmpi sle, %add3A_252, %le3A_304 : vector<256x256xi32>
          %jit3A_306 = arith.constant 1.000000e+00 : f32
          %jit3A_307 = arith.constant 0.000000e+00 : f32
          %broadcast_in_dim3A_308 = vector.broadcast %jit3A_306 : f32 to vector<256x256xf32>
          %broadcast_in_dim3A_309 = vector.broadcast %jit3A_307 : f32 to vector<256x256xf32>
          %select_n3A_310 = arith.select %le3A_305, %broadcast_in_dim3A_308, %broadcast_in_dim3A_309 : vector<256x256xi1>, vector<256x256xf32>
          %get3A_311 = arith.constant 0 : index
          %get3A_312 = arith.constant 256 : index
          %get3A_313 = vector.load %arg6[%get3A_311, %get3A_312] : memref<256x4096xf32, #tpu.memory_space<vmem>>, vector<256x256xf32>
          %add3A_314 = arith.addf %get3A_313, %select_n3A_310 : vector<256x256xf32>
          %swap3A_315 = arith.constant 0 : index
          %swap3A_316 = arith.constant 256 : index
          %swap3A_317 = vector.load %arg6[%swap3A_315, %swap3A_316] : memref<256x4096xf32, #tpu.memory_space<vmem>>, vector<256x256xf32>
          tpu.vector_store %arg6[%swap3A_315, %swap3A_316], %add3A_314 {strides = array<i32>} : memref<256x4096xf32, #tpu.memory_space<vmem>>, vector<256x256xf32>,
          %le3A_318 = arith.constant 2 : i32
          %le3A_319 = vector.broadcast %le3A_318 : i32 to vector<256x256xi32>
          %le3A_320 = arith.cmpi sle, %add3A_252, %le3A_319 : vector<256x256xi32>
          %jit3A_321 = arith.constant 1.000000e+00 : f32
          %jit3A_322 = arith.constant 0.000000e+00 : f32
          %broadcast_in_dim3A_323 = vector.broadcast %jit3A_321 : f32 to vector<256x256xf32>
          %broadcast_in_dim3A_324 = vector.broadcast %jit3A_322 : f32 to vector<256x256xf32>
          %select_n3A_325 = arith.select %le3A_320, %broadcast_in_dim3A_323, %broadcast_in_dim3A_324 : vector<256x256xi1>, vector<256x256xf32>
          %get3A_326 = arith.constant 0 : index
          %get3A_327 = arith.constant 512 : index
          %get3A_328 = vector.load %arg6[%get3A_326, %get3A_327] : memref<256x4096xf32, #tpu.memory_space<vmem>>, vector<256x256xf32>
          %add3A_329 = arith.addf %get3A_328, %select_n3A_325 : vector<256x256xf32>
          %swap3A_330 = arith.constant 0 : index
          %swap3A_331 = arith.constant 512 : index
          %swap3A_332 = vector.load %arg6[%swap3A_330, %swap3A_331] : memref<256x4096xf32, #tpu.memory_space<vmem>>, vector<256x256xf32>
          tpu.vector_store %arg6[%swap3A_330, %swap3A_331], %add3A_329 {strides = array<i32>} : memref<256x4096xf32, #tpu.memory_space<vmem>>, vector<256x256xf32>,
          %le3A_333 = arith.constant 3 : i32
          %le3A_334 = vector.broadcast %le3A_333 : i32 to vector<256x256xi32>
          %le3A_335 = arith.cmpi sle, %add3A_252, %le3A_334 : vector<256x256xi32>
          %jit3A_336 = arith.constant 1.000000e+00 : f32
          %jit3A_337 = arith.constant 0.000000e+00 : f32
          %broadcast_in_dim3A_338 = vector.broadcast %jit3A_336 : f32 to vector<256x256xf32>
          %broadcast_in_dim3A_339 = vector.broadcast %jit3A_337 : f32 to vector<256x256xf32>
          %select_n3A_340 = arith.select %le3A_335, %broadcast_in_dim3A_338, %broadcast_in_dim3A_339 : vector<256x256xi1>, vector<256x256xf32>
          %get3A_341 = arith.constant 0 : index
          %get3A_342 = arith.constant 768 : index
          %get3A_343 = vector.load %arg6[%get3A_341, %get3A_342] : memref<256x4096xf32, #tpu.memory_space<vmem>>, vector<256x256xf32>
          %add3A_344 = arith.addf %get3A_343, %select_n3A_340 : vector<256x256xf32>
          %swap3A_345 = arith.constant 0 : index
          %swap3A_346 = arith.constant 768 : index
          %swap3A_347 = vector.load %arg6[%swap3A_345, %swap3A_346] : memref<256x4096xf32, #tpu.memory_space<vmem>>, vector<256x256xf32>
          tpu.vector_store %arg6[%swap3A_345, %swap3A_346], %add3A_344 {strides = array<i32>} : memref<256x4096xf32, #tpu.memory_space<vmem>>, vector<256x256xf32>,
          %le3A_348 = arith.constant 4 : i32
          %le3A_349 = vector.broadcast %le3A_348 : i32 to vector<256x256xi32>
          %le3A_350 = arith.cmpi sle, %add3A_252, %le3A_349 : vector<256x256xi32>
          %jit3A_351 = arith.constant 1.000000e+00 : f32
          %jit3A_352 = arith.constant 0.000000e+00 : f32
          %broadcast_in_dim3A_353 = vector.broadcast %jit3A_351 : f32 to vector<256x256xf32>
          %broadcast_in_dim3A_354 = vector.broadcast %jit3A_352 : f32 to vector<256x256xf32>
          %select_n3A_355 = arith.select %le3A_350, %broadcast_in_dim3A_353, %broadcast_in_dim3A_354 : vector<256x256xi1>, vector<256x256xf32>
          %get3A_356 = arith.constant 0 : index
          %get3A_357 = arith.constant 1024 : index
          %get3A_358 = vector.load %arg6[%get3A_356, %get3A_357] : memref<256x4096xf32, #tpu.memory_space<vmem>>, vector<256x256xf32>
          %add3A_359 = arith.addf %get3A_358, %select_n3A_355 : vector<256x256xf32>
          %swap3A_360 = arith.constant 0 : index
          %swap3A_361 = arith.constant 1024 : index
          %swap3A_362 = vector.load %arg6[%swap3A_360, %swap3A_361] : memref<256x4096xf32, #tpu.memory_space<vmem>>, vector<256x256xf32>
          tpu.vector_store %arg6[%swap3A_360, %swap3A_361], %add3A_359 {strides = array<i32>} : memref<256x4096xf32, #tpu.memory_space<vmem>>, vector<256x256xf32>,
          %le3A_363 = arith.constant 5 : i32
          %le3A_364 = vector.broadcast %le3A_363 : i32 to vector<256x256xi32>
          %le3A_365 = arith.cmpi sle, %add3A_252, %le3A_364 : vector<256x256xi32>
          %jit3A_366 = arith.constant 1.000000e+00 : f32
          %jit3A_367 = arith.constant 0.000000e+00 : f32
          %broadcast_in_dim3A_368 = vector.broadcast %jit3A_366 : f32 to vector<256x256xf32>
          %broadcast_in_dim3A_369 = vector.broadcast %jit3A_367 : f32 to vector<256x256xf32>
          %select_n3A_370 = arith.select %le3A_365, %broadcast_in_dim3A_368, %broadcast_in_dim3A_369 : vector<256x256xi1>, vector<256x256xf32>
          %get3A_371 = arith.constant 0 : index
          %get3A_372 = arith.constant 1280 : index
          %get3A_373 = vector.load %arg6[%get3A_371, %get3A_372] : memref<256x4096xf32, #tpu.memory_space<vmem>>, vector<256x256xf32>
          %add3A_374 = arith.addf %get3A_373, %select_n3A_370 : vector<256x256xf32>
          %swap3A_375 = arith.constant 0 : index
          %swap3A_376 = arith.constant 1280 : index
          %swap3A_377 = vector.load %arg6[%swap3A_375, %swap3A_376] : memref<256x4096xf32, #tpu.memory_space<vmem>>, vector<256x256xf32>
          tpu.vector_store %arg6[%swap3A_375, %swap3A_376], %add3A_374 {strides = array<i32>} : memref<256x4096xf32, #tpu.memory_space<vmem>>, vector<256x256xf32>,
          %le3A_378 = arith.constant 6 : i32
          %le3A_379 = vector.broadcast %le3A_378 : i32 to vector<256x256xi32>
          %le3A_380 = arith.cmpi sle, %add3A_252, %le3A_379 : vector<256x256xi32>
          %jit3A_381 = arith.constant 1.000000e+00 : f32
          %jit3A_382 = arith.constant 0.000000e+00 : f32
          %broadcast_in_dim3A_383 = vector.broadcast %jit3A_381 : f32 to vector<256x256xf32>
          %broadcast_in_dim3A_384 = vector.broadcast %jit3A_382 : f32 to vector<256x256xf32>
          %select_n3A_385 = arith.select %le3A_380, %broadcast_in_dim3A_383, %broadcast_in_dim3A_384 : vector<256x256xi1>, vector<256x256xf32>
          %get3A_386 = arith.constant 0 : index
          %get3A_387 = arith.constant 1536 : index
          %get3A_388 = vector.load %arg6[%get3A_386, %get3A_387] : memref<256x4096xf32, #tpu.memory_space<vmem>>, vector<256x256xf32>
          %add3A_389 = arith.addf %get3A_388, %select_n3A_385 : vector<256x256xf32>
          %swap3A_390 = arith.constant 0 : index
          %swap3A_391 = arith.constant 1536 : index
          %swap3A_392 = vector.load %arg6[%swap3A_390, %swap3A_391] : memref<256x4096xf32, #tpu.memory_space<vmem>>, vector<256x256xf32>
          tpu.vector_store %arg6[%swap3A_390, %swap3A_391], %add3A_389 {strides = array<i32>} : memref<256x4096xf32, #tpu.memory_space<vmem>>, vector<256x256xf32>,
          %le3A_393 = arith.constant 7 : i32
          %le3A_394 = vector.broadcast %le3A_393 : i32 to vector<256x256xi32>
          %le3A_395 = arith.cmpi sle, %add3A_252, %le3A_394 : vector<256x256xi32>
          %jit3A_396 = arith.constant 1.000000e+00 : f32
          %jit3A_397 = arith.constant 0.000000e+00 : f32
          %broadcast_in_dim3A_398 = vector.broadcast %jit3A_396 : f32 to vector<256x256xf32>
          %broadcast_in_dim3A_399 = vector.broadcast %jit3A_397 : f32 to vector<256x256xf32>
          %select_n3A_400 = arith.select %le3A_395, %broadcast_in_dim3A_398, %broadcast_in_dim3A_399 : vector<256x256xi1>, vector<256x256xf32>
          %get3A_401 = arith.constant 0 : index
          %get3A_402 = arith.constant 1792 : index
          %get3A_403 = vector.load %arg6[%get3A_401, %get3A_402] : memref<256x4096xf32, #tpu.memory_space<vmem>>, vector<256x256xf32>
          %add3A_404 = arith.addf %get3A_403, %select_n3A_400 : vector<256x256xf32>
          %swap3A_405 = arith.constant 0 : index
          %swap3A_406 = arith.constant 1792 : index
          %swap3A_407 = vector.load %arg6[%swap3A_405, %swap3A_406] : memref<256x4096xf32, #tpu.memory_space<vmem>>, vector<256x256xf32>
          tpu.vector_store %arg6[%swap3A_405, %swap3A_406], %add3A_404 {strides = array<i32>} : memref<256x4096xf32, #tpu.memory_space<vmem>>, vector<256x256xf32>,
          %le3A_408 = arith.constant 8 : i32
          %le3A_409 = vector.broadcast %le3A_408 : i32 to vector<256x256xi32>
          %le3A_410 = arith.cmpi sle, %add3A_252, %le3A_409 : vector<256x256xi32>
          %jit3A_411 = arith.constant 1.000000e+00 : f32
          %jit3A_412 = arith.constant 0.000000e+00 : f32
          %broadcast_in_dim3A_413 = vector.broadcast %jit3A_411 : f32 to vector<256x256xf32>
          %broadcast_in_dim3A_414 = vector.broadcast %jit3A_412 : f32 to vector<256x256xf32>
          %select_n3A_415 = arith.select %le3A_410, %broadcast_in_dim3A_413, %broadcast_in_dim3A_414 : vector<256x256xi1>, vector<256x256xf32>
          %get3A_416 = arith.constant 0 : index
          %get3A_417 = arith.constant 2048 : index
          %get3A_418 = vector.load %arg6[%get3A_416, %get3A_417] : memref<256x4096xf32, #tpu.memory_space<vmem>>, vector<256x256xf32>
          %add3A_419 = arith.addf %get3A_418, %select_n3A_415 : vector<256x256xf32>
          %swap3A_420 = arith.constant 0 : index
          %swap3A_421 = arith.constant 2048 : index
          %swap3A_422 = vector.load %arg6[%swap3A_420, %swap3A_421] : memref<256x4096xf32, #tpu.memory_space<vmem>>, vector<256x256xf32>
          tpu.vector_store %arg6[%swap3A_420, %swap3A_421], %add3A_419 {strides = array<i32>} : memref<256x4096xf32, #tpu.memory_space<vmem>>, vector<256x256xf32>,
          %le3A_423 = arith.constant 9 : i32
          %le3A_424 = vector.broadcast %le3A_423 : i32 to vector<256x256xi32>
          %le3A_425 = arith.cmpi sle, %add3A_252, %le3A_424 : vector<256x256xi32>
          %jit3A_426 = arith.constant 1.000000e+00 : f32
          %jit3A_427 = arith.constant 0.000000e+00 : f32
          %broadcast_in_dim3A_428 = vector.broadcast %jit3A_426 : f32 to vector<256x256xf32>
          %broadcast_in_dim3A_429 = vector.broadcast %jit3A_427 : f32 to vector<256x256xf32>
          %select_n3A_430 = arith.select %le3A_425, %broadcast_in_dim3A_428, %broadcast_in_dim3A_429 : vector<256x256xi1>, vector<256x256xf32>
          %get3A_431 = arith.constant 0 : index
          %get3A_432 = arith.constant 2304 : index
          %get3A_433 = vector.load %arg6[%get3A_431, %get3A_432] : memref<256x4096xf32, #tpu.memory_space<vmem>>, vector<256x256xf32>
          %add3A_434 = arith.addf %get3A_433, %select_n3A_430 : vector<256x256xf32>
          %swap3A_435 = arith.constant 0 : index
          %swap3A_436 = arith.constant 2304 : index
          %swap3A_437 = vector.load %arg6[%swap3A_435, %swap3A_436] : memref<256x4096xf32, #tpu.memory_space<vmem>>, vector<256x256xf32>
          tpu.vector_store %arg6[%swap3A_435, %swap3A_436], %add3A_434 {strides = array<i32>} : memref<256x4096xf32, #tpu.memory_space<vmem>>, vector<256x256xf32>,
          %le3A_438 = arith.constant 10 : i32
          %le3A_439 = vector.broadcast %le3A_438 : i32 to vector<256x256xi32>
          %le3A_440 = arith.cmpi sle, %add3A_252, %le3A_439 : vector<256x256xi32>
          %jit3A_441 = arith.constant 1.000000e+00 : f32
          %jit3A_442 = arith.constant 0.000000e+00 : f32
          %broadcast_in_dim3A_443 = vector.broadcast %jit3A_441 : f32 to vector<256x256xf32>
          %broadcast_in_dim3A_444 = vector.broadcast %jit3A_442 : f32 to vector<256x256xf32>
          %select_n3A_445 = arith.select %le3A_440, %broadcast_in_dim3A_443, %broadcast_in_dim3A_444 : vector<256x256xi1>, vector<256x256xf32>
          %get3A_446 = arith.constant 0 : index
          %get3A_447 = arith.constant 2560 : index
          %get3A_448 = vector.load %arg6[%get3A_446, %get3A_447] : memref<256x4096xf32, #tpu.memory_space<vmem>>, vector<256x256xf32>
          %add3A_449 = arith.addf %get3A_448, %select_n3A_445 : vector<256x256xf32>
          %swap3A_450 = arith.constant 0 : index
          %swap3A_451 = arith.constant 2560 : index
          %swap3A_452 = vector.load %arg6[%swap3A_450, %swap3A_451] : memref<256x4096xf32, #tpu.memory_space<vmem>>, vector<256x256xf32>
          tpu.vector_store %arg6[%swap3A_450, %swap3A_451], %add3A_449 {strides = array<i32>} : memref<256x4096xf32, #tpu.memory_space<vmem>>, vector<256x256xf32>,
          %le3A_453 = arith.constant 11 : i32
          %le3A_454 = vector.broadcast %le3A_453 : i32 to vector<256x256xi32>
          %le3A_455 = arith.cmpi sle, %add3A_252, %le3A_454 : vector<256x256xi32>
          %jit3A_456 = arith.constant 1.000000e+00 : f32
          %jit3A_457 = arith.constant 0.000000e+00 : f32
          %broadcast_in_dim3A_458 = vector.broadcast %jit3A_456 : f32 to vector<256x256xf32>
          %broadcast_in_dim3A_459 = vector.broadcast %jit3A_457 : f32 to vector<256x256xf32>
          %select_n3A_460 = arith.select %le3A_455, %broadcast_in_dim3A_458, %broadcast_in_dim3A_459 : vector<256x256xi1>, vector<256x256xf32>
          %get3A_461 = arith.constant 0 : index
          %get3A_462 = arith.constant 2816 : index
          %get3A_463 = vector.load %arg6[%get3A_461, %get3A_462] : memref<256x4096xf32, #tpu.memory_space<vmem>>, vector<256x256xf32>
          %add3A_464 = arith.addf %get3A_463, %select_n3A_460 : vector<256x256xf32>
          %swap3A_465 = arith.constant 0 : index
          %swap3A_466 = arith.constant 2816 : index
          %swap3A_467 = vector.load %arg6[%swap3A_465, %swap3A_466] : memref<256x4096xf32, #tpu.memory_space<vmem>>, vector<256x256xf32>
          tpu.vector_store %arg6[%swap3A_465, %swap3A_466], %add3A_464 {strides = array<i32>} : memref<256x4096xf32, #tpu.memory_space<vmem>>, vector<256x256xf32>,
          %le3A_468 = arith.constant 12 : i32
          %le3A_469 = vector.broadcast %le3A_468 : i32 to vector<256x256xi32>
          %le3A_470 = arith.cmpi sle, %add3A_252, %le3A_469 : vector<256x256xi32>
          %jit3A_471 = arith.constant 1.000000e+00 : f32
          %jit3A_472 = arith.constant 0.000000e+00 : f32
          %broadcast_in_dim3A_473 = vector.broadcast %jit3A_471 : f32 to vector<256x256xf32>
          %broadcast_in_dim3A_474 = vector.broadcast %jit3A_472 : f32 to vector<256x256xf32>
          %select_n3A_475 = arith.select %le3A_470, %broadcast_in_dim3A_473, %broadcast_in_dim3A_474 : vector<256x256xi1>, vector<256x256xf32>
          %get3A_476 = arith.constant 0 : index
          %get3A_477 = arith.constant 3072 : index
          %get3A_478 = vector.load %arg6[%get3A_476, %get3A_477] : memref<256x4096xf32, #tpu.memory_space<vmem>>, vector<256x256xf32>
          %add3A_479 = arith.addf %get3A_478, %select_n3A_475 : vector<256x256xf32>
          %swap3A_480 = arith.constant 0 : index
          %swap3A_481 = arith.constant 3072 : index
          %swap3A_482 = vector.load %arg6[%swap3A_480, %swap3A_481] : memref<256x4096xf32, #tpu.memory_space<vmem>>, vector<256x256xf32>
          tpu.vector_store %arg6[%swap3A_480, %swap3A_481], %add3A_479 {strides = array<i32>} : memref<256x4096xf32, #tpu.memory_space<vmem>>, vector<256x256xf32>,
          %le3A_483 = arith.constant 13 : i32
          %le3A_484 = vector.broadcast %le3A_483 : i32 to vector<256x256xi32>
          %le3A_485 = arith.cmpi sle, %add3A_252, %le3A_484 : vector<256x256xi32>
          %jit3A_486 = arith.constant 1.000000e+00 : f32
          %jit3A_487 = arith.constant 0.000000e+00 : f32
          %broadcast_in_dim3A_488 = vector.broadcast %jit3A_486 : f32 to vector<256x256xf32>
          %broadcast_in_dim3A_489 = vector.broadcast %jit3A_487 : f32 to vector<256x256xf32>
          %select_n3A_490 = arith.select %le3A_485, %broadcast_in_dim3A_488, %broadcast_in_dim3A_489 : vector<256x256xi1>, vector<256x256xf32>
          %get3A_491 = arith.constant 0 : index
          %get3A_492 = arith.constant 3328 : index
          %get3A_493 = vector.load %arg6[%get3A_491, %get3A_492] : memref<256x4096xf32, #tpu.memory_space<vmem>>, vector<256x256xf32>
          %add3A_494 = arith.addf %get3A_493, %select_n3A_490 : vector<256x256xf32>
          %swap3A_495 = arith.constant 0 : index
          %swap3A_496 = arith.constant 3328 : index
          %swap3A_497 = vector.load %arg6[%swap3A_495, %swap3A_496] : memref<256x4096xf32, #tpu.memory_space<vmem>>, vector<256x256xf32>
          tpu.vector_store %arg6[%swap3A_495, %swap3A_496], %add3A_494 {strides = array<i32>} : memref<256x4096xf32, #tpu.memory_space<vmem>>, vector<256x256xf32>,
          %le3A_498 = arith.constant 14 : i32
          %le3A_499 = vector.broadcast %le3A_498 : i32 to vector<256x256xi32>
          %le3A_500 = arith.cmpi sle, %add3A_252, %le3A_499 : vector<256x256xi32>
          %jit3A_501 = arith.constant 1.000000e+00 : f32
          %jit3A_502 = arith.constant 0.000000e+00 : f32
          %broadcast_in_dim3A_503 = vector.broadcast %jit3A_501 : f32 to vector<256x256xf32>
          %broadcast_in_dim3A_504 = vector.broadcast %jit3A_502 : f32 to vector<256x256xf32>
          %select_n3A_505 = arith.select %le3A_500, %broadcast_in_dim3A_503, %broadcast_in_dim3A_504 : vector<256x256xi1>, vector<256x256xf32>
          %get3A_506 = arith.constant 0 : index
          %get3A_507 = arith.constant 3584 : index
          %get3A_508 = vector.load %arg6[%get3A_506, %get3A_507] : memref<256x4096xf32, #tpu.memory_space<vmem>>, vector<256x256xf32>
          %add3A_509 = arith.addf %get3A_508, %select_n3A_505 : vector<256x256xf32>
          %swap3A_510 = arith.constant 0 : index
          %swap3A_511 = arith.constant 3584 : index
          %swap3A_512 = vector.load %arg6[%swap3A_510, %swap3A_511] : memref<256x4096xf32, #tpu.memory_space<vmem>>, vector<256x256xf32>
          tpu.vector_store %arg6[%swap3A_510, %swap3A_511], %add3A_509 {strides = array<i32>} : memref<256x4096xf32, #tpu.memory_space<vmem>>, vector<256x256xf32>,
          %le3A_513 = arith.constant 15 : i32
          %le3A_514 = vector.broadcast %le3A_513 : i32 to vector<256x256xi32>
          %le3A_515 = arith.cmpi sle, %add3A_252, %le3A_514 : vector<256x256xi32>
          %jit3A_516 = arith.constant 1.000000e+00 : f32
          %jit3A_517 = arith.constant 0.000000e+00 : f32
          %broadcast_in_dim3A_518 = vector.broadcast %jit3A_516 : f32 to vector<256x256xf32>
          %broadcast_in_dim3A_519 = vector.broadcast %jit3A_517 : f32 to vector<256x256xf32>
          %select_n3A_520 = arith.select %le3A_515, %broadcast_in_dim3A_518, %broadcast_in_dim3A_519 : vector<256x256xi1>, vector<256x256xf32>
          %get3A_521 = arith.constant 0 : index
          %get3A_522 = arith.constant 3840 : index
          %get3A_523 = vector.load %arg6[%get3A_521, %get3A_522] : memref<256x4096xf32, #tpu.memory_space<vmem>>, vector<256x256xf32>
          %add3A_524 = arith.addf %get3A_523, %select_n3A_520 : vector<256x256xf32>
          %swap3A_525 = arith.constant 0 : index
          %swap3A_526 = arith.constant 3840 : index
          %swap3A_527 = vector.load %arg6[%swap3A_525, %swap3A_526] : memref<256x4096xf32, #tpu.memory_space<vmem>>, vector<256x256xf32>
          tpu.vector_store %arg6[%swap3A_525, %swap3A_526], %add3A_524 {strides = array<i32>} : memref<256x4096xf32, #tpu.memory_space<vmem>>, vector<256x256xf32>,
          %reduce_min3A_528 = vector.shape_cast %cond3A_172#1 : vector<256x1xi32> to vector<1x256x1xi32>
          %reduce_min3A_529 = arith.constant dense<2147483647> : vector<1xi32>
          %reduce_min3A_530 = vector.multi_reduction <minsi>, %reduce_min3A_528, %reduce_min3A_529 [1, 2] : vector<1x256x1xi32> to vector<1xi32>
          %reduce_min3A_531 = vector.shape_cast %reduce_min3A_530 : vector<1xi32> to vector<1x1x1xi32>
          %reduce_min3A_532 = vector.extract %reduce_min3A_531[0, 0, 0] : i32 from vector<1x1x1xi32>
          %lt3A_533 = arith.constant 16 : i32
          %lt3A_534 = arith.cmpi slt, %reduce_min3A_532, %lt3A_533 : i32
          %convert_element_type3A_535 = arith.extui %lt3A_534 : i1 to i32
          %cond3A_536 = arith.constant 0 : i32
          %cond3A_537 = arith.cmpi ne, %convert_element_type3A_535, %cond3A_536 : i32
          scf.if %cond3A_537 {
            %le3A_540 = arith.constant 0 : i32
            %le3A_541 = vector.broadcast %le3A_540 : i32 to vector<256x256xi32>
            %le3A_542 = arith.cmpi sle, %add3A_288, %le3A_541 : vector<256x256xi32>
            %jit3A_543 = arith.constant 1.000000e+00 : f32
            %jit3A_544 = arith.constant 0.000000e+00 : f32
            %broadcast_in_dim3A_545 = vector.broadcast %jit3A_543 : f32 to vector<256x256xf32>
            %broadcast_in_dim3A_546 = vector.broadcast %jit3A_544 : f32 to vector<256x256xf32>
            %select_n3A_547 = arith.select %le3A_542, %broadcast_in_dim3A_545, %broadcast_in_dim3A_546 : vector<256x256xi1>, vector<256x256xf32>
            %get3A_548 = arith.constant 0 : index
            %get3A_549 = arith.constant 0 : index
            %get3A_550 = vector.load %arg7[%get3A_548, %get3A_549] : memref<256x4096xf32, #tpu.memory_space<vmem>>, vector<256x256xf32>
            %add3A_551 = arith.addf %get3A_550, %select_n3A_547 : vector<256x256xf32>
            %swap3A_552 = arith.constant 0 : index
            %swap3A_553 = arith.constant 0 : index
            %swap3A_554 = vector.load %arg7[%swap3A_552, %swap3A_553] : memref<256x4096xf32, #tpu.memory_space<vmem>>, vector<256x256xf32>
            tpu.vector_store %arg7[%swap3A_552, %swap3A_553], %add3A_551 {strides = array<i32>} : memref<256x4096xf32, #tpu.memory_space<vmem>>, vector<256x256xf32>,
            %le3A_555 = arith.constant 1 : i32
            %le3A_556 = vector.broadcast %le3A_555 : i32 to vector<256x256xi32>
            %le3A_557 = arith.cmpi sle, %add3A_288, %le3A_556 : vector<256x256xi32>
            %jit3A_558 = arith.constant 1.000000e+00 : f32
            %jit3A_559 = arith.constant 0.000000e+00 : f32
            %broadcast_in_dim3A_560 = vector.broadcast %jit3A_558 : f32 to vector<256x256xf32>
            %broadcast_in_dim3A_561 = vector.broadcast %jit3A_559 : f32 to vector<256x256xf32>
            %select_n3A_562 = arith.select %le3A_557, %broadcast_in_dim3A_560, %broadcast_in_dim3A_561 : vector<256x256xi1>, vector<256x256xf32>
            %get3A_563 = arith.constant 0 : index
            %get3A_564 = arith.constant 256 : index
            %get3A_565 = vector.load %arg7[%get3A_563, %get3A_564] : memref<256x4096xf32, #tpu.memory_space<vmem>>, vector<256x256xf32>
            %add3A_566 = arith.addf %get3A_565, %select_n3A_562 : vector<256x256xf32>
            %swap3A_567 = arith.constant 0 : index
            %swap3A_568 = arith.constant 256 : index
            %swap3A_569 = vector.load %arg7[%swap3A_567, %swap3A_568] : memref<256x4096xf32, #tpu.memory_space<vmem>>, vector<256x256xf32>
            tpu.vector_store %arg7[%swap3A_567, %swap3A_568], %add3A_566 {strides = array<i32>} : memref<256x4096xf32, #tpu.memory_space<vmem>>, vector<256x256xf32>,
            %le3A_570 = arith.constant 2 : i32
            %le3A_571 = vector.broadcast %le3A_570 : i32 to vector<256x256xi32>
            %le3A_572 = arith.cmpi sle, %add3A_288, %le3A_571 : vector<256x256xi32>
            %jit3A_573 = arith.constant 1.000000e+00 : f32
            %jit3A_574 = arith.constant 0.000000e+00 : f32
            %broadcast_in_dim3A_575 = vector.broadcast %jit3A_573 : f32 to vector<256x256xf32>
            %broadcast_in_dim3A_576 = vector.broadcast %jit3A_574 : f32 to vector<256x256xf32>
            %select_n3A_577 = arith.select %le3A_572, %broadcast_in_dim3A_575, %broadcast_in_dim3A_576 : vector<256x256xi1>, vector<256x256xf32>
            %get3A_578 = arith.constant 0 : index
            %get3A_579 = arith.constant 512 : index
            %get3A_580 = vector.load %arg7[%get3A_578, %get3A_579] : memref<256x4096xf32, #tpu.memory_space<vmem>>, vector<256x256xf32>
            %add3A_581 = arith.addf %get3A_580, %select_n3A_577 : vector<256x256xf32>
            %swap3A_582 = arith.constant 0 : index
            %swap3A_583 = arith.constant 512 : index
            %swap3A_584 = vector.load %arg7[%swap3A_582, %swap3A_583] : memref<256x4096xf32, #tpu.memory_space<vmem>>, vector<256x256xf32>
            tpu.vector_store %arg7[%swap3A_582, %swap3A_583], %add3A_581 {strides = array<i32>} : memref<256x4096xf32, #tpu.memory_space<vmem>>, vector<256x256xf32>,
            %le3A_585 = arith.constant 3 : i32
            %le3A_586 = vector.broadcast %le3A_585 : i32 to vector<256x256xi32>
            %le3A_587 = arith.cmpi sle, %add3A_288, %le3A_586 : vector<256x256xi32>
            %jit3A_588 = arith.constant 1.000000e+00 : f32
            %jit3A_589 = arith.constant 0.000000e+00 : f32
            %broadcast_in_dim3A_590 = vector.broadcast %jit3A_588 : f32 to vector<256x256xf32>
            %broadcast_in_dim3A_591 = vector.broadcast %jit3A_589 : f32 to vector<256x256xf32>
            %select_n3A_592 = arith.select %le3A_587, %broadcast_in_dim3A_590, %broadcast_in_dim3A_591 : vector<256x256xi1>, vector<256x256xf32>
            %get3A_593 = arith.constant 0 : index
            %get3A_594 = arith.constant 768 : index
            %get3A_595 = vector.load %arg7[%get3A_593, %get3A_594] : memref<256x4096xf32, #tpu.memory_space<vmem>>, vector<256x256xf32>
            %add3A_596 = arith.addf %get3A_595, %select_n3A_592 : vector<256x256xf32>
            %swap3A_597 = arith.constant 0 : index
            %swap3A_598 = arith.constant 768 : index
            %swap3A_599 = vector.load %arg7[%swap3A_597, %swap3A_598] : memref<256x4096xf32, #tpu.memory_space<vmem>>, vector<256x256xf32>
            tpu.vector_store %arg7[%swap3A_597, %swap3A_598], %add3A_596 {strides = array<i32>} : memref<256x4096xf32, #tpu.memory_space<vmem>>, vector<256x256xf32>,
            %le3A_600 = arith.constant 4 : i32
            %le3A_601 = vector.broadcast %le3A_600 : i32 to vector<256x256xi32>
            %le3A_602 = arith.cmpi sle, %add3A_288, %le3A_601 : vector<256x256xi32>
            %jit3A_603 = arith.constant 1.000000e+00 : f32
            %jit3A_604 = arith.constant 0.000000e+00 : f32
            %broadcast_in_dim3A_605 = vector.broadcast %jit3A_603 : f32 to vector<256x256xf32>
            %broadcast_in_dim3A_606 = vector.broadcast %jit3A_604 : f32 to vector<256x256xf32>
            %select_n3A_607 = arith.select %le3A_602, %broadcast_in_dim3A_605, %broadcast_in_dim3A_606 : vector<256x256xi1>, vector<256x256xf32>
            %get3A_608 = arith.constant 0 : index
            %get3A_609 = arith.constant 1024 : index
            %get3A_610 = vector.load %arg7[%get3A_608, %get3A_609] : memref<256x4096xf32, #tpu.memory_space<vmem>>, vector<256x256xf32>
            %add3A_611 = arith.addf %get3A_610, %select_n3A_607 : vector<256x256xf32>
            %swap3A_612 = arith.constant 0 : index
            %swap3A_613 = arith.constant 1024 : index
            %swap3A_614 = vector.load %arg7[%swap3A_612, %swap3A_613] : memref<256x4096xf32, #tpu.memory_space<vmem>>, vector<256x256xf32>
            tpu.vector_store %arg7[%swap3A_612, %swap3A_613], %add3A_611 {strides = array<i32>} : memref<256x4096xf32, #tpu.memory_space<vmem>>, vector<256x256xf32>,
            %le3A_615 = arith.constant 5 : i32
            %le3A_616 = vector.broadcast %le3A_615 : i32 to vector<256x256xi32>
            %le3A_617 = arith.cmpi sle, %add3A_288, %le3A_616 : vector<256x256xi32>
            %jit3A_618 = arith.constant 1.000000e+00 : f32
            %jit3A_619 = arith.constant 0.000000e+00 : f32
            %broadcast_in_dim3A_620 = vector.broadcast %jit3A_618 : f32 to vector<256x256xf32>
            %broadcast_in_dim3A_621 = vector.broadcast %jit3A_619 : f32 to vector<256x256xf32>
            %select_n3A_622 = arith.select %le3A_617, %broadcast_in_dim3A_620, %broadcast_in_dim3A_621 : vector<256x256xi1>, vector<256x256xf32>
            %get3A_623 = arith.constant 0 : index
            %get3A_624 = arith.constant 1280 : index
            %get3A_625 = vector.load %arg7[%get3A_623, %get3A_624] : memref<256x4096xf32, #tpu.memory_space<vmem>>, vector<256x256xf32>
            %add3A_626 = arith.addf %get3A_625, %select_n3A_622 : vector<256x256xf32>
            %swap3A_627 = arith.constant 0 : index
            %swap3A_628 = arith.constant 1280 : index
            %swap3A_629 = vector.load %arg7[%swap3A_627, %swap3A_628] : memref<256x4096xf32, #tpu.memory_space<vmem>>, vector<256x256xf32>
            tpu.vector_store %arg7[%swap3A_627, %swap3A_628], %add3A_626 {strides = array<i32>} : memref<256x4096xf32, #tpu.memory_space<vmem>>, vector<256x256xf32>,
            %le3A_630 = arith.constant 6 : i32
            %le3A_631 = vector.broadcast %le3A_630 : i32 to vector<256x256xi32>
            %le3A_632 = arith.cmpi sle, %add3A_288, %le3A_631 : vector<256x256xi32>
            %jit3A_633 = arith.constant 1.000000e+00 : f32
            %jit3A_634 = arith.constant 0.000000e+00 : f32
            %broadcast_in_dim3A_635 = vector.broadcast %jit3A_633 : f32 to vector<256x256xf32>
            %broadcast_in_dim3A_636 = vector.broadcast %jit3A_634 : f32 to vector<256x256xf32>
            %select_n3A_637 = arith.select %le3A_632, %broadcast_in_dim3A_635, %broadcast_in_dim3A_636 : vector<256x256xi1>, vector<256x256xf32>
            %get3A_638 = arith.constant 0 : index
            %get3A_639 = arith.constant 1536 : index
            %get3A_640 = vector.load %arg7[%get3A_638, %get3A_639] : memref<256x4096xf32, #tpu.memory_space<vmem>>, vector<256x256xf32>
            %add3A_641 = arith.addf %get3A_640, %select_n3A_637 : vector<256x256xf32>
            %swap3A_642 = arith.constant 0 : index
            %swap3A_643 = arith.constant 1536 : index
            %swap3A_644 = vector.load %arg7[%swap3A_642, %swap3A_643] : memref<256x4096xf32, #tpu.memory_space<vmem>>, vector<256x256xf32>
            tpu.vector_store %arg7[%swap3A_642, %swap3A_643], %add3A_641 {strides = array<i32>} : memref<256x4096xf32, #tpu.memory_space<vmem>>, vector<256x256xf32>,
            %le3A_645 = arith.constant 7 : i32
            %le3A_646 = vector.broadcast %le3A_645 : i32 to vector<256x256xi32>
            %le3A_647 = arith.cmpi sle, %add3A_288, %le3A_646 : vector<256x256xi32>
            %jit3A_648 = arith.constant 1.000000e+00 : f32
            %jit3A_649 = arith.constant 0.000000e+00 : f32
            %broadcast_in_dim3A_650 = vector.broadcast %jit3A_648 : f32 to vector<256x256xf32>
            %broadcast_in_dim3A_651 = vector.broadcast %jit3A_649 : f32 to vector<256x256xf32>
            %select_n3A_652 = arith.select %le3A_647, %broadcast_in_dim3A_650, %broadcast_in_dim3A_651 : vector<256x256xi1>, vector<256x256xf32>
            %get3A_653 = arith.constant 0 : index
            %get3A_654 = arith.constant 1792 : index
            %get3A_655 = vector.load %arg7[%get3A_653, %get3A_654] : memref<256x4096xf32, #tpu.memory_space<vmem>>, vector<256x256xf32>
            %add3A_656 = arith.addf %get3A_655, %select_n3A_652 : vector<256x256xf32>
            %swap3A_657 = arith.constant 0 : index
            %swap3A_658 = arith.constant 1792 : index
            %swap3A_659 = vector.load %arg7[%swap3A_657, %swap3A_658] : memref<256x4096xf32, #tpu.memory_space<vmem>>, vector<256x256xf32>
            tpu.vector_store %arg7[%swap3A_657, %swap3A_658], %add3A_656 {strides = array<i32>} : memref<256x4096xf32, #tpu.memory_space<vmem>>, vector<256x256xf32>,
            %le3A_660 = arith.constant 8 : i32
            %le3A_661 = vector.broadcast %le3A_660 : i32 to vector<256x256xi32>
            %le3A_662 = arith.cmpi sle, %add3A_288, %le3A_661 : vector<256x256xi32>
            %jit3A_663 = arith.constant 1.000000e+00 : f32
            %jit3A_664 = arith.constant 0.000000e+00 : f32
            %broadcast_in_dim3A_665 = vector.broadcast %jit3A_663 : f32 to vector<256x256xf32>
            %broadcast_in_dim3A_666 = vector.broadcast %jit3A_664 : f32 to vector<256x256xf32>
            %select_n3A_667 = arith.select %le3A_662, %broadcast_in_dim3A_665, %broadcast_in_dim3A_666 : vector<256x256xi1>, vector<256x256xf32>
            %get3A_668 = arith.constant 0 : index
            %get3A_669 = arith.constant 2048 : index
            %get3A_670 = vector.load %arg7[%get3A_668, %get3A_669] : memref<256x4096xf32, #tpu.memory_space<vmem>>, vector<256x256xf32>
            %add3A_671 = arith.addf %get3A_670, %select_n3A_667 : vector<256x256xf32>
            %swap3A_672 = arith.constant 0 : index
            %swap3A_673 = arith.constant 2048 : index
            %swap3A_674 = vector.load %arg7[%swap3A_672, %swap3A_673] : memref<256x4096xf32, #tpu.memory_space<vmem>>, vector<256x256xf32>
            tpu.vector_store %arg7[%swap3A_672, %swap3A_673], %add3A_671 {strides = array<i32>} : memref<256x4096xf32, #tpu.memory_space<vmem>>, vector<256x256xf32>,
            %le3A_675 = arith.constant 9 : i32
            %le3A_676 = vector.broadcast %le3A_675 : i32 to vector<256x256xi32>
            %le3A_677 = arith.cmpi sle, %add3A_288, %le3A_676 : vector<256x256xi32>
            %jit3A_678 = arith.constant 1.000000e+00 : f32
            %jit3A_679 = arith.constant 0.000000e+00 : f32
            %broadcast_in_dim3A_680 = vector.broadcast %jit3A_678 : f32 to vector<256x256xf32>
            %broadcast_in_dim3A_681 = vector.broadcast %jit3A_679 : f32 to vector<256x256xf32>
            %select_n3A_682 = arith.select %le3A_677, %broadcast_in_dim3A_680, %broadcast_in_dim3A_681 : vector<256x256xi1>, vector<256x256xf32>
            %get3A_683 = arith.constant 0 : index
            %get3A_684 = arith.constant 2304 : index
            %get3A_685 = vector.load %arg7[%get3A_683, %get3A_684] : memref<256x4096xf32, #tpu.memory_space<vmem>>, vector<256x256xf32>
            %add3A_686 = arith.addf %get3A_685, %select_n3A_682 : vector<256x256xf32>
            %swap3A_687 = arith.constant 0 : index
            %swap3A_688 = arith.constant 2304 : index
            %swap3A_689 = vector.load %arg7[%swap3A_687, %swap3A_688] : memref<256x4096xf32, #tpu.memory_space<vmem>>, vector<256x256xf32>
            tpu.vector_store %arg7[%swap3A_687, %swap3A_688], %add3A_686 {strides = array<i32>} : memref<256x4096xf32, #tpu.memory_space<vmem>>, vector<256x256xf32>,
            %le3A_690 = arith.constant 10 : i32
            %le3A_691 = vector.broadcast %le3A_690 : i32 to vector<256x256xi32>
            %le3A_692 = arith.cmpi sle, %add3A_288, %le3A_691 : vector<256x256xi32>
            %jit3A_693 = arith.constant 1.000000e+00 : f32
            %jit3A_694 = arith.constant 0.000000e+00 : f32
            %broadcast_in_dim3A_695 = vector.broadcast %jit3A_693 : f32 to vector<256x256xf32>
            %broadcast_in_dim3A_696 = vector.broadcast %jit3A_694 : f32 to vector<256x256xf32>
            %select_n3A_697 = arith.select %le3A_692, %broadcast_in_dim3A_695, %broadcast_in_dim3A_696 : vector<256x256xi1>, vector<256x256xf32>
            %get3A_698 = arith.constant 0 : index
            %get3A_699 = arith.constant 2560 : index
            %get3A_700 = vector.load %arg7[%get3A_698, %get3A_699] : memref<256x4096xf32, #tpu.memory_space<vmem>>, vector<256x256xf32>
            %add3A_701 = arith.addf %get3A_700, %select_n3A_697 : vector<256x256xf32>
            %swap3A_702 = arith.constant 0 : index
            %swap3A_703 = arith.constant 2560 : index
            %swap3A_704 = vector.load %arg7[%swap3A_702, %swap3A_703] : memref<256x4096xf32, #tpu.memory_space<vmem>>, vector<256x256xf32>
            tpu.vector_store %arg7[%swap3A_702, %swap3A_703], %add3A_701 {strides = array<i32>} : memref<256x4096xf32, #tpu.memory_space<vmem>>, vector<256x256xf32>,
            %le3A_705 = arith.constant 11 : i32
            %le3A_706 = vector.broadcast %le3A_705 : i32 to vector<256x256xi32>
            %le3A_707 = arith.cmpi sle, %add3A_288, %le3A_706 : vector<256x256xi32>
            %jit3A_708 = arith.constant 1.000000e+00 : f32
            %jit3A_709 = arith.constant 0.000000e+00 : f32
            %broadcast_in_dim3A_710 = vector.broadcast %jit3A_708 : f32 to vector<256x256xf32>
            %broadcast_in_dim3A_711 = vector.broadcast %jit3A_709 : f32 to vector<256x256xf32>
            %select_n3A_712 = arith.select %le3A_707, %broadcast_in_dim3A_710, %broadcast_in_dim3A_711 : vector<256x256xi1>, vector<256x256xf32>
            %get3A_713 = arith.constant 0 : index
            %get3A_714 = arith.constant 2816 : index
            %get3A_715 = vector.load %arg7[%get3A_713, %get3A_714] : memref<256x4096xf32, #tpu.memory_space<vmem>>, vector<256x256xf32>
            %add3A_716 = arith.addf %get3A_715, %select_n3A_712 : vector<256x256xf32>
            %swap3A_717 = arith.constant 0 : index
            %swap3A_718 = arith.constant 2816 : index
            %swap3A_719 = vector.load %arg7[%swap3A_717, %swap3A_718] : memref<256x4096xf32, #tpu.memory_space<vmem>>, vector<256x256xf32>
            tpu.vector_store %arg7[%swap3A_717, %swap3A_718], %add3A_716 {strides = array<i32>} : memref<256x4096xf32, #tpu.memory_space<vmem>>, vector<256x256xf32>,
            %le3A_720 = arith.constant 12 : i32
            %le3A_721 = vector.broadcast %le3A_720 : i32 to vector<256x256xi32>
            %le3A_722 = arith.cmpi sle, %add3A_288, %le3A_721 : vector<256x256xi32>
            %jit3A_723 = arith.constant 1.000000e+00 : f32
            %jit3A_724 = arith.constant 0.000000e+00 : f32
            %broadcast_in_dim3A_725 = vector.broadcast %jit3A_723 : f32 to vector<256x256xf32>
            %broadcast_in_dim3A_726 = vector.broadcast %jit3A_724 : f32 to vector<256x256xf32>
            %select_n3A_727 = arith.select %le3A_722, %broadcast_in_dim3A_725, %broadcast_in_dim3A_726 : vector<256x256xi1>, vector<256x256xf32>
            %get3A_728 = arith.constant 0 : index
            %get3A_729 = arith.constant 3072 : index
            %get3A_730 = vector.load %arg7[%get3A_728, %get3A_729] : memref<256x4096xf32, #tpu.memory_space<vmem>>, vector<256x256xf32>
            %add3A_731 = arith.addf %get3A_730, %select_n3A_727 : vector<256x256xf32>
            %swap3A_732 = arith.constant 0 : index
            %swap3A_733 = arith.constant 3072 : index
            %swap3A_734 = vector.load %arg7[%swap3A_732, %swap3A_733] : memref<256x4096xf32, #tpu.memory_space<vmem>>, vector<256x256xf32>
            tpu.vector_store %arg7[%swap3A_732, %swap3A_733], %add3A_731 {strides = array<i32>} : memref<256x4096xf32, #tpu.memory_space<vmem>>, vector<256x256xf32>,
            %le3A_735 = arith.constant 13 : i32
            %le3A_736 = vector.broadcast %le3A_735 : i32 to vector<256x256xi32>
            %le3A_737 = arith.cmpi sle, %add3A_288, %le3A_736 : vector<256x256xi32>
            %jit3A_738 = arith.constant 1.000000e+00 : f32
            %jit3A_739 = arith.constant 0.000000e+00 : f32
            %broadcast_in_dim3A_740 = vector.broadcast %jit3A_738 : f32 to vector<256x256xf32>
            %broadcast_in_dim3A_741 = vector.broadcast %jit3A_739 : f32 to vector<256x256xf32>
            %select_n3A_742 = arith.select %le3A_737, %broadcast_in_dim3A_740, %broadcast_in_dim3A_741 : vector<256x256xi1>, vector<256x256xf32>
            %get3A_743 = arith.constant 0 : index
            %get3A_744 = arith.constant 3328 : index
            %get3A_745 = vector.load %arg7[%get3A_743, %get3A_744] : memref<256x4096xf32, #tpu.memory_space<vmem>>, vector<256x256xf32>
            %add3A_746 = arith.addf %get3A_745, %select_n3A_742 : vector<256x256xf32>
            %swap3A_747 = arith.constant 0 : index
            %swap3A_748 = arith.constant 3328 : index
            %swap3A_749 = vector.load %arg7[%swap3A_747, %swap3A_748] : memref<256x4096xf32, #tpu.memory_space<vmem>>, vector<256x256xf32>
            tpu.vector_store %arg7[%swap3A_747, %swap3A_748], %add3A_746 {strides = array<i32>} : memref<256x4096xf32, #tpu.memory_space<vmem>>, vector<256x256xf32>,
            %le3A_750 = arith.constant 14 : i32
            %le3A_751 = vector.broadcast %le3A_750 : i32 to vector<256x256xi32>
            %le3A_752 = arith.cmpi sle, %add3A_288, %le3A_751 : vector<256x256xi32>
            %jit3A_753 = arith.constant 1.000000e+00 : f32
            %jit3A_754 = arith.constant 0.000000e+00 : f32
            %broadcast_in_dim3A_755 = vector.broadcast %jit3A_753 : f32 to vector<256x256xf32>
            %broadcast_in_dim3A_756 = vector.broadcast %jit3A_754 : f32 to vector<256x256xf32>
            %select_n3A_757 = arith.select %le3A_752, %broadcast_in_dim3A_755, %broadcast_in_dim3A_756 : vector<256x256xi1>, vector<256x256xf32>
            %get3A_758 = arith.constant 0 : index
            %get3A_759 = arith.constant 3584 : index
            %get3A_760 = vector.load %arg7[%get3A_758, %get3A_759] : memref<256x4096xf32, #tpu.memory_space<vmem>>, vector<256x256xf32>
            %add3A_761 = arith.addf %get3A_760, %select_n3A_757 : vector<256x256xf32>
            %swap3A_762 = arith.constant 0 : index
            %swap3A_763 = arith.constant 3584 : index
            %swap3A_764 = vector.load %arg7[%swap3A_762, %swap3A_763] : memref<256x4096xf32, #tpu.memory_space<vmem>>, vector<256x256xf32>
            tpu.vector_store %arg7[%swap3A_762, %swap3A_763], %add3A_761 {strides = array<i32>} : memref<256x4096xf32, #tpu.memory_space<vmem>>, vector<256x256xf32>,
            %le3A_765 = arith.constant 15 : i32
            %le3A_766 = vector.broadcast %le3A_765 : i32 to vector<256x256xi32>
            %le3A_767 = arith.cmpi sle, %add3A_288, %le3A_766 : vector<256x256xi32>
            %jit3A_768 = arith.constant 1.000000e+00 : f32
            %jit3A_769 = arith.constant 0.000000e+00 : f32
            %broadcast_in_dim3A_770 = vector.broadcast %jit3A_768 : f32 to vector<256x256xf32>
            %broadcast_in_dim3A_771 = vector.broadcast %jit3A_769 : f32 to vector<256x256xf32>
            %select_n3A_772 = arith.select %le3A_767, %broadcast_in_dim3A_770, %broadcast_in_dim3A_771 : vector<256x256xi1>, vector<256x256xf32>
            %get3A_773 = arith.constant 0 : index
            %get3A_774 = arith.constant 3840 : index
            %get3A_775 = vector.load %arg7[%get3A_773, %get3A_774] : memref<256x4096xf32, #tpu.memory_space<vmem>>, vector<256x256xf32>
            %add3A_776 = arith.addf %get3A_775, %select_n3A_772 : vector<256x256xf32>
            %swap3A_777 = arith.constant 0 : index
            %swap3A_778 = arith.constant 3840 : index
            %swap3A_779 = vector.load %arg7[%swap3A_777, %swap3A_778] : memref<256x4096xf32, #tpu.memory_space<vmem>>, vector<256x256xf32>
            tpu.vector_store %arg7[%swap3A_777, %swap3A_778], %add3A_776 {strides = array<i32>} : memref<256x4096xf32, #tpu.memory_space<vmem>>, vector<256x256xf32>,
          } else {
          }
          %slice3A_538 = vector.extract_strided_slice %add3A_252 {offsets = [0, 255], sizes = [256, 1], strides = [1, 1]} : vector<256x256xi32> to vector<256x1xi32>
          %slice3A_539 = vector.extract_strided_slice %add3A_288 {offsets = [0, 255], sizes = [256, 1], strides = [1, 1]} : vector<256x256xi32> to vector<256x1xi32>
          scf.yield %slice3A_538, %slice3A_539 : vector<256x1xi32>, vector<256x1xi32>
        } else {
          scf.yield %cond3A_172#0, %cond3A_172#1 : vector<256x1xi32>, vector<256x1xi32>
        }
        %reduce_min3A_184 = vector.shape_cast %cond3A_183#0 : vector<256x1xi32> to vector<1x256x1xi32>
        %reduce_min3A_185 = arith.constant dense<2147483647> : vector<1xi32>
        %reduce_min3A_186 = vector.multi_reduction <minsi>, %reduce_min3A_184, %reduce_min3A_185 [1, 2] : vector<1x256x1xi32> to vector<1xi32>
        %reduce_min3A_187 = vector.shape_cast %reduce_min3A_186 : vector<1xi32> to vector<1x1x1xi32>
        %reduce_min3A_188 = vector.extract %reduce_min3A_187[0, 0, 0] : i32 from vector<1x1x1xi32>
        %lt3A_189 = arith.constant 16 : i32
        %lt3A_190 = arith.cmpi slt, %reduce_min3A_188, %lt3A_189 : i32
        %convert_element_type3A_191 = arith.extui %lt3A_190 : i1 to i32
        %cond3A_192 = arith.constant 0 : i32
        %cond3A_193 = arith.cmpi ne, %convert_element_type3A_191, %cond3A_192 : i32
        %cond3A_194:2 = scf.if %cond3A_193 -> (vector<256x1xi32>, vector<256x1xi32>) {
          %slice3A = vector.extract_strided_slice %get3A_106 {offsets = [0, 1792], sizes = [1, 256], strides = [1, 1]} : vector<4x2048xf32> to vector<1x256xf32>
          %sub3A_195 = vector.broadcast %get3A_1 : vector<256x1xf32> to vector<256x256xf32>
          %sub3A_196 = vector.broadcast %slice3A : vector<1x256xf32> to vector<256x256xf32>
          %sub3A_197 = arith.subf %sub3A_195, %sub3A_196 : vector<256x256xf32>
          %slice3A_198 = vector.extract_strided_slice %get3A_106 {offsets = [1, 1792], sizes = [1, 256], strides = [1, 1]} : vector<4x2048xf32> to vector<1x256xf32>
          %sub3A_199 = vector.broadcast %get3A_4 : vector<256x1xf32> to vector<256x256xf32>
          %sub3A_200 = vector.broadcast %slice3A_198 : vector<1x256xf32> to vector<256x256xf32>
          %sub3A_201 = arith.subf %sub3A_199, %sub3A_200 : vector<256x256xf32>
          %slice3A_202 = vector.extract_strided_slice %get3A_106 {offsets = [2, 1792], sizes = [1, 256], strides = [1, 1]} : vector<4x2048xf32> to vector<1x256xf32>
          %sub3A_203 = vector.broadcast %get3A_7 : vector<256x1xf32> to vector<256x256xf32>
          %sub3A_204 = vector.broadcast %slice3A_202 : vector<1x256xf32> to vector<256x256xf32>
          %sub3A_205 = arith.subf %sub3A_203, %sub3A_204 : vector<256x256xf32>
          %mul3A = arith.mulf %sub3A_197, %sub3A_197 : vector<256x256xf32>
          %mul3A_206 = arith.mulf %sub3A_201, %sub3A_201 : vector<256x256xf32>
          %add3A = arith.addf %mul3A, %mul3A_206 : vector<256x256xf32>
          %mul3A_207 = arith.mulf %sub3A_205, %sub3A_205 : vector<256x256xf32>
          %add3A_208 = arith.addf %add3A, %mul3A_207 : vector<256x256xf32>
          %lt3A_209 = arith.constant 1.600000e-01 : f32
          %lt3A_210 = vector.broadcast %lt3A_209 : f32 to vector<256x256xf32>
          %lt3A_211 = arith.cmpf olt, %add3A_208, %lt3A_210 : vector<256x256xf32>
          %convert_element_type3A_212 = arith.extui %lt3A_211 : vector<256x256xi1> to vector<256x256xi32>
          %lt3A_213 = arith.constant 6.400000e-01 : f32
          %lt3A_214 = vector.broadcast %lt3A_213 : f32 to vector<256x256xf32>
          %lt3A_215 = arith.cmpf olt, %add3A_208, %lt3A_214 : vector<256x256xf32>
          %convert_element_type3A_216 = arith.extui %lt3A_215 : vector<256x256xi1> to vector<256x256xi32>
          %broadcast_in_dim3A_217 = arith.constant 0 : i32
          %broadcast_in_dim3A_218 = vector.broadcast %broadcast_in_dim3A_217 : i32 to vector<256x256xi32>
          %slice3A_219 = vector.extract_strided_slice %broadcast_in_dim3A_218 {offsets = [0, 0], sizes = [256, 1], strides = [1, 1]} : vector<256x256xi32> to vector<256x1xi32>
          %slice3A_220 = vector.extract_strided_slice %convert_element_type3A_212 {offsets = [0, 0], sizes = [256, 255], strides = [1, 1]} : vector<256x256xi32> to vector<256x255xi32>
          %concatenate3A_221 = tpu.concatenate %slice3A_219, %slice3A_220 in 1 : vector<256x1xi32>, vector<256x255xi32> -> vector<256x256xi32>
          %add3A_222 = arith.addi %convert_element_type3A_212, %concatenate3A_221 : vector<256x256xi32>
          %slice3A_223 = vector.extract_strided_slice %broadcast_in_dim3A_218 {offsets = [0, 0], sizes = [256, 2], strides = [1, 1]} : vector<256x256xi32> to vector<256x2xi32>
          %slice3A_224 = vector.extract_strided_slice %add3A_222 {offsets = [0, 0], sizes = [256, 254], strides = [1, 1]} : vector<256x256xi32> to vector<256x254xi32>
          %concatenate3A_225 = tpu.concatenate %slice3A_223, %slice3A_224 in 1 : vector<256x2xi32>, vector<256x254xi32> -> vector<256x256xi32>
          %add3A_226 = arith.addi %add3A_222, %concatenate3A_225 : vector<256x256xi32>
          %slice3A_227 = vector.extract_strided_slice %broadcast_in_dim3A_218 {offsets = [0, 0], sizes = [256, 4], strides = [1, 1]} : vector<256x256xi32> to vector<256x4xi32>
          %slice3A_228 = vector.extract_strided_slice %add3A_226 {offsets = [0, 0], sizes = [256, 252], strides = [1, 1]} : vector<256x256xi32> to vector<256x252xi32>
          %concatenate3A_229 = tpu.concatenate %slice3A_227, %slice3A_228 in 1 : vector<256x4xi32>, vector<256x252xi32> -> vector<256x256xi32>
          %add3A_230 = arith.addi %add3A_226, %concatenate3A_229 : vector<256x256xi32>
          %slice3A_231 = vector.extract_strided_slice %broadcast_in_dim3A_218 {offsets = [0, 0], sizes = [256, 8], strides = [1, 1]} : vector<256x256xi32> to vector<256x8xi32>
          %slice3A_232 = vector.extract_strided_slice %add3A_230 {offsets = [0, 0], sizes = [256, 248], strides = [1, 1]} : vector<256x256xi32> to vector<256x248xi32>
          %concatenate3A_233 = tpu.concatenate %slice3A_231, %slice3A_232 in 1 : vector<256x8xi32>, vector<256x248xi32> -> vector<256x256xi32>
          %add3A_234 = arith.addi %add3A_230, %concatenate3A_233 : vector<256x256xi32>
          %slice3A_235 = vector.extract_strided_slice %broadcast_in_dim3A_218 {offsets = [0, 0], sizes = [256, 16], strides = [1, 1]} : vector<256x256xi32> to vector<256x16xi32>
          %slice3A_236 = vector.extract_strided_slice %add3A_234 {offsets = [0, 0], sizes = [256, 240], strides = [1, 1]} : vector<256x256xi32> to vector<256x240xi32>
          %concatenate3A_237 = tpu.concatenate %slice3A_235, %slice3A_236 in 1 : vector<256x16xi32>, vector<256x240xi32> -> vector<256x256xi32>
          %add3A_238 = arith.addi %add3A_234, %concatenate3A_237 : vector<256x256xi32>
          %slice3A_239 = vector.extract_strided_slice %broadcast_in_dim3A_218 {offsets = [0, 0], sizes = [256, 32], strides = [1, 1]} : vector<256x256xi32> to vector<256x32xi32>
          %slice3A_240 = vector.extract_strided_slice %add3A_238 {offsets = [0, 0], sizes = [256, 224], strides = [1, 1]} : vector<256x256xi32> to vector<256x224xi32>
          %concatenate3A_241 = tpu.concatenate %slice3A_239, %slice3A_240 in 1 : vector<256x32xi32>, vector<256x224xi32> -> vector<256x256xi32>
          %add3A_242 = arith.addi %add3A_238, %concatenate3A_241 : vector<256x256xi32>
          %slice3A_243 = vector.extract_strided_slice %broadcast_in_dim3A_218 {offsets = [0, 0], sizes = [256, 64], strides = [1, 1]} : vector<256x256xi32> to vector<256x64xi32>
          %slice3A_244 = vector.extract_strided_slice %add3A_242 {offsets = [0, 0], sizes = [256, 192], strides = [1, 1]} : vector<256x256xi32> to vector<256x192xi32>
          %concatenate3A_245 = tpu.concatenate %slice3A_243, %slice3A_244 in 1 : vector<256x64xi32>, vector<256x192xi32> -> vector<256x256xi32>
          %add3A_246 = arith.addi %add3A_242, %concatenate3A_245 : vector<256x256xi32>
          %slice3A_247 = vector.extract_strided_slice %broadcast_in_dim3A_218 {offsets = [0, 0], sizes = [256, 128], strides = [1, 1]} : vector<256x256xi32> to vector<256x128xi32>
          %slice3A_248 = vector.extract_strided_slice %add3A_246 {offsets = [0, 0], sizes = [256, 128], strides = [1, 1]} : vector<256x256xi32> to vector<256x128xi32>
          %concatenate3A_249 = tpu.concatenate %slice3A_247, %slice3A_248 in 1 : vector<256x128xi32>, vector<256x128xi32> -> vector<256x256xi32>
          %add3A_250 = arith.addi %add3A_246, %concatenate3A_249 : vector<256x256xi32>
          %add3A_251 = vector.broadcast %cond3A_183#0 : vector<256x1xi32> to vector<256x256xi32>
          %add3A_252 = arith.addi %add3A_251, %add3A_250 : vector<256x256xi32>
          %broadcast_in_dim3A_253 = arith.constant 0 : i32
          %broadcast_in_dim3A_254 = vector.broadcast %broadcast_in_dim3A_253 : i32 to vector<256x256xi32>
          %slice3A_255 = vector.extract_strided_slice %broadcast_in_dim3A_254 {offsets = [0, 0], sizes = [256, 1], strides = [1, 1]} : vector<256x256xi32> to vector<256x1xi32>
          %slice3A_256 = vector.extract_strided_slice %convert_element_type3A_216 {offsets = [0, 0], sizes = [256, 255], strides = [1, 1]} : vector<256x256xi32> to vector<256x255xi32>
          %concatenate3A_257 = tpu.concatenate %slice3A_255, %slice3A_256 in 1 : vector<256x1xi32>, vector<256x255xi32> -> vector<256x256xi32>
          %add3A_258 = arith.addi %convert_element_type3A_216, %concatenate3A_257 : vector<256x256xi32>
          %slice3A_259 = vector.extract_strided_slice %broadcast_in_dim3A_254 {offsets = [0, 0], sizes = [256, 2], strides = [1, 1]} : vector<256x256xi32> to vector<256x2xi32>
          %slice3A_260 = vector.extract_strided_slice %add3A_258 {offsets = [0, 0], sizes = [256, 254], strides = [1, 1]} : vector<256x256xi32> to vector<256x254xi32>
          %concatenate3A_261 = tpu.concatenate %slice3A_259, %slice3A_260 in 1 : vector<256x2xi32>, vector<256x254xi32> -> vector<256x256xi32>
          %add3A_262 = arith.addi %add3A_258, %concatenate3A_261 : vector<256x256xi32>
          %slice3A_263 = vector.extract_strided_slice %broadcast_in_dim3A_254 {offsets = [0, 0], sizes = [256, 4], strides = [1, 1]} : vector<256x256xi32> to vector<256x4xi32>
          %slice3A_264 = vector.extract_strided_slice %add3A_262 {offsets = [0, 0], sizes = [256, 252], strides = [1, 1]} : vector<256x256xi32> to vector<256x252xi32>
          %concatenate3A_265 = tpu.concatenate %slice3A_263, %slice3A_264 in 1 : vector<256x4xi32>, vector<256x252xi32> -> vector<256x256xi32>
          %add3A_266 = arith.addi %add3A_262, %concatenate3A_265 : vector<256x256xi32>
          %slice3A_267 = vector.extract_strided_slice %broadcast_in_dim3A_254 {offsets = [0, 0], sizes = [256, 8], strides = [1, 1]} : vector<256x256xi32> to vector<256x8xi32>
          %slice3A_268 = vector.extract_strided_slice %add3A_266 {offsets = [0, 0], sizes = [256, 248], strides = [1, 1]} : vector<256x256xi32> to vector<256x248xi32>
          %concatenate3A_269 = tpu.concatenate %slice3A_267, %slice3A_268 in 1 : vector<256x8xi32>, vector<256x248xi32> -> vector<256x256xi32>
          %add3A_270 = arith.addi %add3A_266, %concatenate3A_269 : vector<256x256xi32>
          %slice3A_271 = vector.extract_strided_slice %broadcast_in_dim3A_254 {offsets = [0, 0], sizes = [256, 16], strides = [1, 1]} : vector<256x256xi32> to vector<256x16xi32>
          %slice3A_272 = vector.extract_strided_slice %add3A_270 {offsets = [0, 0], sizes = [256, 240], strides = [1, 1]} : vector<256x256xi32> to vector<256x240xi32>
          %concatenate3A_273 = tpu.concatenate %slice3A_271, %slice3A_272 in 1 : vector<256x16xi32>, vector<256x240xi32> -> vector<256x256xi32>
          %add3A_274 = arith.addi %add3A_270, %concatenate3A_273 : vector<256x256xi32>
          %slice3A_275 = vector.extract_strided_slice %broadcast_in_dim3A_254 {offsets = [0, 0], sizes = [256, 32], strides = [1, 1]} : vector<256x256xi32> to vector<256x32xi32>
          %slice3A_276 = vector.extract_strided_slice %add3A_274 {offsets = [0, 0], sizes = [256, 224], strides = [1, 1]} : vector<256x256xi32> to vector<256x224xi32>
          %concatenate3A_277 = tpu.concatenate %slice3A_275, %slice3A_276 in 1 : vector<256x32xi32>, vector<256x224xi32> -> vector<256x256xi32>
          %add3A_278 = arith.addi %add3A_274, %concatenate3A_277 : vector<256x256xi32>
          %slice3A_279 = vector.extract_strided_slice %broadcast_in_dim3A_254 {offsets = [0, 0], sizes = [256, 64], strides = [1, 1]} : vector<256x256xi32> to vector<256x64xi32>
          %slice3A_280 = vector.extract_strided_slice %add3A_278 {offsets = [0, 0], sizes = [256, 192], strides = [1, 1]} : vector<256x256xi32> to vector<256x192xi32>
          %concatenate3A_281 = tpu.concatenate %slice3A_279, %slice3A_280 in 1 : vector<256x64xi32>, vector<256x192xi32> -> vector<256x256xi32>
          %add3A_282 = arith.addi %add3A_278, %concatenate3A_281 : vector<256x256xi32>
          %slice3A_283 = vector.extract_strided_slice %broadcast_in_dim3A_254 {offsets = [0, 0], sizes = [256, 128], strides = [1, 1]} : vector<256x256xi32> to vector<256x128xi32>
          %slice3A_284 = vector.extract_strided_slice %add3A_282 {offsets = [0, 0], sizes = [256, 128], strides = [1, 1]} : vector<256x256xi32> to vector<256x128xi32>
          %concatenate3A_285 = tpu.concatenate %slice3A_283, %slice3A_284 in 1 : vector<256x128xi32>, vector<256x128xi32> -> vector<256x256xi32>
          %add3A_286 = arith.addi %add3A_282, %concatenate3A_285 : vector<256x256xi32>
          %add3A_287 = vector.broadcast %cond3A_183#1 : vector<256x1xi32> to vector<256x256xi32>
          %add3A_288 = arith.addi %add3A_287, %add3A_286 : vector<256x256xi32>
          %le3A = arith.constant 0 : i32
          %le3A_289 = vector.broadcast %le3A : i32 to vector<256x256xi32>
          %le3A_290 = arith.cmpi sle, %add3A_252, %le3A_289 : vector<256x256xi32>
          %jit3A_291 = arith.constant 1.000000e+00 : f32
          %jit3A_292 = arith.constant 0.000000e+00 : f32
          %broadcast_in_dim3A_293 = vector.broadcast %jit3A_291 : f32 to vector<256x256xf32>
          %broadcast_in_dim3A_294 = vector.broadcast %jit3A_292 : f32 to vector<256x256xf32>
          %select_n3A_295 = arith.select %le3A_290, %broadcast_in_dim3A_293, %broadcast_in_dim3A_294 : vector<256x256xi1>, vector<256x256xf32>
          %get3A_296 = arith.constant 0 : index
          %get3A_297 = arith.constant 0 : index
          %get3A_298 = vector.load %arg6[%get3A_296, %get3A_297] : memref<256x4096xf32, #tpu.memory_space<vmem>>, vector<256x256xf32>
          %add3A_299 = arith.addf %get3A_298, %select_n3A_295 : vector<256x256xf32>
          %swap3A_300 = arith.constant 0 : index
          %swap3A_301 = arith.constant 0 : index
          %swap3A_302 = vector.load %arg6[%swap3A_300, %swap3A_301] : memref<256x4096xf32, #tpu.memory_space<vmem>>, vector<256x256xf32>
          tpu.vector_store %arg6[%swap3A_300, %swap3A_301], %add3A_299 {strides = array<i32>} : memref<256x4096xf32, #tpu.memory_space<vmem>>, vector<256x256xf32>,
          %le3A_303 = arith.constant 1 : i32
          %le3A_304 = vector.broadcast %le3A_303 : i32 to vector<256x256xi32>
          %le3A_305 = arith.cmpi sle, %add3A_252, %le3A_304 : vector<256x256xi32>
          %jit3A_306 = arith.constant 1.000000e+00 : f32
          %jit3A_307 = arith.constant 0.000000e+00 : f32
          %broadcast_in_dim3A_308 = vector.broadcast %jit3A_306 : f32 to vector<256x256xf32>
          %broadcast_in_dim3A_309 = vector.broadcast %jit3A_307 : f32 to vector<256x256xf32>
          %select_n3A_310 = arith.select %le3A_305, %broadcast_in_dim3A_308, %broadcast_in_dim3A_309 : vector<256x256xi1>, vector<256x256xf32>
          %get3A_311 = arith.constant 0 : index
          %get3A_312 = arith.constant 256 : index
          %get3A_313 = vector.load %arg6[%get3A_311, %get3A_312] : memref<256x4096xf32, #tpu.memory_space<vmem>>, vector<256x256xf32>
          %add3A_314 = arith.addf %get3A_313, %select_n3A_310 : vector<256x256xf32>
          %swap3A_315 = arith.constant 0 : index
          %swap3A_316 = arith.constant 256 : index
          %swap3A_317 = vector.load %arg6[%swap3A_315, %swap3A_316] : memref<256x4096xf32, #tpu.memory_space<vmem>>, vector<256x256xf32>
          tpu.vector_store %arg6[%swap3A_315, %swap3A_316], %add3A_314 {strides = array<i32>} : memref<256x4096xf32, #tpu.memory_space<vmem>>, vector<256x256xf32>,
          %le3A_318 = arith.constant 2 : i32
          %le3A_319 = vector.broadcast %le3A_318 : i32 to vector<256x256xi32>
          %le3A_320 = arith.cmpi sle, %add3A_252, %le3A_319 : vector<256x256xi32>
          %jit3A_321 = arith.constant 1.000000e+00 : f32
          %jit3A_322 = arith.constant 0.000000e+00 : f32
          %broadcast_in_dim3A_323 = vector.broadcast %jit3A_321 : f32 to vector<256x256xf32>
          %broadcast_in_dim3A_324 = vector.broadcast %jit3A_322 : f32 to vector<256x256xf32>
          %select_n3A_325 = arith.select %le3A_320, %broadcast_in_dim3A_323, %broadcast_in_dim3A_324 : vector<256x256xi1>, vector<256x256xf32>
          %get3A_326 = arith.constant 0 : index
          %get3A_327 = arith.constant 512 : index
          %get3A_328 = vector.load %arg6[%get3A_326, %get3A_327] : memref<256x4096xf32, #tpu.memory_space<vmem>>, vector<256x256xf32>
          %add3A_329 = arith.addf %get3A_328, %select_n3A_325 : vector<256x256xf32>
          %swap3A_330 = arith.constant 0 : index
          %swap3A_331 = arith.constant 512 : index
          %swap3A_332 = vector.load %arg6[%swap3A_330, %swap3A_331] : memref<256x4096xf32, #tpu.memory_space<vmem>>, vector<256x256xf32>
          tpu.vector_store %arg6[%swap3A_330, %swap3A_331], %add3A_329 {strides = array<i32>} : memref<256x4096xf32, #tpu.memory_space<vmem>>, vector<256x256xf32>,
          %le3A_333 = arith.constant 3 : i32
          %le3A_334 = vector.broadcast %le3A_333 : i32 to vector<256x256xi32>
          %le3A_335 = arith.cmpi sle, %add3A_252, %le3A_334 : vector<256x256xi32>
          %jit3A_336 = arith.constant 1.000000e+00 : f32
          %jit3A_337 = arith.constant 0.000000e+00 : f32
          %broadcast_in_dim3A_338 = vector.broadcast %jit3A_336 : f32 to vector<256x256xf32>
          %broadcast_in_dim3A_339 = vector.broadcast %jit3A_337 : f32 to vector<256x256xf32>
          %select_n3A_340 = arith.select %le3A_335, %broadcast_in_dim3A_338, %broadcast_in_dim3A_339 : vector<256x256xi1>, vector<256x256xf32>
          %get3A_341 = arith.constant 0 : index
          %get3A_342 = arith.constant 768 : index
          %get3A_343 = vector.load %arg6[%get3A_341, %get3A_342] : memref<256x4096xf32, #tpu.memory_space<vmem>>, vector<256x256xf32>
          %add3A_344 = arith.addf %get3A_343, %select_n3A_340 : vector<256x256xf32>
          %swap3A_345 = arith.constant 0 : index
          %swap3A_346 = arith.constant 768 : index
          %swap3A_347 = vector.load %arg6[%swap3A_345, %swap3A_346] : memref<256x4096xf32, #tpu.memory_space<vmem>>, vector<256x256xf32>
          tpu.vector_store %arg6[%swap3A_345, %swap3A_346], %add3A_344 {strides = array<i32>} : memref<256x4096xf32, #tpu.memory_space<vmem>>, vector<256x256xf32>,
          %le3A_348 = arith.constant 4 : i32
          %le3A_349 = vector.broadcast %le3A_348 : i32 to vector<256x256xi32>
          %le3A_350 = arith.cmpi sle, %add3A_252, %le3A_349 : vector<256x256xi32>
          %jit3A_351 = arith.constant 1.000000e+00 : f32
          %jit3A_352 = arith.constant 0.000000e+00 : f32
          %broadcast_in_dim3A_353 = vector.broadcast %jit3A_351 : f32 to vector<256x256xf32>
          %broadcast_in_dim3A_354 = vector.broadcast %jit3A_352 : f32 to vector<256x256xf32>
          %select_n3A_355 = arith.select %le3A_350, %broadcast_in_dim3A_353, %broadcast_in_dim3A_354 : vector<256x256xi1>, vector<256x256xf32>
          %get3A_356 = arith.constant 0 : index
          %get3A_357 = arith.constant 1024 : index
          %get3A_358 = vector.load %arg6[%get3A_356, %get3A_357] : memref<256x4096xf32, #tpu.memory_space<vmem>>, vector<256x256xf32>
          %add3A_359 = arith.addf %get3A_358, %select_n3A_355 : vector<256x256xf32>
          %swap3A_360 = arith.constant 0 : index
          %swap3A_361 = arith.constant 1024 : index
          %swap3A_362 = vector.load %arg6[%swap3A_360, %swap3A_361] : memref<256x4096xf32, #tpu.memory_space<vmem>>, vector<256x256xf32>
          tpu.vector_store %arg6[%swap3A_360, %swap3A_361], %add3A_359 {strides = array<i32>} : memref<256x4096xf32, #tpu.memory_space<vmem>>, vector<256x256xf32>,
          %le3A_363 = arith.constant 5 : i32
          %le3A_364 = vector.broadcast %le3A_363 : i32 to vector<256x256xi32>
          %le3A_365 = arith.cmpi sle, %add3A_252, %le3A_364 : vector<256x256xi32>
          %jit3A_366 = arith.constant 1.000000e+00 : f32
          %jit3A_367 = arith.constant 0.000000e+00 : f32
          %broadcast_in_dim3A_368 = vector.broadcast %jit3A_366 : f32 to vector<256x256xf32>
          %broadcast_in_dim3A_369 = vector.broadcast %jit3A_367 : f32 to vector<256x256xf32>
          %select_n3A_370 = arith.select %le3A_365, %broadcast_in_dim3A_368, %broadcast_in_dim3A_369 : vector<256x256xi1>, vector<256x256xf32>
          %get3A_371 = arith.constant 0 : index
          %get3A_372 = arith.constant 1280 : index
          %get3A_373 = vector.load %arg6[%get3A_371, %get3A_372] : memref<256x4096xf32, #tpu.memory_space<vmem>>, vector<256x256xf32>
          %add3A_374 = arith.addf %get3A_373, %select_n3A_370 : vector<256x256xf32>
          %swap3A_375 = arith.constant 0 : index
          %swap3A_376 = arith.constant 1280 : index
          %swap3A_377 = vector.load %arg6[%swap3A_375, %swap3A_376] : memref<256x4096xf32, #tpu.memory_space<vmem>>, vector<256x256xf32>
          tpu.vector_store %arg6[%swap3A_375, %swap3A_376], %add3A_374 {strides = array<i32>} : memref<256x4096xf32, #tpu.memory_space<vmem>>, vector<256x256xf32>,
          %le3A_378 = arith.constant 6 : i32
          %le3A_379 = vector.broadcast %le3A_378 : i32 to vector<256x256xi32>
          %le3A_380 = arith.cmpi sle, %add3A_252, %le3A_379 : vector<256x256xi32>
          %jit3A_381 = arith.constant 1.000000e+00 : f32
          %jit3A_382 = arith.constant 0.000000e+00 : f32
          %broadcast_in_dim3A_383 = vector.broadcast %jit3A_381 : f32 to vector<256x256xf32>
          %broadcast_in_dim3A_384 = vector.broadcast %jit3A_382 : f32 to vector<256x256xf32>
          %select_n3A_385 = arith.select %le3A_380, %broadcast_in_dim3A_383, %broadcast_in_dim3A_384 : vector<256x256xi1>, vector<256x256xf32>
          %get3A_386 = arith.constant 0 : index
          %get3A_387 = arith.constant 1536 : index
          %get3A_388 = vector.load %arg6[%get3A_386, %get3A_387] : memref<256x4096xf32, #tpu.memory_space<vmem>>, vector<256x256xf32>
          %add3A_389 = arith.addf %get3A_388, %select_n3A_385 : vector<256x256xf32>
          %swap3A_390 = arith.constant 0 : index
          %swap3A_391 = arith.constant 1536 : index
          %swap3A_392 = vector.load %arg6[%swap3A_390, %swap3A_391] : memref<256x4096xf32, #tpu.memory_space<vmem>>, vector<256x256xf32>
          tpu.vector_store %arg6[%swap3A_390, %swap3A_391], %add3A_389 {strides = array<i32>} : memref<256x4096xf32, #tpu.memory_space<vmem>>, vector<256x256xf32>,
          %le3A_393 = arith.constant 7 : i32
          %le3A_394 = vector.broadcast %le3A_393 : i32 to vector<256x256xi32>
          %le3A_395 = arith.cmpi sle, %add3A_252, %le3A_394 : vector<256x256xi32>
          %jit3A_396 = arith.constant 1.000000e+00 : f32
          %jit3A_397 = arith.constant 0.000000e+00 : f32
          %broadcast_in_dim3A_398 = vector.broadcast %jit3A_396 : f32 to vector<256x256xf32>
          %broadcast_in_dim3A_399 = vector.broadcast %jit3A_397 : f32 to vector<256x256xf32>
          %select_n3A_400 = arith.select %le3A_395, %broadcast_in_dim3A_398, %broadcast_in_dim3A_399 : vector<256x256xi1>, vector<256x256xf32>
          %get3A_401 = arith.constant 0 : index
          %get3A_402 = arith.constant 1792 : index
          %get3A_403 = vector.load %arg6[%get3A_401, %get3A_402] : memref<256x4096xf32, #tpu.memory_space<vmem>>, vector<256x256xf32>
          %add3A_404 = arith.addf %get3A_403, %select_n3A_400 : vector<256x256xf32>
          %swap3A_405 = arith.constant 0 : index
          %swap3A_406 = arith.constant 1792 : index
          %swap3A_407 = vector.load %arg6[%swap3A_405, %swap3A_406] : memref<256x4096xf32, #tpu.memory_space<vmem>>, vector<256x256xf32>
          tpu.vector_store %arg6[%swap3A_405, %swap3A_406], %add3A_404 {strides = array<i32>} : memref<256x4096xf32, #tpu.memory_space<vmem>>, vector<256x256xf32>,
          %le3A_408 = arith.constant 8 : i32
          %le3A_409 = vector.broadcast %le3A_408 : i32 to vector<256x256xi32>
          %le3A_410 = arith.cmpi sle, %add3A_252, %le3A_409 : vector<256x256xi32>
          %jit3A_411 = arith.constant 1.000000e+00 : f32
          %jit3A_412 = arith.constant 0.000000e+00 : f32
          %broadcast_in_dim3A_413 = vector.broadcast %jit3A_411 : f32 to vector<256x256xf32>
          %broadcast_in_dim3A_414 = vector.broadcast %jit3A_412 : f32 to vector<256x256xf32>
          %select_n3A_415 = arith.select %le3A_410, %broadcast_in_dim3A_413, %broadcast_in_dim3A_414 : vector<256x256xi1>, vector<256x256xf32>
          %get3A_416 = arith.constant 0 : index
          %get3A_417 = arith.constant 2048 : index
          %get3A_418 = vector.load %arg6[%get3A_416, %get3A_417] : memref<256x4096xf32, #tpu.memory_space<vmem>>, vector<256x256xf32>
          %add3A_419 = arith.addf %get3A_418, %select_n3A_415 : vector<256x256xf32>
          %swap3A_420 = arith.constant 0 : index
          %swap3A_421 = arith.constant 2048 : index
          %swap3A_422 = vector.load %arg6[%swap3A_420, %swap3A_421] : memref<256x4096xf32, #tpu.memory_space<vmem>>, vector<256x256xf32>
          tpu.vector_store %arg6[%swap3A_420, %swap3A_421], %add3A_419 {strides = array<i32>} : memref<256x4096xf32, #tpu.memory_space<vmem>>, vector<256x256xf32>,
          %le3A_423 = arith.constant 9 : i32
          %le3A_424 = vector.broadcast %le3A_423 : i32 to vector<256x256xi32>
          %le3A_425 = arith.cmpi sle, %add3A_252, %le3A_424 : vector<256x256xi32>
          %jit3A_426 = arith.constant 1.000000e+00 : f32
          %jit3A_427 = arith.constant 0.000000e+00 : f32
          %broadcast_in_dim3A_428 = vector.broadcast %jit3A_426 : f32 to vector<256x256xf32>
          %broadcast_in_dim3A_429 = vector.broadcast %jit3A_427 : f32 to vector<256x256xf32>
          %select_n3A_430 = arith.select %le3A_425, %broadcast_in_dim3A_428, %broadcast_in_dim3A_429 : vector<256x256xi1>, vector<256x256xf32>
          %get3A_431 = arith.constant 0 : index
          %get3A_432 = arith.constant 2304 : index
          %get3A_433 = vector.load %arg6[%get3A_431, %get3A_432] : memref<256x4096xf32, #tpu.memory_space<vmem>>, vector<256x256xf32>
          %add3A_434 = arith.addf %get3A_433, %select_n3A_430 : vector<256x256xf32>
          %swap3A_435 = arith.constant 0 : index
          %swap3A_436 = arith.constant 2304 : index
          %swap3A_437 = vector.load %arg6[%swap3A_435, %swap3A_436] : memref<256x4096xf32, #tpu.memory_space<vmem>>, vector<256x256xf32>
          tpu.vector_store %arg6[%swap3A_435, %swap3A_436], %add3A_434 {strides = array<i32>} : memref<256x4096xf32, #tpu.memory_space<vmem>>, vector<256x256xf32>,
          %le3A_438 = arith.constant 10 : i32
          %le3A_439 = vector.broadcast %le3A_438 : i32 to vector<256x256xi32>
          %le3A_440 = arith.cmpi sle, %add3A_252, %le3A_439 : vector<256x256xi32>
          %jit3A_441 = arith.constant 1.000000e+00 : f32
          %jit3A_442 = arith.constant 0.000000e+00 : f32
          %broadcast_in_dim3A_443 = vector.broadcast %jit3A_441 : f32 to vector<256x256xf32>
          %broadcast_in_dim3A_444 = vector.broadcast %jit3A_442 : f32 to vector<256x256xf32>
          %select_n3A_445 = arith.select %le3A_440, %broadcast_in_dim3A_443, %broadcast_in_dim3A_444 : vector<256x256xi1>, vector<256x256xf32>
          %get3A_446 = arith.constant 0 : index
          %get3A_447 = arith.constant 2560 : index
          %get3A_448 = vector.load %arg6[%get3A_446, %get3A_447] : memref<256x4096xf32, #tpu.memory_space<vmem>>, vector<256x256xf32>
          %add3A_449 = arith.addf %get3A_448, %select_n3A_445 : vector<256x256xf32>
          %swap3A_450 = arith.constant 0 : index
          %swap3A_451 = arith.constant 2560 : index
          %swap3A_452 = vector.load %arg6[%swap3A_450, %swap3A_451] : memref<256x4096xf32, #tpu.memory_space<vmem>>, vector<256x256xf32>
          tpu.vector_store %arg6[%swap3A_450, %swap3A_451], %add3A_449 {strides = array<i32>} : memref<256x4096xf32, #tpu.memory_space<vmem>>, vector<256x256xf32>,
          %le3A_453 = arith.constant 11 : i32
          %le3A_454 = vector.broadcast %le3A_453 : i32 to vector<256x256xi32>
          %le3A_455 = arith.cmpi sle, %add3A_252, %le3A_454 : vector<256x256xi32>
          %jit3A_456 = arith.constant 1.000000e+00 : f32
          %jit3A_457 = arith.constant 0.000000e+00 : f32
          %broadcast_in_dim3A_458 = vector.broadcast %jit3A_456 : f32 to vector<256x256xf32>
          %broadcast_in_dim3A_459 = vector.broadcast %jit3A_457 : f32 to vector<256x256xf32>
          %select_n3A_460 = arith.select %le3A_455, %broadcast_in_dim3A_458, %broadcast_in_dim3A_459 : vector<256x256xi1>, vector<256x256xf32>
          %get3A_461 = arith.constant 0 : index
          %get3A_462 = arith.constant 2816 : index
          %get3A_463 = vector.load %arg6[%get3A_461, %get3A_462] : memref<256x4096xf32, #tpu.memory_space<vmem>>, vector<256x256xf32>
          %add3A_464 = arith.addf %get3A_463, %select_n3A_460 : vector<256x256xf32>
          %swap3A_465 = arith.constant 0 : index
          %swap3A_466 = arith.constant 2816 : index
          %swap3A_467 = vector.load %arg6[%swap3A_465, %swap3A_466] : memref<256x4096xf32, #tpu.memory_space<vmem>>, vector<256x256xf32>
          tpu.vector_store %arg6[%swap3A_465, %swap3A_466], %add3A_464 {strides = array<i32>} : memref<256x4096xf32, #tpu.memory_space<vmem>>, vector<256x256xf32>,
          %le3A_468 = arith.constant 12 : i32
          %le3A_469 = vector.broadcast %le3A_468 : i32 to vector<256x256xi32>
          %le3A_470 = arith.cmpi sle, %add3A_252, %le3A_469 : vector<256x256xi32>
          %jit3A_471 = arith.constant 1.000000e+00 : f32
          %jit3A_472 = arith.constant 0.000000e+00 : f32
          %broadcast_in_dim3A_473 = vector.broadcast %jit3A_471 : f32 to vector<256x256xf32>
          %broadcast_in_dim3A_474 = vector.broadcast %jit3A_472 : f32 to vector<256x256xf32>
          %select_n3A_475 = arith.select %le3A_470, %broadcast_in_dim3A_473, %broadcast_in_dim3A_474 : vector<256x256xi1>, vector<256x256xf32>
          %get3A_476 = arith.constant 0 : index
          %get3A_477 = arith.constant 3072 : index
          %get3A_478 = vector.load %arg6[%get3A_476, %get3A_477] : memref<256x4096xf32, #tpu.memory_space<vmem>>, vector<256x256xf32>
          %add3A_479 = arith.addf %get3A_478, %select_n3A_475 : vector<256x256xf32>
          %swap3A_480 = arith.constant 0 : index
          %swap3A_481 = arith.constant 3072 : index
          %swap3A_482 = vector.load %arg6[%swap3A_480, %swap3A_481] : memref<256x4096xf32, #tpu.memory_space<vmem>>, vector<256x256xf32>
          tpu.vector_store %arg6[%swap3A_480, %swap3A_481], %add3A_479 {strides = array<i32>} : memref<256x4096xf32, #tpu.memory_space<vmem>>, vector<256x256xf32>,
          %le3A_483 = arith.constant 13 : i32
          %le3A_484 = vector.broadcast %le3A_483 : i32 to vector<256x256xi32>
          %le3A_485 = arith.cmpi sle, %add3A_252, %le3A_484 : vector<256x256xi32>
          %jit3A_486 = arith.constant 1.000000e+00 : f32
          %jit3A_487 = arith.constant 0.000000e+00 : f32
          %broadcast_in_dim3A_488 = vector.broadcast %jit3A_486 : f32 to vector<256x256xf32>
          %broadcast_in_dim3A_489 = vector.broadcast %jit3A_487 : f32 to vector<256x256xf32>
          %select_n3A_490 = arith.select %le3A_485, %broadcast_in_dim3A_488, %broadcast_in_dim3A_489 : vector<256x256xi1>, vector<256x256xf32>
          %get3A_491 = arith.constant 0 : index
          %get3A_492 = arith.constant 3328 : index
          %get3A_493 = vector.load %arg6[%get3A_491, %get3A_492] : memref<256x4096xf32, #tpu.memory_space<vmem>>, vector<256x256xf32>
          %add3A_494 = arith.addf %get3A_493, %select_n3A_490 : vector<256x256xf32>
          %swap3A_495 = arith.constant 0 : index
          %swap3A_496 = arith.constant 3328 : index
          %swap3A_497 = vector.load %arg6[%swap3A_495, %swap3A_496] : memref<256x4096xf32, #tpu.memory_space<vmem>>, vector<256x256xf32>
          tpu.vector_store %arg6[%swap3A_495, %swap3A_496], %add3A_494 {strides = array<i32>} : memref<256x4096xf32, #tpu.memory_space<vmem>>, vector<256x256xf32>,
          %le3A_498 = arith.constant 14 : i32
          %le3A_499 = vector.broadcast %le3A_498 : i32 to vector<256x256xi32>
          %le3A_500 = arith.cmpi sle, %add3A_252, %le3A_499 : vector<256x256xi32>
          %jit3A_501 = arith.constant 1.000000e+00 : f32
          %jit3A_502 = arith.constant 0.000000e+00 : f32
          %broadcast_in_dim3A_503 = vector.broadcast %jit3A_501 : f32 to vector<256x256xf32>
          %broadcast_in_dim3A_504 = vector.broadcast %jit3A_502 : f32 to vector<256x256xf32>
          %select_n3A_505 = arith.select %le3A_500, %broadcast_in_dim3A_503, %broadcast_in_dim3A_504 : vector<256x256xi1>, vector<256x256xf32>
          %get3A_506 = arith.constant 0 : index
          %get3A_507 = arith.constant 3584 : index
          %get3A_508 = vector.load %arg6[%get3A_506, %get3A_507] : memref<256x4096xf32, #tpu.memory_space<vmem>>, vector<256x256xf32>
          %add3A_509 = arith.addf %get3A_508, %select_n3A_505 : vector<256x256xf32>
          %swap3A_510 = arith.constant 0 : index
          %swap3A_511 = arith.constant 3584 : index
          %swap3A_512 = vector.load %arg6[%swap3A_510, %swap3A_511] : memref<256x4096xf32, #tpu.memory_space<vmem>>, vector<256x256xf32>
          tpu.vector_store %arg6[%swap3A_510, %swap3A_511], %add3A_509 {strides = array<i32>} : memref<256x4096xf32, #tpu.memory_space<vmem>>, vector<256x256xf32>,
          %le3A_513 = arith.constant 15 : i32
          %le3A_514 = vector.broadcast %le3A_513 : i32 to vector<256x256xi32>
          %le3A_515 = arith.cmpi sle, %add3A_252, %le3A_514 : vector<256x256xi32>
          %jit3A_516 = arith.constant 1.000000e+00 : f32
          %jit3A_517 = arith.constant 0.000000e+00 : f32
          %broadcast_in_dim3A_518 = vector.broadcast %jit3A_516 : f32 to vector<256x256xf32>
          %broadcast_in_dim3A_519 = vector.broadcast %jit3A_517 : f32 to vector<256x256xf32>
          %select_n3A_520 = arith.select %le3A_515, %broadcast_in_dim3A_518, %broadcast_in_dim3A_519 : vector<256x256xi1>, vector<256x256xf32>
          %get3A_521 = arith.constant 0 : index
          %get3A_522 = arith.constant 3840 : index
          %get3A_523 = vector.load %arg6[%get3A_521, %get3A_522] : memref<256x4096xf32, #tpu.memory_space<vmem>>, vector<256x256xf32>
          %add3A_524 = arith.addf %get3A_523, %select_n3A_520 : vector<256x256xf32>
          %swap3A_525 = arith.constant 0 : index
          %swap3A_526 = arith.constant 3840 : index
          %swap3A_527 = vector.load %arg6[%swap3A_525, %swap3A_526] : memref<256x4096xf32, #tpu.memory_space<vmem>>, vector<256x256xf32>
          tpu.vector_store %arg6[%swap3A_525, %swap3A_526], %add3A_524 {strides = array<i32>} : memref<256x4096xf32, #tpu.memory_space<vmem>>, vector<256x256xf32>,
          %reduce_min3A_528 = vector.shape_cast %cond3A_183#1 : vector<256x1xi32> to vector<1x256x1xi32>
          %reduce_min3A_529 = arith.constant dense<2147483647> : vector<1xi32>
          %reduce_min3A_530 = vector.multi_reduction <minsi>, %reduce_min3A_528, %reduce_min3A_529 [1, 2] : vector<1x256x1xi32> to vector<1xi32>
          %reduce_min3A_531 = vector.shape_cast %reduce_min3A_530 : vector<1xi32> to vector<1x1x1xi32>
          %reduce_min3A_532 = vector.extract %reduce_min3A_531[0, 0, 0] : i32 from vector<1x1x1xi32>
          %lt3A_533 = arith.constant 16 : i32
          %lt3A_534 = arith.cmpi slt, %reduce_min3A_532, %lt3A_533 : i32
          %convert_element_type3A_535 = arith.extui %lt3A_534 : i1 to i32
          %cond3A_536 = arith.constant 0 : i32
          %cond3A_537 = arith.cmpi ne, %convert_element_type3A_535, %cond3A_536 : i32
          scf.if %cond3A_537 {
            %le3A_540 = arith.constant 0 : i32
            %le3A_541 = vector.broadcast %le3A_540 : i32 to vector<256x256xi32>
            %le3A_542 = arith.cmpi sle, %add3A_288, %le3A_541 : vector<256x256xi32>
            %jit3A_543 = arith.constant 1.000000e+00 : f32
            %jit3A_544 = arith.constant 0.000000e+00 : f32
            %broadcast_in_dim3A_545 = vector.broadcast %jit3A_543 : f32 to vector<256x256xf32>
            %broadcast_in_dim3A_546 = vector.broadcast %jit3A_544 : f32 to vector<256x256xf32>
            %select_n3A_547 = arith.select %le3A_542, %broadcast_in_dim3A_545, %broadcast_in_dim3A_546 : vector<256x256xi1>, vector<256x256xf32>
            %get3A_548 = arith.constant 0 : index
            %get3A_549 = arith.constant 0 : index
            %get3A_550 = vector.load %arg7[%get3A_548, %get3A_549] : memref<256x4096xf32, #tpu.memory_space<vmem>>, vector<256x256xf32>
            %add3A_551 = arith.addf %get3A_550, %select_n3A_547 : vector<256x256xf32>
            %swap3A_552 = arith.constant 0 : index
            %swap3A_553 = arith.constant 0 : index
            %swap3A_554 = vector.load %arg7[%swap3A_552, %swap3A_553] : memref<256x4096xf32, #tpu.memory_space<vmem>>, vector<256x256xf32>
            tpu.vector_store %arg7[%swap3A_552, %swap3A_553], %add3A_551 {strides = array<i32>} : memref<256x4096xf32, #tpu.memory_space<vmem>>, vector<256x256xf32>,
            %le3A_555 = arith.constant 1 : i32
            %le3A_556 = vector.broadcast %le3A_555 : i32 to vector<256x256xi32>
            %le3A_557 = arith.cmpi sle, %add3A_288, %le3A_556 : vector<256x256xi32>
            %jit3A_558 = arith.constant 1.000000e+00 : f32
            %jit3A_559 = arith.constant 0.000000e+00 : f32
            %broadcast_in_dim3A_560 = vector.broadcast %jit3A_558 : f32 to vector<256x256xf32>
            %broadcast_in_dim3A_561 = vector.broadcast %jit3A_559 : f32 to vector<256x256xf32>
            %select_n3A_562 = arith.select %le3A_557, %broadcast_in_dim3A_560, %broadcast_in_dim3A_561 : vector<256x256xi1>, vector<256x256xf32>
            %get3A_563 = arith.constant 0 : index
            %get3A_564 = arith.constant 256 : index
            %get3A_565 = vector.load %arg7[%get3A_563, %get3A_564] : memref<256x4096xf32, #tpu.memory_space<vmem>>, vector<256x256xf32>
            %add3A_566 = arith.addf %get3A_565, %select_n3A_562 : vector<256x256xf32>
            %swap3A_567 = arith.constant 0 : index
            %swap3A_568 = arith.constant 256 : index
            %swap3A_569 = vector.load %arg7[%swap3A_567, %swap3A_568] : memref<256x4096xf32, #tpu.memory_space<vmem>>, vector<256x256xf32>
            tpu.vector_store %arg7[%swap3A_567, %swap3A_568], %add3A_566 {strides = array<i32>} : memref<256x4096xf32, #tpu.memory_space<vmem>>, vector<256x256xf32>,
            %le3A_570 = arith.constant 2 : i32
            %le3A_571 = vector.broadcast %le3A_570 : i32 to vector<256x256xi32>
            %le3A_572 = arith.cmpi sle, %add3A_288, %le3A_571 : vector<256x256xi32>
            %jit3A_573 = arith.constant 1.000000e+00 : f32
            %jit3A_574 = arith.constant 0.000000e+00 : f32
            %broadcast_in_dim3A_575 = vector.broadcast %jit3A_573 : f32 to vector<256x256xf32>
            %broadcast_in_dim3A_576 = vector.broadcast %jit3A_574 : f32 to vector<256x256xf32>
            %select_n3A_577 = arith.select %le3A_572, %broadcast_in_dim3A_575, %broadcast_in_dim3A_576 : vector<256x256xi1>, vector<256x256xf32>
            %get3A_578 = arith.constant 0 : index
            %get3A_579 = arith.constant 512 : index
            %get3A_580 = vector.load %arg7[%get3A_578, %get3A_579] : memref<256x4096xf32, #tpu.memory_space<vmem>>, vector<256x256xf32>
            %add3A_581 = arith.addf %get3A_580, %select_n3A_577 : vector<256x256xf32>
            %swap3A_582 = arith.constant 0 : index
            %swap3A_583 = arith.constant 512 : index
            %swap3A_584 = vector.load %arg7[%swap3A_582, %swap3A_583] : memref<256x4096xf32, #tpu.memory_space<vmem>>, vector<256x256xf32>
            tpu.vector_store %arg7[%swap3A_582, %swap3A_583], %add3A_581 {strides = array<i32>} : memref<256x4096xf32, #tpu.memory_space<vmem>>, vector<256x256xf32>,
            %le3A_585 = arith.constant 3 : i32
            %le3A_586 = vector.broadcast %le3A_585 : i32 to vector<256x256xi32>
            %le3A_587 = arith.cmpi sle, %add3A_288, %le3A_586 : vector<256x256xi32>
            %jit3A_588 = arith.constant 1.000000e+00 : f32
            %jit3A_589 = arith.constant 0.000000e+00 : f32
            %broadcast_in_dim3A_590 = vector.broadcast %jit3A_588 : f32 to vector<256x256xf32>
            %broadcast_in_dim3A_591 = vector.broadcast %jit3A_589 : f32 to vector<256x256xf32>
            %select_n3A_592 = arith.select %le3A_587, %broadcast_in_dim3A_590, %broadcast_in_dim3A_591 : vector<256x256xi1>, vector<256x256xf32>
            %get3A_593 = arith.constant 0 : index
            %get3A_594 = arith.constant 768 : index
            %get3A_595 = vector.load %arg7[%get3A_593, %get3A_594] : memref<256x4096xf32, #tpu.memory_space<vmem>>, vector<256x256xf32>
            %add3A_596 = arith.addf %get3A_595, %select_n3A_592 : vector<256x256xf32>
            %swap3A_597 = arith.constant 0 : index
            %swap3A_598 = arith.constant 768 : index
            %swap3A_599 = vector.load %arg7[%swap3A_597, %swap3A_598] : memref<256x4096xf32, #tpu.memory_space<vmem>>, vector<256x256xf32>
            tpu.vector_store %arg7[%swap3A_597, %swap3A_598], %add3A_596 {strides = array<i32>} : memref<256x4096xf32, #tpu.memory_space<vmem>>, vector<256x256xf32>,
            %le3A_600 = arith.constant 4 : i32
            %le3A_601 = vector.broadcast %le3A_600 : i32 to vector<256x256xi32>
            %le3A_602 = arith.cmpi sle, %add3A_288, %le3A_601 : vector<256x256xi32>
            %jit3A_603 = arith.constant 1.000000e+00 : f32
            %jit3A_604 = arith.constant 0.000000e+00 : f32
            %broadcast_in_dim3A_605 = vector.broadcast %jit3A_603 : f32 to vector<256x256xf32>
            %broadcast_in_dim3A_606 = vector.broadcast %jit3A_604 : f32 to vector<256x256xf32>
            %select_n3A_607 = arith.select %le3A_602, %broadcast_in_dim3A_605, %broadcast_in_dim3A_606 : vector<256x256xi1>, vector<256x256xf32>
            %get3A_608 = arith.constant 0 : index
            %get3A_609 = arith.constant 1024 : index
            %get3A_610 = vector.load %arg7[%get3A_608, %get3A_609] : memref<256x4096xf32, #tpu.memory_space<vmem>>, vector<256x256xf32>
            %add3A_611 = arith.addf %get3A_610, %select_n3A_607 : vector<256x256xf32>
            %swap3A_612 = arith.constant 0 : index
            %swap3A_613 = arith.constant 1024 : index
            %swap3A_614 = vector.load %arg7[%swap3A_612, %swap3A_613] : memref<256x4096xf32, #tpu.memory_space<vmem>>, vector<256x256xf32>
            tpu.vector_store %arg7[%swap3A_612, %swap3A_613], %add3A_611 {strides = array<i32>} : memref<256x4096xf32, #tpu.memory_space<vmem>>, vector<256x256xf32>,
            %le3A_615 = arith.constant 5 : i32
            %le3A_616 = vector.broadcast %le3A_615 : i32 to vector<256x256xi32>
            %le3A_617 = arith.cmpi sle, %add3A_288, %le3A_616 : vector<256x256xi32>
            %jit3A_618 = arith.constant 1.000000e+00 : f32
            %jit3A_619 = arith.constant 0.000000e+00 : f32
            %broadcast_in_dim3A_620 = vector.broadcast %jit3A_618 : f32 to vector<256x256xf32>
            %broadcast_in_dim3A_621 = vector.broadcast %jit3A_619 : f32 to vector<256x256xf32>
            %select_n3A_622 = arith.select %le3A_617, %broadcast_in_dim3A_620, %broadcast_in_dim3A_621 : vector<256x256xi1>, vector<256x256xf32>
            %get3A_623 = arith.constant 0 : index
            %get3A_624 = arith.constant 1280 : index
            %get3A_625 = vector.load %arg7[%get3A_623, %get3A_624] : memref<256x4096xf32, #tpu.memory_space<vmem>>, vector<256x256xf32>
            %add3A_626 = arith.addf %get3A_625, %select_n3A_622 : vector<256x256xf32>
            %swap3A_627 = arith.constant 0 : index
            %swap3A_628 = arith.constant 1280 : index
            %swap3A_629 = vector.load %arg7[%swap3A_627, %swap3A_628] : memref<256x4096xf32, #tpu.memory_space<vmem>>, vector<256x256xf32>
            tpu.vector_store %arg7[%swap3A_627, %swap3A_628], %add3A_626 {strides = array<i32>} : memref<256x4096xf32, #tpu.memory_space<vmem>>, vector<256x256xf32>,
            %le3A_630 = arith.constant 6 : i32
            %le3A_631 = vector.broadcast %le3A_630 : i32 to vector<256x256xi32>
            %le3A_632 = arith.cmpi sle, %add3A_288, %le3A_631 : vector<256x256xi32>
            %jit3A_633 = arith.constant 1.000000e+00 : f32
            %jit3A_634 = arith.constant 0.000000e+00 : f32
            %broadcast_in_dim3A_635 = vector.broadcast %jit3A_633 : f32 to vector<256x256xf32>
            %broadcast_in_dim3A_636 = vector.broadcast %jit3A_634 : f32 to vector<256x256xf32>
            %select_n3A_637 = arith.select %le3A_632, %broadcast_in_dim3A_635, %broadcast_in_dim3A_636 : vector<256x256xi1>, vector<256x256xf32>
            %get3A_638 = arith.constant 0 : index
            %get3A_639 = arith.constant 1536 : index
            %get3A_640 = vector.load %arg7[%get3A_638, %get3A_639] : memref<256x4096xf32, #tpu.memory_space<vmem>>, vector<256x256xf32>
            %add3A_641 = arith.addf %get3A_640, %select_n3A_637 : vector<256x256xf32>
            %swap3A_642 = arith.constant 0 : index
            %swap3A_643 = arith.constant 1536 : index
            %swap3A_644 = vector.load %arg7[%swap3A_642, %swap3A_643] : memref<256x4096xf32, #tpu.memory_space<vmem>>, vector<256x256xf32>
            tpu.vector_store %arg7[%swap3A_642, %swap3A_643], %add3A_641 {strides = array<i32>} : memref<256x4096xf32, #tpu.memory_space<vmem>>, vector<256x256xf32>,
            %le3A_645 = arith.constant 7 : i32
            %le3A_646 = vector.broadcast %le3A_645 : i32 to vector<256x256xi32>
            %le3A_647 = arith.cmpi sle, %add3A_288, %le3A_646 : vector<256x256xi32>
            %jit3A_648 = arith.constant 1.000000e+00 : f32
            %jit3A_649 = arith.constant 0.000000e+00 : f32
            %broadcast_in_dim3A_650 = vector.broadcast %jit3A_648 : f32 to vector<256x256xf32>
            %broadcast_in_dim3A_651 = vector.broadcast %jit3A_649 : f32 to vector<256x256xf32>
            %select_n3A_652 = arith.select %le3A_647, %broadcast_in_dim3A_650, %broadcast_in_dim3A_651 : vector<256x256xi1>, vector<256x256xf32>
            %get3A_653 = arith.constant 0 : index
            %get3A_654 = arith.constant 1792 : index
            %get3A_655 = vector.load %arg7[%get3A_653, %get3A_654] : memref<256x4096xf32, #tpu.memory_space<vmem>>, vector<256x256xf32>
            %add3A_656 = arith.addf %get3A_655, %select_n3A_652 : vector<256x256xf32>
            %swap3A_657 = arith.constant 0 : index
            %swap3A_658 = arith.constant 1792 : index
            %swap3A_659 = vector.load %arg7[%swap3A_657, %swap3A_658] : memref<256x4096xf32, #tpu.memory_space<vmem>>, vector<256x256xf32>
            tpu.vector_store %arg7[%swap3A_657, %swap3A_658], %add3A_656 {strides = array<i32>} : memref<256x4096xf32, #tpu.memory_space<vmem>>, vector<256x256xf32>,
            %le3A_660 = arith.constant 8 : i32
            %le3A_661 = vector.broadcast %le3A_660 : i32 to vector<256x256xi32>
            %le3A_662 = arith.cmpi sle, %add3A_288, %le3A_661 : vector<256x256xi32>
            %jit3A_663 = arith.constant 1.000000e+00 : f32
            %jit3A_664 = arith.constant 0.000000e+00 : f32
            %broadcast_in_dim3A_665 = vector.broadcast %jit3A_663 : f32 to vector<256x256xf32>
            %broadcast_in_dim3A_666 = vector.broadcast %jit3A_664 : f32 to vector<256x256xf32>
            %select_n3A_667 = arith.select %le3A_662, %broadcast_in_dim3A_665, %broadcast_in_dim3A_666 : vector<256x256xi1>, vector<256x256xf32>
            %get3A_668 = arith.constant 0 : index
            %get3A_669 = arith.constant 2048 : index
            %get3A_670 = vector.load %arg7[%get3A_668, %get3A_669] : memref<256x4096xf32, #tpu.memory_space<vmem>>, vector<256x256xf32>
            %add3A_671 = arith.addf %get3A_670, %select_n3A_667 : vector<256x256xf32>
            %swap3A_672 = arith.constant 0 : index
            %swap3A_673 = arith.constant 2048 : index
            %swap3A_674 = vector.load %arg7[%swap3A_672, %swap3A_673] : memref<256x4096xf32, #tpu.memory_space<vmem>>, vector<256x256xf32>
            tpu.vector_store %arg7[%swap3A_672, %swap3A_673], %add3A_671 {strides = array<i32>} : memref<256x4096xf32, #tpu.memory_space<vmem>>, vector<256x256xf32>,
            %le3A_675 = arith.constant 9 : i32
            %le3A_676 = vector.broadcast %le3A_675 : i32 to vector<256x256xi32>
            %le3A_677 = arith.cmpi sle, %add3A_288, %le3A_676 : vector<256x256xi32>
            %jit3A_678 = arith.constant 1.000000e+00 : f32
            %jit3A_679 = arith.constant 0.000000e+00 : f32
            %broadcast_in_dim3A_680 = vector.broadcast %jit3A_678 : f32 to vector<256x256xf32>
            %broadcast_in_dim3A_681 = vector.broadcast %jit3A_679 : f32 to vector<256x256xf32>
            %select_n3A_682 = arith.select %le3A_677, %broadcast_in_dim3A_680, %broadcast_in_dim3A_681 : vector<256x256xi1>, vector<256x256xf32>
            %get3A_683 = arith.constant 0 : index
            %get3A_684 = arith.constant 2304 : index
            %get3A_685 = vector.load %arg7[%get3A_683, %get3A_684] : memref<256x4096xf32, #tpu.memory_space<vmem>>, vector<256x256xf32>
            %add3A_686 = arith.addf %get3A_685, %select_n3A_682 : vector<256x256xf32>
            %swap3A_687 = arith.constant 0 : index
            %swap3A_688 = arith.constant 2304 : index
            %swap3A_689 = vector.load %arg7[%swap3A_687, %swap3A_688] : memref<256x4096xf32, #tpu.memory_space<vmem>>, vector<256x256xf32>
            tpu.vector_store %arg7[%swap3A_687, %swap3A_688], %add3A_686 {strides = array<i32>} : memref<256x4096xf32, #tpu.memory_space<vmem>>, vector<256x256xf32>,
            %le3A_690 = arith.constant 10 : i32
            %le3A_691 = vector.broadcast %le3A_690 : i32 to vector<256x256xi32>
            %le3A_692 = arith.cmpi sle, %add3A_288, %le3A_691 : vector<256x256xi32>
            %jit3A_693 = arith.constant 1.000000e+00 : f32
            %jit3A_694 = arith.constant 0.000000e+00 : f32
            %broadcast_in_dim3A_695 = vector.broadcast %jit3A_693 : f32 to vector<256x256xf32>
            %broadcast_in_dim3A_696 = vector.broadcast %jit3A_694 : f32 to vector<256x256xf32>
            %select_n3A_697 = arith.select %le3A_692, %broadcast_in_dim3A_695, %broadcast_in_dim3A_696 : vector<256x256xi1>, vector<256x256xf32>
            %get3A_698 = arith.constant 0 : index
            %get3A_699 = arith.constant 2560 : index
            %get3A_700 = vector.load %arg7[%get3A_698, %get3A_699] : memref<256x4096xf32, #tpu.memory_space<vmem>>, vector<256x256xf32>
            %add3A_701 = arith.addf %get3A_700, %select_n3A_697 : vector<256x256xf32>
            %swap3A_702 = arith.constant 0 : index
            %swap3A_703 = arith.constant 2560 : index
            %swap3A_704 = vector.load %arg7[%swap3A_702, %swap3A_703] : memref<256x4096xf32, #tpu.memory_space<vmem>>, vector<256x256xf32>
            tpu.vector_store %arg7[%swap3A_702, %swap3A_703], %add3A_701 {strides = array<i32>} : memref<256x4096xf32, #tpu.memory_space<vmem>>, vector<256x256xf32>,
            %le3A_705 = arith.constant 11 : i32
            %le3A_706 = vector.broadcast %le3A_705 : i32 to vector<256x256xi32>
            %le3A_707 = arith.cmpi sle, %add3A_288, %le3A_706 : vector<256x256xi32>
            %jit3A_708 = arith.constant 1.000000e+00 : f32
            %jit3A_709 = arith.constant 0.000000e+00 : f32
            %broadcast_in_dim3A_710 = vector.broadcast %jit3A_708 : f32 to vector<256x256xf32>
            %broadcast_in_dim3A_711 = vector.broadcast %jit3A_709 : f32 to vector<256x256xf32>
            %select_n3A_712 = arith.select %le3A_707, %broadcast_in_dim3A_710, %broadcast_in_dim3A_711 : vector<256x256xi1>, vector<256x256xf32>
            %get3A_713 = arith.constant 0 : index
            %get3A_714 = arith.constant 2816 : index
            %get3A_715 = vector.load %arg7[%get3A_713, %get3A_714] : memref<256x4096xf32, #tpu.memory_space<vmem>>, vector<256x256xf32>
            %add3A_716 = arith.addf %get3A_715, %select_n3A_712 : vector<256x256xf32>
            %swap3A_717 = arith.constant 0 : index
            %swap3A_718 = arith.constant 2816 : index
            %swap3A_719 = vector.load %arg7[%swap3A_717, %swap3A_718] : memref<256x4096xf32, #tpu.memory_space<vmem>>, vector<256x256xf32>
            tpu.vector_store %arg7[%swap3A_717, %swap3A_718], %add3A_716 {strides = array<i32>} : memref<256x4096xf32, #tpu.memory_space<vmem>>, vector<256x256xf32>,
            %le3A_720 = arith.constant 12 : i32
            %le3A_721 = vector.broadcast %le3A_720 : i32 to vector<256x256xi32>
            %le3A_722 = arith.cmpi sle, %add3A_288, %le3A_721 : vector<256x256xi32>
            %jit3A_723 = arith.constant 1.000000e+00 : f32
            %jit3A_724 = arith.constant 0.000000e+00 : f32
            %broadcast_in_dim3A_725 = vector.broadcast %jit3A_723 : f32 to vector<256x256xf32>
            %broadcast_in_dim3A_726 = vector.broadcast %jit3A_724 : f32 to vector<256x256xf32>
            %select_n3A_727 = arith.select %le3A_722, %broadcast_in_dim3A_725, %broadcast_in_dim3A_726 : vector<256x256xi1>, vector<256x256xf32>
            %get3A_728 = arith.constant 0 : index
            %get3A_729 = arith.constant 3072 : index
            %get3A_730 = vector.load %arg7[%get3A_728, %get3A_729] : memref<256x4096xf32, #tpu.memory_space<vmem>>, vector<256x256xf32>
            %add3A_731 = arith.addf %get3A_730, %select_n3A_727 : vector<256x256xf32>
            %swap3A_732 = arith.constant 0 : index
            %swap3A_733 = arith.constant 3072 : index
            %swap3A_734 = vector.load %arg7[%swap3A_732, %swap3A_733] : memref<256x4096xf32, #tpu.memory_space<vmem>>, vector<256x256xf32>
            tpu.vector_store %arg7[%swap3A_732, %swap3A_733], %add3A_731 {strides = array<i32>} : memref<256x4096xf32, #tpu.memory_space<vmem>>, vector<256x256xf32>,
            %le3A_735 = arith.constant 13 : i32
            %le3A_736 = vector.broadcast %le3A_735 : i32 to vector<256x256xi32>
            %le3A_737 = arith.cmpi sle, %add3A_288, %le3A_736 : vector<256x256xi32>
            %jit3A_738 = arith.constant 1.000000e+00 : f32
            %jit3A_739 = arith.constant 0.000000e+00 : f32
            %broadcast_in_dim3A_740 = vector.broadcast %jit3A_738 : f32 to vector<256x256xf32>
            %broadcast_in_dim3A_741 = vector.broadcast %jit3A_739 : f32 to vector<256x256xf32>
            %select_n3A_742 = arith.select %le3A_737, %broadcast_in_dim3A_740, %broadcast_in_dim3A_741 : vector<256x256xi1>, vector<256x256xf32>
            %get3A_743 = arith.constant 0 : index
            %get3A_744 = arith.constant 3328 : index
            %get3A_745 = vector.load %arg7[%get3A_743, %get3A_744] : memref<256x4096xf32, #tpu.memory_space<vmem>>, vector<256x256xf32>
            %add3A_746 = arith.addf %get3A_745, %select_n3A_742 : vector<256x256xf32>
            %swap3A_747 = arith.constant 0 : index
            %swap3A_748 = arith.constant 3328 : index
            %swap3A_749 = vector.load %arg7[%swap3A_747, %swap3A_748] : memref<256x4096xf32, #tpu.memory_space<vmem>>, vector<256x256xf32>
            tpu.vector_store %arg7[%swap3A_747, %swap3A_748], %add3A_746 {strides = array<i32>} : memref<256x4096xf32, #tpu.memory_space<vmem>>, vector<256x256xf32>,
            %le3A_750 = arith.constant 14 : i32
            %le3A_751 = vector.broadcast %le3A_750 : i32 to vector<256x256xi32>
            %le3A_752 = arith.cmpi sle, %add3A_288, %le3A_751 : vector<256x256xi32>
            %jit3A_753 = arith.constant 1.000000e+00 : f32
            %jit3A_754 = arith.constant 0.000000e+00 : f32
            %broadcast_in_dim3A_755 = vector.broadcast %jit3A_753 : f32 to vector<256x256xf32>
            %broadcast_in_dim3A_756 = vector.broadcast %jit3A_754 : f32 to vector<256x256xf32>
            %select_n3A_757 = arith.select %le3A_752, %broadcast_in_dim3A_755, %broadcast_in_dim3A_756 : vector<256x256xi1>, vector<256x256xf32>
            %get3A_758 = arith.constant 0 : index
            %get3A_759 = arith.constant 3584 : index
            %get3A_760 = vector.load %arg7[%get3A_758, %get3A_759] : memref<256x4096xf32, #tpu.memory_space<vmem>>, vector<256x256xf32>
            %add3A_761 = arith.addf %get3A_760, %select_n3A_757 : vector<256x256xf32>
            %swap3A_762 = arith.constant 0 : index
            %swap3A_763 = arith.constant 3584 : index
            %swap3A_764 = vector.load %arg7[%swap3A_762, %swap3A_763] : memref<256x4096xf32, #tpu.memory_space<vmem>>, vector<256x256xf32>
            tpu.vector_store %arg7[%swap3A_762, %swap3A_763], %add3A_761 {strides = array<i32>} : memref<256x4096xf32, #tpu.memory_space<vmem>>, vector<256x256xf32>,
            %le3A_765 = arith.constant 15 : i32
            %le3A_766 = vector.broadcast %le3A_765 : i32 to vector<256x256xi32>
            %le3A_767 = arith.cmpi sle, %add3A_288, %le3A_766 : vector<256x256xi32>
            %jit3A_768 = arith.constant 1.000000e+00 : f32
            %jit3A_769 = arith.constant 0.000000e+00 : f32
            %broadcast_in_dim3A_770 = vector.broadcast %jit3A_768 : f32 to vector<256x256xf32>
            %broadcast_in_dim3A_771 = vector.broadcast %jit3A_769 : f32 to vector<256x256xf32>
            %select_n3A_772 = arith.select %le3A_767, %broadcast_in_dim3A_770, %broadcast_in_dim3A_771 : vector<256x256xi1>, vector<256x256xf32>
            %get3A_773 = arith.constant 0 : index
            %get3A_774 = arith.constant 3840 : index
            %get3A_775 = vector.load %arg7[%get3A_773, %get3A_774] : memref<256x4096xf32, #tpu.memory_space<vmem>>, vector<256x256xf32>
            %add3A_776 = arith.addf %get3A_775, %select_n3A_772 : vector<256x256xf32>
            %swap3A_777 = arith.constant 0 : index
            %swap3A_778 = arith.constant 3840 : index
            %swap3A_779 = vector.load %arg7[%swap3A_777, %swap3A_778] : memref<256x4096xf32, #tpu.memory_space<vmem>>, vector<256x256xf32>
            tpu.vector_store %arg7[%swap3A_777, %swap3A_778], %add3A_776 {strides = array<i32>} : memref<256x4096xf32, #tpu.memory_space<vmem>>, vector<256x256xf32>,
          } else {
          }
          %slice3A_538 = vector.extract_strided_slice %add3A_252 {offsets = [0, 255], sizes = [256, 1], strides = [1, 1]} : vector<256x256xi32> to vector<256x1xi32>
          %slice3A_539 = vector.extract_strided_slice %add3A_288 {offsets = [0, 255], sizes = [256, 1], strides = [1, 1]} : vector<256x256xi32> to vector<256x1xi32>
          scf.yield %slice3A_538, %slice3A_539 : vector<256x1xi32>, vector<256x1xi32>
        } else {
          scf.yield %cond3A_183#0, %cond3A_183#1 : vector<256x1xi32>, vector<256x1xi32>
        }
        scf.yield %cond3A_194#0, %cond3A_194#1 : vector<256x1xi32>, vector<256x1xi32>
      } else {
        scf.yield %scan3A_91, %scan3A_92 : vector<256x1xi32>, vector<256x1xi32>
      }
      scf.yield %cond3A_101#0, %cond3A_101#1 : vector<256x1xi32>, vector<256x1xi32>
    }
    %scan3A_24 = arith.constant 8 : i32
    %iota3A_25 = tpu.iota {dimensions = array<i32: 0>} : vector<4096x16xi32>
    %jit3A = arith.constant 256 : i32
    %div3A = vector.broadcast %jit3A : i32 to vector<4096x16xi32>
    %div3A_26 = arith.divsi %iota3A_25, %div3A : vector<4096x16xi32>
    %sign3A = arith.constant 0 : i32
    %sign3A_27 = vector.broadcast %sign3A : i32 to vector<4096x16xi32>
    %sign3A_28 = arith.cmpi sgt, %iota3A_25, %sign3A_27 : vector<4096x16xi32>
    %sign3A_29 = arith.extui %sign3A_28 : vector<4096x16xi1> to vector<4096x16xi32>
    %sign3A_30 = arith.constant 0 : i32
    %sign3A_31 = vector.broadcast %sign3A_30 : i32 to vector<4096x16xi32>
    %sign3A_32 = arith.cmpi slt, %iota3A_25, %sign3A_31 : vector<4096x16xi32>
    %sign3A_33 = arith.extui %sign3A_32 : vector<4096x16xi1> to vector<4096x16xi32>
    %sign3A_34 = arith.subi %sign3A_29, %sign3A_33 : vector<4096x16xi32>
    %sign3A_35 = arith.constant 0 : i32
    %sign3A_36 = arith.cmpi sgt, %jit3A, %sign3A_35 : i32
    %sign3A_37 = arith.extui %sign3A_36 : i1 to i32
    %sign3A_38 = arith.constant 0 : i32
    %sign3A_39 = arith.cmpi slt, %jit3A, %sign3A_38 : i32
    %sign3A_40 = arith.extui %sign3A_39 : i1 to i32
    %sign3A_41 = arith.subi %sign3A_37, %sign3A_40 : i32
    %ne3A = vector.broadcast %sign3A_41 : i32 to vector<4096x16xi32>
    %ne3A_42 = arith.cmpi ne, %sign3A_34, %ne3A : vector<4096x16xi32>
    %rem3A = vector.broadcast %jit3A : i32 to vector<4096x16xi32>
    %rem3A_43 = arith.remsi %iota3A_25, %rem3A : vector<4096x16xi32>
    %ne3A_44 = arith.constant 0 : i32
    %ne3A_45 = vector.broadcast %ne3A_44 : i32 to vector<4096x16xi32>
    %ne3A_46 = arith.cmpi ne, %rem3A_43, %ne3A_45 : vector<4096x16xi32>
    %and3A = arith.andi %ne3A_42, %ne3A_46 : vector<4096x16xi1>
    %sub3A = arith.constant 1 : i32
    %sub3A_47 = vector.broadcast %sub3A : i32 to vector<4096x16xi32>
    %sub3A_48 = arith.subi %div3A_26, %sub3A_47 : vector<4096x16xi32>
    %select_n3A = arith.select %and3A, %sub3A_48, %div3A_26 : vector<4096x16xi1>, vector<4096x16xi32>
    %iota3A_49 = tpu.iota {dimensions = array<i32: 1>} : vector<4096x16xi32>
    %eq3A = arith.cmpi eq, %select_n3A, %iota3A_49 : vector<4096x16xi32>
    %convert_element_type3A = arith.extui %eq3A : vector<4096x16xi1> to vector<4096x16xi32>
    %convert_element_type3A_50 = arith.sitofp %convert_element_type3A : vector<4096x16xi32> to vector<4096x16xf32>
    %convert_element_type3A_51 = arith.truncf %convert_element_type3A_50 : vector<4096x16xf32> to vector<4096x16xbf16>
    %get3A_52 = arith.constant 0 : index
    %get3A_53 = arith.constant 0 : index
    %get3A_54 = vector.load %arg6[%get3A_52, %get3A_53] : memref<256x4096xf32, #tpu.memory_space<vmem>>, vector<256x4096xf32>
    %convert_element_type3A_55 = arith.truncf %get3A_54 : vector<256x4096xf32> to vector<256x4096xbf16>
    %dot_general3A = arith.constant dense<0.000000e+00> : vector<256x16xf32>
    %dot_general3A_56 = tpu.matmul %convert_element_type3A_55, %convert_element_type3A_51, %dot_general3A {dimension_numbers = #tpu.dot_dimension_numbers<[1], [0], [0], [1], [0, 0, 1, 1], [], []>, transpose_lhs_hint = false} : vector<256x4096xbf16>, vector<4096x16xbf16>, vector<256x16xf32> -> vector<256x16xf32>
    %convert_element_type3A_57 = arith.fptosi %dot_general3A_56 : vector<256x16xf32> to vector<256x16xi32>
    %get3A_58 = arith.constant 0 : index
    %get3A_59 = arith.constant 0 : index
    %get3A_60 = vector.load %arg7[%get3A_58, %get3A_59] : memref<256x4096xf32, #tpu.memory_space<vmem>>, vector<256x4096xf32>
    %convert_element_type3A_61 = arith.truncf %get3A_60 : vector<256x4096xf32> to vector<256x4096xbf16>
    %dot_general3A_62 = arith.constant dense<0.000000e+00> : vector<256x16xf32>
    %dot_general3A_63 = tpu.matmul %convert_element_type3A_61, %convert_element_type3A_51, %dot_general3A_62 {dimension_numbers = #tpu.dot_dimension_numbers<[1], [0], [0], [1], [0, 0, 1, 1], [], []>, transpose_lhs_hint = false} : vector<256x4096xbf16>, vector<4096x16xbf16>, vector<256x16xf32> -> vector<256x16xf32>
    %convert_element_type3A_64 = arith.fptosi %dot_general3A_63 : vector<256x16xf32> to vector<256x16xi32>
    %min3A = arith.constant 16 : i32
    %min3A_65 = vector.broadcast %min3A : i32 to vector<256x1xi32>
    %min3A_66 = arith.minsi %scan3A_23#0, %min3A_65 : vector<256x1xi32>
    %min3A_67 = arith.constant 16 : i32
    %min3A_68 = vector.broadcast %min3A_67 : i32 to vector<256x1xi32>
    %min3A_69 = arith.minsi %scan3A_23#1, %min3A_68 : vector<256x1xi32>
    %lt3A = vector.broadcast %iota3A : vector<1x16xi32> to vector<256x16xi32>
    %lt3A_70 = vector.broadcast %min3A_66 : vector<256x1xi32> to vector<256x16xi32>
    %lt3A_71 = arith.cmpi slt, %lt3A, %lt3A_70 : vector<256x16xi32>
    %jit3A_72 = arith.constant 0 : i32
    %broadcast_in_dim3A_73 = vector.broadcast %jit3A_72 : i32 to vector<256x16xi32>
    %select_n3A_74 = arith.select %lt3A_71, %convert_element_type3A_57, %broadcast_in_dim3A_73 : vector<256x16xi1>, vector<256x16xi32>
    %swap3A_75 = arith.constant 0 : index
    %swap3A_76 = arith.constant 0 : index
    %swap3A_77 = vector.load %arg3[%swap3A_75, %swap3A_76] : memref<256x16xi32, #tpu.memory_space<vmem>>, vector<256x16xi32>
    tpu.vector_store %arg3[%swap3A_75, %swap3A_76], %select_n3A_74 {strides = array<i32>} : memref<256x16xi32, #tpu.memory_space<vmem>>, vector<256x16xi32>,
    %lt3A_78 = vector.broadcast %iota3A : vector<1x16xi32> to vector<256x16xi32>
    %lt3A_79 = vector.broadcast %min3A_69 : vector<256x1xi32> to vector<256x16xi32>
    %lt3A_80 = arith.cmpi slt, %lt3A_78, %lt3A_79 : vector<256x16xi32>
    %jit3A_81 = arith.constant 0 : i32
    %broadcast_in_dim3A_82 = vector.broadcast %jit3A_81 : i32 to vector<256x16xi32>
    %select_n3A_83 = arith.select %lt3A_80, %convert_element_type3A_64, %broadcast_in_dim3A_82 : vector<256x16xi1>, vector<256x16xi32>
    %swap3A_84 = arith.constant 0 : index
    %swap3A_85 = arith.constant 0 : index
    %swap3A_86 = vector.load %arg4[%swap3A_84, %swap3A_85] : memref<256x16xi32, #tpu.memory_space<vmem>>, vector<256x16xi32>
    tpu.vector_store %arg4[%swap3A_84, %swap3A_85], %select_n3A_83 {strides = array<i32>} : memref<256x16xi32, #tpu.memory_space<vmem>>, vector<256x16xi32>,
    %concatenate3A = tpu.concatenate %min3A_66, %min3A_69 in 1 : vector<256x1xi32>, vector<256x1xi32> -> vector<256x2xi32>
    %swap3A_87 = arith.constant 0 : index
    %swap3A_88 = arith.constant 0 : index
    %swap3A_89 = vector.load %arg5[%swap3A_87, %swap3A_88] : memref<256x2xi32, #tpu.memory_space<vmem>>, vector<256x2xi32>
    tpu.vector_store %arg5[%swap3A_87, %swap3A_88], %concatenate3A {strides = array<i32>} : memref<256x2xi32, #tpu.memory_space<vmem>>, vector<256x2xi32>,
    return
  }
  func.func @transform_0(%arg0: i32) -> (i32, i32) {
    %c0_i32 = arith.constant 0 : i32
    %c0_i32_0 = arith.constant 0 : i32
    return %arg0, %c0_i32 : i32, i32
  }
  func.func @transform_1(%arg0: i32) -> (i32, i32, i32) {
    %c0_i32 = arith.constant 0 : i32
    %c0_i32_0 = arith.constant 0 : i32
    %c0_i32_1 = arith.constant 0 : i32
    %c0_i32_2 = arith.constant 0 : i32
    return %c0_i32, %c0_i32_0, %c0_i32_1 : i32, i32, i32
  }
  func.func @transform_2(%arg0: i32) -> (i32, i32) {
    %c0_i32 = arith.constant 0 : i32
    %c0_i32_0 = arith.constant 0 : i32
    return %arg0, %c0_i32 : i32, i32
  }
  func.func @transform_3(%arg0: i32) -> (i32, i32) {
    %c0_i32 = arith.constant 0 : i32
    %c0_i32_0 = arith.constant 0 : i32
    return %arg0, %c0_i32 : i32, i32
  }
  func.func @transform_4(%arg0: i32) -> (i32, i32) {
    %c0_i32 = arith.constant 0 : i32
    %c0_i32_0 = arith.constant 0 : i32
    return %arg0, %c0_i32 : i32, i32
  }
}

module attributes {stable_mosaic.version = 14 : i64} {
  func.func @_mlp_body(%arg0: i32, %arg1: memref<256x16x16xf32, #tpu.memory_space<vmem>>, %arg2: memref<256x16x16xf32, #tpu.memory_space<vmem>>, %arg3: memref<256x16xf32, #tpu.memory_space<vmem>>, %arg4: memref<256x2xi32, #tpu.memory_space<vmem>>, %arg5: memref<16x16xf32, #tpu.memory_space<vmem>>, %arg6: memref<16x16xf32, #tpu.memory_space<vmem>>, %arg7: memref<16x16xf32, #tpu.memory_space<vmem>>, %arg8: memref<16x32xf32, #tpu.memory_space<vmem>>, %arg9: memref<256x48xf32, #tpu.memory_space<vmem>>) attributes {dimension_semantics = [#tpu.dimension_semantics<arbitrary>], iteration_bounds = array<i64: 4>, scalar_prefetch = 0 : i64, scratch_operands = 0 : i64, tpu.core_type = #tpu.core_type<tc>, window_params = [{transform_indices = @transform_0, window_bounds = array<i64: 256, 16, 16>}, {transform_indices = @transform_1, window_bounds = array<i64: 256, 16, 16>}, {transform_indices = @transform_2, window_bounds = array<i64: 256, 16>}, {transform_indices = @transform_3, window_bounds = array<i64: 256, 2>}, {pipeline_mode = #tpu.pipeline_mode<synchronous>, transform_indices = @transform_4, window_bounds = array<i64: 16, 16>}, {pipeline_mode = #tpu.pipeline_mode<synchronous>, transform_indices = @transform_5, window_bounds = array<i64: 16, 16>}, {pipeline_mode = #tpu.pipeline_mode<synchronous>, transform_indices = @transform_6, window_bounds = array<i64: 16, 16>}, {pipeline_mode = #tpu.pipeline_mode<synchronous>, transform_indices = @transform_7, window_bounds = array<i64: 16, 32>}, {transform_indices = @transform_8, window_bounds = array<i64: 256, 48>}]} {
    %get3A = arith.constant 0 : index
    %get3A_0 = arith.constant 0 : index
    %get3A_1 = vector.load %arg3[%get3A, %get3A_0] : memref<256x16xf32, #tpu.memory_space<vmem>>, vector<256x16xf32>
    %iota3A = tpu.iota {dimensions = array<i32: 1>} : vector<256x16x1xi32>
    %get3A_2 = arith.constant 0 : index
    %get3A_3 = arith.constant 0 : index
    %get3A_4 = arith.constant 0 : index
    %get3A_5 = vector.load %arg1[%get3A_2, %get3A_3, %get3A_4] : memref<256x16x16xf32, #tpu.memory_space<vmem>>, vector<256x16x16xf32>
    %broadcast_in_dim3A = vector.shape_cast %get3A_1 : vector<256x16xf32> to vector<256x1x16xf32>
    %sub3A = vector.broadcast %broadcast_in_dim3A : vector<256x1x16xf32> to vector<256x16x16xf32>
    %sub3A_6 = arith.subf %get3A_5, %sub3A : vector<256x16x16xf32>
    %reshape3A = vector.shape_cast %sub3A_6 : vector<256x16x16xf32> to vector<4096x16xf32>
    %get3A_7 = arith.constant 0 : index
    %get3A_8 = arith.constant 0 : index
    %get3A_9 = vector.load %arg5[%get3A_7, %get3A_8] : memref<16x16xf32, #tpu.memory_space<vmem>>, vector<16x16xf32>
    %dot_general3A = arith.constant dense<0.000000e+00> : vector<4096x16xf32>
    %dot_general3A_10 = tpu.matmul %reshape3A, %get3A_9, %dot_general3A {dimension_numbers = #tpu.dot_dimension_numbers<[1], [0], [0], [1], [0, 0, 1, 1], [], []>, transpose_lhs_hint = false} : vector<4096x16xf32>, vector<16x16xf32>, vector<4096x16xf32> -> vector<4096x16xf32>
    %max3A = arith.constant 0.000000e+00 : f32
    %max3A_11 = vector.broadcast %max3A : f32 to vector<4096x16xf32>
    %max3A_12 = arith.maximumf %dot_general3A_10, %max3A_11 : vector<4096x16xf32>
    %get3A_13 = arith.constant 0 : index
    %get3A_14 = arith.constant 0 : index
    %get3A_15 = vector.load %arg6[%get3A_13, %get3A_14] : memref<16x16xf32, #tpu.memory_space<vmem>>, vector<16x16xf32>
    %dot_general3A_16 = arith.constant dense<0.000000e+00> : vector<4096x16xf32>
    %dot_general3A_17 = tpu.matmul %max3A_12, %get3A_15, %dot_general3A_16 {dimension_numbers = #tpu.dot_dimension_numbers<[1], [0], [0], [1], [0, 0, 1, 1], [], []>, transpose_lhs_hint = false} : vector<4096x16xf32>, vector<16x16xf32>, vector<4096x16xf32> -> vector<4096x16xf32>
    %max3A_18 = arith.constant 0.000000e+00 : f32
    %max3A_19 = vector.broadcast %max3A_18 : f32 to vector<4096x16xf32>
    %max3A_20 = arith.maximumf %dot_general3A_17, %max3A_19 : vector<4096x16xf32>
    %reshape3A_21 = vector.shape_cast %max3A_20 : vector<4096x16xf32> to vector<256x16x16xf32>
    %get3A_22 = arith.constant 0 : index
    %get3A_23 = arith.constant 0 : index
    %get3A_24 = vector.load %arg4[%get3A_22, %get3A_23] : memref<256x2xi32, #tpu.memory_space<vmem>>, vector<256x1xi32>
    %broadcast_in_dim3A_25 = vector.shape_cast %get3A_24 : vector<256x1xi32> to vector<256x1x1xi32>
    %lt3A = vector.broadcast %broadcast_in_dim3A_25 : vector<256x1x1xi32> to vector<256x16x1xi32>
    %lt3A_26 = arith.cmpi slt, %iota3A, %lt3A : vector<256x16x1xi32>
    %jit3A = arith.constant 0.000000e+00 : f32
    %broadcast_in_dim3A_27 = vector.shape_cast %lt3A_26 : vector<256x16x1xi1> to vector<256x16x1xi1>
    %broadcast_in_dim3A_28 = vector.broadcast %broadcast_in_dim3A_27 : vector<256x16x1xi1> to vector<256x16x16xi1>
    %broadcast_in_dim3A_29 = vector.broadcast %jit3A : f32 to vector<256x16x16xf32>
    %select_n3A = arith.select %broadcast_in_dim3A_28, %reshape3A_21, %broadcast_in_dim3A_29 : vector<256x16x16xi1>, vector<256x16x16xf32>
    %reduce_max3A = arith.constant dense<0xFF800000> : vector<256x16xf32>
    %reduce_max3A_30 = vector.multi_reduction <maximumf>, %select_n3A, %reduce_max3A [1] : vector<256x16x16xf32> to vector<256x16xf32>
    %get3A_31 = arith.constant 0 : index
    %get3A_32 = arith.constant 0 : index
    %get3A_33 = arith.constant 0 : index
    %get3A_34 = vector.load %arg2[%get3A_31, %get3A_32, %get3A_33] : memref<256x16x16xf32, #tpu.memory_space<vmem>>, vector<256x16x16xf32>
    %broadcast_in_dim3A_35 = vector.shape_cast %get3A_1 : vector<256x16xf32> to vector<256x1x16xf32>
    %sub3A_36 = vector.broadcast %broadcast_in_dim3A_35 : vector<256x1x16xf32> to vector<256x16x16xf32>
    %sub3A_37 = arith.subf %get3A_34, %sub3A_36 : vector<256x16x16xf32>
    %reshape3A_38 = vector.shape_cast %sub3A_37 : vector<256x16x16xf32> to vector<4096x16xf32>
    %get3A_39 = arith.constant 0 : index
    %get3A_40 = arith.constant 0 : index
    %get3A_41 = vector.load %arg7[%get3A_39, %get3A_40] : memref<16x16xf32, #tpu.memory_space<vmem>>, vector<16x16xf32>
    %dot_general3A_42 = arith.constant dense<0.000000e+00> : vector<4096x16xf32>
    %dot_general3A_43 = tpu.matmul %reshape3A_38, %get3A_41, %dot_general3A_42 {dimension_numbers = #tpu.dot_dimension_numbers<[1], [0], [0], [1], [0, 0, 1, 1], [], []>, transpose_lhs_hint = false} : vector<4096x16xf32>, vector<16x16xf32>, vector<4096x16xf32> -> vector<4096x16xf32>
    %max3A_44 = arith.constant 0.000000e+00 : f32
    %max3A_45 = vector.broadcast %max3A_44 : f32 to vector<4096x16xf32>
    %max3A_46 = arith.maximumf %dot_general3A_43, %max3A_45 : vector<4096x16xf32>
    %get3A_47 = arith.constant 0 : index
    %get3A_48 = arith.constant 0 : index
    %get3A_49 = vector.load %arg8[%get3A_47, %get3A_48] : memref<16x32xf32, #tpu.memory_space<vmem>>, vector<16x32xf32>
    %dot_general3A_50 = arith.constant dense<0.000000e+00> : vector<4096x32xf32>
    %dot_general3A_51 = tpu.matmul %max3A_46, %get3A_49, %dot_general3A_50 {dimension_numbers = #tpu.dot_dimension_numbers<[1], [0], [0], [1], [0, 0, 1, 1], [], []>, transpose_lhs_hint = false} : vector<4096x16xf32>, vector<16x32xf32>, vector<4096x32xf32> -> vector<4096x32xf32>
    %max3A_52 = arith.constant 0.000000e+00 : f32
    %max3A_53 = vector.broadcast %max3A_52 : f32 to vector<4096x32xf32>
    %max3A_54 = arith.maximumf %dot_general3A_51, %max3A_53 : vector<4096x32xf32>
    %reshape3A_55 = vector.shape_cast %max3A_54 : vector<4096x32xf32> to vector<256x16x32xf32>
    %get3A_56 = arith.constant 0 : index
    %get3A_57 = arith.constant 1 : index
    %get3A_58 = vector.load %arg4[%get3A_56, %get3A_57] : memref<256x2xi32, #tpu.memory_space<vmem>>, vector<256x1xi32>
    %broadcast_in_dim3A_59 = vector.shape_cast %get3A_58 : vector<256x1xi32> to vector<256x1x1xi32>
    %lt3A_60 = vector.broadcast %broadcast_in_dim3A_59 : vector<256x1x1xi32> to vector<256x16x1xi32>
    %lt3A_61 = arith.cmpi slt, %iota3A, %lt3A_60 : vector<256x16x1xi32>
    %jit3A_62 = arith.constant 0.000000e+00 : f32
    %broadcast_in_dim3A_63 = vector.shape_cast %lt3A_61 : vector<256x16x1xi1> to vector<256x16x1xi1>
    %broadcast_in_dim3A_64 = vector.broadcast %broadcast_in_dim3A_63 : vector<256x16x1xi1> to vector<256x16x32xi1>
    %broadcast_in_dim3A_65 = vector.broadcast %jit3A_62 : f32 to vector<256x16x32xf32>
    %select_n3A_66 = arith.select %broadcast_in_dim3A_64, %reshape3A_55, %broadcast_in_dim3A_65 : vector<256x16x32xi1>, vector<256x16x32xf32>
    %reduce_max3A_67 = arith.constant dense<0xFF800000> : vector<256x32xf32>
    %reduce_max3A_68 = vector.multi_reduction <maximumf>, %select_n3A_66, %reduce_max3A_67 [1] : vector<256x16x32xf32> to vector<256x32xf32>
    %concatenate3A = tpu.concatenate %reduce_max3A_30, %reduce_max3A_68 in 1 : vector<256x16xf32>, vector<256x32xf32> -> vector<256x48xf32>
    %swap3A = arith.constant 0 : index
    %swap3A_69 = arith.constant 0 : index
    %swap3A_70 = vector.load %arg9[%swap3A, %swap3A_69] : memref<256x48xf32, #tpu.memory_space<vmem>>, vector<256x48xf32>
    tpu.vector_store %arg9[%swap3A, %swap3A_69], %concatenate3A {strides = array<i32>} : memref<256x48xf32, #tpu.memory_space<vmem>>, vector<256x48xf32>,
    return
  }
  func.func @transform_0(%arg0: i32) -> (i32, i32, i32) {
    %c0_i32 = arith.constant 0 : i32
    %c0_i32_0 = arith.constant 0 : i32
    %c0_i32_1 = arith.constant 0 : i32
    return %arg0, %c0_i32, %c0_i32_0 : i32, i32, i32
  }
  func.func @transform_1(%arg0: i32) -> (i32, i32, i32) {
    %c0_i32 = arith.constant 0 : i32
    %c0_i32_0 = arith.constant 0 : i32
    %c0_i32_1 = arith.constant 0 : i32
    return %arg0, %c0_i32, %c0_i32_0 : i32, i32, i32
  }
  func.func @transform_2(%arg0: i32) -> (i32, i32) {
    %c0_i32 = arith.constant 0 : i32
    %c0_i32_0 = arith.constant 0 : i32
    return %arg0, %c0_i32 : i32, i32
  }
  func.func @transform_3(%arg0: i32) -> (i32, i32) {
    %c0_i32 = arith.constant 0 : i32
    %c0_i32_0 = arith.constant 0 : i32
    return %arg0, %c0_i32 : i32, i32
  }
  func.func @transform_4(%arg0: i32) -> (i32, i32) {
    %c0_i32 = arith.constant 0 : i32
    %c0_i32_0 = arith.constant 0 : i32
    %c0_i32_1 = arith.constant 0 : i32
    return %c0_i32, %c0_i32_0 : i32, i32
  }
  func.func @transform_5(%arg0: i32) -> (i32, i32) {
    %c0_i32 = arith.constant 0 : i32
    %c0_i32_0 = arith.constant 0 : i32
    %c0_i32_1 = arith.constant 0 : i32
    return %c0_i32, %c0_i32_0 : i32, i32
  }
  func.func @transform_6(%arg0: i32) -> (i32, i32) {
    %c0_i32 = arith.constant 0 : i32
    %c0_i32_0 = arith.constant 0 : i32
    %c0_i32_1 = arith.constant 0 : i32
    return %c0_i32, %c0_i32_0 : i32, i32
  }
  func.func @transform_7(%arg0: i32) -> (i32, i32) {
    %c0_i32 = arith.constant 0 : i32
    %c0_i32_0 = arith.constant 0 : i32
    %c0_i32_1 = arith.constant 0 : i32
    return %c0_i32, %c0_i32_0 : i32, i32
  }
  func.func @transform_8(%arg0: i32) -> (i32, i32) {
    %c0_i32 = arith.constant 0 : i32
    %c0_i32_0 = arith.constant 0 : i32
    return %arg0, %c0_i32 : i32, i32
  }
}

</mosaic_0001>

<sc_bundles>
// kernel: kernel.11.cloned.1.call-start
scs
__scs_entry_jumppad:
0x0: {  	(pc) =	sbr.rel $0x88, $3  }
0x1: {  	(tag) =	ssettag $0x0;
	lr =	simm.s32 $0x1  }
0x2: {  	[smem:$0x3F9B] =	sst lr;
	_ =	strace $0xD0000000  }
0x3: {  	_ = 	snop  }
0x4: {  	_ = 	snop  }
0x5: {  	_ = 	snop  }
0x6: {  	_ = 	snop  }
0x7: {  	_ = 	snop  }
__scs_overlays_trampoline_lowered:
0x8: {  	[smem:$0x3FAA] =	sst s0  }
0x9: {  	[smem:$0x3FAB] =	sst s1  }
0xa: {  	[smem:$0x3FAC] =	sst s2  }
0xb: {  	[smem:$0x3FAD] =	sst s3  }
0xc: {  	[smem:$0x3FAE] =	sst s4  }
0xd: {  	[smem:$0x3FAF] =	sst s5  }
0xe: {  	[smem:$0x3FB0] =	sst s6  }
0xf: {  	[smem:$0x3FB1] =	sst s7  }
0x10: {  	[smem:$0x3FB2] =	sst s8  }
0x11: {  	[smem:$0x3FB3] =	sst s9;
	s0 =	simm.s32 @!p0 $0x0  }
0x12: {  	s1 =	sld [smem:$0x3F99];
	s0 =	simm.s32 @p0 $0x1  }
0x13: {  	[smem:$0x3FB4] =	sst s0;
	s0 =	simm.s32 @!p1 $0x0  }
0x14: {  	s2 =	sld [smem:$0x3F98];
	s0 =	simm.s32 @p1 $0x1  }
0x15: {  	[smem:$0x3FB5] =	sst s0;
	s0 =	simm.s32 @!p2 $0x0  }
0x16: {  	s3 =	sld [smem:$0x3FDB];
	s0 =	simm.s32 @p2 $0x1  }
0x17: {  	s4 =	simm.s32 $0x1BF5;
	[smem:$0x3FB7] =	sst s0  }
0x18: {  	s0 =	sld [smem:$0x3F9A];
	_ =	swait.ge [sflag:s4], $0x0  }
0x19: {  	s7 =	sld [smem:$0x3F9B]  }
0x1a: {  	s8 =	sadd.s32 $0xFFFFE003, lr  }
0x1b: {  	s9 =	sadd.s32 $0xFFFFFEF7, lr;
	s5 =	simm.s32 $0xFFFFFFFF;
	p2 =	slt.u32 s8, $0xFFFFF086  }
0x1c: {  	p1 =	slt.u32 s9, $0xF7A;
	s5 =	simm.s32 @!p2 $0x0  }
0x1d: {  	s5 =	simm.s32 @p1 $0x1;
	p0 =	seq.s32 s7, s2  }
0x1e: {  	s7 =	smul.u32 @!p0 $0xF7A, s2;
	p2 =	seq.s32 @!p0 s5, $0x0  }
0x1f: {  	s9 =	smul.u32 $0xF7A, s1;
	s8 =	simm.s32 @!p0 $0x1BF5;
	p2 =	por !p2, p0  }
0x20: {  	[sflag:s8] =	ssyncset.s32 @!p0 $0xFFFFF086;
	s6 =	sadd.s32 @!p0 s3, s7;
	s7 =	simm.s32 @!p0 $0x108  }
0x21: {  	s3 =	sadd.s32 s3, s9;
	s6 =	sadd.s32 @!p0 $0x88, s6;
	s7 =	simm.s32 @p2 $0x1082  }
0x22: {  	[simem:s7], [sflag:s8] =	dma.local @!p0 [hbm:s6], $0xF7A  }
0x23: {  	s9 =	sor.u32 $0xD0000000, s2;
	s6 =	simm.s32 $0x108;
	_ =	swait.ge @!p0 [sflag:s8], $0x0  }
0x24: {  	s3 =	sadd.s32 $0x88, s3;
	s6 =	simm.s32 @!p1 $0x1082;
	[sflag:s4] =	ssyncset.s32 $0xFFFFF086  }
0x25: {  	[simem:s6], [sflag:s4] =	dma.local [hbm:s3], $0xF7A  }
0x26: {  	[smem:$0x3F9B] =	sst s1;
	(tag) =	ssettag s2;
	_ =	strace s9  }
0x27: {  	s1 =	sld [smem:$0x3FAB]  }
0x28: {  	s2 =	sld [smem:$0x3FAC]  }
0x29: {  	s4 =	sld [smem:$0x3FAE]  }
0x2a: {  	p0 =	seq.s32 s5, $0x0;
	s5 =	sld [smem:$0x3FAF]  }
0x2b: {  	s6 =	sld [smem:$0x3FB0]  }
0x2c: {  	s7 =	sld [smem:$0x3FB1]  }
0x2d: {  	s3 =	simm.s32 $0x108;
	s8 =	sld [smem:$0x3FB2]  }
0x2e: {  	s3 =	simm.s32 @!p0 $0x1082;
	s9 =	sld [smem:$0x3FB3]  }
0x2f: {  	lr =	sadd.s32 s0, s3;
	s0 =	sld [smem:$0x3FAA]  }
0x30: {  	s3 =	sld [smem:$0x3FAD]  }
0x31: {  	[smem:$0x3FB6] =	sst s10  }
0x32: {  	s10 =	sld [smem:$0x3FB4];
	_ =	sdelay $0x3  }
0x33: {  	p0 =	seq.s32 s10, $0x1;
	s10 =	sld [smem:$0x3FB6];
	_ =	sdelay $0x3  }
0x34: {  	[smem:$0x3FB6] =	sst s10  }
0x35: {  	s10 =	sld [smem:$0x3FB5];
	_ =	sdelay $0x3  }
0x36: {  	p1 =	seq.s32 s10, $0x1;
	s10 =	sld [smem:$0x3FB6];
	_ =	sdelay $0x3  }
0x37: {  	[smem:$0x3FB6] =	sst s10  }
0x38: {  	s10 =	sld [smem:$0x3FB7]  }
0x39: {  	_ = 	snop;
	(pc) =	sbr.ind lr, $3  }
0x3a: {  	_ = 	snop  }
0x3b: {  	_ = 	snop  }
0x3c: {  	p2 =	seq.s32 s10, $0x1;
	s10 =	sld [smem:$0x3FB6]  }
0x3d: {  	_ =	shalt  }
0x3e: {  	_ =	shalt  }
0x3f: {  	_ =	shalt  }
0x40: {  	_ =	shalt  }
0x41: {  	_ =	shalt  }
0x42: {  	_ =	shalt  }
0x43: {  	_ =	shalt  }
0x44: {  	_ =	shalt  }
0x45: {  	_ =	shalt  }
0x46: {  	_ =	shalt  }
0x47: {  	_ =	shalt  }
0x48: {  	_ =	shalt  }
0x49: {  	_ =	shalt  }
0x4a: {  	_ =	shalt  }
0x4b: {  	_ =	shalt  }
0x4c: {  	_ =	shalt  }
0x4d: {  	_ =	shalt  }
0x4e: {  	_ =	shalt  }
0x4f: {  	_ =	shalt  }
0x50: {  	_ =	shalt  }
0x51: {  	_ =	shalt  }
0x52: {  	_ =	shalt  }
0x53: {  	_ =	shalt  }
0x54: {  	_ =	shalt  }
0x55: {  	_ =	shalt  }
0x56: {  	_ =	shalt  }
0x57: {  	_ =	shalt  }
0x58: {  	_ =	shalt  }
0x59: {  	_ =	shalt  }
0x5a: {  	_ =	shalt  }
0x5b: {  	_ =	shalt  }
0x5c: {  	_ =	shalt  }
0x5d: {  	_ =	shalt  }
0x5e: {  	_ =	shalt  }
0x5f: {  	_ =	shalt  }
0x60: {  	_ =	shalt  }
0x61: {  	_ =	shalt  }
0x62: {  	_ =	shalt  }
0x63: {  	_ =	shalt  }
0x64: {  	_ =	shalt  }
0x65: {  	_ =	shalt  }
0x66: {  	_ =	shalt  }
0x67: {  	_ =	shalt  }
0x68: {  	_ =	shalt  }
0x69: {  	_ =	shalt  }
0x6a: {  	_ =	shalt  }
0x6b: {  	_ =	shalt  }
0x6c: {  	_ =	shalt  }
0x6d: {  	_ =	shalt  }
0x6e: {  	_ =	shalt  }
0x6f: {  	_ =	shalt  }
0x70: {  	_ =	shalt  }
0x71: {  	_ =	shalt  }
0x72: {  	_ =	shalt  }
0x73: {  	_ =	shalt  }
0x74: {  	_ =	shalt  }
0x75: {  	_ =	shalt  }
0x76: {  	_ =	shalt  }
0x77: {  	_ =	shalt  }
0x78: {  	_ =	shalt  }
0x79: {  	_ =	shalt  }
0x7a: {  	_ =	shalt  }
0x7b: {  	_ =	shalt  }
0x7c: {  	_ =	shalt  }
0x7d: {  	_ =	shalt  }
0x7e: {  	_ =	shalt  }
0x7f: {  	_ =	shalt  }
0x80: {  	_ =	shalt  }
0x81: {  	_ =	shalt  }
0x82: {  	_ =	shalt  }
0x83: {  	_ =	shalt  }
0x84: {  	_ =	shalt  }
0x85: {  	_ =	shalt  }
0x86: {  	_ =	shalt  }
0x87: {  	_ =	shalt  }
.Lfunc_end0:
.L_simem_size_0:
called_computation.1_lowered:
.L_overlay_start_0:
0x88: {  	s2 =	sld [smem:$0x3FD9]  }
0x89: {  	s3 =	sld [smem:$0x3FFE];
	_ =	sdelay $0x1  }
0x8a: {  	s1 =	srdreg.scid  }
0x8b: {  	s0 =	sand.u32 $0x1, s1  }
0x8c: {  	s17 =	sshll.u32 s0, $0xA;
	s2 =	sadd.s32 s3, s2  }
0x8d: {  	s2 =	sadd.s32 s2, s17  }
0x8e: {  	[smem:$0x3FC2] =	sst s2  }
0x8f: {  	_ = 	snop  }
0x90: {  	s18 =	sld [smem:$0x3FD0];
	(tm) =	ssettm $0x1  }
0x91: {  	s19 =	sld [smem:$0x3FFB];
	_ =	sdelay $0x3  }
0x92: {  	_ =	strace s19  }
0x93: {  	s2 =	sld [smem:$0x3FFC];
	_ =	sdelay $0x3  }
0x94: {  	_ =	strace s2  }
0x95: {  	s2 =	sld [smem:$0x3FFD];
	_ =	sdelay $0x3  }
0x96: {  	_ =	strace s2  }
0x97: {  	_ =	strace $0x8FFFFFFF  }
0x98: {  	s20 =	sld [smem:$0x3FDB];
	_ =	sdelay $0x1  }
0x99: {  	s4 =	simm.s32 $_scs_section_size  }
0x9a: {  	s5 =	simm.s32 $_size__tile_overlayer_lowered;
	s6 =	simm.s32 $_tile_overlayer_lowered  }
0x9b: {  	s7 =	simm.s32 $0x1BFF;
	s21 =	sshll.u32 s6, $0x1;
	s4 =	sadd.s32 s4, s20  }
0x9c: {  	s22 =	simm.s32 $0x0;
	s5 =	sshll.u32 s5, $0x1;
	s6 =	sadd.s32 s21, s4  }
0x9d: {  	[timem:s22], [sflag:s7] =	dma.local [hbm:s6], s5  }
0x9e: {  	_ =	swait.ge [sflag:s7], s5  }
0x9f: {  	s5 =	ssub.s32 $0x0, s5;
	[sflag:s7] =	ssyncset.done $0x0  }
0xa0: {  	[sflag:s7] =	ssyncadd.s32 s5;
	_ =	sdelay $0x1  }
0xa1: {  	s23 =	simm.s32 $0x1B8B  }
0xa2: {  	_ =	swait.ge [sflag:s23], $0x1  }
0xa3: {  	[sflag:s23] =	ssyncset.done $0x0  }
0xa4: {  	[sflag:s23] =	ssyncadd.s32 $0xFFFFFFFF  }
0xa5: {  	s5 =	sld [smem:$0x0]  }
0xa6: {  	s6 =	sand.u32 $0xFFFFFFFE, s1  }
0xa7: {  	p0 =	sne.s32 s1, s6  }
0xa8: {  	s6 =	sshll.u32 @p0 s6, $0xE  }
0xa9: {  	s6 =	sadd.s32 @p0 $0x11B8D, s6;
	s7 =	sshll.u32 @p0 s5, $0x11  }
0xaa: {  	s6 =	sor.u32 @p0 s7, s6  }
0xab: {  	[sflag:s6] =	ssyncadd.remote.s32 @p0 $0x1;
	_ =	sdelay $0x1  }
0xac: {  	s6 =	simm.s32 @p0 $0x1B8D  }
0xad: {  	_ =	swait.eq @p0 [sflag:s6], $0x1  }
0xae: {  	[sflag:s6] =	ssyncadd.s32 @p0 $0xFFFFFFFF  }
0xaf: {  	s7 =	sshll.u32 @!p0 s1, $0xE  }
0xb0: {  	s7 =	sor.u32 @!p0 $0x4000, s7;
	s6 =	simm.s32 @!p0 $0x1B8D  }
0xb1: {  	s5 =	sshll.u32 @!p0 s5, $0x11;
	s7 =	sadd.s32 @!p0 $0x11B8D, s7;
	_ =	swait.eq @!p0 [sflag:s6], $0x1  }
0xb2: {  	s5 =	sor.u32 @!p0 s5, s7;
	[sflag:s6] =	ssyncadd.s32 @!p0 $0xFFFFFFFF  }
0xb3: {  	s25 =	simm.s32 $0x1B8E;
	s24 =	sld [smem:$0x3FFE];
	[sflag:s5] =	ssyncadd.remote.s32 @!p0 $0x1  }
0xb4: {  	s26 =	simm.s32 $execute0_lowered;
	[smem:$0x3FD2] =	sst s25  }
0xb5: {  	s6 =	sshll.u32 s26, $0x1;
	_ =	strace $0x80000049;
	[dreg:$0x1] =	wrdreg $0xFFFFFFFF  }
0xb6: {  	s28 =	simm.s32 $_size_execute0_lowered;
	s4 =	sadd.s32 s4, s6;
	[dreg:$0x0] =	wrdreg $0x0  }
0xb7: {  	s6 =	sshll.u32 s28, $0x1;
	[dreg:$0x2] =	wrdreg s4  }
0xb8: {  	[dreg:$0x3] =	wrdreg s6  }
0xb9: {  	[dreg:$0x4] =	wrdreg $0xC0  }
0xba: {  	_ =	task [dreg:s22], $0x5FFFF  }
0xbb: {  	[dreg:$0x1] =	wrdreg $0xFFFFFFFF  }
0xbc: {  	[dreg:$0x0] =	wrdreg $0x60  }
0xbd: {  	[dreg:$0x2] =	wrdreg s18  }
0xbe: {  	[dreg:$0x3] =	wrdreg s24  }
0xbf: {  	[dreg:$0x4] =	wrdreg $0xA  }
0xc0: {  	_ =	task.clear_ibuf [dreg:s22], $0x5FFFF;
	_ =	strace $0x90000049  }
0xc1: {  	s29 =	simm.s32 $0xA;
	_ =	strace $0x8000004B  }
0xc2: {  	_ =	swait.ge [sflag:s29], $0x1  }
0xc3: {  	[sflag:s29] =	ssyncadd.s32 $0xFFFFFFFF  }
0xc4: {  	_ =	strace $0x9000004B  }
0xc5: {  	_ =	sfence  }
0xc6: {  	s30 =	sld [smem:$0x0];
	_ =	sdelay $0x2  }
0xc7: {  	s31 =	sshll.u32 s1, $0xD;
	s1 =	sshrl.u32 s1, $0x2  }
0xc8: {  	s4 =	sand.u32 $0x4000, s31;
	s1 =	sadd.s32 s1, s30  }
0xc9: {  	s0 =	sor.u32 s4, s0;
	s1 =	sshll.u32 s1, $0x11  }
0xca: {  	s0 =	sor.u32 s1, s0  }
0xcb: {  	s0 =	sadd.s32 $0x8F2B, s0  }
0xcc: {  	[sflag:s0] =	ssyncadd.remote.s32 $0x1  }
0xcd: {  	_ =	sfence.sel $0xFFFF  }
0xce: {  	[dreg:$0x0] =	wrdreg $0xFFFFFFFF;
	(pc) =	sbr.abs _section_cstart, $3  }
0xcf: {  	[dreg:$0x1] =	wrdreg $0xFFFFFFFF  }
0xd0: {  	_ =	task.clear_ibuf [dreg:s22], $0x2FFFF;
	_ =	strace $0x9FFFFFFF  }
0xd1: {  	(tm) =	ssettm $0x7FFFFFFF  }
tec
execute0_lowered:
.L_overlay_start_1:
0x0: {  	(tag) =	ssettag $0x1  }
0x1: {  	s1 =	srdreg.scid  }
0x2: {  	s3 =	rddreg [dreg:$0x0];
	s0 =	stileid.u32  }
0x3: {  	s8 =	rddreg [dreg:$0x1];
	s2 =	simm.s32 $0x0;
	s6 =	sand.u32 $0x1, s1  }
0x4: {  	s4 =	sshll.u32 s0, $0xB;
	s1 =	rddreg [dreg:$0x2];
	s5 =	sshll.u32 s6, $0xA  }
0x5: {  	s7 =	simm.s32 $0x1;
	[smem:$0x7FF] =	sst s2;
	s9 =	sor.u32 s5, s4  }
0x6: {  	_ =	strace $0x8000004A;
	s10 =	ssub.s32 $0x2, s6;
	s4 =	sshrl.u32 s9, $0x3  }
0x7: {  	s6 =	simm.s32 $0x400;
	s4 =	sadd.s32 s3, s4;
	s3 =	simm.s32 $0x2  }
0x8: {  	[tilespmem:s2], [sflag:$0x2] =	stream.linear.gather [hbm4b:s4+s2], $0x400, $0x38;
	[tilespmem:$0x4400] =	vst v63  }
0x9: {  	s5 =	sadd.s32 $0x1C00, s8;
	s11 =	sshrl.u32 s10, $0x1;
	_ =	swait.ge [sflag:s3], $0x400  }
0xa: {  	s9 =	sshll.u32 s9, $0x1;
	s31 =	ssub.s32 s10, s11;
	[sflag:s3] =	ssyncset.done $0x0  }
0xb: {  	s8 =	sadd.s32 s9, s8;
	s9 =	smax.u32 s31, $0x1;
	[sflag:s3] =	ssyncadd.s32 $0xFFFFFC00  }
0xc: {  	[tilespmem:s6], [sflag:$0x1] =	stream.indirect.gather [hbm4b:s5+s6], $0x10, s2, s6, $0xb8;
	[tilespmem:$0x4400] =	vst v63  }
0xd: {  	p0 =	sne.s32 s9, $0x1;
	_ =	swait.ge [sflag:s7], $0x4000  }
.Ltmp0:
0xe: {  	[sflag:s7] =	ssyncset.done $0x0;
	(pc) =	sbr.rel @!p0 .LBB2_2-.Ltmp0, $4  }
0xf: {  	s8 =	sadd.s32 $0x1AC00, s8;
	[sflag:s7] =	ssyncadd.s32 $0xFFFFC000  }
0x10: {  	[hbm4b:s8+s2] =	stream.linear.scatter [tilespmem:s6], [sflag:$0x2], $0x4000, $0x38;
	[tilespmem:$0x4400] =	vst v63  }
0x11: {  	_ =	swait.ge [sflag:s3], $0x4000  }
0x12: {  	s9 =	sadd.s32 $0xFFFFFFFF, s9;
	[sflag:s3] =	ssyncset.done $0x0  }
.LBB2_1:
0x13: {  	p0 =	sne.s32 s9, $0x1;
	s9 =	sadd.s32 $0xFFFFFFFF, s9;
	[sflag:s3] =	ssyncadd.s32 $0xFFFFC000  }
0x14: {  	[tilespmem:s2], [sflag:$0x2] =	stream.linear.gather [hbm4b:s4+s2], $0x400, $0x38;
	[tilespmem:$0x4400] =	vst v63  }
0x15: {  	_ =	swait.ge [sflag:s3], $0x400  }
0x16: {  	[sflag:s3] =	ssyncset.done $0x0  }
0x17: {  	[sflag:s3] =	ssyncadd.s32 $0xFFFFFC00  }
0x18: {  	[tilespmem:s6], [sflag:$0x1] =	stream.indirect.gather [hbm4b:s5+s6], $0x10, s2, s6, $0xb8;
	[tilespmem:$0x4400] =	vst v63  }
0x19: {  	_ =	swait.ge [sflag:s7], $0x4000  }
.Ltmp1:
0x1a: {  	[sflag:s7] =	ssyncset.done $0x0;
	(pc) =	sbr.rel @p0 .LBB2_1-.Ltmp1, $4  }
0x1b: {  	[sflag:s7] =	ssyncadd.s32 $0xFFFFC000  }
0x1c: {  	[hbm4b:s8+s2] =	stream.linear.scatter [tilespmem:s6], [sflag:$0x2], $0x4000, $0x38;
	[tilespmem:$0x4400] =	vst v63  }
0x1d: {  	_ =	swait.ge [sflag:s3], $0x4000  }
0x1e: {  	[sflag:s3] =	ssyncset.done $0x0  }
.LBB2_2:
0x1f: {  	[sflag:s3] =	ssyncadd.s32 $0xFFFFC000  }
0x20: {  	_ =	sfence.sel $0x180000  }
0x21: {  	[bflag:$0x0] =	sbarrier.arrive $0xFFFF  }
0x22: {  	p0 =	sne.s32 s0, $0x0;
	_ =	strace $0x9000004A  }
0x23: {  	s0 =	sadd.s32 @!p0 $0x100000, s1;
	[bflag:$0x2] =	sbarrier.arrive $0xFFFF  }
0x24: {  	[sflag:s0] =	ssyncadd.tile.s32 @!p0 $0x1;
	_ =	shalt  }
.Lfunc_end2:
_tile_overlayer_lowered:
.L_overlay_start_2:
0x25: {  	(tag) =	ssettag $0x2  }
0x26: {  	s0 =	rddreg [dreg:$0x0];
	s2 =	stileid.u32  }
0x27: {  	s1 =	rddreg [dreg:$0x1];
	p0 =	sne.s32 s2, $0x0  }
0x28: {  	s3 =	rddreg [dreg:$0x2];
	[bflag:$0x3] =	sbarrier.arrive $0xFFFF;
	s2 =	simm.s32 @!p0 $0x1C02  }
0x29: {  	[timem:s3], [sflag:s2] =	dma.local @!p0 [hbm:s0], s1  }
0x2a: {  	s0 =	simm.s32 @!p0 $0x2  }
0x2b: {  	_ =	swait.ge @!p0 [sflag:s0], s1  }
0x2c: {  	s1 =	ssub.s32 @!p0 $0x0, s1;
	[sflag:s0] =	ssyncset.done @!p0 $0x0  }
0x2d: {  	[sflag:s0] =	ssyncadd.s32 @!p0 s1  }
0x2e: {  	[bflag:$0x3] =	sbarrier.arrive $0xFFFF  }
0x2f: {  	_ =	shalt  }

// kernel: kernel.8.cloned.1.call-start
scs
__scs_entry_jumppad:
0x0: {  	(pc) =	sbr.rel $0x88, $3  }
0x1: {  	(tag) =	ssettag $0x0;
	lr =	simm.s32 $0x1  }
0x2: {  	[smem:$0x3F9B] =	sst lr;
	_ =	strace $0xD0000000  }
0x3: {  	_ = 	snop  }
0x4: {  	_ = 	snop  }
0x5: {  	_ = 	snop  }
0x6: {  	_ = 	snop  }
0x7: {  	_ = 	snop  }
__scs_overlays_trampoline_lowered:
0x8: {  	[smem:$0x3FAA] =	sst s0  }
0x9: {  	[smem:$0x3FAB] =	sst s1  }
0xa: {  	[smem:$0x3FAC] =	sst s2  }
0xb: {  	[smem:$0x3FAD] =	sst s3  }
0xc: {  	[smem:$0x3FAE] =	sst s4  }
0xd: {  	[smem:$0x3FAF] =	sst s5  }
0xe: {  	[smem:$0x3FB0] =	sst s6  }
0xf: {  	[smem:$0x3FB1] =	sst s7  }
0x10: {  	[smem:$0x3FB2] =	sst s8  }
0x11: {  	[smem:$0x3FB3] =	sst s9;
	s0 =	simm.s32 @!p0 $0x0  }
0x12: {  	s1 =	sld [smem:$0x3F99];
	s0 =	simm.s32 @p0 $0x1  }
0x13: {  	[smem:$0x3FB4] =	sst s0;
	s0 =	simm.s32 @!p1 $0x0  }
0x14: {  	s2 =	sld [smem:$0x3F98];
	s0 =	simm.s32 @p1 $0x1  }
0x15: {  	[smem:$0x3FB5] =	sst s0;
	s0 =	simm.s32 @!p2 $0x0  }
0x16: {  	s3 =	sld [smem:$0x3FDB];
	s0 =	simm.s32 @p2 $0x1  }
0x17: {  	s4 =	simm.s32 $0x1BF5;
	[smem:$0x3FB7] =	sst s0  }
0x18: {  	s0 =	sld [smem:$0x3F9A];
	_ =	swait.ge [sflag:s4], $0x0  }
0x19: {  	s7 =	sld [smem:$0x3F9B]  }
0x1a: {  	s8 =	sadd.s32 $0xFFFFE003, lr  }
0x1b: {  	s9 =	sadd.s32 $0xFFFFFEF7, lr;
	s5 =	simm.s32 $0xFFFFFFFF;
	p2 =	slt.u32 s8, $0xFFFFF086  }
0x1c: {  	p1 =	slt.u32 s9, $0xF7A;
	s5 =	simm.s32 @!p2 $0x0  }
0x1d: {  	s5 =	simm.s32 @p1 $0x1;
	p0 =	seq.s32 s7, s2  }
0x1e: {  	s7 =	smul.u32 @!p0 $0xF7A, s2;
	p2 =	seq.s32 @!p0 s5, $0x0  }
0x1f: {  	s9 =	smul.u32 $0xF7A, s1;
	s8 =	simm.s32 @!p0 $0x1BF5;
	p2 =	por !p2, p0  }
0x20: {  	[sflag:s8] =	ssyncset.s32 @!p0 $0xFFFFF086;
	s6 =	sadd.s32 @!p0 s3, s7;
	s7 =	simm.s32 @!p0 $0x108  }
0x21: {  	s3 =	sadd.s32 s3, s9;
	s6 =	sadd.s32 @!p0 $0x88, s6;
	s7 =	simm.s32 @p2 $0x1082  }
0x22: {  	[simem:s7], [sflag:s8] =	dma.local @!p0 [hbm:s6], $0xF7A  }
0x23: {  	s9 =	sor.u32 $0xD0000000, s2;
	s6 =	simm.s32 $0x108;
	_ =	swait.ge @!p0 [sflag:s8], $0x0  }
0x24: {  	s3 =	sadd.s32 $0x88, s3;
	s6 =	simm.s32 @!p1 $0x1082;
	[sflag:s4] =	ssyncset.s32 $0xFFFFF086  }
0x25: {  	[simem:s6], [sflag:s4] =	dma.local [hbm:s3], $0xF7A  }
0x26: {  	[smem:$0x3F9B] =	sst s1;
	(tag) =	ssettag s2;
	_ =	strace s9  }
0x27: {  	s1 =	sld [smem:$0x3FAB]  }
0x28: {  	s2 =	sld [smem:$0x3FAC]  }
0x29: {  	s4 =	sld [smem:$0x3FAE]  }
0x2a: {  	p0 =	seq.s32 s5, $0x0;
	s5 =	sld [smem:$0x3FAF]  }
0x2b: {  	s6 =	sld [smem:$0x3FB0]  }
0x2c: {  	s7 =	sld [smem:$0x3FB1]  }
0x2d: {  	s3 =	simm.s32 $0x108;
	s8 =	sld [smem:$0x3FB2]  }
0x2e: {  	s3 =	simm.s32 @!p0 $0x1082;
	s9 =	sld [smem:$0x3FB3]  }
0x2f: {  	lr =	sadd.s32 s0, s3;
	s0 =	sld [smem:$0x3FAA]  }
0x30: {  	s3 =	sld [smem:$0x3FAD]  }
0x31: {  	[smem:$0x3FB6] =	sst s10  }
0x32: {  	s10 =	sld [smem:$0x3FB4];
	_ =	sdelay $0x3  }
0x33: {  	p0 =	seq.s32 s10, $0x1;
	s10 =	sld [smem:$0x3FB6];
	_ =	sdelay $0x3  }
0x34: {  	[smem:$0x3FB6] =	sst s10  }
0x35: {  	s10 =	sld [smem:$0x3FB5];
	_ =	sdelay $0x3  }
0x36: {  	p1 =	seq.s32 s10, $0x1;
	s10 =	sld [smem:$0x3FB6];
	_ =	sdelay $0x3  }
0x37: {  	[smem:$0x3FB6] =	sst s10  }
0x38: {  	s10 =	sld [smem:$0x3FB7]  }
0x39: {  	_ = 	snop;
	(pc) =	sbr.ind lr, $3  }
0x3a: {  	_ = 	snop  }
0x3b: {  	_ = 	snop  }
0x3c: {  	p2 =	seq.s32 s10, $0x1;
	s10 =	sld [smem:$0x3FB6]  }
0x3d: {  	_ =	shalt  }
0x3e: {  	_ =	shalt  }
0x3f: {  	_ =	shalt  }
0x40: {  	_ =	shalt  }
0x41: {  	_ =	shalt  }
0x42: {  	_ =	shalt  }
0x43: {  	_ =	shalt  }
0x44: {  	_ =	shalt  }
0x45: {  	_ =	shalt  }
0x46: {  	_ =	shalt  }
0x47: {  	_ =	shalt  }
0x48: {  	_ =	shalt  }
0x49: {  	_ =	shalt  }
0x4a: {  	_ =	shalt  }
0x4b: {  	_ =	shalt  }
0x4c: {  	_ =	shalt  }
0x4d: {  	_ =	shalt  }
0x4e: {  	_ =	shalt  }
0x4f: {  	_ =	shalt  }
0x50: {  	_ =	shalt  }
0x51: {  	_ =	shalt  }
0x52: {  	_ =	shalt  }
0x53: {  	_ =	shalt  }
0x54: {  	_ =	shalt  }
0x55: {  	_ =	shalt  }
0x56: {  	_ =	shalt  }
0x57: {  	_ =	shalt  }
0x58: {  	_ =	shalt  }
0x59: {  	_ =	shalt  }
0x5a: {  	_ =	shalt  }
0x5b: {  	_ =	shalt  }
0x5c: {  	_ =	shalt  }
0x5d: {  	_ =	shalt  }
0x5e: {  	_ =	shalt  }
0x5f: {  	_ =	shalt  }
0x60: {  	_ =	shalt  }
0x61: {  	_ =	shalt  }
0x62: {  	_ =	shalt  }
0x63: {  	_ =	shalt  }
0x64: {  	_ =	shalt  }
0x65: {  	_ =	shalt  }
0x66: {  	_ =	shalt  }
0x67: {  	_ =	shalt  }
0x68: {  	_ =	shalt  }
0x69: {  	_ =	shalt  }
0x6a: {  	_ =	shalt  }
0x6b: {  	_ =	shalt  }
0x6c: {  	_ =	shalt  }
0x6d: {  	_ =	shalt  }
0x6e: {  	_ =	shalt  }
0x6f: {  	_ =	shalt  }
0x70: {  	_ =	shalt  }
0x71: {  	_ =	shalt  }
0x72: {  	_ =	shalt  }
0x73: {  	_ =	shalt  }
0x74: {  	_ =	shalt  }
0x75: {  	_ =	shalt  }
0x76: {  	_ =	shalt  }
0x77: {  	_ =	shalt  }
0x78: {  	_ =	shalt  }
0x79: {  	_ =	shalt  }
0x7a: {  	_ =	shalt  }
0x7b: {  	_ =	shalt  }
0x7c: {  	_ =	shalt  }
0x7d: {  	_ =	shalt  }
0x7e: {  	_ =	shalt  }
0x7f: {  	_ =	shalt  }
0x80: {  	_ =	shalt  }
0x81: {  	_ =	shalt  }
0x82: {  	_ =	shalt  }
0x83: {  	_ =	shalt  }
0x84: {  	_ =	shalt  }
0x85: {  	_ =	shalt  }
0x86: {  	_ =	shalt  }
0x87: {  	_ =	shalt  }
.Lfunc_end0:
.L_simem_size_0:
called_computation_lowered:
.L_overlay_start_0:
0x88: {  	s2 =	sld [smem:$0x3FD9]  }
0x89: {  	s3 =	sld [smem:$0x3FFE];
	_ =	sdelay $0x1  }
0x8a: {  	s1 =	srdreg.scid  }
0x8b: {  	s0 =	sand.u32 $0x1, s1  }
0x8c: {  	s16 =	sshll.u32 s0, $0xA;
	s2 =	sadd.s32 s3, s2  }
0x8d: {  	s2 =	sadd.s32 s2, s16  }
0x8e: {  	[smem:$0x3FC2] =	sst s2  }
0x8f: {  	_ = 	snop  }
0x90: {  	(tm) =	ssettm $0x1  }
0x91: {  	s17 =	sld [smem:$0x3FFB];
	_ =	sdelay $0x3  }
0x92: {  	_ =	strace s17  }
0x93: {  	s2 =	sld [smem:$0x3FFC];
	_ =	sdelay $0x3  }
0x94: {  	_ =	strace s2  }
0x95: {  	s2 =	sld [smem:$0x3FFD];
	_ =	sdelay $0x3  }
0x96: {  	_ =	strace s2  }
0x97: {  	_ =	strace $0x8FFFFFFF  }
0x98: {  	s18 =	sld [smem:$0x3FDB];
	_ =	sdelay $0x1  }
0x99: {  	s19 =	simm.s32 $_scs_section_size  }
0x9a: {  	s4 =	simm.s32 $_size__tile_overlayer_lowered;
	s5 =	simm.s32 $_tile_overlayer_lowered  }
0x9b: {  	s22 =	simm.s32 $0x1BFF;
	s21 =	sshll.u32 s5, $0x1;
	s2 =	sadd.s32 s19, s18  }
0x9c: {  	s6 =	simm.s32 $0x0;
	s20 =	sshll.u32 s4, $0x1;
	s4 =	sadd.s32 s21, s2  }
0x9d: {  	[timem:s6], [sflag:s22] =	dma.local [hbm:s4], s20  }
0x9e: {  	_ =	swait.ge [sflag:s22], s20  }
0x9f: {  	s3 =	ssub.s32 $0x0, s20;
	[sflag:s22] =	ssyncset.done $0x0  }
0xa0: {  	[sflag:s22] =	ssyncadd.s32 s3;
	_ =	sdelay $0x1  }
0xa1: {  	s23 =	simm.s32 $0x1B8B  }
0xa2: {  	_ =	swait.ge [sflag:s23], $0x1  }
0xa3: {  	[sflag:s23] =	ssyncset.done $0x0  }
0xa4: {  	s25 =	simm.s32 $0x1B8E;
	s24 =	sld [smem:$0x3FFE];
	[sflag:s23] =	ssyncadd.s32 $0xFFFFFFFF  }
0xa5: {  	s26 =	simm.s32 $execute0_lowered;
	[smem:$0x3FD2] =	sst s25  }
0xa6: {  	s4 =	sshll.u32 s26, $0x1;
	_ =	strace $0x80000046;
	[dreg:$0x1] =	wrdreg $0xFFFFFFFF  }
0xa7: {  	s28 =	simm.s32 $_size_execute0_lowered;
	s2 =	sadd.s32 s2, s4;
	[dreg:$0x0] =	wrdreg $0x0  }
0xa8: {  	s4 =	sshll.u32 s28, $0x1;
	[dreg:$0x2] =	wrdreg s2  }
0xa9: {  	[dreg:$0x3] =	wrdreg s4  }
0xaa: {  	[dreg:$0x4] =	wrdreg $0xC0  }
0xab: {  	_ =	task [dreg:s6], $0x5FFFF  }
0xac: {  	[dreg:$0x1] =	wrdreg $0xFFFFFFFF  }
0xad: {  	[dreg:$0x0] =	wrdreg $0x60  }
0xae: {  	[dreg:$0x2] =	wrdreg s24  }
0xaf: {  	[dreg:$0x3] =	wrdreg $0x9  }
0xb0: {  	_ =	task.clear_ibuf [dreg:s6], $0x4FFFF;
	_ =	strace $0x90000046  }
0xb1: {  	s29 =	simm.s32 $0x9;
	_ =	strace $0x80000048  }
0xb2: {  	_ =	swait.ge [sflag:s29], $0x1  }
0xb3: {  	[sflag:s29] =	ssyncadd.s32 $0xFFFFFFFF  }
0xb4: {  	_ =	strace $0x90000048  }
0xb5: {  	_ =	sfence  }
0xb6: {  	s30 =	sld [smem:$0x0];
	_ =	sdelay $0x2  }
0xb7: {  	s31 =	sshll.u32 s1, $0xD;
	s1 =	sshrl.u32 s1, $0x2  }
0xb8: {  	s3 =	sand.u32 $0x4000, s31;
	s1 =	sadd.s32 s1, s30  }
0xb9: {  	s0 =	sor.u32 s3, s0;
	s1 =	sshll.u32 s1, $0x11  }
0xba: {  	s0 =	sor.u32 s1, s0  }
0xbb: {  	s0 =	sadd.s32 $0x8F2B, s0  }
0xbc: {  	[sflag:s0] =	ssyncadd.remote.s32 $0x1  }
0xbd: {  	_ =	sfence.sel $0xFFFF  }
0xbe: {  	[dreg:$0x0] =	wrdreg $0xFFFFFFFF;
	(pc) =	sbr.abs _section_cstart, $3  }
0xbf: {  	[dreg:$0x1] =	wrdreg $0xFFFFFFFF  }
0xc0: {  	_ =	task.clear_ibuf [dreg:s6], $0x2FFFF;
	_ =	strace $0x9FFFFFFF  }
0xc1: {  	(tm) =	ssettm $0x7FFFFFFF  }
tec
execute0_lowered:
.L_overlay_start_1:
0x0: {  	(tag) =	ssettag $0x1  }
0x1: {  	s1 =	srdreg.scid  }
0x2: {  	s0 =	stileid.u32;
	s6 =	sand.u32 $0x1, s1  }
0x3: {  	s8 =	rddreg [dreg:$0x0];
	s30 =	sshll.u32 s0, $0xB;
	s2 =	sshll.u32 s6, $0xA  }
0x4: {  	s7 =	simm.s32 $0x1;
	s1 =	rddreg [dreg:$0x1];
	s9 =	sor.u32 s2, s30  }
0x5: {  	s5 =	sadd.s32 $0x1C00, s8;
	s2 =	simm.s32 $0x0;
	s3 =	sshrl.u32 s9, $0x3  }
0x6: {  	s10 =	ssub.s32 $0x2, s6;
	[smem:$0x7FF] =	sst s2;
	s3 =	sadd.s32 s3, s8  }
0x7: {  	_ =	strace $0x80000047;
	s4 =	sadd.s32 $0x9C00, s3;
	s3 =	simm.s32 $0x2  }
0x8: {  	[tilespmem:s2], [sflag:$0x2] =	stream.linear.gather [hbm4b:s4+s2], $0x400, $0x38;
	[tilespmem:$0x4400] =	vst v63  }
0x9: {  	s6 =	simm.s32 $0x400;
	s11 =	sshrl.u32 s10, $0x1;
	_ =	swait.ge [sflag:s3], $0x400  }
0xa: {  	s9 =	sshll.u32 s9, $0x1;
	s31 =	ssub.s32 s10, s11;
	[sflag:s3] =	ssyncset.done $0x0  }
0xb: {  	s8 =	sadd.s32 s9, s8;
	s9 =	smax.u32 s31, $0x1;
	[sflag:s3] =	ssyncadd.s32 $0xFFFFFC00  }
0xc: {  	[tilespmem:s6], [sflag:$0x1] =	stream.indirect.gather [hbm4b:s5+s6], $0x10, s2, s6, $0xb8;
	[tilespmem:$0x4400] =	vst v63  }
0xd: {  	p0 =	sne.s32 s9, $0x1;
	_ =	swait.ge [sflag:s7], $0x4000  }
.Ltmp0:
0xe: {  	[sflag:s7] =	ssyncset.done $0x0;
	(pc) =	sbr.rel @!p0 .LBB2_2-.Ltmp0, $4  }
0xf: {  	s8 =	sadd.s32 $0xAC00, s8;
	[sflag:s7] =	ssyncadd.s32 $0xFFFFC000  }
0x10: {  	[hbm4b:s8+s2] =	stream.linear.scatter [tilespmem:s6], [sflag:$0x2], $0x4000, $0x38;
	[tilespmem:$0x4400] =	vst v63  }
0x11: {  	_ =	swait.ge [sflag:s3], $0x4000  }
0x12: {  	s9 =	sadd.s32 $0xFFFFFFFF, s9;
	[sflag:s3] =	ssyncset.done $0x0  }
.LBB2_1:
0x13: {  	p0 =	sne.s32 s9, $0x1;
	s9 =	sadd.s32 $0xFFFFFFFF, s9;
	[sflag:s3] =	ssyncadd.s32 $0xFFFFC000  }
0x14: {  	[tilespmem:s2], [sflag:$0x2] =	stream.linear.gather [hbm4b:s4+s2], $0x400, $0x38;
	[tilespmem:$0x4400] =	vst v63  }
0x15: {  	_ =	swait.ge [sflag:s3], $0x400  }
0x16: {  	[sflag:s3] =	ssyncset.done $0x0  }
0x17: {  	[sflag:s3] =	ssyncadd.s32 $0xFFFFFC00  }
0x18: {  	[tilespmem:s6], [sflag:$0x1] =	stream.indirect.gather [hbm4b:s5+s6], $0x10, s2, s6, $0xb8;
	[tilespmem:$0x4400] =	vst v63  }
0x19: {  	_ =	swait.ge [sflag:s7], $0x4000  }
.Ltmp1:
0x1a: {  	[sflag:s7] =	ssyncset.done $0x0;
	(pc) =	sbr.rel @p0 .LBB2_1-.Ltmp1, $4  }
0x1b: {  	[sflag:s7] =	ssyncadd.s32 $0xFFFFC000  }
0x1c: {  	[hbm4b:s8+s2] =	stream.linear.scatter [tilespmem:s6], [sflag:$0x2], $0x4000, $0x38;
	[tilespmem:$0x4400] =	vst v63  }
0x1d: {  	_ =	swait.ge [sflag:s3], $0x4000  }
0x1e: {  	[sflag:s3] =	ssyncset.done $0x0  }
.LBB2_2:
0x1f: {  	[sflag:s3] =	ssyncadd.s32 $0xFFFFC000  }
0x20: {  	_ =	sfence.sel $0x180000  }
0x21: {  	[bflag:$0x0] =	sbarrier.arrive $0xFFFF  }
0x22: {  	p0 =	sne.s32 s0, $0x0;
	_ =	strace $0x90000047  }
0x23: {  	s0 =	sadd.s32 @!p0 $0x100000, s1;
	[bflag:$0x2] =	sbarrier.arrive $0xFFFF  }
0x24: {  	[sflag:s0] =	ssyncadd.tile.s32 @!p0 $0x1;
	_ =	shalt  }
.Lfunc_end2:
_tile_overlayer_lowered:
.L_overlay_start_2:
0x25: {  	(tag) =	ssettag $0x2  }
0x26: {  	s0 =	rddreg [dreg:$0x0];
	s2 =	stileid.u32  }
0x27: {  	s1 =	rddreg [dreg:$0x1];
	p0 =	sne.s32 s2, $0x0  }
0x28: {  	s3 =	rddreg [dreg:$0x2];
	[bflag:$0x3] =	sbarrier.arrive $0xFFFF;
	s2 =	simm.s32 @!p0 $0x1C02  }
0x29: {  	[timem:s3], [sflag:s2] =	dma.local @!p0 [hbm:s0], s1  }
0x2a: {  	s0 =	simm.s32 @!p0 $0x2  }
0x2b: {  	_ =	swait.ge @!p0 [sflag:s0], s1  }
0x2c: {  	s1 =	ssub.s32 @!p0 $0x0, s1;
	[sflag:s0] =	ssyncset.done @!p0 $0x0  }
0x2d: {  	[sflag:s0] =	ssyncadd.s32 @!p0 s1  }
0x2e: {  	[bflag:$0x3] =	sbarrier.arrive $0xFFFF  }
0x2f: {  	_ =	shalt  }

</sc_bundles>
